<compile_context>
chip_gen: v7x
topology: tpu7x:2x2x1
jax: 0.10.2.dev20260603
libtpu: 0.0.44.dev20260713+nightly
codegen_flags: <defaults>
</compile_context>

<pallas_src>
import functools

import jax
import jax.numpy as jnp
from jax import lax
from jax.experimental import pallas as pl
from jax.experimental.pallas import tpu as pltpu
from jax.experimental.pallas import tpu_sc as plsc

_N = 10000
_E = 20000
_B = 512
_DIM = 64
_NF = 11
_DE = 5

_NPAD = 10240
_EPAD = 20480
_NC = 2
_NS = 16
_NW = _NC * _NS
_EPW = _EPAD // _NW
_JCH = _EPW // 128
_RPS = _NPAD // _NS


@functools.cache
def _get_sc_gather():
    mesh = plsc.VectorSubcoreMesh(core_axis_name="c", subcore_axis_name="s")

    @functools.partial(
        pl.kernel,
        out_type=jax.ShapeDtypeStruct((_NW, _EPW, _DIM), jnp.float32),
        mesh=mesh,
        scratch_types=[
            pltpu.VMEM((_JCH, 128), jnp.int32),
            pltpu.VMEM((_EPW, _DIM), jnp.float32),
            pltpu.SemaphoreType.DMA,
        ],
        compiler_params=pltpu.CompilerParams(use_tc_tiling_on_sc=False),
    )
    def _sc_gather_k(table_hbm, idx_hbm, out_hbm, idx_v, rows_v, sem):
        c = lax.axis_index("c")
        s = lax.axis_index("s")
        wid = s * _NC + c
        pltpu.sync_copy(idx_hbm.at[wid], idx_v)
        descs = []
        for j in range(_JCH):
            descs.append(
                pltpu.async_copy(
                    table_hbm.at[idx_v.at[j]], rows_v.at[pl.ds(j * 128, 128)],
                    sem,
                )
            )
        for d in descs:
            d.wait()
        pltpu.sync_copy(rows_v, out_hbm.at[wid])

    return _sc_gather_k


def _sc_gather(table, idx_r):
    return _get_sc_gather()(table, idx_r)


@functools.cache
def _get_sc_scatter(width):
    mesh = plsc.VectorSubcoreMesh(core_axis_name="c", subcore_axis_name="s")

    @functools.partial(
        pl.kernel,
        out_type=jax.ShapeDtypeStruct((_NC, _NS, _RPS, width), jnp.float32),
        mesh=mesh,
        scratch_types=[
            pltpu.VMEM((_JCH, 128), jnp.int32),
            pltpu.VMEM((_EPW, width), jnp.float32),
            pltpu.VMEM_SHARED((_NPAD, width), jnp.float32),
        ],
        compiler_params=pltpu.CompilerParams(use_tc_tiling_on_sc=False),
    )
    def _sc_scatter_k(rows_hbm, idx_hbm, zeros_hbm, out_hbm, idx_v, rows_v,
                      acc):
        c = lax.axis_index("c")
        s = lax.axis_index("s")
        wid = s * _NC + c
        pltpu.sync_copy(zeros_hbm, acc.at[pl.ds(s * _RPS, _RPS)])
        plsc.subcore_barrier()
        pltpu.sync_copy(idx_hbm.at[wid], idx_v)
        pltpu.sync_copy(rows_hbm.at[wid], rows_v)
        for j in range(_JCH):
            pltpu.sync_copy(
                rows_v.at[pl.ds(j * 128, 128)], acc.at[idx_v.at[j]], add=True
            )
        plsc.subcore_barrier()
        pltpu.sync_copy(acc.at[pl.ds(s * _RPS, _RPS)], out_hbm.at[c, s])

    return _sc_scatter_k


def _sc_scatter64(rows_r, idx_r, zeros):
    return _get_sc_scatter(_DIM)(rows_r, idx_r, zeros)


def _sc_scatter16(rows_r, idx_r, zeros):
    return _get_sc_scatter(16)(rows_r, idx_r, zeros)



def _tc_pre_body(x_ref, w_ref, b_ref, o_ref):
    o_ref[...] = jnp.maximum(
        jnp.dot(x_ref[...], w_ref[...], preferred_element_type=jnp.float32)
        + b_ref[...],
        0.0,
    )


def _tc_pre(x_p, lin0_w, lin0_b2):
    return pl.pallas_call(
        _tc_pre_body,
        grid=(_NPAD // 512,),
        in_specs=[
            pl.BlockSpec((512, _NF), lambda i: (i, 0)),
            pl.BlockSpec((_NF, _DIM), lambda i: (0, 0)),
            pl.BlockSpec((1, _DIM), lambda i: (0, 0)),
        ],
        out_specs=pl.BlockSpec((512, _DIM), lambda i: (i, 0)),
        out_shape=jax.ShapeDtypeStruct((_NPAD, _DIM), jnp.float32),
    )(x_p, lin0_w, lin0_b2)


_MBLK = 512


def _tc_msg_body(ea_ref, os_ref, w1_ref, b1_ref, w2_ref, nb2_ref, p2_ref,
                 o_ref):
    h = jnp.maximum(
        jnp.dot(ea_ref[...], w1_ref[...], preferred_element_type=jnp.float32)
        + b1_ref[...],
        0.0,
    )
    h_b = h.astype(jnp.bfloat16)
    g = jnp.dot(h_b, w2_ref[...], preferred_element_type=jnp.float32)
    os = os_ref[...]
    os_exp = jnp.dot(os.astype(jnp.bfloat16), p2_ref[...],
                     preferred_element_type=jnp.float32)
    m = os_exp * g
    w = _DIM * _DIM
    while w > _DIM:
        w //= 2
        m = m[:, :w] + m[:, w:2 * w]
    o_ref[...] = m + jnp.dot(
        os, nb2_ref[...], preferred_element_type=jnp.float32
    )


def _tc_msg(ea_p, out_src, nn1_w, nn1_b2, w2r2, nb2, p2):
    return pl.pallas_call(
        _tc_msg_body,
        grid=(_EPAD // _MBLK,),
        in_specs=[
            pl.BlockSpec((_MBLK, _DE), lambda i: (i, 0)),
            pl.BlockSpec((_MBLK, _DIM), lambda i: (i, 0)),
            pl.BlockSpec((_DE, 128), lambda i: (0, 0)),
            pl.BlockSpec((1, 128), lambda i: (0, 0)),
            pl.BlockSpec((128, _DIM * _DIM), lambda i: (0, 0)),
            pl.BlockSpec((_DIM, _DIM), lambda i: (0, 0)),
            pl.BlockSpec((_DIM, _DIM * _DIM), lambda i: (0, 0)),
        ],
        out_specs=pl.BlockSpec((_MBLK, _DIM), lambda i: (i, 0)),
        out_shape=jax.ShapeDtypeStruct((_EPAD, _DIM), jnp.float32),
    )(ea_p, out_src, nn1_w, nn1_b2, w2r2, nb2, p2)


def _tc_node_body(
    aggA_ref, aggB_ref, cntA_ref, cntB_ref, out_ref,
    root_ref, cb_ref,
    wir_ref, wiz_ref, win_ref, whr_ref, whz_ref, whn_ref,
    bir_ref, biz_ref, bin_ref, bhr_ref, bhz_ref, bhn_ref,
    o_ref,
):
    cnt = cntA_ref[:, 0:1] + cntB_ref[:, 0:1]
    inv = 1.0 / jnp.maximum(cnt, 1.0)
    agg = (aggA_ref[...] + aggB_ref[...]) * inv
    cur = out_ref[...]
    dot = lambda a, b: jnp.dot(a, b, preferred_element_type=jnp.float32)
    m = jnp.maximum(agg + dot(cur, root_ref[...]) + cb_ref[...], 0.0)
    r = jax.nn.sigmoid(dot(m, wir_ref[...]) + bir_ref[...]
                       + dot(cur, whr_ref[...]) + bhr_ref[...])
    z = jax.nn.sigmoid(dot(m, wiz_ref[...]) + biz_ref[...]
                       + dot(cur, whz_ref[...]) + bhz_ref[...])
    n = jnp.tanh(dot(m, win_ref[...]) + bin_ref[...]
                 + r * (dot(cur, whn_ref[...]) + bhn_ref[...]))
    o_ref[...] = (1.0 - z) * n + z * cur


def _tc_node(aggA, aggB, cntA, cntB, out_cur, root, cb2, wsplits, bsplits):
    nblk = pl.BlockSpec((512, _DIM), lambda i: (i, 0))
    cblk = pl.BlockSpec((512, 16), lambda i: (i, 0))
    wblk = pl.BlockSpec((_DIM, _DIM), lambda i: (0, 0))
    bblk = pl.BlockSpec((1, _DIM), lambda i: (0, 0))
    return pl.pallas_call(
        _tc_node_body,
        grid=(_NPAD // 512,),
        in_specs=[nblk, nblk, cblk, cblk, nblk, wblk, bblk]
        + [wblk] * 6 + [bblk] * 6,
        out_specs=nblk,
        out_shape=jax.ShapeDtypeStruct((_NPAD, _DIM), jnp.float32),
    )(aggA, aggB, cntA, cntB, out_cur, root, cb2, *wsplits, *bsplits)


_NBLK = _NPAD // 512


def _tc_s2s_body(
    xn3_ref, xnT3_ref, b3_ref,
    wii_ref, wif_ref, wig_ref, wio_ref,
    whi_ref, whf_ref, whg_ref, who_ref,
    bi_ref, bf_ref, bg_ref, bo_ref,
    l1w_ref, l1b_ref,
    o_ref,
):
    dot = lambda a, b: jnp.dot(a, b, preferred_element_type=jnp.float32)
    q_star = jnp.zeros((_B, 2 * _DIM), jnp.float32)
    hc = jnp.zeros((_B, _DIM), jnp.float32)
    cc = jnp.zeros((_B, _DIM), jnp.float32)
    iota_col = lax.broadcasted_iota(jnp.int32, (_B, 1), 0)

    for _ in range(3):
        gi = jax.nn.sigmoid(dot(q_star, wii_ref[...]) + dot(hc, whi_ref[...])
                            + bi_ref[...])
        gf = jax.nn.sigmoid(dot(q_star, wif_ref[...]) + dot(hc, whf_ref[...])
                            + bf_ref[...])
        gg = jnp.tanh(dot(q_star, wig_ref[...]) + dot(hc, whg_ref[...])
                      + bg_ref[...])
        go = jax.nn.sigmoid(dot(q_star, wio_ref[...]) + dot(hc, who_ref[...])
                            + bo_ref[...])
        cc = gf * cc + gi * gg
        hc = go * jnp.tanh(cc)
        q = hc

        def _pass1(blk, emax):
            xbT = xnT3_ref[blk]
            brow = b3_ref[blk]
            maskb = brow == iota_col
            e = jnp.dot(q, xbT, preferred_element_type=jnp.float32)
            em = jnp.where(maskb, e, -jnp.inf)
            return jnp.maximum(emax, jnp.max(em, axis=1, keepdims=True))

        emax = lax.fori_loop(
            0, _NBLK, _pass1, jnp.full((_B, 1), -jnp.inf, jnp.float32)
        )
        emax = jnp.where(jnp.isfinite(emax), emax, 0.0)

        def _pass2(blk, carry):
            asum, racc = carry
            xb = xn3_ref[blk]
            xbT = xnT3_ref[blk]
            brow = b3_ref[blk]
            maskb = brow == iota_col
            e = jnp.dot(q, xbT, preferred_element_type=jnp.float32)
            a = jnp.where(maskb, jnp.exp(e - emax), 0.0)
            asum = asum + jnp.sum(a, axis=1, keepdims=True)
            racc = racc + jnp.dot(a, xb, preferred_element_type=jnp.float32)
            return asum, racc

        asum, racc = lax.fori_loop(
            0, _NBLK, _pass2,
            (jnp.zeros((_B, 1), jnp.float32), jnp.zeros((_B, _DIM), jnp.float32)),
        )
        r = racc / (asum + 1e-16)
        q_star = jnp.concatenate([q, r], axis=1)

    o_ref[...] = jnp.maximum(
        dot(q_star, l1w_ref[...]) + l1b_ref[...], 0.0
    )


def _tc_s2s(xn3, xnT3, b3, lstm_splits, lin1_w, lin1_b2):
    return pl.pallas_call(
        _tc_s2s_body,
        out_shape=jax.ShapeDtypeStruct((_B, _DIM), jnp.float32),
    )(xn3, xnT3, b3, *lstm_splits, lin1_w, lin1_b2)



def kernel(x, edge_index, edge_attr, batch, lin0_w, lin0_b, nn1_w, nn1_b,
           nn2_w, nn2_b, conv_root, conv_bias, gru_w_ih, gru_w_hh, gru_b_ih,
           gru_b_hh, lstm_w_ih, lstm_w_hh, lstm_b_ih, lstm_b_hh, lin1_w,
           lin1_b):
    f32 = jnp.float32
    x_p = jnp.pad(x, ((0, _NPAD - _N), (0, 0)))
    ea_p = jnp.pad(edge_attr, ((0, _EPAD - _E), (0, 0)))
    src_p = jnp.pad(edge_index[0], (0, _EPAD - _E))
    dst_p = jnp.pad(edge_index[1], (0, _EPAD - _E), constant_values=_N)
    batch_p = jnp.pad(batch, (0, _NPAD - _N), constant_values=_B)

    src_r = src_p.reshape(_NW, _JCH, 128)
    dst_r = dst_p.reshape(_NW, _JCH, 128)

    lin0_b2 = lin0_b.reshape(1, _DIM)
    nn1_b2 = nn1_b.reshape(1, 128)
    w2r2 = nn2_w.astype(jnp.bfloat16)
    p2 = jnp.repeat(jnp.eye(_DIM, dtype=jnp.bfloat16), _DIM, axis=1)
    nb2 = nn2_b.reshape(_DIM, _DIM)
    cb2 = conv_bias.reshape(1, _DIM)
    gw = [gru_w_ih[:, k * _DIM:(k + 1) * _DIM] for k in range(3)] + \
         [gru_w_hh[:, k * _DIM:(k + 1) * _DIM] for k in range(3)]
    gb = [gru_b_ih[k * _DIM:(k + 1) * _DIM].reshape(1, _DIM) for k in range(3)] + \
         [gru_b_hh[k * _DIM:(k + 1) * _DIM].reshape(1, _DIM) for k in range(3)]
    lw = [lstm_w_ih[:, k * _DIM:(k + 1) * _DIM] for k in range(4)] + \
         [lstm_w_hh[:, k * _DIM:(k + 1) * _DIM] for k in range(4)]
    lb = [(lstm_b_ih[k * _DIM:(k + 1) * _DIM]
           + lstm_b_hh[k * _DIM:(k + 1) * _DIM]).reshape(1, _DIM)
          for k in range(4)]
    lin1_b2 = lin1_b.reshape(1, _DIM)

    ones16 = jnp.ones((_EPW, 16), f32)
    ones16_r = jnp.broadcast_to(ones16, (_NW, _EPW, 16))
    zeros16 = jnp.zeros((_RPS, 16), f32)
    zeros64 = jnp.zeros((_RPS, _DIM), f32)

    cnt_parts = _sc_scatter16(ones16_r, dst_r, zeros16)
    cnt_parts = cnt_parts.reshape(_NC, _NPAD, 16)
    cntA, cntB = cnt_parts[0], cnt_parts[1]

    out = _tc_pre(x_p, lin0_w, lin0_b2)

    for _ in range(3):
        out_src = _sc_gather(out, src_r).reshape(_EPAD, _DIM)
        msg = _tc_msg(ea_p, out_src, nn1_w, nn1_b2, w2r2, nb2, p2)
        parts = _sc_scatter64(msg.reshape(_NW, _EPW, _DIM), dst_r, zeros64)
        parts = parts.reshape(_NC, _NPAD, _DIM)
        out = _tc_node(parts[0], parts[1], cntA, cntB, out, conv_root, cb2,
                       gw, gb)

    xn3 = out.reshape(_NBLK, 512, _DIM)
    xnT3 = out.T.reshape(_DIM, _NBLK, 512).transpose(1, 0, 2)
    b3 = batch_p.reshape(_NBLK, 1, 512)
    return _tc_s2s(xn3, xnT3, b3, lw + lb, lin1_w, lin1_b2)

# --- scband reference (transcript-rebuilt; emitter-appended) ---
"""Pipeline reference for scband-qm9-enc-91285234909852 (READ-ONLY COPY).

The authoritative reference and input builder live on the scoring server;
editing this copy changes nothing except your own understanding.
"""

import jax, jax.numpy as jnp
import numpy as np

N = 10000
E = 20000
B = 512
DIM = 64
NF = 11
DE = 5

def setup_inputs(seed: int = 0):
    key = jax.random.key(seed)
    ks = jax.random.split(key, 32)
    p = lambda i, shape, s: jax.random.normal(ks[i], shape, dtype=jnp.float32) * s
    inp = {}
    inp['x'] = jax.random.normal(ks[0], (N, NF), dtype=jnp.float32)
    inp['edge_index'] = jax.random.randint(ks[1], (2, E), 0, N, dtype=jnp.int32)
    inp['edge_attr'] = jax.random.uniform(ks[2], (E, DE), dtype=jnp.float32)
    inp['batch'] = jnp.sort(jax.random.randint(ks[3], (N,), 0, B, dtype=jnp.int32))
    inp['lin0_w'] = p(4, (NF, DIM), 0.3)
    inp['lin0_b'] = jnp.zeros((DIM,), jnp.float32)
    inp['nn1_w'] = p(5, (DE, 128), 0.3)
    inp['nn1_b'] = jnp.zeros((128,), jnp.float32)
    inp['nn2_w'] = p(6, (128, DIM * DIM), 0.02)
    inp['nn2_b'] = jnp.zeros((DIM * DIM,), jnp.float32)
    inp['conv_root'] = p(7, (DIM, DIM), 0.1)
    inp['conv_bias'] = jnp.zeros((DIM,), jnp.float32)
    inp['gru_w_ih'] = p(8, (DIM, 3 * DIM), 0.1)
    inp['gru_w_hh'] = p(9, (DIM, 3 * DIM), 0.1)
    inp['gru_b_ih'] = jnp.zeros((3 * DIM,), jnp.float32)
    inp['gru_b_hh'] = jnp.zeros((3 * DIM,), jnp.float32)
    inp['lstm_w_ih'] = p(10, (2 * DIM, 4 * DIM), 0.1)
    inp['lstm_w_hh'] = p(11, (DIM, 4 * DIM), 0.1)
    inp['lstm_b_ih'] = jnp.zeros((4 * DIM,), jnp.float32)
    inp['lstm_b_hh'] = jnp.zeros((4 * DIM,), jnp.float32)
    inp['lin1_w'] = p(12, (2 * DIM, DIM), 0.1)
    inp['lin1_b'] = jnp.zeros((DIM,), jnp.float32)
    return inp

def _nnconv(out, edge_index, edge_attr, nn1_w, nn1_b, nn2_w, nn2_b, conv_root, conv_bias):
    src = edge_index[0]
    dst = edge_index[1]
    h = jax.nn.relu(edge_attr @ nn1_w + nn1_b)
    w_e = (h @ nn2_w + nn2_b).reshape(-1, DIM, DIM)
    msg = jnp.einsum('ei,eio->eo', out[src], w_e)
    agg = jax.ops.segment_sum(msg, dst, num_segments=N)
    cnt = jax.ops.segment_sum(jnp.ones((E,), jnp.float32), dst, num_segments=N)
    agg = agg / jnp.clip(cnt, 1.0)[:, None]
    return agg + out @ conv_root + conv_bias

def _gru(m, hdd, w_ih, w_hh, b_ih, b_hh):
    gi = m @ w_ih + b_ih
    gh = hdd @ w_hh + b_hh
    i_r, i_z, i_n = jnp.split(gi, 3, axis=-1)
    h_r, h_z, h_n = jnp.split(gh, 3, axis=-1)
    r = jax.nn.sigmoid(i_r + h_r)
    z = jax.nn.sigmoid(i_z + h_z)
    n = jnp.tanh(i_n + r * h_n)
    return (1.0 - z) * n + z * hdd

def _set2set(xn, batch, w_ih, w_hh, b_ih, b_hh):
    q_star = jnp.zeros((B, 2 * DIM), jnp.float32)
    hc = jnp.zeros((B, DIM), jnp.float32)
    cc = jnp.zeros((B, DIM), jnp.float32)
    for _ in range(3):
        gates = q_star @ w_ih + b_ih + hc @ w_hh + b_hh
        gi, gf, gg, go = jnp.split(gates, 4, axis=-1)
        gi = jax.nn.sigmoid(gi)
        gf = jax.nn.sigmoid(gf)
        gg = jnp.tanh(gg)
        go = jax.nn.sigmoid(go)
        cc = gf * cc + gi * gg
        hc = go * jnp.tanh(cc)
        q = hc
        e = jnp.sum(xn * q[batch], axis=-1)
        emax = jax.ops.segment_max(e, batch, num_segments=B)
        emax = jnp.where(jnp.isfinite(emax), emax, 0.0)
        emax = jax.lax.stop_gradient(emax)
        a = jnp.exp(e - emax[batch])
        asum = jax.ops.segment_sum(a, batch, num_segments=B)
        a = a / (asum[batch] + 1e-16)
        r = jax.ops.segment_sum(a[:, None] * xn, batch, num_segments=B)
        q_star = jnp.concatenate([q, r], axis=-1)
    return q_star

def reference(x, edge_index, edge_attr, batch, lin0_w, lin0_b, nn1_w, nn1_b, nn2_w, nn2_b, conv_root, conv_bias, gru_w_ih, gru_w_hh, gru_b_ih, gru_b_hh, lstm_w_ih, lstm_w_hh, lstm_b_ih, lstm_b_hh, lin1_w, lin1_b):
    out = jax.nn.relu(x @ lin0_w + lin0_b)
    hdd = out
    for _ in range(3):
        m = jax.nn.relu(_nnconv(out, edge_index, edge_attr, nn1_w, nn1_b, nn2_w, nn2_b, conv_root, conv_bias))
        hdd = _gru(m, hdd, gru_w_ih, gru_w_hh, gru_b_ih, gru_b_hh)
        out = hdd
    qs = _set2set(out, batch, lstm_w_ih, lstm_w_hh, lstm_b_ih, lstm_b_hh)
    features = jax.nn.relu(qs @ lin1_w + lin1_b)
    return features

if __name__ == "__main__":
    import jax
    _d = setup_inputs()
    print(jax.jit(kernel)(*tuple(_d.values())))

</pallas_src>

<mosaic_0001>
#map = affine_map<(d0, d1) -> (0, 0, 0)>
#map1 = affine_map<(d0, d1) -> (0, 0)>
#map2 = affine_map<(d0, d1) -> (0, 0, 0, 0)>
module attributes {stable_mosaic.version = 14 : i64} {
  func.func @_sc_scatter_k(%arg0: i32, %arg1: i32, %arg2: memref<32x640x16xf32, #tpu.memory_space<hbm>>, %arg3: memref<32x5x128xi32, #tpu.memory_space<hbm>>, %arg4: memref<640x16xf32, #tpu.memory_space<hbm>>, %arg5: memref<2x16x640x16xf32, #tpu.memory_space<hbm>>, %arg6: memref<5x128xi32, #tpu.memory_space<vmem>>, %arg7: memref<640x16xf32, #tpu.memory_space<vmem>>, %arg8: memref<10240x16xf32, #tpu.memory_space<vmem_shared>>) attributes {dimension_semantics = [#tpu.dimension_semantics<core_parallel>, #tpu.dimension_semantics<subcore_parallel>], iteration_bounds = array<i64: 2, 16>, scalar_prefetch = 0 : i64, scratch_operands = 3 : i64, tpu.core_type = #tpu.core_type<sc_vector_subcore>, window_params = [{transform_indices = #map}, {transform_indices = #map}, {transform_indices = #map1}, {transform_indices = #map2}]} {
    %mul3A = arith.constant 2 : i32
    %mul3A_0 = arith.muli %arg1, %mul3A : i32
    %add3A = arith.addi %mul3A_0, %arg0 : i32
    %mul3A_1 = arith.constant 640 : i32
    %mul3A_2 = arith.muli %arg1, %mul3A_1 : i32
    "tpu.region"() ({
      %run_scoped3A_10 = tpu.sem_alloc : memref<!tpu.dma_semaphore, #tpu.memory_space<semaphore_mem>>
      %dma_start3A = arith.constant 0 : i32
      %dma_start3A_11 = tpu.memref_slice %arg8[%mul3A_2, %dma_start3A] : memref<10240x16xf32, #tpu.memory_space<vmem_shared>> -> memref<640x16xf32, #tpu.memory_space<vmem_shared>>
      tpu.enqueue_dma source(%arg4 : memref<640x16xf32, #tpu.memory_space<hbm>>) target(%dma_start3A_11 : memref<640x16xf32, #tpu.memory_space<vmem_shared>>) target_semaphore(%run_scoped3A_10 : memref<!tpu.dma_semaphore, #tpu.memory_space<semaphore_mem>>)
      %dma_wait3A = arith.constant 0 : i32
      %dma_wait3A_12 = tpu.memref_slice %arg8[%mul3A_2, %dma_wait3A] : memref<10240x16xf32, #tpu.memory_space<vmem_shared>> -> memref<640x16xf32, #tpu.memory_space<vmem_shared>>
      tpu.wait_dma2 semaphore(%run_scoped3A_10 : memref<!tpu.dma_semaphore, #tpu.memory_space<semaphore_mem>>) src(%arg4 : memref<640x16xf32, #tpu.memory_space<hbm>>) dst(%dma_wait3A_12 : memref<640x16xf32, #tpu.memory_space<vmem_shared>>)
      tpu.yield
    }) : () -> ()
    %barrier3A = arith.constant 0 : index
    tpu.barrier barrier_id(%barrier3A)
    "tpu.region"() ({
      %run_scoped3A_10 = tpu.sem_alloc : memref<!tpu.dma_semaphore, #tpu.memory_space<semaphore_mem>>
      %dma_start3A = arith.constant 0 : i32
      %dma_start3A_11 = arith.constant 0 : i32
      %dma_start3A_12 = tpu.memref_slice %arg3[%add3A, %dma_start3A, %dma_start3A_11] : memref<32x5x128xi32, #tpu.memory_space<hbm>> -> memref<1x5x128xi32, #tpu.memory_space<hbm>>
      %dma_start3A_13 = tpu.memref_squeeze %dma_start3A_12 : memref<1x5x128xi32, #tpu.memory_space<hbm>> -> memref<5x128xi32, #tpu.memory_space<hbm>>
      %dma_start3A_14 = arith.constant 0 : i32
      %dma_start3A_15 = arith.constant 0 : i32
      %dma_start3A_16 = tpu.memref_slice %arg3[%add3A, %dma_start3A_14, %dma_start3A_15] : memref<32x5x128xi32, #tpu.memory_space<hbm>> -> memref<1x5x128xi32, #tpu.memory_space<hbm>>
      %dma_start3A_17 = tpu.memref_squeeze %dma_start3A_16 : memref<1x5x128xi32, #tpu.memory_space<hbm>> -> memref<5x128xi32, #tpu.memory_space<hbm>>
      tpu.enqueue_dma source(%dma_start3A_17 : memref<5x128xi32, #tpu.memory_space<hbm>>) target(%arg6 : memref<5x128xi32, #tpu.memory_space<vmem>>) target_semaphore(%run_scoped3A_10 : memref<!tpu.dma_semaphore, #tpu.memory_space<semaphore_mem>>)
      %dma_wait3A = arith.constant 0 : i32
      %dma_wait3A_18 = arith.constant 0 : i32
      %dma_wait3A_19 = tpu.memref_slice %arg3[%add3A, %dma_wait3A, %dma_wait3A_18] : memref<32x5x128xi32, #tpu.memory_space<hbm>> -> memref<1x5x128xi32, #tpu.memory_space<hbm>>
      %dma_wait3A_20 = tpu.memref_squeeze %dma_wait3A_19 : memref<1x5x128xi32, #tpu.memory_space<hbm>> -> memref<5x128xi32, #tpu.memory_space<hbm>>
      %dma_wait3A_21 = arith.constant 0 : i32
      %dma_wait3A_22 = arith.constant 0 : i32
      %dma_wait3A_23 = tpu.memref_slice %arg3[%add3A, %dma_wait3A_21, %dma_wait3A_22] : memref<32x5x128xi32, #tpu.memory_space<hbm>> -> memref<1x5x128xi32, #tpu.memory_space<hbm>>
      %dma_wait3A_24 = tpu.memref_squeeze %dma_wait3A_23 : memref<1x5x128xi32, #tpu.memory_space<hbm>> -> memref<5x128xi32, #tpu.memory_space<hbm>>
      tpu.wait_dma2 semaphore(%run_scoped3A_10 : memref<!tpu.dma_semaphore, #tpu.memory_space<semaphore_mem>>) src(%dma_wait3A_24 : memref<5x128xi32, #tpu.memory_space<hbm>>) dst(%arg6 : memref<5x128xi32, #tpu.memory_space<vmem>>)
      tpu.yield
    }) : () -> ()
    "tpu.region"() ({
      %run_scoped3A_10 = tpu.sem_alloc : memref<!tpu.dma_semaphore, #tpu.memory_space<semaphore_mem>>
      %dma_start3A = arith.constant 0 : i32
      %dma_start3A_11 = arith.constant 0 : i32
      %dma_start3A_12 = tpu.memref_slice %arg2[%add3A, %dma_start3A, %dma_start3A_11] : memref<32x640x16xf32, #tpu.memory_space<hbm>> -> memref<1x640x16xf32, #tpu.memory_space<hbm>>
      %dma_start3A_13 = tpu.memref_squeeze %dma_start3A_12 : memref<1x640x16xf32, #tpu.memory_space<hbm>> -> memref<640x16xf32, #tpu.memory_space<hbm>>
      %dma_start3A_14 = arith.constant 0 : i32
      %dma_start3A_15 = arith.constant 0 : i32
      %dma_start3A_16 = tpu.memref_slice %arg2[%add3A, %dma_start3A_14, %dma_start3A_15] : memref<32x640x16xf32, #tpu.memory_space<hbm>> -> memref<1x640x16xf32, #tpu.memory_space<hbm>>
      %dma_start3A_17 = tpu.memref_squeeze %dma_start3A_16 : memref<1x640x16xf32, #tpu.memory_space<hbm>> -> memref<640x16xf32, #tpu.memory_space<hbm>>
      tpu.enqueue_dma source(%dma_start3A_17 : memref<640x16xf32, #tpu.memory_space<hbm>>) target(%arg7 : memref<640x16xf32, #tpu.memory_space<vmem>>) target_semaphore(%run_scoped3A_10 : memref<!tpu.dma_semaphore, #tpu.memory_space<semaphore_mem>>)
      %dma_wait3A = arith.constant 0 : i32
      %dma_wait3A_18 = arith.constant 0 : i32
      %dma_wait3A_19 = tpu.memref_slice %arg2[%add3A, %dma_wait3A, %dma_wait3A_18] : memref<32x640x16xf32, #tpu.memory_space<hbm>> -> memref<1x640x16xf32, #tpu.memory_space<hbm>>
      %dma_wait3A_20 = tpu.memref_squeeze %dma_wait3A_19 : memref<1x640x16xf32, #tpu.memory_space<hbm>> -> memref<640x16xf32, #tpu.memory_space<hbm>>
      %dma_wait3A_21 = arith.constant 0 : i32
      %dma_wait3A_22 = arith.constant 0 : i32
      %dma_wait3A_23 = tpu.memref_slice %arg2[%add3A, %dma_wait3A_21, %dma_wait3A_22] : memref<32x640x16xf32, #tpu.memory_space<hbm>> -> memref<1x640x16xf32, #tpu.memory_space<hbm>>
      %dma_wait3A_24 = tpu.memref_squeeze %dma_wait3A_23 : memref<1x640x16xf32, #tpu.memory_space<hbm>> -> memref<640x16xf32, #tpu.memory_space<hbm>>
      tpu.wait_dma2 semaphore(%run_scoped3A_10 : memref<!tpu.dma_semaphore, #tpu.memory_space<semaphore_mem>>) src(%dma_wait3A_24 : memref<640x16xf32, #tpu.memory_space<hbm>>) dst(%arg7 : memref<640x16xf32, #tpu.memory_space<vmem>>)
      tpu.yield
    }) : () -> ()
    %run_scoped3A = arith.constant 0 : i32
    "tpu.region"() ({
      %run_scoped3A_10 = tpu.sem_alloc : memref<!tpu.dma_semaphore, #tpu.memory_space<semaphore_mem>>
      %dma_start3A = arith.constant 0 : i32
      %dma_start3A_11 = arith.constant 0 : i32
      %dma_start3A_12 = tpu.memref_slice %arg7[%dma_start3A, %dma_start3A_11] : memref<640x16xf32, #tpu.memory_space<vmem>> -> memref<128x16xf32, #tpu.memory_space<vmem>>
      %dma_start3A_13 = arith.constant 0 : i32
      %dma_start3A_14 = tpu.memref_slice %arg6[%run_scoped3A, %dma_start3A_13] : memref<5x128xi32, #tpu.memory_space<vmem>> -> memref<1x128xi32, #tpu.memory_space<vmem>>
      %dma_start3A_15 = tpu.memref_squeeze %dma_start3A_14 : memref<1x128xi32, #tpu.memory_space<vmem>> -> memref<128xi32, #tpu.memory_space<vmem>>
      %dma_start3A_16 = arith.constant 0 : i32
      %dma_start3A_17 = arith.constant 0 : i32
      %dma_start3A_18 = tpu.memref_slice %arg8[%dma_start3A_16, %dma_start3A_17] : memref<10240x16xf32, #tpu.memory_space<vmem_shared>> -> memref<10240x16xf32, #tpu.memory_space<vmem_shared>>
      tpu.enqueue_indirect_dma source(%dma_start3A_12 : memref<128x16xf32, #tpu.memory_space<vmem>>) target(%dma_start3A_18 : memref<10240x16xf32, #tpu.memory_space<vmem_shared>>) offsets(%dma_start3A_15 : memref<128xi32, #tpu.memory_space<vmem>>) semaphore(%run_scoped3A_10 : memref<!tpu.dma_semaphore, #tpu.memory_space<semaphore_mem>>) {add = true}
      %dma_wait3A = arith.constant 0 : i32
      %dma_wait3A_19 = arith.constant 0 : i32
      %dma_wait3A_20 = tpu.memref_slice %arg7[%dma_wait3A, %dma_wait3A_19] : memref<640x16xf32, #tpu.memory_space<vmem>> -> memref<128x16xf32, #tpu.memory_space<vmem>>
      %dma_wait3A_21 = arith.constant 0 : i32
      %dma_wait3A_22 = tpu.memref_slice %arg6[%run_scoped3A, %dma_wait3A_21] : memref<5x128xi32, #tpu.memory_space<vmem>> -> memref<1x128xi32, #tpu.memory_space<vmem>>
      %dma_wait3A_23 = tpu.memref_squeeze %dma_wait3A_22 : memref<1x128xi32, #tpu.memory_space<vmem>> -> memref<128xi32, #tpu.memory_space<vmem>>
      %dma_wait3A_24 = arith.constant 0 : i32
      %dma_wait3A_25 = arith.constant 0 : i32
      %dma_wait3A_26 = tpu.memref_slice %arg8[%dma_wait3A_24, %dma_wait3A_25] : memref<10240x16xf32, #tpu.memory_space<vmem_shared>> -> memref<10240x16xf32, #tpu.memory_space<vmem_shared>>
      tpu.wait_indirect_dma semaphore(%run_scoped3A_10 : memref<!tpu.dma_semaphore, #tpu.memory_space<semaphore_mem>>) src(%dma_wait3A_20 : memref<128x16xf32, #tpu.memory_space<vmem>>) dst(%dma_wait3A_26 : memref<10240x16xf32, #tpu.memory_space<vmem_shared>>)
      tpu.yield
    }) : () -> ()
    %run_scoped3A_3 = arith.constant 1 : i32
    "tpu.region"() ({
      %run_scoped3A_10 = tpu.sem_alloc : memref<!tpu.dma_semaphore, #tpu.memory_space<semaphore_mem>>
      %dma_start3A = arith.constant 128 : i32
      %dma_start3A_11 = arith.constant 0 : i32
      %dma_start3A_12 = tpu.memref_slice %arg7[%dma_start3A, %dma_start3A_11] : memref<640x16xf32, #tpu.memory_space<vmem>> -> memref<128x16xf32, #tpu.memory_space<vmem>>
      %dma_start3A_13 = arith.constant 0 : i32
      %dma_start3A_14 = tpu.memref_slice %arg6[%run_scoped3A_3, %dma_start3A_13] : memref<5x128xi32, #tpu.memory_space<vmem>> -> memref<1x128xi32, #tpu.memory_space<vmem>>
      %dma_start3A_15 = tpu.memref_squeeze %dma_start3A_14 : memref<1x128xi32, #tpu.memory_space<vmem>> -> memref<128xi32, #tpu.memory_space<vmem>>
      %dma_start3A_16 = arith.constant 0 : i32
      %dma_start3A_17 = arith.constant 0 : i32
      %dma_start3A_18 = tpu.memref_slice %arg8[%dma_start3A_16, %dma_start3A_17] : memref<10240x16xf32, #tpu.memory_space<vmem_shared>> -> memref<10240x16xf32, #tpu.memory_space<vmem_shared>>
      tpu.enqueue_indirect_dma source(%dma_start3A_12 : memref<128x16xf32, #tpu.memory_space<vmem>>) target(%dma_start3A_18 : memref<10240x16xf32, #tpu.memory_space<vmem_shared>>) offsets(%dma_start3A_15 : memref<128xi32, #tpu.memory_space<vmem>>) semaphore(%run_scoped3A_10 : memref<!tpu.dma_semaphore, #tpu.memory_space<semaphore_mem>>) {add = true}
      %dma_wait3A = arith.constant 128 : i32
      %dma_wait3A_19 = arith.constant 0 : i32
      %dma_wait3A_20 = tpu.memref_slice %arg7[%dma_wait3A, %dma_wait3A_19] : memref<640x16xf32, #tpu.memory_space<vmem>> -> memref<128x16xf32, #tpu.memory_space<vmem>>
      %dma_wait3A_21 = arith.constant 0 : i32
      %dma_wait3A_22 = tpu.memref_slice %arg6[%run_scoped3A_3, %dma_wait3A_21] : memref<5x128xi32, #tpu.memory_space<vmem>> -> memref<1x128xi32, #tpu.memory_space<vmem>>
      %dma_wait3A_23 = tpu.memref_squeeze %dma_wait3A_22 : memref<1x128xi32, #tpu.memory_space<vmem>> -> memref<128xi32, #tpu.memory_space<vmem>>
      %dma_wait3A_24 = arith.constant 0 : i32
      %dma_wait3A_25 = arith.constant 0 : i32
      %dma_wait3A_26 = tpu.memref_slice %arg8[%dma_wait3A_24, %dma_wait3A_25] : memref<10240x16xf32, #tpu.memory_space<vmem_shared>> -> memref<10240x16xf32, #tpu.memory_space<vmem_shared>>
      tpu.wait_indirect_dma semaphore(%run_scoped3A_10 : memref<!tpu.dma_semaphore, #tpu.memory_space<semaphore_mem>>) src(%dma_wait3A_20 : memref<128x16xf32, #tpu.memory_space<vmem>>) dst(%dma_wait3A_26 : memref<10240x16xf32, #tpu.memory_space<vmem_shared>>)
      tpu.yield
    }) : () -> ()
    %run_scoped3A_4 = arith.constant 2 : i32
    "tpu.region"() ({
      %run_scoped3A_10 = tpu.sem_alloc : memref<!tpu.dma_semaphore, #tpu.memory_space<semaphore_mem>>
      %dma_start3A = arith.constant 256 : i32
      %dma_start3A_11 = arith.constant 0 : i32
      %dma_start3A_12 = tpu.memref_slice %arg7[%dma_start3A, %dma_start3A_11] : memref<640x16xf32, #tpu.memory_space<vmem>> -> memref<128x16xf32, #tpu.memory_space<vmem>>
      %dma_start3A_13 = arith.constant 0 : i32
      %dma_start3A_14 = tpu.memref_slice %arg6[%run_scoped3A_4, %dma_start3A_13] : memref<5x128xi32, #tpu.memory_space<vmem>> -> memref<1x128xi32, #tpu.memory_space<vmem>>
      %dma_start3A_15 = tpu.memref_squeeze %dma_start3A_14 : memref<1x128xi32, #tpu.memory_space<vmem>> -> memref<128xi32, #tpu.memory_space<vmem>>
      %dma_start3A_16 = arith.constant 0 : i32
      %dma_start3A_17 = arith.constant 0 : i32
      %dma_start3A_18 = tpu.memref_slice %arg8[%dma_start3A_16, %dma_start3A_17] : memref<10240x16xf32, #tpu.memory_space<vmem_shared>> -> memref<10240x16xf32, #tpu.memory_space<vmem_shared>>
      tpu.enqueue_indirect_dma source(%dma_start3A_12 : memref<128x16xf32, #tpu.memory_space<vmem>>) target(%dma_start3A_18 : memref<10240x16xf32, #tpu.memory_space<vmem_shared>>) offsets(%dma_start3A_15 : memref<128xi32, #tpu.memory_space<vmem>>) semaphore(%run_scoped3A_10 : memref<!tpu.dma_semaphore, #tpu.memory_space<semaphore_mem>>) {add = true}
      %dma_wait3A = arith.constant 256 : i32
      %dma_wait3A_19 = arith.constant 0 : i32
      %dma_wait3A_20 = tpu.memref_slice %arg7[%dma_wait3A, %dma_wait3A_19] : memref<640x16xf32, #tpu.memory_space<vmem>> -> memref<128x16xf32, #tpu.memory_space<vmem>>
      %dma_wait3A_21 = arith.constant 0 : i32
      %dma_wait3A_22 = tpu.memref_slice %arg6[%run_scoped3A_4, %dma_wait3A_21] : memref<5x128xi32, #tpu.memory_space<vmem>> -> memref<1x128xi32, #tpu.memory_space<vmem>>
      %dma_wait3A_23 = tpu.memref_squeeze %dma_wait3A_22 : memref<1x128xi32, #tpu.memory_space<vmem>> -> memref<128xi32, #tpu.memory_space<vmem>>
      %dma_wait3A_24 = arith.constant 0 : i32
      %dma_wait3A_25 = arith.constant 0 : i32
      %dma_wait3A_26 = tpu.memref_slice %arg8[%dma_wait3A_24, %dma_wait3A_25] : memref<10240x16xf32, #tpu.memory_space<vmem_shared>> -> memref<10240x16xf32, #tpu.memory_space<vmem_shared>>
      tpu.wait_indirect_dma semaphore(%run_scoped3A_10 : memref<!tpu.dma_semaphore, #tpu.memory_space<semaphore_mem>>) src(%dma_wait3A_20 : memref<128x16xf32, #tpu.memory_space<vmem>>) dst(%dma_wait3A_26 : memref<10240x16xf32, #tpu.memory_space<vmem_shared>>)
      tpu.yield
    }) : () -> ()
    %run_scoped3A_5 = arith.constant 3 : i32
    "tpu.region"() ({
      %run_scoped3A_10 = tpu.sem_alloc : memref<!tpu.dma_semaphore, #tpu.memory_space<semaphore_mem>>
      %dma_start3A = arith.constant 384 : i32
      %dma_start3A_11 = arith.constant 0 : i32
      %dma_start3A_12 = tpu.memref_slice %arg7[%dma_start3A, %dma_start3A_11] : memref<640x16xf32, #tpu.memory_space<vmem>> -> memref<128x16xf32, #tpu.memory_space<vmem>>
      %dma_start3A_13 = arith.constant 0 : i32
      %dma_start3A_14 = tpu.memref_slice %arg6[%run_scoped3A_5, %dma_start3A_13] : memref<5x128xi32, #tpu.memory_space<vmem>> -> memref<1x128xi32, #tpu.memory_space<vmem>>
      %dma_start3A_15 = tpu.memref_squeeze %dma_start3A_14 : memref<1x128xi32, #tpu.memory_space<vmem>> -> memref<128xi32, #tpu.memory_space<vmem>>
      %dma_start3A_16 = arith.constant 0 : i32
      %dma_start3A_17 = arith.constant 0 : i32
      %dma_start3A_18 = tpu.memref_slice %arg8[%dma_start3A_16, %dma_start3A_17] : memref<10240x16xf32, #tpu.memory_space<vmem_shared>> -> memref<10240x16xf32, #tpu.memory_space<vmem_shared>>
      tpu.enqueue_indirect_dma source(%dma_start3A_12 : memref<128x16xf32, #tpu.memory_space<vmem>>) target(%dma_start3A_18 : memref<10240x16xf32, #tpu.memory_space<vmem_shared>>) offsets(%dma_start3A_15 : memref<128xi32, #tpu.memory_space<vmem>>) semaphore(%run_scoped3A_10 : memref<!tpu.dma_semaphore, #tpu.memory_space<semaphore_mem>>) {add = true}
      %dma_wait3A = arith.constant 384 : i32
      %dma_wait3A_19 = arith.constant 0 : i32
      %dma_wait3A_20 = tpu.memref_slice %arg7[%dma_wait3A, %dma_wait3A_19] : memref<640x16xf32, #tpu.memory_space<vmem>> -> memref<128x16xf32, #tpu.memory_space<vmem>>
      %dma_wait3A_21 = arith.constant 0 : i32
      %dma_wait3A_22 = tpu.memref_slice %arg6[%run_scoped3A_5, %dma_wait3A_21] : memref<5x128xi32, #tpu.memory_space<vmem>> -> memref<1x128xi32, #tpu.memory_space<vmem>>
      %dma_wait3A_23 = tpu.memref_squeeze %dma_wait3A_22 : memref<1x128xi32, #tpu.memory_space<vmem>> -> memref<128xi32, #tpu.memory_space<vmem>>
      %dma_wait3A_24 = arith.constant 0 : i32
      %dma_wait3A_25 = arith.constant 0 : i32
      %dma_wait3A_26 = tpu.memref_slice %arg8[%dma_wait3A_24, %dma_wait3A_25] : memref<10240x16xf32, #tpu.memory_space<vmem_shared>> -> memref<10240x16xf32, #tpu.memory_space<vmem_shared>>
      tpu.wait_indirect_dma semaphore(%run_scoped3A_10 : memref<!tpu.dma_semaphore, #tpu.memory_space<semaphore_mem>>) src(%dma_wait3A_20 : memref<128x16xf32, #tpu.memory_space<vmem>>) dst(%dma_wait3A_26 : memref<10240x16xf32, #tpu.memory_space<vmem_shared>>)
      tpu.yield
    }) : () -> ()
    %run_scoped3A_6 = arith.constant 4 : i32
    "tpu.region"() ({
      %run_scoped3A_10 = tpu.sem_alloc : memref<!tpu.dma_semaphore, #tpu.memory_space<semaphore_mem>>
      %dma_start3A = arith.constant 512 : i32
      %dma_start3A_11 = arith.constant 0 : i32
      %dma_start3A_12 = tpu.memref_slice %arg7[%dma_start3A, %dma_start3A_11] : memref<640x16xf32, #tpu.memory_space<vmem>> -> memref<128x16xf32, #tpu.memory_space<vmem>>
      %dma_start3A_13 = arith.constant 0 : i32
      %dma_start3A_14 = tpu.memref_slice %arg6[%run_scoped3A_6, %dma_start3A_13] : memref<5x128xi32, #tpu.memory_space<vmem>> -> memref<1x128xi32, #tpu.memory_space<vmem>>
      %dma_start3A_15 = tpu.memref_squeeze %dma_start3A_14 : memref<1x128xi32, #tpu.memory_space<vmem>> -> memref<128xi32, #tpu.memory_space<vmem>>
      %dma_start3A_16 = arith.constant 0 : i32
      %dma_start3A_17 = arith.constant 0 : i32
      %dma_start3A_18 = tpu.memref_slice %arg8[%dma_start3A_16, %dma_start3A_17] : memref<10240x16xf32, #tpu.memory_space<vmem_shared>> -> memref<10240x16xf32, #tpu.memory_space<vmem_shared>>
      tpu.enqueue_indirect_dma source(%dma_start3A_12 : memref<128x16xf32, #tpu.memory_space<vmem>>) target(%dma_start3A_18 : memref<10240x16xf32, #tpu.memory_space<vmem_shared>>) offsets(%dma_start3A_15 : memref<128xi32, #tpu.memory_space<vmem>>) semaphore(%run_scoped3A_10 : memref<!tpu.dma_semaphore, #tpu.memory_space<semaphore_mem>>) {add = true}
      %dma_wait3A = arith.constant 512 : i32
      %dma_wait3A_19 = arith.constant 0 : i32
      %dma_wait3A_20 = tpu.memref_slice %arg7[%dma_wait3A, %dma_wait3A_19] : memref<640x16xf32, #tpu.memory_space<vmem>> -> memref<128x16xf32, #tpu.memory_space<vmem>>
      %dma_wait3A_21 = arith.constant 0 : i32
      %dma_wait3A_22 = tpu.memref_slice %arg6[%run_scoped3A_6, %dma_wait3A_21] : memref<5x128xi32, #tpu.memory_space<vmem>> -> memref<1x128xi32, #tpu.memory_space<vmem>>
      %dma_wait3A_23 = tpu.memref_squeeze %dma_wait3A_22 : memref<1x128xi32, #tpu.memory_space<vmem>> -> memref<128xi32, #tpu.memory_space<vmem>>
      %dma_wait3A_24 = arith.constant 0 : i32
      %dma_wait3A_25 = arith.constant 0 : i32
      %dma_wait3A_26 = tpu.memref_slice %arg8[%dma_wait3A_24, %dma_wait3A_25] : memref<10240x16xf32, #tpu.memory_space<vmem_shared>> -> memref<10240x16xf32, #tpu.memory_space<vmem_shared>>
      tpu.wait_indirect_dma semaphore(%run_scoped3A_10 : memref<!tpu.dma_semaphore, #tpu.memory_space<semaphore_mem>>) src(%dma_wait3A_20 : memref<128x16xf32, #tpu.memory_space<vmem>>) dst(%dma_wait3A_26 : memref<10240x16xf32, #tpu.memory_space<vmem_shared>>)
      tpu.yield
    }) : () -> ()
    %barrier3A_7 = arith.constant 0 : index
    tpu.barrier barrier_id(%barrier3A_7)
    %mul3A_8 = arith.constant 640 : i32
    %mul3A_9 = arith.muli %arg1, %mul3A_8 : i32
    "tpu.region"() ({
      %run_scoped3A_10 = tpu.sem_alloc : memref<!tpu.dma_semaphore, #tpu.memory_space<semaphore_mem>>
      %dma_start3A = arith.constant 0 : i32
      %dma_start3A_11 = arith.constant 0 : i32
      %dma_start3A_12 = tpu.memref_slice %arg5[%arg0, %arg1, %dma_start3A, %dma_start3A_11] : memref<2x16x640x16xf32, #tpu.memory_space<hbm>> -> memref<1x1x640x16xf32, #tpu.memory_space<hbm>>
      %dma_start3A_13 = tpu.memref_squeeze %dma_start3A_12 : memref<1x1x640x16xf32, #tpu.memory_space<hbm>> -> memref<640x16xf32, #tpu.memory_space<hbm>>
      %dma_start3A_14 = arith.constant 0 : i32
      %dma_start3A_15 = tpu.memref_slice %arg8[%mul3A_9, %dma_start3A_14] : memref<10240x16xf32, #tpu.memory_space<vmem_shared>> -> memref<640x16xf32, #tpu.memory_space<vmem_shared>>
      tpu.enqueue_dma source(%dma_start3A_15 : memref<640x16xf32, #tpu.memory_space<vmem_shared>>) target(%dma_start3A_13 : memref<640x16xf32, #tpu.memory_space<hbm>>) target_semaphore(%run_scoped3A_10 : memref<!tpu.dma_semaphore, #tpu.memory_space<semaphore_mem>>)
      %dma_wait3A = arith.constant 0 : i32
      %dma_wait3A_16 = arith.constant 0 : i32
      %dma_wait3A_17 = tpu.memref_slice %arg5[%arg0, %arg1, %dma_wait3A, %dma_wait3A_16] : memref<2x16x640x16xf32, #tpu.memory_space<hbm>> -> memref<1x1x640x16xf32, #tpu.memory_space<hbm>>
      %dma_wait3A_18 = tpu.memref_squeeze %dma_wait3A_17 : memref<1x1x640x16xf32, #tpu.memory_space<hbm>> -> memref<640x16xf32, #tpu.memory_space<hbm>>
      %dma_wait3A_19 = arith.constant 0 : i32
      %dma_wait3A_20 = tpu.memref_slice %arg8[%mul3A_9, %dma_wait3A_19] : memref<10240x16xf32, #tpu.memory_space<vmem_shared>> -> memref<640x16xf32, #tpu.memory_space<vmem_shared>>
      tpu.wait_dma2 semaphore(%run_scoped3A_10 : memref<!tpu.dma_semaphore, #tpu.memory_space<semaphore_mem>>) src(%dma_wait3A_20 : memref<640x16xf32, #tpu.memory_space<vmem_shared>>) dst(%dma_wait3A_18 : memref<640x16xf32, #tpu.memory_space<hbm>>)
      tpu.yield
    }) : () -> ()
    return
  }
}

#map = affine_map<(d0, d1) -> (0, 0)>
#map1 = affine_map<(d0, d1) -> (0, 0, 0)>
module attributes {stable_mosaic.version = 14 : i64} {
  func.func @_sc_gather_k(%arg0: i32, %arg1: i32, %arg2: memref<10240x64xf32, #tpu.memory_space<hbm>>, %arg3: memref<32x5x128xi32, #tpu.memory_space<hbm>>, %arg4: memref<32x640x64xf32, #tpu.memory_space<hbm>>, %arg5: memref<5x128xi32, #tpu.memory_space<vmem>>, %arg6: memref<640x64xf32, #tpu.memory_space<vmem>>, %arg7: memref<!tpu.dma_semaphore, #tpu.memory_space<semaphore_mem>>) attributes {dimension_semantics = [#tpu.dimension_semantics<core_parallel>, #tpu.dimension_semantics<subcore_parallel>], iteration_bounds = array<i64: 2, 16>, scalar_prefetch = 0 : i64, scratch_operands = 3 : i64, tpu.core_type = #tpu.core_type<sc_vector_subcore>, window_params = [{transform_indices = #map}, {transform_indices = #map1}, {transform_indices = #map1}]} {
    %mul3A = arith.constant 2 : i32
    %mul3A_0 = arith.muli %arg1, %mul3A : i32
    %add3A = arith.addi %mul3A_0, %arg0 : i32
    "tpu.region"() ({
      %run_scoped3A = tpu.sem_alloc : memref<!tpu.dma_semaphore, #tpu.memory_space<semaphore_mem>>
      %dma_start3A_99 = arith.constant 0 : i32
      %dma_start3A_100 = arith.constant 0 : i32
      %dma_start3A_101 = tpu.memref_slice %arg3[%add3A, %dma_start3A_99, %dma_start3A_100] : memref<32x5x128xi32, #tpu.memory_space<hbm>> -> memref<1x5x128xi32, #tpu.memory_space<hbm>>
      %dma_start3A_102 = tpu.memref_squeeze %dma_start3A_101 : memref<1x5x128xi32, #tpu.memory_space<hbm>> -> memref<5x128xi32, #tpu.memory_space<hbm>>
      %dma_start3A_103 = arith.constant 0 : i32
      %dma_start3A_104 = arith.constant 0 : i32
      %dma_start3A_105 = tpu.memref_slice %arg3[%add3A, %dma_start3A_103, %dma_start3A_104] : memref<32x5x128xi32, #tpu.memory_space<hbm>> -> memref<1x5x128xi32, #tpu.memory_space<hbm>>
      %dma_start3A_106 = tpu.memref_squeeze %dma_start3A_105 : memref<1x5x128xi32, #tpu.memory_space<hbm>> -> memref<5x128xi32, #tpu.memory_space<hbm>>
      tpu.enqueue_dma source(%dma_start3A_106 : memref<5x128xi32, #tpu.memory_space<hbm>>) target(%arg5 : memref<5x128xi32, #tpu.memory_space<vmem>>) target_semaphore(%run_scoped3A : memref<!tpu.dma_semaphore, #tpu.memory_space<semaphore_mem>>)
      %dma_wait3A_107 = arith.constant 0 : i32
      %dma_wait3A_108 = arith.constant 0 : i32
      %dma_wait3A_109 = tpu.memref_slice %arg3[%add3A, %dma_wait3A_107, %dma_wait3A_108] : memref<32x5x128xi32, #tpu.memory_space<hbm>> -> memref<1x5x128xi32, #tpu.memory_space<hbm>>
      %dma_wait3A_110 = tpu.memref_squeeze %dma_wait3A_109 : memref<1x5x128xi32, #tpu.memory_space<hbm>> -> memref<5x128xi32, #tpu.memory_space<hbm>>
      %dma_wait3A_111 = arith.constant 0 : i32
      %dma_wait3A_112 = arith.constant 0 : i32
      %dma_wait3A_113 = tpu.memref_slice %arg3[%add3A, %dma_wait3A_111, %dma_wait3A_112] : memref<32x5x128xi32, #tpu.memory_space<hbm>> -> memref<1x5x128xi32, #tpu.memory_space<hbm>>
      %dma_wait3A_114 = tpu.memref_squeeze %dma_wait3A_113 : memref<1x5x128xi32, #tpu.memory_space<hbm>> -> memref<5x128xi32, #tpu.memory_space<hbm>>
      tpu.wait_dma2 semaphore(%run_scoped3A : memref<!tpu.dma_semaphore, #tpu.memory_space<semaphore_mem>>) src(%dma_wait3A_114 : memref<5x128xi32, #tpu.memory_space<hbm>>) dst(%arg5 : memref<5x128xi32, #tpu.memory_space<vmem>>)
      tpu.yield
    }) : () -> ()
    %dma_start3A = arith.constant 0 : i32
    %dma_start3A_1 = arith.constant 0 : i32
    %dma_start3A_2 = arith.constant 0 : i32
    %dma_start3A_3 = tpu.memref_slice %arg6[%dma_start3A_1, %dma_start3A_2] : memref<640x64xf32, #tpu.memory_space<vmem>> -> memref<128x64xf32, #tpu.memory_space<vmem>>
    %dma_start3A_4 = arith.constant 0 : i32
    %dma_start3A_5 = tpu.memref_slice %arg5[%dma_start3A, %dma_start3A_4] : memref<5x128xi32, #tpu.memory_space<vmem>> -> memref<1x128xi32, #tpu.memory_space<vmem>>
    %dma_start3A_6 = tpu.memref_squeeze %dma_start3A_5 : memref<1x128xi32, #tpu.memory_space<vmem>> -> memref<128xi32, #tpu.memory_space<vmem>>
    %dma_start3A_7 = arith.constant 0 : i32
    %dma_start3A_8 = arith.constant 0 : i32
    %dma_start3A_9 = tpu.memref_slice %arg2[%dma_start3A_7, %dma_start3A_8] : memref<10240x64xf32, #tpu.memory_space<hbm>> -> memref<10240x64xf32, #tpu.memory_space<hbm>>
    tpu.enqueue_indirect_dma source(%dma_start3A_9 : memref<10240x64xf32, #tpu.memory_space<hbm>>) target(%dma_start3A_3 : memref<128x64xf32, #tpu.memory_space<vmem>>) offsets(%dma_start3A_6 : memref<128xi32, #tpu.memory_space<vmem>>) semaphore(%arg7 : memref<!tpu.dma_semaphore, #tpu.memory_space<semaphore_mem>>)
    %dma_start3A_10 = arith.constant 1 : i32
    %dma_start3A_11 = arith.constant 128 : i32
    %dma_start3A_12 = arith.constant 0 : i32
    %dma_start3A_13 = tpu.memref_slice %arg6[%dma_start3A_11, %dma_start3A_12] : memref<640x64xf32, #tpu.memory_space<vmem>> -> memref<128x64xf32, #tpu.memory_space<vmem>>
    %dma_start3A_14 = arith.constant 0 : i32
    %dma_start3A_15 = tpu.memref_slice %arg5[%dma_start3A_10, %dma_start3A_14] : memref<5x128xi32, #tpu.memory_space<vmem>> -> memref<1x128xi32, #tpu.memory_space<vmem>>
    %dma_start3A_16 = tpu.memref_squeeze %dma_start3A_15 : memref<1x128xi32, #tpu.memory_space<vmem>> -> memref<128xi32, #tpu.memory_space<vmem>>
    %dma_start3A_17 = arith.constant 0 : i32
    %dma_start3A_18 = arith.constant 0 : i32
    %dma_start3A_19 = tpu.memref_slice %arg2[%dma_start3A_17, %dma_start3A_18] : memref<10240x64xf32, #tpu.memory_space<hbm>> -> memref<10240x64xf32, #tpu.memory_space<hbm>>
    tpu.enqueue_indirect_dma source(%dma_start3A_19 : memref<10240x64xf32, #tpu.memory_space<hbm>>) target(%dma_start3A_13 : memref<128x64xf32, #tpu.memory_space<vmem>>) offsets(%dma_start3A_16 : memref<128xi32, #tpu.memory_space<vmem>>) semaphore(%arg7 : memref<!tpu.dma_semaphore, #tpu.memory_space<semaphore_mem>>)
    %dma_start3A_20 = arith.constant 2 : i32
    %dma_start3A_21 = arith.constant 256 : i32
    %dma_start3A_22 = arith.constant 0 : i32
    %dma_start3A_23 = tpu.memref_slice %arg6[%dma_start3A_21, %dma_start3A_22] : memref<640x64xf32, #tpu.memory_space<vmem>> -> memref<128x64xf32, #tpu.memory_space<vmem>>
    %dma_start3A_24 = arith.constant 0 : i32
    %dma_start3A_25 = tpu.memref_slice %arg5[%dma_start3A_20, %dma_start3A_24] : memref<5x128xi32, #tpu.memory_space<vmem>> -> memref<1x128xi32, #tpu.memory_space<vmem>>
    %dma_start3A_26 = tpu.memref_squeeze %dma_start3A_25 : memref<1x128xi32, #tpu.memory_space<vmem>> -> memref<128xi32, #tpu.memory_space<vmem>>
    %dma_start3A_27 = arith.constant 0 : i32
    %dma_start3A_28 = arith.constant 0 : i32
    %dma_start3A_29 = tpu.memref_slice %arg2[%dma_start3A_27, %dma_start3A_28] : memref<10240x64xf32, #tpu.memory_space<hbm>> -> memref<10240x64xf32, #tpu.memory_space<hbm>>
    tpu.enqueue_indirect_dma source(%dma_start3A_29 : memref<10240x64xf32, #tpu.memory_space<hbm>>) target(%dma_start3A_23 : memref<128x64xf32, #tpu.memory_space<vmem>>) offsets(%dma_start3A_26 : memref<128xi32, #tpu.memory_space<vmem>>) semaphore(%arg7 : memref<!tpu.dma_semaphore, #tpu.memory_space<semaphore_mem>>)
    %dma_start3A_30 = arith.constant 3 : i32
    %dma_start3A_31 = arith.constant 384 : i32
    %dma_start3A_32 = arith.constant 0 : i32
    %dma_start3A_33 = tpu.memref_slice %arg6[%dma_start3A_31, %dma_start3A_32] : memref<640x64xf32, #tpu.memory_space<vmem>> -> memref<128x64xf32, #tpu.memory_space<vmem>>
    %dma_start3A_34 = arith.constant 0 : i32
    %dma_start3A_35 = tpu.memref_slice %arg5[%dma_start3A_30, %dma_start3A_34] : memref<5x128xi32, #tpu.memory_space<vmem>> -> memref<1x128xi32, #tpu.memory_space<vmem>>
    %dma_start3A_36 = tpu.memref_squeeze %dma_start3A_35 : memref<1x128xi32, #tpu.memory_space<vmem>> -> memref<128xi32, #tpu.memory_space<vmem>>
    %dma_start3A_37 = arith.constant 0 : i32
    %dma_start3A_38 = arith.constant 0 : i32
    %dma_start3A_39 = tpu.memref_slice %arg2[%dma_start3A_37, %dma_start3A_38] : memref<10240x64xf32, #tpu.memory_space<hbm>> -> memref<10240x64xf32, #tpu.memory_space<hbm>>
    tpu.enqueue_indirect_dma source(%dma_start3A_39 : memref<10240x64xf32, #tpu.memory_space<hbm>>) target(%dma_start3A_33 : memref<128x64xf32, #tpu.memory_space<vmem>>) offsets(%dma_start3A_36 : memref<128xi32, #tpu.memory_space<vmem>>) semaphore(%arg7 : memref<!tpu.dma_semaphore, #tpu.memory_space<semaphore_mem>>)
    %dma_start3A_40 = arith.constant 4 : i32
    %dma_start3A_41 = arith.constant 512 : i32
    %dma_start3A_42 = arith.constant 0 : i32
    %dma_start3A_43 = tpu.memref_slice %arg6[%dma_start3A_41, %dma_start3A_42] : memref<640x64xf32, #tpu.memory_space<vmem>> -> memref<128x64xf32, #tpu.memory_space<vmem>>
    %dma_start3A_44 = arith.constant 0 : i32
    %dma_start3A_45 = tpu.memref_slice %arg5[%dma_start3A_40, %dma_start3A_44] : memref<5x128xi32, #tpu.memory_space<vmem>> -> memref<1x128xi32, #tpu.memory_space<vmem>>
    %dma_start3A_46 = tpu.memref_squeeze %dma_start3A_45 : memref<1x128xi32, #tpu.memory_space<vmem>> -> memref<128xi32, #tpu.memory_space<vmem>>
    %dma_start3A_47 = arith.constant 0 : i32
    %dma_start3A_48 = arith.constant 0 : i32
    %dma_start3A_49 = tpu.memref_slice %arg2[%dma_start3A_47, %dma_start3A_48] : memref<10240x64xf32, #tpu.memory_space<hbm>> -> memref<10240x64xf32, #tpu.memory_space<hbm>>
    tpu.enqueue_indirect_dma source(%dma_start3A_49 : memref<10240x64xf32, #tpu.memory_space<hbm>>) target(%dma_start3A_43 : memref<128x64xf32, #tpu.memory_space<vmem>>) offsets(%dma_start3A_46 : memref<128xi32, #tpu.memory_space<vmem>>) semaphore(%arg7 : memref<!tpu.dma_semaphore, #tpu.memory_space<semaphore_mem>>)
    %dma_wait3A = arith.constant 0 : i32
    %dma_wait3A_50 = arith.constant 0 : i32
    %dma_wait3A_51 = arith.constant 0 : i32
    %dma_wait3A_52 = tpu.memref_slice %arg6[%dma_wait3A_50, %dma_wait3A_51] : memref<640x64xf32, #tpu.memory_space<vmem>> -> memref<128x64xf32, #tpu.memory_space<vmem>>
    %dma_wait3A_53 = arith.constant 0 : i32
    %dma_wait3A_54 = tpu.memref_slice %arg5[%dma_wait3A, %dma_wait3A_53] : memref<5x128xi32, #tpu.memory_space<vmem>> -> memref<1x128xi32, #tpu.memory_space<vmem>>
    %dma_wait3A_55 = tpu.memref_squeeze %dma_wait3A_54 : memref<1x128xi32, #tpu.memory_space<vmem>> -> memref<128xi32, #tpu.memory_space<vmem>>
    %dma_wait3A_56 = arith.constant 0 : i32
    %dma_wait3A_57 = arith.constant 0 : i32
    %dma_wait3A_58 = tpu.memref_slice %arg2[%dma_wait3A_56, %dma_wait3A_57] : memref<10240x64xf32, #tpu.memory_space<hbm>> -> memref<10240x64xf32, #tpu.memory_space<hbm>>
    tpu.wait_indirect_dma semaphore(%arg7 : memref<!tpu.dma_semaphore, #tpu.memory_space<semaphore_mem>>) src(%dma_wait3A_58 : memref<10240x64xf32, #tpu.memory_space<hbm>>) dst(%dma_wait3A_52 : memref<128x64xf32, #tpu.memory_space<vmem>>)
    %dma_wait3A_59 = arith.constant 1 : i32
    %dma_wait3A_60 = arith.constant 128 : i32
    %dma_wait3A_61 = arith.constant 0 : i32
    %dma_wait3A_62 = tpu.memref_slice %arg6[%dma_wait3A_60, %dma_wait3A_61] : memref<640x64xf32, #tpu.memory_space<vmem>> -> memref<128x64xf32, #tpu.memory_space<vmem>>
    %dma_wait3A_63 = arith.constant 0 : i32
    %dma_wait3A_64 = tpu.memref_slice %arg5[%dma_wait3A_59, %dma_wait3A_63] : memref<5x128xi32, #tpu.memory_space<vmem>> -> memref<1x128xi32, #tpu.memory_space<vmem>>
    %dma_wait3A_65 = tpu.memref_squeeze %dma_wait3A_64 : memref<1x128xi32, #tpu.memory_space<vmem>> -> memref<128xi32, #tpu.memory_space<vmem>>
    %dma_wait3A_66 = arith.constant 0 : i32
    %dma_wait3A_67 = arith.constant 0 : i32
    %dma_wait3A_68 = tpu.memref_slice %arg2[%dma_wait3A_66, %dma_wait3A_67] : memref<10240x64xf32, #tpu.memory_space<hbm>> -> memref<10240x64xf32, #tpu.memory_space<hbm>>
    tpu.wait_indirect_dma semaphore(%arg7 : memref<!tpu.dma_semaphore, #tpu.memory_space<semaphore_mem>>) src(%dma_wait3A_68 : memref<10240x64xf32, #tpu.memory_space<hbm>>) dst(%dma_wait3A_62 : memref<128x64xf32, #tpu.memory_space<vmem>>)
    %dma_wait3A_69 = arith.constant 2 : i32
    %dma_wait3A_70 = arith.constant 256 : i32
    %dma_wait3A_71 = arith.constant 0 : i32
    %dma_wait3A_72 = tpu.memref_slice %arg6[%dma_wait3A_70, %dma_wait3A_71] : memref<640x64xf32, #tpu.memory_space<vmem>> -> memref<128x64xf32, #tpu.memory_space<vmem>>
    %dma_wait3A_73 = arith.constant 0 : i32
    %dma_wait3A_74 = tpu.memref_slice %arg5[%dma_wait3A_69, %dma_wait3A_73] : memref<5x128xi32, #tpu.memory_space<vmem>> -> memref<1x128xi32, #tpu.memory_space<vmem>>
    %dma_wait3A_75 = tpu.memref_squeeze %dma_wait3A_74 : memref<1x128xi32, #tpu.memory_space<vmem>> -> memref<128xi32, #tpu.memory_space<vmem>>
    %dma_wait3A_76 = arith.constant 0 : i32
    %dma_wait3A_77 = arith.constant 0 : i32
    %dma_wait3A_78 = tpu.memref_slice %arg2[%dma_wait3A_76, %dma_wait3A_77] : memref<10240x64xf32, #tpu.memory_space<hbm>> -> memref<10240x64xf32, #tpu.memory_space<hbm>>
    tpu.wait_indirect_dma semaphore(%arg7 : memref<!tpu.dma_semaphore, #tpu.memory_space<semaphore_mem>>) src(%dma_wait3A_78 : memref<10240x64xf32, #tpu.memory_space<hbm>>) dst(%dma_wait3A_72 : memref<128x64xf32, #tpu.memory_space<vmem>>)
    %dma_wait3A_79 = arith.constant 3 : i32
    %dma_wait3A_80 = arith.constant 384 : i32
    %dma_wait3A_81 = arith.constant 0 : i32
    %dma_wait3A_82 = tpu.memref_slice %arg6[%dma_wait3A_80, %dma_wait3A_81] : memref<640x64xf32, #tpu.memory_space<vmem>> -> memref<128x64xf32, #tpu.memory_space<vmem>>
    %dma_wait3A_83 = arith.constant 0 : i32
    %dma_wait3A_84 = tpu.memref_slice %arg5[%dma_wait3A_79, %dma_wait3A_83] : memref<5x128xi32, #tpu.memory_space<vmem>> -> memref<1x128xi32, #tpu.memory_space<vmem>>
    %dma_wait3A_85 = tpu.memref_squeeze %dma_wait3A_84 : memref<1x128xi32, #tpu.memory_space<vmem>> -> memref<128xi32, #tpu.memory_space<vmem>>
    %dma_wait3A_86 = arith.constant 0 : i32
    %dma_wait3A_87 = arith.constant 0 : i32
    %dma_wait3A_88 = tpu.memref_slice %arg2[%dma_wait3A_86, %dma_wait3A_87] : memref<10240x64xf32, #tpu.memory_space<hbm>> -> memref<10240x64xf32, #tpu.memory_space<hbm>>
    tpu.wait_indirect_dma semaphore(%arg7 : memref<!tpu.dma_semaphore, #tpu.memory_space<semaphore_mem>>) src(%dma_wait3A_88 : memref<10240x64xf32, #tpu.memory_space<hbm>>) dst(%dma_wait3A_82 : memref<128x64xf32, #tpu.memory_space<vmem>>)
    %dma_wait3A_89 = arith.constant 4 : i32
    %dma_wait3A_90 = arith.constant 512 : i32
    %dma_wait3A_91 = arith.constant 0 : i32
    %dma_wait3A_92 = tpu.memref_slice %arg6[%dma_wait3A_90, %dma_wait3A_91] : memref<640x64xf32, #tpu.memory_space<vmem>> -> memref<128x64xf32, #tpu.memory_space<vmem>>
    %dma_wait3A_93 = arith.constant 0 : i32
    %dma_wait3A_94 = tpu.memref_slice %arg5[%dma_wait3A_89, %dma_wait3A_93] : memref<5x128xi32, #tpu.memory_space<vmem>> -> memref<1x128xi32, #tpu.memory_space<vmem>>
    %dma_wait3A_95 = tpu.memref_squeeze %dma_wait3A_94 : memref<1x128xi32, #tpu.memory_space<vmem>> -> memref<128xi32, #tpu.memory_space<vmem>>
    %dma_wait3A_96 = arith.constant 0 : i32
    %dma_wait3A_97 = arith.constant 0 : i32
    %dma_wait3A_98 = tpu.memref_slice %arg2[%dma_wait3A_96, %dma_wait3A_97] : memref<10240x64xf32, #tpu.memory_space<hbm>> -> memref<10240x64xf32, #tpu.memory_space<hbm>>
    tpu.wait_indirect_dma semaphore(%arg7 : memref<!tpu.dma_semaphore, #tpu.memory_space<semaphore_mem>>) src(%dma_wait3A_98 : memref<10240x64xf32, #tpu.memory_space<hbm>>) dst(%dma_wait3A_92 : memref<128x64xf32, #tpu.memory_space<vmem>>)
    "tpu.region"() ({
      %run_scoped3A = tpu.sem_alloc : memref<!tpu.dma_semaphore, #tpu.memory_space<semaphore_mem>>
      %dma_start3A_99 = arith.constant 0 : i32
      %dma_start3A_100 = arith.constant 0 : i32
      %dma_start3A_101 = tpu.memref_slice %arg4[%add3A, %dma_start3A_99, %dma_start3A_100] : memref<32x640x64xf32, #tpu.memory_space<hbm>> -> memref<1x640x64xf32, #tpu.memory_space<hbm>>
      %dma_start3A_102 = tpu.memref_squeeze %dma_start3A_101 : memref<1x640x64xf32, #tpu.memory_space<hbm>> -> memref<640x64xf32, #tpu.memory_space<hbm>>
      %dma_start3A_103 = arith.constant 0 : i32
      %dma_start3A_104 = arith.constant 0 : i32
      %dma_start3A_105 = tpu.memref_slice %arg4[%add3A, %dma_start3A_103, %dma_start3A_104] : memref<32x640x64xf32, #tpu.memory_space<hbm>> -> memref<1x640x64xf32, #tpu.memory_space<hbm>>
      %dma_start3A_106 = tpu.memref_squeeze %dma_start3A_105 : memref<1x640x64xf32, #tpu.memory_space<hbm>> -> memref<640x64xf32, #tpu.memory_space<hbm>>
      tpu.enqueue_dma source(%arg6 : memref<640x64xf32, #tpu.memory_space<vmem>>) target(%dma_start3A_106 : memref<640x64xf32, #tpu.memory_space<hbm>>) target_semaphore(%run_scoped3A : memref<!tpu.dma_semaphore, #tpu.memory_space<semaphore_mem>>)
      %dma_wait3A_107 = arith.constant 0 : i32
      %dma_wait3A_108 = arith.constant 0 : i32
      %dma_wait3A_109 = tpu.memref_slice %arg4[%add3A, %dma_wait3A_107, %dma_wait3A_108] : memref<32x640x64xf32, #tpu.memory_space<hbm>> -> memref<1x640x64xf32, #tpu.memory_space<hbm>>
      %dma_wait3A_110 = tpu.memref_squeeze %dma_wait3A_109 : memref<1x640x64xf32, #tpu.memory_space<hbm>> -> memref<640x64xf32, #tpu.memory_space<hbm>>
      %dma_wait3A_111 = arith.constant 0 : i32
      %dma_wait3A_112 = arith.constant 0 : i32
      %dma_wait3A_113 = tpu.memref_slice %arg4[%add3A, %dma_wait3A_111, %dma_wait3A_112] : memref<32x640x64xf32, #tpu.memory_space<hbm>> -> memref<1x640x64xf32, #tpu.memory_space<hbm>>
      %dma_wait3A_114 = tpu.memref_squeeze %dma_wait3A_113 : memref<1x640x64xf32, #tpu.memory_space<hbm>> -> memref<640x64xf32, #tpu.memory_space<hbm>>
      tpu.wait_dma2 semaphore(%run_scoped3A : memref<!tpu.dma_semaphore, #tpu.memory_space<semaphore_mem>>) src(%arg6 : memref<640x64xf32, #tpu.memory_space<vmem>>) dst(%dma_wait3A_114 : memref<640x64xf32, #tpu.memory_space<hbm>>)
      tpu.yield
    }) : () -> ()
    return
  }
}

#map = affine_map<(d0, d1) -> (0, 0)>
#map1 = affine_map<(d0, d1) -> (0, 0, 0)>
module attributes {stable_mosaic.version = 14 : i64} {
  func.func @_sc_gather_k(%arg0: i32, %arg1: i32, %arg2: memref<10240x64xf32, #tpu.memory_space<hbm>>, %arg3: memref<32x5x128xi32, #tpu.memory_space<hbm>>, %arg4: memref<32x640x64xf32, #tpu.memory_space<hbm>>, %arg5: memref<5x128xi32, #tpu.memory_space<vmem>>, %arg6: memref<640x64xf32, #tpu.memory_space<vmem>>, %arg7: memref<!tpu.dma_semaphore, #tpu.memory_space<semaphore_mem>>) attributes {dimension_semantics = [#tpu.dimension_semantics<core_parallel>, #tpu.dimension_semantics<subcore_parallel>], iteration_bounds = array<i64: 2, 16>, scalar_prefetch = 0 : i64, scratch_operands = 3 : i64, tpu.core_type = #tpu.core_type<sc_vector_subcore>, window_params = [{transform_indices = #map}, {transform_indices = #map1}, {transform_indices = #map1}]} {
    %mul3A = arith.constant 2 : i32
    %mul3A_0 = arith.muli %arg1, %mul3A : i32
    %add3A = arith.addi %mul3A_0, %arg0 : i32
    "tpu.region"() ({
      %run_scoped3A = tpu.sem_alloc : memref<!tpu.dma_semaphore, #tpu.memory_space<semaphore_mem>>
      %dma_start3A_99 = arith.constant 0 : i32
      %dma_start3A_100 = arith.constant 0 : i32
      %dma_start3A_101 = tpu.memref_slice %arg3[%add3A, %dma_start3A_99, %dma_start3A_100] : memref<32x5x128xi32, #tpu.memory_space<hbm>> -> memref<1x5x128xi32, #tpu.memory_space<hbm>>
      %dma_start3A_102 = tpu.memref_squeeze %dma_start3A_101 : memref<1x5x128xi32, #tpu.memory_space<hbm>> -> memref<5x128xi32, #tpu.memory_space<hbm>>
      %dma_start3A_103 = arith.constant 0 : i32
      %dma_start3A_104 = arith.constant 0 : i32
      %dma_start3A_105 = tpu.memref_slice %arg3[%add3A, %dma_start3A_103, %dma_start3A_104] : memref<32x5x128xi32, #tpu.memory_space<hbm>> -> memref<1x5x128xi32, #tpu.memory_space<hbm>>
      %dma_start3A_106 = tpu.memref_squeeze %dma_start3A_105 : memref<1x5x128xi32, #tpu.memory_space<hbm>> -> memref<5x128xi32, #tpu.memory_space<hbm>>
      tpu.enqueue_dma source(%dma_start3A_106 : memref<5x128xi32, #tpu.memory_space<hbm>>) target(%arg5 : memref<5x128xi32, #tpu.memory_space<vmem>>) target_semaphore(%run_scoped3A : memref<!tpu.dma_semaphore, #tpu.memory_space<semaphore_mem>>)
      %dma_wait3A_107 = arith.constant 0 : i32
      %dma_wait3A_108 = arith.constant 0 : i32
      %dma_wait3A_109 = tpu.memref_slice %arg3[%add3A, %dma_wait3A_107, %dma_wait3A_108] : memref<32x5x128xi32, #tpu.memory_space<hbm>> -> memref<1x5x128xi32, #tpu.memory_space<hbm>>
      %dma_wait3A_110 = tpu.memref_squeeze %dma_wait3A_109 : memref<1x5x128xi32, #tpu.memory_space<hbm>> -> memref<5x128xi32, #tpu.memory_space<hbm>>
      %dma_wait3A_111 = arith.constant 0 : i32
      %dma_wait3A_112 = arith.constant 0 : i32
      %dma_wait3A_113 = tpu.memref_slice %arg3[%add3A, %dma_wait3A_111, %dma_wait3A_112] : memref<32x5x128xi32, #tpu.memory_space<hbm>> -> memref<1x5x128xi32, #tpu.memory_space<hbm>>
      %dma_wait3A_114 = tpu.memref_squeeze %dma_wait3A_113 : memref<1x5x128xi32, #tpu.memory_space<hbm>> -> memref<5x128xi32, #tpu.memory_space<hbm>>
      tpu.wait_dma2 semaphore(%run_scoped3A : memref<!tpu.dma_semaphore, #tpu.memory_space<semaphore_mem>>) src(%dma_wait3A_114 : memref<5x128xi32, #tpu.memory_space<hbm>>) dst(%arg5 : memref<5x128xi32, #tpu.memory_space<vmem>>)
      tpu.yield
    }) : () -> ()
    %dma_start3A = arith.constant 0 : i32
    %dma_start3A_1 = arith.constant 0 : i32
    %dma_start3A_2 = arith.constant 0 : i32
    %dma_start3A_3 = tpu.memref_slice %arg6[%dma_start3A_1, %dma_start3A_2] : memref<640x64xf32, #tpu.memory_space<vmem>> -> memref<128x64xf32, #tpu.memory_space<vmem>>
    %dma_start3A_4 = arith.constant 0 : i32
    %dma_start3A_5 = tpu.memref_slice %arg5[%dma_start3A, %dma_start3A_4] : memref<5x128xi32, #tpu.memory_space<vmem>> -> memref<1x128xi32, #tpu.memory_space<vmem>>
    %dma_start3A_6 = tpu.memref_squeeze %dma_start3A_5 : memref<1x128xi32, #tpu.memory_space<vmem>> -> memref<128xi32, #tpu.memory_space<vmem>>
    %dma_start3A_7 = arith.constant 0 : i32
    %dma_start3A_8 = arith.constant 0 : i32
    %dma_start3A_9 = tpu.memref_slice %arg2[%dma_start3A_7, %dma_start3A_8] : memref<10240x64xf32, #tpu.memory_space<hbm>> -> memref<10240x64xf32, #tpu.memory_space<hbm>>
    tpu.enqueue_indirect_dma source(%dma_start3A_9 : memref<10240x64xf32, #tpu.memory_space<hbm>>) target(%dma_start3A_3 : memref<128x64xf32, #tpu.memory_space<vmem>>) offsets(%dma_start3A_6 : memref<128xi32, #tpu.memory_space<vmem>>) semaphore(%arg7 : memref<!tpu.dma_semaphore, #tpu.memory_space<semaphore_mem>>)
    %dma_start3A_10 = arith.constant 1 : i32
    %dma_start3A_11 = arith.constant 128 : i32
    %dma_start3A_12 = arith.constant 0 : i32
    %dma_start3A_13 = tpu.memref_slice %arg6[%dma_start3A_11, %dma_start3A_12] : memref<640x64xf32, #tpu.memory_space<vmem>> -> memref<128x64xf32, #tpu.memory_space<vmem>>
    %dma_start3A_14 = arith.constant 0 : i32
    %dma_start3A_15 = tpu.memref_slice %arg5[%dma_start3A_10, %dma_start3A_14] : memref<5x128xi32, #tpu.memory_space<vmem>> -> memref<1x128xi32, #tpu.memory_space<vmem>>
    %dma_start3A_16 = tpu.memref_squeeze %dma_start3A_15 : memref<1x128xi32, #tpu.memory_space<vmem>> -> memref<128xi32, #tpu.memory_space<vmem>>
    %dma_start3A_17 = arith.constant 0 : i32
    %dma_start3A_18 = arith.constant 0 : i32
    %dma_start3A_19 = tpu.memref_slice %arg2[%dma_start3A_17, %dma_start3A_18] : memref<10240x64xf32, #tpu.memory_space<hbm>> -> memref<10240x64xf32, #tpu.memory_space<hbm>>
    tpu.enqueue_indirect_dma source(%dma_start3A_19 : memref<10240x64xf32, #tpu.memory_space<hbm>>) target(%dma_start3A_13 : memref<128x64xf32, #tpu.memory_space<vmem>>) offsets(%dma_start3A_16 : memref<128xi32, #tpu.memory_space<vmem>>) semaphore(%arg7 : memref<!tpu.dma_semaphore, #tpu.memory_space<semaphore_mem>>)
    %dma_start3A_20 = arith.constant 2 : i32
    %dma_start3A_21 = arith.constant 256 : i32
    %dma_start3A_22 = arith.constant 0 : i32
    %dma_start3A_23 = tpu.memref_slice %arg6[%dma_start3A_21, %dma_start3A_22] : memref<640x64xf32, #tpu.memory_space<vmem>> -> memref<128x64xf32, #tpu.memory_space<vmem>>
    %dma_start3A_24 = arith.constant 0 : i32
    %dma_start3A_25 = tpu.memref_slice %arg5[%dma_start3A_20, %dma_start3A_24] : memref<5x128xi32, #tpu.memory_space<vmem>> -> memref<1x128xi32, #tpu.memory_space<vmem>>
    %dma_start3A_26 = tpu.memref_squeeze %dma_start3A_25 : memref<1x128xi32, #tpu.memory_space<vmem>> -> memref<128xi32, #tpu.memory_space<vmem>>
    %dma_start3A_27 = arith.constant 0 : i32
    %dma_start3A_28 = arith.constant 0 : i32
    %dma_start3A_29 = tpu.memref_slice %arg2[%dma_start3A_27, %dma_start3A_28] : memref<10240x64xf32, #tpu.memory_space<hbm>> -> memref<10240x64xf32, #tpu.memory_space<hbm>>
    tpu.enqueue_indirect_dma source(%dma_start3A_29 : memref<10240x64xf32, #tpu.memory_space<hbm>>) target(%dma_start3A_23 : memref<128x64xf32, #tpu.memory_space<vmem>>) offsets(%dma_start3A_26 : memref<128xi32, #tpu.memory_space<vmem>>) semaphore(%arg7 : memref<!tpu.dma_semaphore, #tpu.memory_space<semaphore_mem>>)
    %dma_start3A_30 = arith.constant 3 : i32
    %dma_start3A_31 = arith.constant 384 : i32
    %dma_start3A_32 = arith.constant 0 : i32
    %dma_start3A_33 = tpu.memref_slice %arg6[%dma_start3A_31, %dma_start3A_32] : memref<640x64xf32, #tpu.memory_space<vmem>> -> memref<128x64xf32, #tpu.memory_space<vmem>>
    %dma_start3A_34 = arith.constant 0 : i32
    %dma_start3A_35 = tpu.memref_slice %arg5[%dma_start3A_30, %dma_start3A_34] : memref<5x128xi32, #tpu.memory_space<vmem>> -> memref<1x128xi32, #tpu.memory_space<vmem>>
    %dma_start3A_36 = tpu.memref_squeeze %dma_start3A_35 : memref<1x128xi32, #tpu.memory_space<vmem>> -> memref<128xi32, #tpu.memory_space<vmem>>
    %dma_start3A_37 = arith.constant 0 : i32
    %dma_start3A_38 = arith.constant 0 : i32
    %dma_start3A_39 = tpu.memref_slice %arg2[%dma_start3A_37, %dma_start3A_38] : memref<10240x64xf32, #tpu.memory_space<hbm>> -> memref<10240x64xf32, #tpu.memory_space<hbm>>
    tpu.enqueue_indirect_dma source(%dma_start3A_39 : memref<10240x64xf32, #tpu.memory_space<hbm>>) target(%dma_start3A_33 : memref<128x64xf32, #tpu.memory_space<vmem>>) offsets(%dma_start3A_36 : memref<128xi32, #tpu.memory_space<vmem>>) semaphore(%arg7 : memref<!tpu.dma_semaphore, #tpu.memory_space<semaphore_mem>>)
    %dma_start3A_40 = arith.constant 4 : i32
    %dma_start3A_41 = arith.constant 512 : i32
    %dma_start3A_42 = arith.constant 0 : i32
    %dma_start3A_43 = tpu.memref_slice %arg6[%dma_start3A_41, %dma_start3A_42] : memref<640x64xf32, #tpu.memory_space<vmem>> -> memref<128x64xf32, #tpu.memory_space<vmem>>
    %dma_start3A_44 = arith.constant 0 : i32
    %dma_start3A_45 = tpu.memref_slice %arg5[%dma_start3A_40, %dma_start3A_44] : memref<5x128xi32, #tpu.memory_space<vmem>> -> memref<1x128xi32, #tpu.memory_space<vmem>>
    %dma_start3A_46 = tpu.memref_squeeze %dma_start3A_45 : memref<1x128xi32, #tpu.memory_space<vmem>> -> memref<128xi32, #tpu.memory_space<vmem>>
    %dma_start3A_47 = arith.constant 0 : i32
    %dma_start3A_48 = arith.constant 0 : i32
    %dma_start3A_49 = tpu.memref_slice %arg2[%dma_start3A_47, %dma_start3A_48] : memref<10240x64xf32, #tpu.memory_space<hbm>> -> memref<10240x64xf32, #tpu.memory_space<hbm>>
    tpu.enqueue_indirect_dma source(%dma_start3A_49 : memref<10240x64xf32, #tpu.memory_space<hbm>>) target(%dma_start3A_43 : memref<128x64xf32, #tpu.memory_space<vmem>>) offsets(%dma_start3A_46 : memref<128xi32, #tpu.memory_space<vmem>>) semaphore(%arg7 : memref<!tpu.dma_semaphore, #tpu.memory_space<semaphore_mem>>)
    %dma_wait3A = arith.constant 0 : i32
    %dma_wait3A_50 = arith.constant 0 : i32
    %dma_wait3A_51 = arith.constant 0 : i32
    %dma_wait3A_52 = tpu.memref_slice %arg6[%dma_wait3A_50, %dma_wait3A_51] : memref<640x64xf32, #tpu.memory_space<vmem>> -> memref<128x64xf32, #tpu.memory_space<vmem>>
    %dma_wait3A_53 = arith.constant 0 : i32
    %dma_wait3A_54 = tpu.memref_slice %arg5[%dma_wait3A, %dma_wait3A_53] : memref<5x128xi32, #tpu.memory_space<vmem>> -> memref<1x128xi32, #tpu.memory_space<vmem>>
    %dma_wait3A_55 = tpu.memref_squeeze %dma_wait3A_54 : memref<1x128xi32, #tpu.memory_space<vmem>> -> memref<128xi32, #tpu.memory_space<vmem>>
    %dma_wait3A_56 = arith.constant 0 : i32
    %dma_wait3A_57 = arith.constant 0 : i32
    %dma_wait3A_58 = tpu.memref_slice %arg2[%dma_wait3A_56, %dma_wait3A_57] : memref<10240x64xf32, #tpu.memory_space<hbm>> -> memref<10240x64xf32, #tpu.memory_space<hbm>>
    tpu.wait_indirect_dma semaphore(%arg7 : memref<!tpu.dma_semaphore, #tpu.memory_space<semaphore_mem>>) src(%dma_wait3A_58 : memref<10240x64xf32, #tpu.memory_space<hbm>>) dst(%dma_wait3A_52 : memref<128x64xf32, #tpu.memory_space<vmem>>)
    %dma_wait3A_59 = arith.constant 1 : i32
    %dma_wait3A_60 = arith.constant 128 : i32
    %dma_wait3A_61 = arith.constant 0 : i32
    %dma_wait3A_62 = tpu.memref_slice %arg6[%dma_wait3A_60, %dma_wait3A_61] : memref<640x64xf32, #tpu.memory_space<vmem>> -> memref<128x64xf32, #tpu.memory_space<vmem>>
    %dma_wait3A_63 = arith.constant 0 : i32
    %dma_wait3A_64 = tpu.memref_slice %arg5[%dma_wait3A_59, %dma_wait3A_63] : memref<5x128xi32, #tpu.memory_space<vmem>> -> memref<1x128xi32, #tpu.memory_space<vmem>>
    %dma_wait3A_65 = tpu.memref_squeeze %dma_wait3A_64 : memref<1x128xi32, #tpu.memory_space<vmem>> -> memref<128xi32, #tpu.memory_space<vmem>>
    %dma_wait3A_66 = arith.constant 0 : i32
    %dma_wait3A_67 = arith.constant 0 : i32
    %dma_wait3A_68 = tpu.memref_slice %arg2[%dma_wait3A_66, %dma_wait3A_67] : memref<10240x64xf32, #tpu.memory_space<hbm>> -> memref<10240x64xf32, #tpu.memory_space<hbm>>
    tpu.wait_indirect_dma semaphore(%arg7 : memref<!tpu.dma_semaphore, #tpu.memory_space<semaphore_mem>>) src(%dma_wait3A_68 : memref<10240x64xf32, #tpu.memory_space<hbm>>) dst(%dma_wait3A_62 : memref<128x64xf32, #tpu.memory_space<vmem>>)
    %dma_wait3A_69 = arith.constant 2 : i32
    %dma_wait3A_70 = arith.constant 256 : i32
    %dma_wait3A_71 = arith.constant 0 : i32
    %dma_wait3A_72 = tpu.memref_slice %arg6[%dma_wait3A_70, %dma_wait3A_71] : memref<640x64xf32, #tpu.memory_space<vmem>> -> memref<128x64xf32, #tpu.memory_space<vmem>>
    %dma_wait3A_73 = arith.constant 0 : i32
    %dma_wait3A_74 = tpu.memref_slice %arg5[%dma_wait3A_69, %dma_wait3A_73] : memref<5x128xi32, #tpu.memory_space<vmem>> -> memref<1x128xi32, #tpu.memory_space<vmem>>
    %dma_wait3A_75 = tpu.memref_squeeze %dma_wait3A_74 : memref<1x128xi32, #tpu.memory_space<vmem>> -> memref<128xi32, #tpu.memory_space<vmem>>
    %dma_wait3A_76 = arith.constant 0 : i32
    %dma_wait3A_77 = arith.constant 0 : i32
    %dma_wait3A_78 = tpu.memref_slice %arg2[%dma_wait3A_76, %dma_wait3A_77] : memref<10240x64xf32, #tpu.memory_space<hbm>> -> memref<10240x64xf32, #tpu.memory_space<hbm>>
    tpu.wait_indirect_dma semaphore(%arg7 : memref<!tpu.dma_semaphore, #tpu.memory_space<semaphore_mem>>) src(%dma_wait3A_78 : memref<10240x64xf32, #tpu.memory_space<hbm>>) dst(%dma_wait3A_72 : memref<128x64xf32, #tpu.memory_space<vmem>>)
    %dma_wait3A_79 = arith.constant 3 : i32
    %dma_wait3A_80 = arith.constant 384 : i32
    %dma_wait3A_81 = arith.constant 0 : i32
    %dma_wait3A_82 = tpu.memref_slice %arg6[%dma_wait3A_80, %dma_wait3A_81] : memref<640x64xf32, #tpu.memory_space<vmem>> -> memref<128x64xf32, #tpu.memory_space<vmem>>
    %dma_wait3A_83 = arith.constant 0 : i32
    %dma_wait3A_84 = tpu.memref_slice %arg5[%dma_wait3A_79, %dma_wait3A_83] : memref<5x128xi32, #tpu.memory_space<vmem>> -> memref<1x128xi32, #tpu.memory_space<vmem>>
    %dma_wait3A_85 = tpu.memref_squeeze %dma_wait3A_84 : memref<1x128xi32, #tpu.memory_space<vmem>> -> memref<128xi32, #tpu.memory_space<vmem>>
    %dma_wait3A_86 = arith.constant 0 : i32
    %dma_wait3A_87 = arith.constant 0 : i32
    %dma_wait3A_88 = tpu.memref_slice %arg2[%dma_wait3A_86, %dma_wait3A_87] : memref<10240x64xf32, #tpu.memory_space<hbm>> -> memref<10240x64xf32, #tpu.memory_space<hbm>>
    tpu.wait_indirect_dma semaphore(%arg7 : memref<!tpu.dma_semaphore, #tpu.memory_space<semaphore_mem>>) src(%dma_wait3A_88 : memref<10240x64xf32, #tpu.memory_space<hbm>>) dst(%dma_wait3A_82 : memref<128x64xf32, #tpu.memory_space<vmem>>)
    %dma_wait3A_89 = arith.constant 4 : i32
    %dma_wait3A_90 = arith.constant 512 : i32
    %dma_wait3A_91 = arith.constant 0 : i32
    %dma_wait3A_92 = tpu.memref_slice %arg6[%dma_wait3A_90, %dma_wait3A_91] : memref<640x64xf32, #tpu.memory_space<vmem>> -> memref<128x64xf32, #tpu.memory_space<vmem>>
    %dma_wait3A_93 = arith.constant 0 : i32
    %dma_wait3A_94 = tpu.memref_slice %arg5[%dma_wait3A_89, %dma_wait3A_93] : memref<5x128xi32, #tpu.memory_space<vmem>> -> memref<1x128xi32, #tpu.memory_space<vmem>>
    %dma_wait3A_95 = tpu.memref_squeeze %dma_wait3A_94 : memref<1x128xi32, #tpu.memory_space<vmem>> -> memref<128xi32, #tpu.memory_space<vmem>>
    %dma_wait3A_96 = arith.constant 0 : i32
    %dma_wait3A_97 = arith.constant 0 : i32
    %dma_wait3A_98 = tpu.memref_slice %arg2[%dma_wait3A_96, %dma_wait3A_97] : memref<10240x64xf32, #tpu.memory_space<hbm>> -> memref<10240x64xf32, #tpu.memory_space<hbm>>
    tpu.wait_indirect_dma semaphore(%arg7 : memref<!tpu.dma_semaphore, #tpu.memory_space<semaphore_mem>>) src(%dma_wait3A_98 : memref<10240x64xf32, #tpu.memory_space<hbm>>) dst(%dma_wait3A_92 : memref<128x64xf32, #tpu.memory_space<vmem>>)
    "tpu.region"() ({
      %run_scoped3A = tpu.sem_alloc : memref<!tpu.dma_semaphore, #tpu.memory_space<semaphore_mem>>
      %dma_start3A_99 = arith.constant 0 : i32
      %dma_start3A_100 = arith.constant 0 : i32
      %dma_start3A_101 = tpu.memref_slice %arg4[%add3A, %dma_start3A_99, %dma_start3A_100] : memref<32x640x64xf32, #tpu.memory_space<hbm>> -> memref<1x640x64xf32, #tpu.memory_space<hbm>>
      %dma_start3A_102 = tpu.memref_squeeze %dma_start3A_101 : memref<1x640x64xf32, #tpu.memory_space<hbm>> -> memref<640x64xf32, #tpu.memory_space<hbm>>
      %dma_start3A_103 = arith.constant 0 : i32
      %dma_start3A_104 = arith.constant 0 : i32
      %dma_start3A_105 = tpu.memref_slice %arg4[%add3A, %dma_start3A_103, %dma_start3A_104] : memref<32x640x64xf32, #tpu.memory_space<hbm>> -> memref<1x640x64xf32, #tpu.memory_space<hbm>>
      %dma_start3A_106 = tpu.memref_squeeze %dma_start3A_105 : memref<1x640x64xf32, #tpu.memory_space<hbm>> -> memref<640x64xf32, #tpu.memory_space<hbm>>
      tpu.enqueue_dma source(%arg6 : memref<640x64xf32, #tpu.memory_space<vmem>>) target(%dma_start3A_106 : memref<640x64xf32, #tpu.memory_space<hbm>>) target_semaphore(%run_scoped3A : memref<!tpu.dma_semaphore, #tpu.memory_space<semaphore_mem>>)
      %dma_wait3A_107 = arith.constant 0 : i32
      %dma_wait3A_108 = arith.constant 0 : i32
      %dma_wait3A_109 = tpu.memref_slice %arg4[%add3A, %dma_wait3A_107, %dma_wait3A_108] : memref<32x640x64xf32, #tpu.memory_space<hbm>> -> memref<1x640x64xf32, #tpu.memory_space<hbm>>
      %dma_wait3A_110 = tpu.memref_squeeze %dma_wait3A_109 : memref<1x640x64xf32, #tpu.memory_space<hbm>> -> memref<640x64xf32, #tpu.memory_space<hbm>>
      %dma_wait3A_111 = arith.constant 0 : i32
      %dma_wait3A_112 = arith.constant 0 : i32
      %dma_wait3A_113 = tpu.memref_slice %arg4[%add3A, %dma_wait3A_111, %dma_wait3A_112] : memref<32x640x64xf32, #tpu.memory_space<hbm>> -> memref<1x640x64xf32, #tpu.memory_space<hbm>>
      %dma_wait3A_114 = tpu.memref_squeeze %dma_wait3A_113 : memref<1x640x64xf32, #tpu.memory_space<hbm>> -> memref<640x64xf32, #tpu.memory_space<hbm>>
      tpu.wait_dma2 semaphore(%run_scoped3A : memref<!tpu.dma_semaphore, #tpu.memory_space<semaphore_mem>>) src(%arg6 : memref<640x64xf32, #tpu.memory_space<vmem>>) dst(%dma_wait3A_114 : memref<640x64xf32, #tpu.memory_space<hbm>>)
      tpu.yield
    }) : () -> ()
    return
  }
}

#map = affine_map<(d0, d1) -> (0, 0, 0)>
#map1 = affine_map<(d0, d1) -> (0, 0)>
#map2 = affine_map<(d0, d1) -> (0, 0, 0, 0)>
module attributes {stable_mosaic.version = 14 : i64} {
  func.func @_sc_scatter_k(%arg0: i32, %arg1: i32, %arg2: memref<32x640x64xf32, #tpu.memory_space<hbm>>, %arg3: memref<32x5x128xi32, #tpu.memory_space<hbm>>, %arg4: memref<640x64xf32, #tpu.memory_space<hbm>>, %arg5: memref<2x16x640x64xf32, #tpu.memory_space<hbm>>, %arg6: memref<5x128xi32, #tpu.memory_space<vmem>>, %arg7: memref<640x64xf32, #tpu.memory_space<vmem>>, %arg8: memref<10240x64xf32, #tpu.memory_space<vmem_shared>>) attributes {dimension_semantics = [#tpu.dimension_semantics<core_parallel>, #tpu.dimension_semantics<subcore_parallel>], iteration_bounds = array<i64: 2, 16>, scalar_prefetch = 0 : i64, scratch_operands = 3 : i64, tpu.core_type = #tpu.core_type<sc_vector_subcore>, window_params = [{transform_indices = #map}, {transform_indices = #map}, {transform_indices = #map1}, {transform_indices = #map2}]} {
    %mul3A = arith.constant 2 : i32
    %mul3A_0 = arith.muli %arg1, %mul3A : i32
    %add3A = arith.addi %mul3A_0, %arg0 : i32
    %mul3A_1 = arith.constant 640 : i32
    %mul3A_2 = arith.muli %arg1, %mul3A_1 : i32
    "tpu.region"() ({
      %run_scoped3A_10 = tpu.sem_alloc : memref<!tpu.dma_semaphore, #tpu.memory_space<semaphore_mem>>
      %dma_start3A = arith.constant 0 : i32
      %dma_start3A_11 = tpu.memref_slice %arg8[%mul3A_2, %dma_start3A] : memref<10240x64xf32, #tpu.memory_space<vmem_shared>> -> memref<640x64xf32, #tpu.memory_space<vmem_shared>>
      tpu.enqueue_dma source(%arg4 : memref<640x64xf32, #tpu.memory_space<hbm>>) target(%dma_start3A_11 : memref<640x64xf32, #tpu.memory_space<vmem_shared>>) target_semaphore(%run_scoped3A_10 : memref<!tpu.dma_semaphore, #tpu.memory_space<semaphore_mem>>)
      %dma_wait3A = arith.constant 0 : i32
      %dma_wait3A_12 = tpu.memref_slice %arg8[%mul3A_2, %dma_wait3A] : memref<10240x64xf32, #tpu.memory_space<vmem_shared>> -> memref<640x64xf32, #tpu.memory_space<vmem_shared>>
      tpu.wait_dma2 semaphore(%run_scoped3A_10 : memref<!tpu.dma_semaphore, #tpu.memory_space<semaphore_mem>>) src(%arg4 : memref<640x64xf32, #tpu.memory_space<hbm>>) dst(%dma_wait3A_12 : memref<640x64xf32, #tpu.memory_space<vmem_shared>>)
      tpu.yield
    }) : () -> ()
    %barrier3A = arith.constant 0 : index
    tpu.barrier barrier_id(%barrier3A)
    "tpu.region"() ({
      %run_scoped3A_10 = tpu.sem_alloc : memref<!tpu.dma_semaphore, #tpu.memory_space<semaphore_mem>>
      %dma_start3A = arith.constant 0 : i32
      %dma_start3A_11 = arith.constant 0 : i32
      %dma_start3A_12 = tpu.memref_slice %arg3[%add3A, %dma_start3A, %dma_start3A_11] : memref<32x5x128xi32, #tpu.memory_space<hbm>> -> memref<1x5x128xi32, #tpu.memory_space<hbm>>
      %dma_start3A_13 = tpu.memref_squeeze %dma_start3A_12 : memref<1x5x128xi32, #tpu.memory_space<hbm>> -> memref<5x128xi32, #tpu.memory_space<hbm>>
      %dma_start3A_14 = arith.constant 0 : i32
      %dma_start3A_15 = arith.constant 0 : i32
      %dma_start3A_16 = tpu.memref_slice %arg3[%add3A, %dma_start3A_14, %dma_start3A_15] : memref<32x5x128xi32, #tpu.memory_space<hbm>> -> memref<1x5x128xi32, #tpu.memory_space<hbm>>
      %dma_start3A_17 = tpu.memref_squeeze %dma_start3A_16 : memref<1x5x128xi32, #tpu.memory_space<hbm>> -> memref<5x128xi32, #tpu.memory_space<hbm>>
      tpu.enqueue_dma source(%dma_start3A_17 : memref<5x128xi32, #tpu.memory_space<hbm>>) target(%arg6 : memref<5x128xi32, #tpu.memory_space<vmem>>) target_semaphore(%run_scoped3A_10 : memref<!tpu.dma_semaphore, #tpu.memory_space<semaphore_mem>>)
      %dma_wait3A = arith.constant 0 : i32
      %dma_wait3A_18 = arith.constant 0 : i32
      %dma_wait3A_19 = tpu.memref_slice %arg3[%add3A, %dma_wait3A, %dma_wait3A_18] : memref<32x5x128xi32, #tpu.memory_space<hbm>> -> memref<1x5x128xi32, #tpu.memory_space<hbm>>
      %dma_wait3A_20 = tpu.memref_squeeze %dma_wait3A_19 : memref<1x5x128xi32, #tpu.memory_space<hbm>> -> memref<5x128xi32, #tpu.memory_space<hbm>>
      %dma_wait3A_21 = arith.constant 0 : i32
      %dma_wait3A_22 = arith.constant 0 : i32
      %dma_wait3A_23 = tpu.memref_slice %arg3[%add3A, %dma_wait3A_21, %dma_wait3A_22] : memref<32x5x128xi32, #tpu.memory_space<hbm>> -> memref<1x5x128xi32, #tpu.memory_space<hbm>>
      %dma_wait3A_24 = tpu.memref_squeeze %dma_wait3A_23 : memref<1x5x128xi32, #tpu.memory_space<hbm>> -> memref<5x128xi32, #tpu.memory_space<hbm>>
      tpu.wait_dma2 semaphore(%run_scoped3A_10 : memref<!tpu.dma_semaphore, #tpu.memory_space<semaphore_mem>>) src(%dma_wait3A_24 : memref<5x128xi32, #tpu.memory_space<hbm>>) dst(%arg6 : memref<5x128xi32, #tpu.memory_space<vmem>>)
      tpu.yield
    }) : () -> ()
    "tpu.region"() ({
      %run_scoped3A_10 = tpu.sem_alloc : memref<!tpu.dma_semaphore, #tpu.memory_space<semaphore_mem>>
      %dma_start3A = arith.constant 0 : i32
      %dma_start3A_11 = arith.constant 0 : i32
      %dma_start3A_12 = tpu.memref_slice %arg2[%add3A, %dma_start3A, %dma_start3A_11] : memref<32x640x64xf32, #tpu.memory_space<hbm>> -> memref<1x640x64xf32, #tpu.memory_space<hbm>>
      %dma_start3A_13 = tpu.memref_squeeze %dma_start3A_12 : memref<1x640x64xf32, #tpu.memory_space<hbm>> -> memref<640x64xf32, #tpu.memory_space<hbm>>
      %dma_start3A_14 = arith.constant 0 : i32
      %dma_start3A_15 = arith.constant 0 : i32
      %dma_start3A_16 = tpu.memref_slice %arg2[%add3A, %dma_start3A_14, %dma_start3A_15] : memref<32x640x64xf32, #tpu.memory_space<hbm>> -> memref<1x640x64xf32, #tpu.memory_space<hbm>>
      %dma_start3A_17 = tpu.memref_squeeze %dma_start3A_16 : memref<1x640x64xf32, #tpu.memory_space<hbm>> -> memref<640x64xf32, #tpu.memory_space<hbm>>
      tpu.enqueue_dma source(%dma_start3A_17 : memref<640x64xf32, #tpu.memory_space<hbm>>) target(%arg7 : memref<640x64xf32, #tpu.memory_space<vmem>>) target_semaphore(%run_scoped3A_10 : memref<!tpu.dma_semaphore, #tpu.memory_space<semaphore_mem>>)
      %dma_wait3A = arith.constant 0 : i32
      %dma_wait3A_18 = arith.constant 0 : i32
      %dma_wait3A_19 = tpu.memref_slice %arg2[%add3A, %dma_wait3A, %dma_wait3A_18] : memref<32x640x64xf32, #tpu.memory_space<hbm>> -> memref<1x640x64xf32, #tpu.memory_space<hbm>>
      %dma_wait3A_20 = tpu.memref_squeeze %dma_wait3A_19 : memref<1x640x64xf32, #tpu.memory_space<hbm>> -> memref<640x64xf32, #tpu.memory_space<hbm>>
      %dma_wait3A_21 = arith.constant 0 : i32
      %dma_wait3A_22 = arith.constant 0 : i32
      %dma_wait3A_23 = tpu.memref_slice %arg2[%add3A, %dma_wait3A_21, %dma_wait3A_22] : memref<32x640x64xf32, #tpu.memory_space<hbm>> -> memref<1x640x64xf32, #tpu.memory_space<hbm>>
      %dma_wait3A_24 = tpu.memref_squeeze %dma_wait3A_23 : memref<1x640x64xf32, #tpu.memory_space<hbm>> -> memref<640x64xf32, #tpu.memory_space<hbm>>
      tpu.wait_dma2 semaphore(%run_scoped3A_10 : memref<!tpu.dma_semaphore, #tpu.memory_space<semaphore_mem>>) src(%dma_wait3A_24 : memref<640x64xf32, #tpu.memory_space<hbm>>) dst(%arg7 : memref<640x64xf32, #tpu.memory_space<vmem>>)
      tpu.yield
    }) : () -> ()
    %run_scoped3A = arith.constant 0 : i32
    "tpu.region"() ({
      %run_scoped3A_10 = tpu.sem_alloc : memref<!tpu.dma_semaphore, #tpu.memory_space<semaphore_mem>>
      %dma_start3A = arith.constant 0 : i32
      %dma_start3A_11 = arith.constant 0 : i32
      %dma_start3A_12 = tpu.memref_slice %arg7[%dma_start3A, %dma_start3A_11] : memref<640x64xf32, #tpu.memory_space<vmem>> -> memref<128x64xf32, #tpu.memory_space<vmem>>
      %dma_start3A_13 = arith.constant 0 : i32
      %dma_start3A_14 = tpu.memref_slice %arg6[%run_scoped3A, %dma_start3A_13] : memref<5x128xi32, #tpu.memory_space<vmem>> -> memref<1x128xi32, #tpu.memory_space<vmem>>
      %dma_start3A_15 = tpu.memref_squeeze %dma_start3A_14 : memref<1x128xi32, #tpu.memory_space<vmem>> -> memref<128xi32, #tpu.memory_space<vmem>>
      %dma_start3A_16 = arith.constant 0 : i32
      %dma_start3A_17 = arith.constant 0 : i32
      %dma_start3A_18 = tpu.memref_slice %arg8[%dma_start3A_16, %dma_start3A_17] : memref<10240x64xf32, #tpu.memory_space<vmem_shared>> -> memref<10240x64xf32, #tpu.memory_space<vmem_shared>>
      tpu.enqueue_indirect_dma source(%dma_start3A_12 : memref<128x64xf32, #tpu.memory_space<vmem>>) target(%dma_start3A_18 : memref<10240x64xf32, #tpu.memory_space<vmem_shared>>) offsets(%dma_start3A_15 : memref<128xi32, #tpu.memory_space<vmem>>) semaphore(%run_scoped3A_10 : memref<!tpu.dma_semaphore, #tpu.memory_space<semaphore_mem>>) {add = true}
      %dma_wait3A = arith.constant 0 : i32
      %dma_wait3A_19 = arith.constant 0 : i32
      %dma_wait3A_20 = tpu.memref_slice %arg7[%dma_wait3A, %dma_wait3A_19] : memref<640x64xf32, #tpu.memory_space<vmem>> -> memref<128x64xf32, #tpu.memory_space<vmem>>
      %dma_wait3A_21 = arith.constant 0 : i32
      %dma_wait3A_22 = tpu.memref_slice %arg6[%run_scoped3A, %dma_wait3A_21] : memref<5x128xi32, #tpu.memory_space<vmem>> -> memref<1x128xi32, #tpu.memory_space<vmem>>
      %dma_wait3A_23 = tpu.memref_squeeze %dma_wait3A_22 : memref<1x128xi32, #tpu.memory_space<vmem>> -> memref<128xi32, #tpu.memory_space<vmem>>
      %dma_wait3A_24 = arith.constant 0 : i32
      %dma_wait3A_25 = arith.constant 0 : i32
      %dma_wait3A_26 = tpu.memref_slice %arg8[%dma_wait3A_24, %dma_wait3A_25] : memref<10240x64xf32, #tpu.memory_space<vmem_shared>> -> memref<10240x64xf32, #tpu.memory_space<vmem_shared>>
      tpu.wait_indirect_dma semaphore(%run_scoped3A_10 : memref<!tpu.dma_semaphore, #tpu.memory_space<semaphore_mem>>) src(%dma_wait3A_20 : memref<128x64xf32, #tpu.memory_space<vmem>>) dst(%dma_wait3A_26 : memref<10240x64xf32, #tpu.memory_space<vmem_shared>>)
      tpu.yield
    }) : () -> ()
    %run_scoped3A_3 = arith.constant 1 : i32
    "tpu.region"() ({
      %run_scoped3A_10 = tpu.sem_alloc : memref<!tpu.dma_semaphore, #tpu.memory_space<semaphore_mem>>
      %dma_start3A = arith.constant 128 : i32
      %dma_start3A_11 = arith.constant 0 : i32
      %dma_start3A_12 = tpu.memref_slice %arg7[%dma_start3A, %dma_start3A_11] : memref<640x64xf32, #tpu.memory_space<vmem>> -> memref<128x64xf32, #tpu.memory_space<vmem>>
      %dma_start3A_13 = arith.constant 0 : i32
      %dma_start3A_14 = tpu.memref_slice %arg6[%run_scoped3A_3, %dma_start3A_13] : memref<5x128xi32, #tpu.memory_space<vmem>> -> memref<1x128xi32, #tpu.memory_space<vmem>>
      %dma_start3A_15 = tpu.memref_squeeze %dma_start3A_14 : memref<1x128xi32, #tpu.memory_space<vmem>> -> memref<128xi32, #tpu.memory_space<vmem>>
      %dma_start3A_16 = arith.constant 0 : i32
      %dma_start3A_17 = arith.constant 0 : i32
      %dma_start3A_18 = tpu.memref_slice %arg8[%dma_start3A_16, %dma_start3A_17] : memref<10240x64xf32, #tpu.memory_space<vmem_shared>> -> memref<10240x64xf32, #tpu.memory_space<vmem_shared>>
      tpu.enqueue_indirect_dma source(%dma_start3A_12 : memref<128x64xf32, #tpu.memory_space<vmem>>) target(%dma_start3A_18 : memref<10240x64xf32, #tpu.memory_space<vmem_shared>>) offsets(%dma_start3A_15 : memref<128xi32, #tpu.memory_space<vmem>>) semaphore(%run_scoped3A_10 : memref<!tpu.dma_semaphore, #tpu.memory_space<semaphore_mem>>) {add = true}
      %dma_wait3A = arith.constant 128 : i32
      %dma_wait3A_19 = arith.constant 0 : i32
      %dma_wait3A_20 = tpu.memref_slice %arg7[%dma_wait3A, %dma_wait3A_19] : memref<640x64xf32, #tpu.memory_space<vmem>> -> memref<128x64xf32, #tpu.memory_space<vmem>>
      %dma_wait3A_21 = arith.constant 0 : i32
      %dma_wait3A_22 = tpu.memref_slice %arg6[%run_scoped3A_3, %dma_wait3A_21] : memref<5x128xi32, #tpu.memory_space<vmem>> -> memref<1x128xi32, #tpu.memory_space<vmem>>
      %dma_wait3A_23 = tpu.memref_squeeze %dma_wait3A_22 : memref<1x128xi32, #tpu.memory_space<vmem>> -> memref<128xi32, #tpu.memory_space<vmem>>
      %dma_wait3A_24 = arith.constant 0 : i32
      %dma_wait3A_25 = arith.constant 0 : i32
      %dma_wait3A_26 = tpu.memref_slice %arg8[%dma_wait3A_24, %dma_wait3A_25] : memref<10240x64xf32, #tpu.memory_space<vmem_shared>> -> memref<10240x64xf32, #tpu.memory_space<vmem_shared>>
      tpu.wait_indirect_dma semaphore(%run_scoped3A_10 : memref<!tpu.dma_semaphore, #tpu.memory_space<semaphore_mem>>) src(%dma_wait3A_20 : memref<128x64xf32, #tpu.memory_space<vmem>>) dst(%dma_wait3A_26 : memref<10240x64xf32, #tpu.memory_space<vmem_shared>>)
      tpu.yield
    }) : () -> ()
    %run_scoped3A_4 = arith.constant 2 : i32
    "tpu.region"() ({
      %run_scoped3A_10 = tpu.sem_alloc : memref<!tpu.dma_semaphore, #tpu.memory_space<semaphore_mem>>
      %dma_start3A = arith.constant 256 : i32
      %dma_start3A_11 = arith.constant 0 : i32
      %dma_start3A_12 = tpu.memref_slice %arg7[%dma_start3A, %dma_start3A_11] : memref<640x64xf32, #tpu.memory_space<vmem>> -> memref<128x64xf32, #tpu.memory_space<vmem>>
      %dma_start3A_13 = arith.constant 0 : i32
      %dma_start3A_14 = tpu.memref_slice %arg6[%run_scoped3A_4, %dma_start3A_13] : memref<5x128xi32, #tpu.memory_space<vmem>> -> memref<1x128xi32, #tpu.memory_space<vmem>>
      %dma_start3A_15 = tpu.memref_squeeze %dma_start3A_14 : memref<1x128xi32, #tpu.memory_space<vmem>> -> memref<128xi32, #tpu.memory_space<vmem>>
      %dma_start3A_16 = arith.constant 0 : i32
      %dma_start3A_17 = arith.constant 0 : i32
      %dma_start3A_18 = tpu.memref_slice %arg8[%dma_start3A_16, %dma_start3A_17] : memref<10240x64xf32, #tpu.memory_space<vmem_shared>> -> memref<10240x64xf32, #tpu.memory_space<vmem_shared>>
      tpu.enqueue_indirect_dma source(%dma_start3A_12 : memref<128x64xf32, #tpu.memory_space<vmem>>) target(%dma_start3A_18 : memref<10240x64xf32, #tpu.memory_space<vmem_shared>>) offsets(%dma_start3A_15 : memref<128xi32, #tpu.memory_space<vmem>>) semaphore(%run_scoped3A_10 : memref<!tpu.dma_semaphore, #tpu.memory_space<semaphore_mem>>) {add = true}
      %dma_wait3A = arith.constant 256 : i32
      %dma_wait3A_19 = arith.constant 0 : i32
      %dma_wait3A_20 = tpu.memref_slice %arg7[%dma_wait3A, %dma_wait3A_19] : memref<640x64xf32, #tpu.memory_space<vmem>> -> memref<128x64xf32, #tpu.memory_space<vmem>>
      %dma_wait3A_21 = arith.constant 0 : i32
      %dma_wait3A_22 = tpu.memref_slice %arg6[%run_scoped3A_4, %dma_wait3A_21] : memref<5x128xi32, #tpu.memory_space<vmem>> -> memref<1x128xi32, #tpu.memory_space<vmem>>
      %dma_wait3A_23 = tpu.memref_squeeze %dma_wait3A_22 : memref<1x128xi32, #tpu.memory_space<vmem>> -> memref<128xi32, #tpu.memory_space<vmem>>
      %dma_wait3A_24 = arith.constant 0 : i32
      %dma_wait3A_25 = arith.constant 0 : i32
      %dma_wait3A_26 = tpu.memref_slice %arg8[%dma_wait3A_24, %dma_wait3A_25] : memref<10240x64xf32, #tpu.memory_space<vmem_shared>> -> memref<10240x64xf32, #tpu.memory_space<vmem_shared>>
      tpu.wait_indirect_dma semaphore(%run_scoped3A_10 : memref<!tpu.dma_semaphore, #tpu.memory_space<semaphore_mem>>) src(%dma_wait3A_20 : memref<128x64xf32, #tpu.memory_space<vmem>>) dst(%dma_wait3A_26 : memref<10240x64xf32, #tpu.memory_space<vmem_shared>>)
      tpu.yield
    }) : () -> ()
    %run_scoped3A_5 = arith.constant 3 : i32
    "tpu.region"() ({
      %run_scoped3A_10 = tpu.sem_alloc : memref<!tpu.dma_semaphore, #tpu.memory_space<semaphore_mem>>
      %dma_start3A = arith.constant 384 : i32
      %dma_start3A_11 = arith.constant 0 : i32
      %dma_start3A_12 = tpu.memref_slice %arg7[%dma_start3A, %dma_start3A_11] : memref<640x64xf32, #tpu.memory_space<vmem>> -> memref<128x64xf32, #tpu.memory_space<vmem>>
      %dma_start3A_13 = arith.constant 0 : i32
      %dma_start3A_14 = tpu.memref_slice %arg6[%run_scoped3A_5, %dma_start3A_13] : memref<5x128xi32, #tpu.memory_space<vmem>> -> memref<1x128xi32, #tpu.memory_space<vmem>>
      %dma_start3A_15 = tpu.memref_squeeze %dma_start3A_14 : memref<1x128xi32, #tpu.memory_space<vmem>> -> memref<128xi32, #tpu.memory_space<vmem>>
      %dma_start3A_16 = arith.constant 0 : i32
      %dma_start3A_17 = arith.constant 0 : i32
      %dma_start3A_18 = tpu.memref_slice %arg8[%dma_start3A_16, %dma_start3A_17] : memref<10240x64xf32, #tpu.memory_space<vmem_shared>> -> memref<10240x64xf32, #tpu.memory_space<vmem_shared>>
      tpu.enqueue_indirect_dma source(%dma_start3A_12 : memref<128x64xf32, #tpu.memory_space<vmem>>) target(%dma_start3A_18 : memref<10240x64xf32, #tpu.memory_space<vmem_shared>>) offsets(%dma_start3A_15 : memref<128xi32, #tpu.memory_space<vmem>>) semaphore(%run_scoped3A_10 : memref<!tpu.dma_semaphore, #tpu.memory_space<semaphore_mem>>) {add = true}
      %dma_wait3A = arith.constant 384 : i32
      %dma_wait3A_19 = arith.constant 0 : i32
      %dma_wait3A_20 = tpu.memref_slice %arg7[%dma_wait3A, %dma_wait3A_19] : memref<640x64xf32, #tpu.memory_space<vmem>> -> memref<128x64xf32, #tpu.memory_space<vmem>>
      %dma_wait3A_21 = arith.constant 0 : i32
      %dma_wait3A_22 = tpu.memref_slice %arg6[%run_scoped3A_5, %dma_wait3A_21] : memref<5x128xi32, #tpu.memory_space<vmem>> -> memref<1x128xi32, #tpu.memory_space<vmem>>
      %dma_wait3A_23 = tpu.memref_squeeze %dma_wait3A_22 : memref<1x128xi32, #tpu.memory_space<vmem>> -> memref<128xi32, #tpu.memory_space<vmem>>
      %dma_wait3A_24 = arith.constant 0 : i32
      %dma_wait3A_25 = arith.constant 0 : i32
      %dma_wait3A_26 = tpu.memref_slice %arg8[%dma_wait3A_24, %dma_wait3A_25] : memref<10240x64xf32, #tpu.memory_space<vmem_shared>> -> memref<10240x64xf32, #tpu.memory_space<vmem_shared>>
      tpu.wait_indirect_dma semaphore(%run_scoped3A_10 : memref<!tpu.dma_semaphore, #tpu.memory_space<semaphore_mem>>) src(%dma_wait3A_20 : memref<128x64xf32, #tpu.memory_space<vmem>>) dst(%dma_wait3A_26 : memref<10240x64xf32, #tpu.memory_space<vmem_shared>>)
      tpu.yield
    }) : () -> ()
    %run_scoped3A_6 = arith.constant 4 : i32
    "tpu.region"() ({
      %run_scoped3A_10 = tpu.sem_alloc : memref<!tpu.dma_semaphore, #tpu.memory_space<semaphore_mem>>
      %dma_start3A = arith.constant 512 : i32
      %dma_start3A_11 = arith.constant 0 : i32
      %dma_start3A_12 = tpu.memref_slice %arg7[%dma_start3A, %dma_start3A_11] : memref<640x64xf32, #tpu.memory_space<vmem>> -> memref<128x64xf32, #tpu.memory_space<vmem>>
      %dma_start3A_13 = arith.constant 0 : i32
      %dma_start3A_14 = tpu.memref_slice %arg6[%run_scoped3A_6, %dma_start3A_13] : memref<5x128xi32, #tpu.memory_space<vmem>> -> memref<1x128xi32, #tpu.memory_space<vmem>>
      %dma_start3A_15 = tpu.memref_squeeze %dma_start3A_14 : memref<1x128xi32, #tpu.memory_space<vmem>> -> memref<128xi32, #tpu.memory_space<vmem>>
      %dma_start3A_16 = arith.constant 0 : i32
      %dma_start3A_17 = arith.constant 0 : i32
      %dma_start3A_18 = tpu.memref_slice %arg8[%dma_start3A_16, %dma_start3A_17] : memref<10240x64xf32, #tpu.memory_space<vmem_shared>> -> memref<10240x64xf32, #tpu.memory_space<vmem_shared>>
      tpu.enqueue_indirect_dma source(%dma_start3A_12 : memref<128x64xf32, #tpu.memory_space<vmem>>) target(%dma_start3A_18 : memref<10240x64xf32, #tpu.memory_space<vmem_shared>>) offsets(%dma_start3A_15 : memref<128xi32, #tpu.memory_space<vmem>>) semaphore(%run_scoped3A_10 : memref<!tpu.dma_semaphore, #tpu.memory_space<semaphore_mem>>) {add = true}
      %dma_wait3A = arith.constant 512 : i32
      %dma_wait3A_19 = arith.constant 0 : i32
      %dma_wait3A_20 = tpu.memref_slice %arg7[%dma_wait3A, %dma_wait3A_19] : memref<640x64xf32, #tpu.memory_space<vmem>> -> memref<128x64xf32, #tpu.memory_space<vmem>>
      %dma_wait3A_21 = arith.constant 0 : i32
      %dma_wait3A_22 = tpu.memref_slice %arg6[%run_scoped3A_6, %dma_wait3A_21] : memref<5x128xi32, #tpu.memory_space<vmem>> -> memref<1x128xi32, #tpu.memory_space<vmem>>
      %dma_wait3A_23 = tpu.memref_squeeze %dma_wait3A_22 : memref<1x128xi32, #tpu.memory_space<vmem>> -> memref<128xi32, #tpu.memory_space<vmem>>
      %dma_wait3A_24 = arith.constant 0 : i32
      %dma_wait3A_25 = arith.constant 0 : i32
      %dma_wait3A_26 = tpu.memref_slice %arg8[%dma_wait3A_24, %dma_wait3A_25] : memref<10240x64xf32, #tpu.memory_space<vmem_shared>> -> memref<10240x64xf32, #tpu.memory_space<vmem_shared>>
      tpu.wait_indirect_dma semaphore(%run_scoped3A_10 : memref<!tpu.dma_semaphore, #tpu.memory_space<semaphore_mem>>) src(%dma_wait3A_20 : memref<128x64xf32, #tpu.memory_space<vmem>>) dst(%dma_wait3A_26 : memref<10240x64xf32, #tpu.memory_space<vmem_shared>>)
      tpu.yield
    }) : () -> ()
    %barrier3A_7 = arith.constant 0 : index
    tpu.barrier barrier_id(%barrier3A_7)
    %mul3A_8 = arith.constant 640 : i32
    %mul3A_9 = arith.muli %arg1, %mul3A_8 : i32
    "tpu.region"() ({
      %run_scoped3A_10 = tpu.sem_alloc : memref<!tpu.dma_semaphore, #tpu.memory_space<semaphore_mem>>
      %dma_start3A = arith.constant 0 : i32
      %dma_start3A_11 = arith.constant 0 : i32
      %dma_start3A_12 = tpu.memref_slice %arg5[%arg0, %arg1, %dma_start3A, %dma_start3A_11] : memref<2x16x640x64xf32, #tpu.memory_space<hbm>> -> memref<1x1x640x64xf32, #tpu.memory_space<hbm>>
      %dma_start3A_13 = tpu.memref_squeeze %dma_start3A_12 : memref<1x1x640x64xf32, #tpu.memory_space<hbm>> -> memref<640x64xf32, #tpu.memory_space<hbm>>
      %dma_start3A_14 = arith.constant 0 : i32
      %dma_start3A_15 = tpu.memref_slice %arg8[%mul3A_9, %dma_start3A_14] : memref<10240x64xf32, #tpu.memory_space<vmem_shared>> -> memref<640x64xf32, #tpu.memory_space<vmem_shared>>
      tpu.enqueue_dma source(%dma_start3A_15 : memref<640x64xf32, #tpu.memory_space<vmem_shared>>) target(%dma_start3A_13 : memref<640x64xf32, #tpu.memory_space<hbm>>) target_semaphore(%run_scoped3A_10 : memref<!tpu.dma_semaphore, #tpu.memory_space<semaphore_mem>>)
      %dma_wait3A = arith.constant 0 : i32
      %dma_wait3A_16 = arith.constant 0 : i32
      %dma_wait3A_17 = tpu.memref_slice %arg5[%arg0, %arg1, %dma_wait3A, %dma_wait3A_16] : memref<2x16x640x64xf32, #tpu.memory_space<hbm>> -> memref<1x1x640x64xf32, #tpu.memory_space<hbm>>
      %dma_wait3A_18 = tpu.memref_squeeze %dma_wait3A_17 : memref<1x1x640x64xf32, #tpu.memory_space<hbm>> -> memref<640x64xf32, #tpu.memory_space<hbm>>
      %dma_wait3A_19 = arith.constant 0 : i32
      %dma_wait3A_20 = tpu.memref_slice %arg8[%mul3A_9, %dma_wait3A_19] : memref<10240x64xf32, #tpu.memory_space<vmem_shared>> -> memref<640x64xf32, #tpu.memory_space<vmem_shared>>
      tpu.wait_dma2 semaphore(%run_scoped3A_10 : memref<!tpu.dma_semaphore, #tpu.memory_space<semaphore_mem>>) src(%dma_wait3A_20 : memref<640x64xf32, #tpu.memory_space<vmem_shared>>) dst(%dma_wait3A_18 : memref<640x64xf32, #tpu.memory_space<hbm>>)
      tpu.yield
    }) : () -> ()
    return
  }
}

#map = affine_map<(d0, d1) -> (0, 0, 0)>
#map1 = affine_map<(d0, d1) -> (0, 0)>
#map2 = affine_map<(d0, d1) -> (0, 0, 0, 0)>
module attributes {stable_mosaic.version = 14 : i64} {
  func.func @_sc_scatter_k(%arg0: i32, %arg1: i32, %arg2: memref<32x640x64xf32, #tpu.memory_space<hbm>>, %arg3: memref<32x5x128xi32, #tpu.memory_space<hbm>>, %arg4: memref<640x64xf32, #tpu.memory_space<hbm>>, %arg5: memref<2x16x640x64xf32, #tpu.memory_space<hbm>>, %arg6: memref<5x128xi32, #tpu.memory_space<vmem>>, %arg7: memref<640x64xf32, #tpu.memory_space<vmem>>, %arg8: memref<10240x64xf32, #tpu.memory_space<vmem_shared>>) attributes {dimension_semantics = [#tpu.dimension_semantics<core_parallel>, #tpu.dimension_semantics<subcore_parallel>], iteration_bounds = array<i64: 2, 16>, scalar_prefetch = 0 : i64, scratch_operands = 3 : i64, tpu.core_type = #tpu.core_type<sc_vector_subcore>, window_params = [{transform_indices = #map}, {transform_indices = #map}, {transform_indices = #map1}, {transform_indices = #map2}]} {
    %mul3A = arith.constant 2 : i32
    %mul3A_0 = arith.muli %arg1, %mul3A : i32
    %add3A = arith.addi %mul3A_0, %arg0 : i32
    %mul3A_1 = arith.constant 640 : i32
    %mul3A_2 = arith.muli %arg1, %mul3A_1 : i32
    "tpu.region"() ({
      %run_scoped3A_10 = tpu.sem_alloc : memref<!tpu.dma_semaphore, #tpu.memory_space<semaphore_mem>>
      %dma_start3A = arith.constant 0 : i32
      %dma_start3A_11 = tpu.memref_slice %arg8[%mul3A_2, %dma_start3A] : memref<10240x64xf32, #tpu.memory_space<vmem_shared>> -> memref<640x64xf32, #tpu.memory_space<vmem_shared>>
      tpu.enqueue_dma source(%arg4 : memref<640x64xf32, #tpu.memory_space<hbm>>) target(%dma_start3A_11 : memref<640x64xf32, #tpu.memory_space<vmem_shared>>) target_semaphore(%run_scoped3A_10 : memref<!tpu.dma_semaphore, #tpu.memory_space<semaphore_mem>>)
      %dma_wait3A = arith.constant 0 : i32
      %dma_wait3A_12 = tpu.memref_slice %arg8[%mul3A_2, %dma_wait3A] : memref<10240x64xf32, #tpu.memory_space<vmem_shared>> -> memref<640x64xf32, #tpu.memory_space<vmem_shared>>
      tpu.wait_dma2 semaphore(%run_scoped3A_10 : memref<!tpu.dma_semaphore, #tpu.memory_space<semaphore_mem>>) src(%arg4 : memref<640x64xf32, #tpu.memory_space<hbm>>) dst(%dma_wait3A_12 : memref<640x64xf32, #tpu.memory_space<vmem_shared>>)
      tpu.yield
    }) : () -> ()
    %barrier3A = arith.constant 0 : index
    tpu.barrier barrier_id(%barrier3A)
    "tpu.region"() ({
      %run_scoped3A_10 = tpu.sem_alloc : memref<!tpu.dma_semaphore, #tpu.memory_space<semaphore_mem>>
      %dma_start3A = arith.constant 0 : i32
      %dma_start3A_11 = arith.constant 0 : i32
      %dma_start3A_12 = tpu.memref_slice %arg3[%add3A, %dma_start3A, %dma_start3A_11] : memref<32x5x128xi32, #tpu.memory_space<hbm>> -> memref<1x5x128xi32, #tpu.memory_space<hbm>>
      %dma_start3A_13 = tpu.memref_squeeze %dma_start3A_12 : memref<1x5x128xi32, #tpu.memory_space<hbm>> -> memref<5x128xi32, #tpu.memory_space<hbm>>
      %dma_start3A_14 = arith.constant 0 : i32
      %dma_start3A_15 = arith.constant 0 : i32
      %dma_start3A_16 = tpu.memref_slice %arg3[%add3A, %dma_start3A_14, %dma_start3A_15] : memref<32x5x128xi32, #tpu.memory_space<hbm>> -> memref<1x5x128xi32, #tpu.memory_space<hbm>>
      %dma_start3A_17 = tpu.memref_squeeze %dma_start3A_16 : memref<1x5x128xi32, #tpu.memory_space<hbm>> -> memref<5x128xi32, #tpu.memory_space<hbm>>
      tpu.enqueue_dma source(%dma_start3A_17 : memref<5x128xi32, #tpu.memory_space<hbm>>) target(%arg6 : memref<5x128xi32, #tpu.memory_space<vmem>>) target_semaphore(%run_scoped3A_10 : memref<!tpu.dma_semaphore, #tpu.memory_space<semaphore_mem>>)
      %dma_wait3A = arith.constant 0 : i32
      %dma_wait3A_18 = arith.constant 0 : i32
      %dma_wait3A_19 = tpu.memref_slice %arg3[%add3A, %dma_wait3A, %dma_wait3A_18] : memref<32x5x128xi32, #tpu.memory_space<hbm>> -> memref<1x5x128xi32, #tpu.memory_space<hbm>>
      %dma_wait3A_20 = tpu.memref_squeeze %dma_wait3A_19 : memref<1x5x128xi32, #tpu.memory_space<hbm>> -> memref<5x128xi32, #tpu.memory_space<hbm>>
      %dma_wait3A_21 = arith.constant 0 : i32
      %dma_wait3A_22 = arith.constant 0 : i32
      %dma_wait3A_23 = tpu.memref_slice %arg3[%add3A, %dma_wait3A_21, %dma_wait3A_22] : memref<32x5x128xi32, #tpu.memory_space<hbm>> -> memref<1x5x128xi32, #tpu.memory_space<hbm>>
      %dma_wait3A_24 = tpu.memref_squeeze %dma_wait3A_23 : memref<1x5x128xi32, #tpu.memory_space<hbm>> -> memref<5x128xi32, #tpu.memory_space<hbm>>
      tpu.wait_dma2 semaphore(%run_scoped3A_10 : memref<!tpu.dma_semaphore, #tpu.memory_space<semaphore_mem>>) src(%dma_wait3A_24 : memref<5x128xi32, #tpu.memory_space<hbm>>) dst(%arg6 : memref<5x128xi32, #tpu.memory_space<vmem>>)
      tpu.yield
    }) : () -> ()
    "tpu.region"() ({
      %run_scoped3A_10 = tpu.sem_alloc : memref<!tpu.dma_semaphore, #tpu.memory_space<semaphore_mem>>
      %dma_start3A = arith.constant 0 : i32
      %dma_start3A_11 = arith.constant 0 : i32
      %dma_start3A_12 = tpu.memref_slice %arg2[%add3A, %dma_start3A, %dma_start3A_11] : memref<32x640x64xf32, #tpu.memory_space<hbm>> -> memref<1x640x64xf32, #tpu.memory_space<hbm>>
      %dma_start3A_13 = tpu.memref_squeeze %dma_start3A_12 : memref<1x640x64xf32, #tpu.memory_space<hbm>> -> memref<640x64xf32, #tpu.memory_space<hbm>>
      %dma_start3A_14 = arith.constant 0 : i32
      %dma_start3A_15 = arith.constant 0 : i32
      %dma_start3A_16 = tpu.memref_slice %arg2[%add3A, %dma_start3A_14, %dma_start3A_15] : memref<32x640x64xf32, #tpu.memory_space<hbm>> -> memref<1x640x64xf32, #tpu.memory_space<hbm>>
      %dma_start3A_17 = tpu.memref_squeeze %dma_start3A_16 : memref<1x640x64xf32, #tpu.memory_space<hbm>> -> memref<640x64xf32, #tpu.memory_space<hbm>>
      tpu.enqueue_dma source(%dma_start3A_17 : memref<640x64xf32, #tpu.memory_space<hbm>>) target(%arg7 : memref<640x64xf32, #tpu.memory_space<vmem>>) target_semaphore(%run_scoped3A_10 : memref<!tpu.dma_semaphore, #tpu.memory_space<semaphore_mem>>)
      %dma_wait3A = arith.constant 0 : i32
      %dma_wait3A_18 = arith.constant 0 : i32
      %dma_wait3A_19 = tpu.memref_slice %arg2[%add3A, %dma_wait3A, %dma_wait3A_18] : memref<32x640x64xf32, #tpu.memory_space<hbm>> -> memref<1x640x64xf32, #tpu.memory_space<hbm>>
      %dma_wait3A_20 = tpu.memref_squeeze %dma_wait3A_19 : memref<1x640x64xf32, #tpu.memory_space<hbm>> -> memref<640x64xf32, #tpu.memory_space<hbm>>
      %dma_wait3A_21 = arith.constant 0 : i32
      %dma_wait3A_22 = arith.constant 0 : i32
      %dma_wait3A_23 = tpu.memref_slice %arg2[%add3A, %dma_wait3A_21, %dma_wait3A_22] : memref<32x640x64xf32, #tpu.memory_space<hbm>> -> memref<1x640x64xf32, #tpu.memory_space<hbm>>
      %dma_wait3A_24 = tpu.memref_squeeze %dma_wait3A_23 : memref<1x640x64xf32, #tpu.memory_space<hbm>> -> memref<640x64xf32, #tpu.memory_space<hbm>>
      tpu.wait_dma2 semaphore(%run_scoped3A_10 : memref<!tpu.dma_semaphore, #tpu.memory_space<semaphore_mem>>) src(%dma_wait3A_24 : memref<640x64xf32, #tpu.memory_space<hbm>>) dst(%arg7 : memref<640x64xf32, #tpu.memory_space<vmem>>)
      tpu.yield
    }) : () -> ()
    %run_scoped3A = arith.constant 0 : i32
    "tpu.region"() ({
      %run_scoped3A_10 = tpu.sem_alloc : memref<!tpu.dma_semaphore, #tpu.memory_space<semaphore_mem>>
      %dma_start3A = arith.constant 0 : i32
      %dma_start3A_11 = arith.constant 0 : i32
      %dma_start3A_12 = tpu.memref_slice %arg7[%dma_start3A, %dma_start3A_11] : memref<640x64xf32, #tpu.memory_space<vmem>> -> memref<128x64xf32, #tpu.memory_space<vmem>>
      %dma_start3A_13 = arith.constant 0 : i32
      %dma_start3A_14 = tpu.memref_slice %arg6[%run_scoped3A, %dma_start3A_13] : memref<5x128xi32, #tpu.memory_space<vmem>> -> memref<1x128xi32, #tpu.memory_space<vmem>>
      %dma_start3A_15 = tpu.memref_squeeze %dma_start3A_14 : memref<1x128xi32, #tpu.memory_space<vmem>> -> memref<128xi32, #tpu.memory_space<vmem>>
      %dma_start3A_16 = arith.constant 0 : i32
      %dma_start3A_17 = arith.constant 0 : i32
      %dma_start3A_18 = tpu.memref_slice %arg8[%dma_start3A_16, %dma_start3A_17] : memref<10240x64xf32, #tpu.memory_space<vmem_shared>> -> memref<10240x64xf32, #tpu.memory_space<vmem_shared>>
      tpu.enqueue_indirect_dma source(%dma_start3A_12 : memref<128x64xf32, #tpu.memory_space<vmem>>) target(%dma_start3A_18 : memref<10240x64xf32, #tpu.memory_space<vmem_shared>>) offsets(%dma_start3A_15 : memref<128xi32, #tpu.memory_space<vmem>>) semaphore(%run_scoped3A_10 : memref<!tpu.dma_semaphore, #tpu.memory_space<semaphore_mem>>) {add = true}
      %dma_wait3A = arith.constant 0 : i32
      %dma_wait3A_19 = arith.constant 0 : i32
      %dma_wait3A_20 = tpu.memref_slice %arg7[%dma_wait3A, %dma_wait3A_19] : memref<640x64xf32, #tpu.memory_space<vmem>> -> memref<128x64xf32, #tpu.memory_space<vmem>>
      %dma_wait3A_21 = arith.constant 0 : i32
      %dma_wait3A_22 = tpu.memref_slice %arg6[%run_scoped3A, %dma_wait3A_21] : memref<5x128xi32, #tpu.memory_space<vmem>> -> memref<1x128xi32, #tpu.memory_space<vmem>>
      %dma_wait3A_23 = tpu.memref_squeeze %dma_wait3A_22 : memref<1x128xi32, #tpu.memory_space<vmem>> -> memref<128xi32, #tpu.memory_space<vmem>>
      %dma_wait3A_24 = arith.constant 0 : i32
      %dma_wait3A_25 = arith.constant 0 : i32
      %dma_wait3A_26 = tpu.memref_slice %arg8[%dma_wait3A_24, %dma_wait3A_25] : memref<10240x64xf32, #tpu.memory_space<vmem_shared>> -> memref<10240x64xf32, #tpu.memory_space<vmem_shared>>
      tpu.wait_indirect_dma semaphore(%run_scoped3A_10 : memref<!tpu.dma_semaphore, #tpu.memory_space<semaphore_mem>>) src(%dma_wait3A_20 : memref<128x64xf32, #tpu.memory_space<vmem>>) dst(%dma_wait3A_26 : memref<10240x64xf32, #tpu.memory_space<vmem_shared>>)
      tpu.yield
    }) : () -> ()
    %run_scoped3A_3 = arith.constant 1 : i32
    "tpu.region"() ({
      %run_scoped3A_10 = tpu.sem_alloc : memref<!tpu.dma_semaphore, #tpu.memory_space<semaphore_mem>>
      %dma_start3A = arith.constant 128 : i32
      %dma_start3A_11 = arith.constant 0 : i32
      %dma_start3A_12 = tpu.memref_slice %arg7[%dma_start3A, %dma_start3A_11] : memref<640x64xf32, #tpu.memory_space<vmem>> -> memref<128x64xf32, #tpu.memory_space<vmem>>
      %dma_start3A_13 = arith.constant 0 : i32
      %dma_start3A_14 = tpu.memref_slice %arg6[%run_scoped3A_3, %dma_start3A_13] : memref<5x128xi32, #tpu.memory_space<vmem>> -> memref<1x128xi32, #tpu.memory_space<vmem>>
      %dma_start3A_15 = tpu.memref_squeeze %dma_start3A_14 : memref<1x128xi32, #tpu.memory_space<vmem>> -> memref<128xi32, #tpu.memory_space<vmem>>
      %dma_start3A_16 = arith.constant 0 : i32
      %dma_start3A_17 = arith.constant 0 : i32
      %dma_start3A_18 = tpu.memref_slice %arg8[%dma_start3A_16, %dma_start3A_17] : memref<10240x64xf32, #tpu.memory_space<vmem_shared>> -> memref<10240x64xf32, #tpu.memory_space<vmem_shared>>
      tpu.enqueue_indirect_dma source(%dma_start3A_12 : memref<128x64xf32, #tpu.memory_space<vmem>>) target(%dma_start3A_18 : memref<10240x64xf32, #tpu.memory_space<vmem_shared>>) offsets(%dma_start3A_15 : memref<128xi32, #tpu.memory_space<vmem>>) semaphore(%run_scoped3A_10 : memref<!tpu.dma_semaphore, #tpu.memory_space<semaphore_mem>>) {add = true}
      %dma_wait3A = arith.constant 128 : i32
      %dma_wait3A_19 = arith.constant 0 : i32
      %dma_wait3A_20 = tpu.memref_slice %arg7[%dma_wait3A, %dma_wait3A_19] : memref<640x64xf32, #tpu.memory_space<vmem>> -> memref<128x64xf32, #tpu.memory_space<vmem>>
      %dma_wait3A_21 = arith.constant 0 : i32
      %dma_wait3A_22 = tpu.memref_slice %arg6[%run_scoped3A_3, %dma_wait3A_21] : memref<5x128xi32, #tpu.memory_space<vmem>> -> memref<1x128xi32, #tpu.memory_space<vmem>>
      %dma_wait3A_23 = tpu.memref_squeeze %dma_wait3A_22 : memref<1x128xi32, #tpu.memory_space<vmem>> -> memref<128xi32, #tpu.memory_space<vmem>>
      %dma_wait3A_24 = arith.constant 0 : i32
      %dma_wait3A_25 = arith.constant 0 : i32
      %dma_wait3A_26 = tpu.memref_slice %arg8[%dma_wait3A_24, %dma_wait3A_25] : memref<10240x64xf32, #tpu.memory_space<vmem_shared>> -> memref<10240x64xf32, #tpu.memory_space<vmem_shared>>
      tpu.wait_indirect_dma semaphore(%run_scoped3A_10 : memref<!tpu.dma_semaphore, #tpu.memory_space<semaphore_mem>>) src(%dma_wait3A_20 : memref<128x64xf32, #tpu.memory_space<vmem>>) dst(%dma_wait3A_26 : memref<10240x64xf32, #tpu.memory_space<vmem_shared>>)
      tpu.yield
    }) : () -> ()
    %run_scoped3A_4 = arith.constant 2 : i32
    "tpu.region"() ({
      %run_scoped3A_10 = tpu.sem_alloc : memref<!tpu.dma_semaphore, #tpu.memory_space<semaphore_mem>>
      %dma_start3A = arith.constant 256 : i32
      %dma_start3A_11 = arith.constant 0 : i32
      %dma_start3A_12 = tpu.memref_slice %arg7[%dma_start3A, %dma_start3A_11] : memref<640x64xf32, #tpu.memory_space<vmem>> -> memref<128x64xf32, #tpu.memory_space<vmem>>
      %dma_start3A_13 = arith.constant 0 : i32
      %dma_start3A_14 = tpu.memref_slice %arg6[%run_scoped3A_4, %dma_start3A_13] : memref<5x128xi32, #tpu.memory_space<vmem>> -> memref<1x128xi32, #tpu.memory_space<vmem>>
      %dma_start3A_15 = tpu.memref_squeeze %dma_start3A_14 : memref<1x128xi32, #tpu.memory_space<vmem>> -> memref<128xi32, #tpu.memory_space<vmem>>
      %dma_start3A_16 = arith.constant 0 : i32
      %dma_start3A_17 = arith.constant 0 : i32
      %dma_start3A_18 = tpu.memref_slice %arg8[%dma_start3A_16, %dma_start3A_17] : memref<10240x64xf32, #tpu.memory_space<vmem_shared>> -> memref<10240x64xf32, #tpu.memory_space<vmem_shared>>
      tpu.enqueue_indirect_dma source(%dma_start3A_12 : memref<128x64xf32, #tpu.memory_space<vmem>>) target(%dma_start3A_18 : memref<10240x64xf32, #tpu.memory_space<vmem_shared>>) offsets(%dma_start3A_15 : memref<128xi32, #tpu.memory_space<vmem>>) semaphore(%run_scoped3A_10 : memref<!tpu.dma_semaphore, #tpu.memory_space<semaphore_mem>>) {add = true}
      %dma_wait3A = arith.constant 256 : i32
      %dma_wait3A_19 = arith.constant 0 : i32
      %dma_wait3A_20 = tpu.memref_slice %arg7[%dma_wait3A, %dma_wait3A_19] : memref<640x64xf32, #tpu.memory_space<vmem>> -> memref<128x64xf32, #tpu.memory_space<vmem>>
      %dma_wait3A_21 = arith.constant 0 : i32
      %dma_wait3A_22 = tpu.memref_slice %arg6[%run_scoped3A_4, %dma_wait3A_21] : memref<5x128xi32, #tpu.memory_space<vmem>> -> memref<1x128xi32, #tpu.memory_space<vmem>>
      %dma_wait3A_23 = tpu.memref_squeeze %dma_wait3A_22 : memref<1x128xi32, #tpu.memory_space<vmem>> -> memref<128xi32, #tpu.memory_space<vmem>>
      %dma_wait3A_24 = arith.constant 0 : i32
      %dma_wait3A_25 = arith.constant 0 : i32
      %dma_wait3A_26 = tpu.memref_slice %arg8[%dma_wait3A_24, %dma_wait3A_25] : memref<10240x64xf32, #tpu.memory_space<vmem_shared>> -> memref<10240x64xf32, #tpu.memory_space<vmem_shared>>
      tpu.wait_indirect_dma semaphore(%run_scoped3A_10 : memref<!tpu.dma_semaphore, #tpu.memory_space<semaphore_mem>>) src(%dma_wait3A_20 : memref<128x64xf32, #tpu.memory_space<vmem>>) dst(%dma_wait3A_26 : memref<10240x64xf32, #tpu.memory_space<vmem_shared>>)
      tpu.yield
    }) : () -> ()
    %run_scoped3A_5 = arith.constant 3 : i32
    "tpu.region"() ({
      %run_scoped3A_10 = tpu.sem_alloc : memref<!tpu.dma_semaphore, #tpu.memory_space<semaphore_mem>>
      %dma_start3A = arith.constant 384 : i32
      %dma_start3A_11 = arith.constant 0 : i32
      %dma_start3A_12 = tpu.memref_slice %arg7[%dma_start3A, %dma_start3A_11] : memref<640x64xf32, #tpu.memory_space<vmem>> -> memref<128x64xf32, #tpu.memory_space<vmem>>
      %dma_start3A_13 = arith.constant 0 : i32
      %dma_start3A_14 = tpu.memref_slice %arg6[%run_scoped3A_5, %dma_start3A_13] : memref<5x128xi32, #tpu.memory_space<vmem>> -> memref<1x128xi32, #tpu.memory_space<vmem>>
      %dma_start3A_15 = tpu.memref_squeeze %dma_start3A_14 : memref<1x128xi32, #tpu.memory_space<vmem>> -> memref<128xi32, #tpu.memory_space<vmem>>
      %dma_start3A_16 = arith.constant 0 : i32
      %dma_start3A_17 = arith.constant 0 : i32
      %dma_start3A_18 = tpu.memref_slice %arg8[%dma_start3A_16, %dma_start3A_17] : memref<10240x64xf32, #tpu.memory_space<vmem_shared>> -> memref<10240x64xf32, #tpu.memory_space<vmem_shared>>
      tpu.enqueue_indirect_dma source(%dma_start3A_12 : memref<128x64xf32, #tpu.memory_space<vmem>>) target(%dma_start3A_18 : memref<10240x64xf32, #tpu.memory_space<vmem_shared>>) offsets(%dma_start3A_15 : memref<128xi32, #tpu.memory_space<vmem>>) semaphore(%run_scoped3A_10 : memref<!tpu.dma_semaphore, #tpu.memory_space<semaphore_mem>>) {add = true}
      %dma_wait3A = arith.constant 384 : i32
      %dma_wait3A_19 = arith.constant 0 : i32
      %dma_wait3A_20 = tpu.memref_slice %arg7[%dma_wait3A, %dma_wait3A_19] : memref<640x64xf32, #tpu.memory_space<vmem>> -> memref<128x64xf32, #tpu.memory_space<vmem>>
      %dma_wait3A_21 = arith.constant 0 : i32
      %dma_wait3A_22 = tpu.memref_slice %arg6[%run_scoped3A_5, %dma_wait3A_21] : memref<5x128xi32, #tpu.memory_space<vmem>> -> memref<1x128xi32, #tpu.memory_space<vmem>>
      %dma_wait3A_23 = tpu.memref_squeeze %dma_wait3A_22 : memref<1x128xi32, #tpu.memory_space<vmem>> -> memref<128xi32, #tpu.memory_space<vmem>>
      %dma_wait3A_24 = arith.constant 0 : i32
      %dma_wait3A_25 = arith.constant 0 : i32
      %dma_wait3A_26 = tpu.memref_slice %arg8[%dma_wait3A_24, %dma_wait3A_25] : memref<10240x64xf32, #tpu.memory_space<vmem_shared>> -> memref<10240x64xf32, #tpu.memory_space<vmem_shared>>
      tpu.wait_indirect_dma semaphore(%run_scoped3A_10 : memref<!tpu.dma_semaphore, #tpu.memory_space<semaphore_mem>>) src(%dma_wait3A_20 : memref<128x64xf32, #tpu.memory_space<vmem>>) dst(%dma_wait3A_26 : memref<10240x64xf32, #tpu.memory_space<vmem_shared>>)
      tpu.yield
    }) : () -> ()
    %run_scoped3A_6 = arith.constant 4 : i32
    "tpu.region"() ({
      %run_scoped3A_10 = tpu.sem_alloc : memref<!tpu.dma_semaphore, #tpu.memory_space<semaphore_mem>>
      %dma_start3A = arith.constant 512 : i32
      %dma_start3A_11 = arith.constant 0 : i32
      %dma_start3A_12 = tpu.memref_slice %arg7[%dma_start3A, %dma_start3A_11] : memref<640x64xf32, #tpu.memory_space<vmem>> -> memref<128x64xf32, #tpu.memory_space<vmem>>
      %dma_start3A_13 = arith.constant 0 : i32
      %dma_start3A_14 = tpu.memref_slice %arg6[%run_scoped3A_6, %dma_start3A_13] : memref<5x128xi32, #tpu.memory_space<vmem>> -> memref<1x128xi32, #tpu.memory_space<vmem>>
      %dma_start3A_15 = tpu.memref_squeeze %dma_start3A_14 : memref<1x128xi32, #tpu.memory_space<vmem>> -> memref<128xi32, #tpu.memory_space<vmem>>
      %dma_start3A_16 = arith.constant 0 : i32
      %dma_start3A_17 = arith.constant 0 : i32
      %dma_start3A_18 = tpu.memref_slice %arg8[%dma_start3A_16, %dma_start3A_17] : memref<10240x64xf32, #tpu.memory_space<vmem_shared>> -> memref<10240x64xf32, #tpu.memory_space<vmem_shared>>
      tpu.enqueue_indirect_dma source(%dma_start3A_12 : memref<128x64xf32, #tpu.memory_space<vmem>>) target(%dma_start3A_18 : memref<10240x64xf32, #tpu.memory_space<vmem_shared>>) offsets(%dma_start3A_15 : memref<128xi32, #tpu.memory_space<vmem>>) semaphore(%run_scoped3A_10 : memref<!tpu.dma_semaphore, #tpu.memory_space<semaphore_mem>>) {add = true}
      %dma_wait3A = arith.constant 512 : i32
      %dma_wait3A_19 = arith.constant 0 : i32
      %dma_wait3A_20 = tpu.memref_slice %arg7[%dma_wait3A, %dma_wait3A_19] : memref<640x64xf32, #tpu.memory_space<vmem>> -> memref<128x64xf32, #tpu.memory_space<vmem>>
      %dma_wait3A_21 = arith.constant 0 : i32
      %dma_wait3A_22 = tpu.memref_slice %arg6[%run_scoped3A_6, %dma_wait3A_21] : memref<5x128xi32, #tpu.memory_space<vmem>> -> memref<1x128xi32, #tpu.memory_space<vmem>>
      %dma_wait3A_23 = tpu.memref_squeeze %dma_wait3A_22 : memref<1x128xi32, #tpu.memory_space<vmem>> -> memref<128xi32, #tpu.memory_space<vmem>>
      %dma_wait3A_24 = arith.constant 0 : i32
      %dma_wait3A_25 = arith.constant 0 : i32
      %dma_wait3A_26 = tpu.memref_slice %arg8[%dma_wait3A_24, %dma_wait3A_25] : memref<10240x64xf32, #tpu.memory_space<vmem_shared>> -> memref<10240x64xf32, #tpu.memory_space<vmem_shared>>
      tpu.wait_indirect_dma semaphore(%run_scoped3A_10 : memref<!tpu.dma_semaphore, #tpu.memory_space<semaphore_mem>>) src(%dma_wait3A_20 : memref<128x64xf32, #tpu.memory_space<vmem>>) dst(%dma_wait3A_26 : memref<10240x64xf32, #tpu.memory_space<vmem_shared>>)
      tpu.yield
    }) : () -> ()
    %barrier3A_7 = arith.constant 0 : index
    tpu.barrier barrier_id(%barrier3A_7)
    %mul3A_8 = arith.constant 640 : i32
    %mul3A_9 = arith.muli %arg1, %mul3A_8 : i32
    "tpu.region"() ({
      %run_scoped3A_10 = tpu.sem_alloc : memref<!tpu.dma_semaphore, #tpu.memory_space<semaphore_mem>>
      %dma_start3A = arith.constant 0 : i32
      %dma_start3A_11 = arith.constant 0 : i32
      %dma_start3A_12 = tpu.memref_slice %arg5[%arg0, %arg1, %dma_start3A, %dma_start3A_11] : memref<2x16x640x64xf32, #tpu.memory_space<hbm>> -> memref<1x1x640x64xf32, #tpu.memory_space<hbm>>
      %dma_start3A_13 = tpu.memref_squeeze %dma_start3A_12 : memref<1x1x640x64xf32, #tpu.memory_space<hbm>> -> memref<640x64xf32, #tpu.memory_space<hbm>>
      %dma_start3A_14 = arith.constant 0 : i32
      %dma_start3A_15 = tpu.memref_slice %arg8[%mul3A_9, %dma_start3A_14] : memref<10240x64xf32, #tpu.memory_space<vmem_shared>> -> memref<640x64xf32, #tpu.memory_space<vmem_shared>>
      tpu.enqueue_dma source(%dma_start3A_15 : memref<640x64xf32, #tpu.memory_space<vmem_shared>>) target(%dma_start3A_13 : memref<640x64xf32, #tpu.memory_space<hbm>>) target_semaphore(%run_scoped3A_10 : memref<!tpu.dma_semaphore, #tpu.memory_space<semaphore_mem>>)
      %dma_wait3A = arith.constant 0 : i32
      %dma_wait3A_16 = arith.constant 0 : i32
      %dma_wait3A_17 = tpu.memref_slice %arg5[%arg0, %arg1, %dma_wait3A, %dma_wait3A_16] : memref<2x16x640x64xf32, #tpu.memory_space<hbm>> -> memref<1x1x640x64xf32, #tpu.memory_space<hbm>>
      %dma_wait3A_18 = tpu.memref_squeeze %dma_wait3A_17 : memref<1x1x640x64xf32, #tpu.memory_space<hbm>> -> memref<640x64xf32, #tpu.memory_space<hbm>>
      %dma_wait3A_19 = arith.constant 0 : i32
      %dma_wait3A_20 = tpu.memref_slice %arg8[%mul3A_9, %dma_wait3A_19] : memref<10240x64xf32, #tpu.memory_space<vmem_shared>> -> memref<640x64xf32, #tpu.memory_space<vmem_shared>>
      tpu.wait_dma2 semaphore(%run_scoped3A_10 : memref<!tpu.dma_semaphore, #tpu.memory_space<semaphore_mem>>) src(%dma_wait3A_20 : memref<640x64xf32, #tpu.memory_space<vmem_shared>>) dst(%dma_wait3A_18 : memref<640x64xf32, #tpu.memory_space<hbm>>)
      tpu.yield
    }) : () -> ()
    return
  }
}

#map = affine_map<(d0, d1) -> (0, 0)>
#map1 = affine_map<(d0, d1) -> (0, 0, 0)>
module attributes {stable_mosaic.version = 14 : i64} {
  func.func @_sc_gather_k(%arg0: i32, %arg1: i32, %arg2: memref<10240x64xf32, #tpu.memory_space<hbm>>, %arg3: memref<32x5x128xi32, #tpu.memory_space<hbm>>, %arg4: memref<32x640x64xf32, #tpu.memory_space<hbm>>, %arg5: memref<5x128xi32, #tpu.memory_space<vmem>>, %arg6: memref<640x64xf32, #tpu.memory_space<vmem>>, %arg7: memref<!tpu.dma_semaphore, #tpu.memory_space<semaphore_mem>>) attributes {dimension_semantics = [#tpu.dimension_semantics<core_parallel>, #tpu.dimension_semantics<subcore_parallel>], iteration_bounds = array<i64: 2, 16>, scalar_prefetch = 0 : i64, scratch_operands = 3 : i64, tpu.core_type = #tpu.core_type<sc_vector_subcore>, window_params = [{transform_indices = #map}, {transform_indices = #map1}, {transform_indices = #map1}]} {
    %mul3A = arith.constant 2 : i32
    %mul3A_0 = arith.muli %arg1, %mul3A : i32
    %add3A = arith.addi %mul3A_0, %arg0 : i32
    "tpu.region"() ({
      %run_scoped3A = tpu.sem_alloc : memref<!tpu.dma_semaphore, #tpu.memory_space<semaphore_mem>>
      %dma_start3A_99 = arith.constant 0 : i32
      %dma_start3A_100 = arith.constant 0 : i32
      %dma_start3A_101 = tpu.memref_slice %arg3[%add3A, %dma_start3A_99, %dma_start3A_100] : memref<32x5x128xi32, #tpu.memory_space<hbm>> -> memref<1x5x128xi32, #tpu.memory_space<hbm>>
      %dma_start3A_102 = tpu.memref_squeeze %dma_start3A_101 : memref<1x5x128xi32, #tpu.memory_space<hbm>> -> memref<5x128xi32, #tpu.memory_space<hbm>>
      %dma_start3A_103 = arith.constant 0 : i32
      %dma_start3A_104 = arith.constant 0 : i32
      %dma_start3A_105 = tpu.memref_slice %arg3[%add3A, %dma_start3A_103, %dma_start3A_104] : memref<32x5x128xi32, #tpu.memory_space<hbm>> -> memref<1x5x128xi32, #tpu.memory_space<hbm>>
      %dma_start3A_106 = tpu.memref_squeeze %dma_start3A_105 : memref<1x5x128xi32, #tpu.memory_space<hbm>> -> memref<5x128xi32, #tpu.memory_space<hbm>>
      tpu.enqueue_dma source(%dma_start3A_106 : memref<5x128xi32, #tpu.memory_space<hbm>>) target(%arg5 : memref<5x128xi32, #tpu.memory_space<vmem>>) target_semaphore(%run_scoped3A : memref<!tpu.dma_semaphore, #tpu.memory_space<semaphore_mem>>)
      %dma_wait3A_107 = arith.constant 0 : i32
      %dma_wait3A_108 = arith.constant 0 : i32
      %dma_wait3A_109 = tpu.memref_slice %arg3[%add3A, %dma_wait3A_107, %dma_wait3A_108] : memref<32x5x128xi32, #tpu.memory_space<hbm>> -> memref<1x5x128xi32, #tpu.memory_space<hbm>>
      %dma_wait3A_110 = tpu.memref_squeeze %dma_wait3A_109 : memref<1x5x128xi32, #tpu.memory_space<hbm>> -> memref<5x128xi32, #tpu.memory_space<hbm>>
      %dma_wait3A_111 = arith.constant 0 : i32
      %dma_wait3A_112 = arith.constant 0 : i32
      %dma_wait3A_113 = tpu.memref_slice %arg3[%add3A, %dma_wait3A_111, %dma_wait3A_112] : memref<32x5x128xi32, #tpu.memory_space<hbm>> -> memref<1x5x128xi32, #tpu.memory_space<hbm>>
      %dma_wait3A_114 = tpu.memref_squeeze %dma_wait3A_113 : memref<1x5x128xi32, #tpu.memory_space<hbm>> -> memref<5x128xi32, #tpu.memory_space<hbm>>
      tpu.wait_dma2 semaphore(%run_scoped3A : memref<!tpu.dma_semaphore, #tpu.memory_space<semaphore_mem>>) src(%dma_wait3A_114 : memref<5x128xi32, #tpu.memory_space<hbm>>) dst(%arg5 : memref<5x128xi32, #tpu.memory_space<vmem>>)
      tpu.yield
    }) : () -> ()
    %dma_start3A = arith.constant 0 : i32
    %dma_start3A_1 = arith.constant 0 : i32
    %dma_start3A_2 = arith.constant 0 : i32
    %dma_start3A_3 = tpu.memref_slice %arg6[%dma_start3A_1, %dma_start3A_2] : memref<640x64xf32, #tpu.memory_space<vmem>> -> memref<128x64xf32, #tpu.memory_space<vmem>>
    %dma_start3A_4 = arith.constant 0 : i32
    %dma_start3A_5 = tpu.memref_slice %arg5[%dma_start3A, %dma_start3A_4] : memref<5x128xi32, #tpu.memory_space<vmem>> -> memref<1x128xi32, #tpu.memory_space<vmem>>
    %dma_start3A_6 = tpu.memref_squeeze %dma_start3A_5 : memref<1x128xi32, #tpu.memory_space<vmem>> -> memref<128xi32, #tpu.memory_space<vmem>>
    %dma_start3A_7 = arith.constant 0 : i32
    %dma_start3A_8 = arith.constant 0 : i32
    %dma_start3A_9 = tpu.memref_slice %arg2[%dma_start3A_7, %dma_start3A_8] : memref<10240x64xf32, #tpu.memory_space<hbm>> -> memref<10240x64xf32, #tpu.memory_space<hbm>>
    tpu.enqueue_indirect_dma source(%dma_start3A_9 : memref<10240x64xf32, #tpu.memory_space<hbm>>) target(%dma_start3A_3 : memref<128x64xf32, #tpu.memory_space<vmem>>) offsets(%dma_start3A_6 : memref<128xi32, #tpu.memory_space<vmem>>) semaphore(%arg7 : memref<!tpu.dma_semaphore, #tpu.memory_space<semaphore_mem>>)
    %dma_start3A_10 = arith.constant 1 : i32
    %dma_start3A_11 = arith.constant 128 : i32
    %dma_start3A_12 = arith.constant 0 : i32
    %dma_start3A_13 = tpu.memref_slice %arg6[%dma_start3A_11, %dma_start3A_12] : memref<640x64xf32, #tpu.memory_space<vmem>> -> memref<128x64xf32, #tpu.memory_space<vmem>>
    %dma_start3A_14 = arith.constant 0 : i32
    %dma_start3A_15 = tpu.memref_slice %arg5[%dma_start3A_10, %dma_start3A_14] : memref<5x128xi32, #tpu.memory_space<vmem>> -> memref<1x128xi32, #tpu.memory_space<vmem>>
    %dma_start3A_16 = tpu.memref_squeeze %dma_start3A_15 : memref<1x128xi32, #tpu.memory_space<vmem>> -> memref<128xi32, #tpu.memory_space<vmem>>
    %dma_start3A_17 = arith.constant 0 : i32
    %dma_start3A_18 = arith.constant 0 : i32
    %dma_start3A_19 = tpu.memref_slice %arg2[%dma_start3A_17, %dma_start3A_18] : memref<10240x64xf32, #tpu.memory_space<hbm>> -> memref<10240x64xf32, #tpu.memory_space<hbm>>
    tpu.enqueue_indirect_dma source(%dma_start3A_19 : memref<10240x64xf32, #tpu.memory_space<hbm>>) target(%dma_start3A_13 : memref<128x64xf32, #tpu.memory_space<vmem>>) offsets(%dma_start3A_16 : memref<128xi32, #tpu.memory_space<vmem>>) semaphore(%arg7 : memref<!tpu.dma_semaphore, #tpu.memory_space<semaphore_mem>>)
    %dma_start3A_20 = arith.constant 2 : i32
    %dma_start3A_21 = arith.constant 256 : i32
    %dma_start3A_22 = arith.constant 0 : i32
    %dma_start3A_23 = tpu.memref_slice %arg6[%dma_start3A_21, %dma_start3A_22] : memref<640x64xf32, #tpu.memory_space<vmem>> -> memref<128x64xf32, #tpu.memory_space<vmem>>
    %dma_start3A_24 = arith.constant 0 : i32
    %dma_start3A_25 = tpu.memref_slice %arg5[%dma_start3A_20, %dma_start3A_24] : memref<5x128xi32, #tpu.memory_space<vmem>> -> memref<1x128xi32, #tpu.memory_space<vmem>>
    %dma_start3A_26 = tpu.memref_squeeze %dma_start3A_25 : memref<1x128xi32, #tpu.memory_space<vmem>> -> memref<128xi32, #tpu.memory_space<vmem>>
    %dma_start3A_27 = arith.constant 0 : i32
    %dma_start3A_28 = arith.constant 0 : i32
    %dma_start3A_29 = tpu.memref_slice %arg2[%dma_start3A_27, %dma_start3A_28] : memref<10240x64xf32, #tpu.memory_space<hbm>> -> memref<10240x64xf32, #tpu.memory_space<hbm>>
    tpu.enqueue_indirect_dma source(%dma_start3A_29 : memref<10240x64xf32, #tpu.memory_space<hbm>>) target(%dma_start3A_23 : memref<128x64xf32, #tpu.memory_space<vmem>>) offsets(%dma_start3A_26 : memref<128xi32, #tpu.memory_space<vmem>>) semaphore(%arg7 : memref<!tpu.dma_semaphore, #tpu.memory_space<semaphore_mem>>)
    %dma_start3A_30 = arith.constant 3 : i32
    %dma_start3A_31 = arith.constant 384 : i32
    %dma_start3A_32 = arith.constant 0 : i32
    %dma_start3A_33 = tpu.memref_slice %arg6[%dma_start3A_31, %dma_start3A_32] : memref<640x64xf32, #tpu.memory_space<vmem>> -> memref<128x64xf32, #tpu.memory_space<vmem>>
    %dma_start3A_34 = arith.constant 0 : i32
    %dma_start3A_35 = tpu.memref_slice %arg5[%dma_start3A_30, %dma_start3A_34] : memref<5x128xi32, #tpu.memory_space<vmem>> -> memref<1x128xi32, #tpu.memory_space<vmem>>
    %dma_start3A_36 = tpu.memref_squeeze %dma_start3A_35 : memref<1x128xi32, #tpu.memory_space<vmem>> -> memref<128xi32, #tpu.memory_space<vmem>>
    %dma_start3A_37 = arith.constant 0 : i32
    %dma_start3A_38 = arith.constant 0 : i32
    %dma_start3A_39 = tpu.memref_slice %arg2[%dma_start3A_37, %dma_start3A_38] : memref<10240x64xf32, #tpu.memory_space<hbm>> -> memref<10240x64xf32, #tpu.memory_space<hbm>>
    tpu.enqueue_indirect_dma source(%dma_start3A_39 : memref<10240x64xf32, #tpu.memory_space<hbm>>) target(%dma_start3A_33 : memref<128x64xf32, #tpu.memory_space<vmem>>) offsets(%dma_start3A_36 : memref<128xi32, #tpu.memory_space<vmem>>) semaphore(%arg7 : memref<!tpu.dma_semaphore, #tpu.memory_space<semaphore_mem>>)
    %dma_start3A_40 = arith.constant 4 : i32
    %dma_start3A_41 = arith.constant 512 : i32
    %dma_start3A_42 = arith.constant 0 : i32
    %dma_start3A_43 = tpu.memref_slice %arg6[%dma_start3A_41, %dma_start3A_42] : memref<640x64xf32, #tpu.memory_space<vmem>> -> memref<128x64xf32, #tpu.memory_space<vmem>>
    %dma_start3A_44 = arith.constant 0 : i32
    %dma_start3A_45 = tpu.memref_slice %arg5[%dma_start3A_40, %dma_start3A_44] : memref<5x128xi32, #tpu.memory_space<vmem>> -> memref<1x128xi32, #tpu.memory_space<vmem>>
    %dma_start3A_46 = tpu.memref_squeeze %dma_start3A_45 : memref<1x128xi32, #tpu.memory_space<vmem>> -> memref<128xi32, #tpu.memory_space<vmem>>
    %dma_start3A_47 = arith.constant 0 : i32
    %dma_start3A_48 = arith.constant 0 : i32
    %dma_start3A_49 = tpu.memref_slice %arg2[%dma_start3A_47, %dma_start3A_48] : memref<10240x64xf32, #tpu.memory_space<hbm>> -> memref<10240x64xf32, #tpu.memory_space<hbm>>
    tpu.enqueue_indirect_dma source(%dma_start3A_49 : memref<10240x64xf32, #tpu.memory_space<hbm>>) target(%dma_start3A_43 : memref<128x64xf32, #tpu.memory_space<vmem>>) offsets(%dma_start3A_46 : memref<128xi32, #tpu.memory_space<vmem>>) semaphore(%arg7 : memref<!tpu.dma_semaphore, #tpu.memory_space<semaphore_mem>>)
    %dma_wait3A = arith.constant 0 : i32
    %dma_wait3A_50 = arith.constant 0 : i32
    %dma_wait3A_51 = arith.constant 0 : i32
    %dma_wait3A_52 = tpu.memref_slice %arg6[%dma_wait3A_50, %dma_wait3A_51] : memref<640x64xf32, #tpu.memory_space<vmem>> -> memref<128x64xf32, #tpu.memory_space<vmem>>
    %dma_wait3A_53 = arith.constant 0 : i32
    %dma_wait3A_54 = tpu.memref_slice %arg5[%dma_wait3A, %dma_wait3A_53] : memref<5x128xi32, #tpu.memory_space<vmem>> -> memref<1x128xi32, #tpu.memory_space<vmem>>
    %dma_wait3A_55 = tpu.memref_squeeze %dma_wait3A_54 : memref<1x128xi32, #tpu.memory_space<vmem>> -> memref<128xi32, #tpu.memory_space<vmem>>
    %dma_wait3A_56 = arith.constant 0 : i32
    %dma_wait3A_57 = arith.constant 0 : i32
    %dma_wait3A_58 = tpu.memref_slice %arg2[%dma_wait3A_56, %dma_wait3A_57] : memref<10240x64xf32, #tpu.memory_space<hbm>> -> memref<10240x64xf32, #tpu.memory_space<hbm>>
    tpu.wait_indirect_dma semaphore(%arg7 : memref<!tpu.dma_semaphore, #tpu.memory_space<semaphore_mem>>) src(%dma_wait3A_58 : memref<10240x64xf32, #tpu.memory_space<hbm>>) dst(%dma_wait3A_52 : memref<128x64xf32, #tpu.memory_space<vmem>>)
    %dma_wait3A_59 = arith.constant 1 : i32
    %dma_wait3A_60 = arith.constant 128 : i32
    %dma_wait3A_61 = arith.constant 0 : i32
    %dma_wait3A_62 = tpu.memref_slice %arg6[%dma_wait3A_60, %dma_wait3A_61] : memref<640x64xf32, #tpu.memory_space<vmem>> -> memref<128x64xf32, #tpu.memory_space<vmem>>
    %dma_wait3A_63 = arith.constant 0 : i32
    %dma_wait3A_64 = tpu.memref_slice %arg5[%dma_wait3A_59, %dma_wait3A_63] : memref<5x128xi32, #tpu.memory_space<vmem>> -> memref<1x128xi32, #tpu.memory_space<vmem>>
    %dma_wait3A_65 = tpu.memref_squeeze %dma_wait3A_64 : memref<1x128xi32, #tpu.memory_space<vmem>> -> memref<128xi32, #tpu.memory_space<vmem>>
    %dma_wait3A_66 = arith.constant 0 : i32
    %dma_wait3A_67 = arith.constant 0 : i32
    %dma_wait3A_68 = tpu.memref_slice %arg2[%dma_wait3A_66, %dma_wait3A_67] : memref<10240x64xf32, #tpu.memory_space<hbm>> -> memref<10240x64xf32, #tpu.memory_space<hbm>>
    tpu.wait_indirect_dma semaphore(%arg7 : memref<!tpu.dma_semaphore, #tpu.memory_space<semaphore_mem>>) src(%dma_wait3A_68 : memref<10240x64xf32, #tpu.memory_space<hbm>>) dst(%dma_wait3A_62 : memref<128x64xf32, #tpu.memory_space<vmem>>)
    %dma_wait3A_69 = arith.constant 2 : i32
    %dma_wait3A_70 = arith.constant 256 : i32
    %dma_wait3A_71 = arith.constant 0 : i32
    %dma_wait3A_72 = tpu.memref_slice %arg6[%dma_wait3A_70, %dma_wait3A_71] : memref<640x64xf32, #tpu.memory_space<vmem>> -> memref<128x64xf32, #tpu.memory_space<vmem>>
    %dma_wait3A_73 = arith.constant 0 : i32
    %dma_wait3A_74 = tpu.memref_slice %arg5[%dma_wait3A_69, %dma_wait3A_73] : memref<5x128xi32, #tpu.memory_space<vmem>> -> memref<1x128xi32, #tpu.memory_space<vmem>>
    %dma_wait3A_75 = tpu.memref_squeeze %dma_wait3A_74 : memref<1x128xi32, #tpu.memory_space<vmem>> -> memref<128xi32, #tpu.memory_space<vmem>>
    %dma_wait3A_76 = arith.constant 0 : i32
    %dma_wait3A_77 = arith.constant 0 : i32
    %dma_wait3A_78 = tpu.memref_slice %arg2[%dma_wait3A_76, %dma_wait3A_77] : memref<10240x64xf32, #tpu.memory_space<hbm>> -> memref<10240x64xf32, #tpu.memory_space<hbm>>
    tpu.wait_indirect_dma semaphore(%arg7 : memref<!tpu.dma_semaphore, #tpu.memory_space<semaphore_mem>>) src(%dma_wait3A_78 : memref<10240x64xf32, #tpu.memory_space<hbm>>) dst(%dma_wait3A_72 : memref<128x64xf32, #tpu.memory_space<vmem>>)
    %dma_wait3A_79 = arith.constant 3 : i32
    %dma_wait3A_80 = arith.constant 384 : i32
    %dma_wait3A_81 = arith.constant 0 : i32
    %dma_wait3A_82 = tpu.memref_slice %arg6[%dma_wait3A_80, %dma_wait3A_81] : memref<640x64xf32, #tpu.memory_space<vmem>> -> memref<128x64xf32, #tpu.memory_space<vmem>>
    %dma_wait3A_83 = arith.constant 0 : i32
    %dma_wait3A_84 = tpu.memref_slice %arg5[%dma_wait3A_79, %dma_wait3A_83] : memref<5x128xi32, #tpu.memory_space<vmem>> -> memref<1x128xi32, #tpu.memory_space<vmem>>
    %dma_wait3A_85 = tpu.memref_squeeze %dma_wait3A_84 : memref<1x128xi32, #tpu.memory_space<vmem>> -> memref<128xi32, #tpu.memory_space<vmem>>
    %dma_wait3A_86 = arith.constant 0 : i32
    %dma_wait3A_87 = arith.constant 0 : i32
    %dma_wait3A_88 = tpu.memref_slice %arg2[%dma_wait3A_86, %dma_wait3A_87] : memref<10240x64xf32, #tpu.memory_space<hbm>> -> memref<10240x64xf32, #tpu.memory_space<hbm>>
    tpu.wait_indirect_dma semaphore(%arg7 : memref<!tpu.dma_semaphore, #tpu.memory_space<semaphore_mem>>) src(%dma_wait3A_88 : memref<10240x64xf32, #tpu.memory_space<hbm>>) dst(%dma_wait3A_82 : memref<128x64xf32, #tpu.memory_space<vmem>>)
    %dma_wait3A_89 = arith.constant 4 : i32
    %dma_wait3A_90 = arith.constant 512 : i32
    %dma_wait3A_91 = arith.constant 0 : i32
    %dma_wait3A_92 = tpu.memref_slice %arg6[%dma_wait3A_90, %dma_wait3A_91] : memref<640x64xf32, #tpu.memory_space<vmem>> -> memref<128x64xf32, #tpu.memory_space<vmem>>
    %dma_wait3A_93 = arith.constant 0 : i32
    %dma_wait3A_94 = tpu.memref_slice %arg5[%dma_wait3A_89, %dma_wait3A_93] : memref<5x128xi32, #tpu.memory_space<vmem>> -> memref<1x128xi32, #tpu.memory_space<vmem>>
    %dma_wait3A_95 = tpu.memref_squeeze %dma_wait3A_94 : memref<1x128xi32, #tpu.memory_space<vmem>> -> memref<128xi32, #tpu.memory_space<vmem>>
    %dma_wait3A_96 = arith.constant 0 : i32
    %dma_wait3A_97 = arith.constant 0 : i32
    %dma_wait3A_98 = tpu.memref_slice %arg2[%dma_wait3A_96, %dma_wait3A_97] : memref<10240x64xf32, #tpu.memory_space<hbm>> -> memref<10240x64xf32, #tpu.memory_space<hbm>>
    tpu.wait_indirect_dma semaphore(%arg7 : memref<!tpu.dma_semaphore, #tpu.memory_space<semaphore_mem>>) src(%dma_wait3A_98 : memref<10240x64xf32, #tpu.memory_space<hbm>>) dst(%dma_wait3A_92 : memref<128x64xf32, #tpu.memory_space<vmem>>)
    "tpu.region"() ({
      %run_scoped3A = tpu.sem_alloc : memref<!tpu.dma_semaphore, #tpu.memory_space<semaphore_mem>>
      %dma_start3A_99 = arith.constant 0 : i32
      %dma_start3A_100 = arith.constant 0 : i32
      %dma_start3A_101 = tpu.memref_slice %arg4[%add3A, %dma_start3A_99, %dma_start3A_100] : memref<32x640x64xf32, #tpu.memory_space<hbm>> -> memref<1x640x64xf32, #tpu.memory_space<hbm>>
      %dma_start3A_102 = tpu.memref_squeeze %dma_start3A_101 : memref<1x640x64xf32, #tpu.memory_space<hbm>> -> memref<640x64xf32, #tpu.memory_space<hbm>>
      %dma_start3A_103 = arith.constant 0 : i32
      %dma_start3A_104 = arith.constant 0 : i32
      %dma_start3A_105 = tpu.memref_slice %arg4[%add3A, %dma_start3A_103, %dma_start3A_104] : memref<32x640x64xf32, #tpu.memory_space<hbm>> -> memref<1x640x64xf32, #tpu.memory_space<hbm>>
      %dma_start3A_106 = tpu.memref_squeeze %dma_start3A_105 : memref<1x640x64xf32, #tpu.memory_space<hbm>> -> memref<640x64xf32, #tpu.memory_space<hbm>>
      tpu.enqueue_dma source(%arg6 : memref<640x64xf32, #tpu.memory_space<vmem>>) target(%dma_start3A_106 : memref<640x64xf32, #tpu.memory_space<hbm>>) target_semaphore(%run_scoped3A : memref<!tpu.dma_semaphore, #tpu.memory_space<semaphore_mem>>)
      %dma_wait3A_107 = arith.constant 0 : i32
      %dma_wait3A_108 = arith.constant 0 : i32
      %dma_wait3A_109 = tpu.memref_slice %arg4[%add3A, %dma_wait3A_107, %dma_wait3A_108] : memref<32x640x64xf32, #tpu.memory_space<hbm>> -> memref<1x640x64xf32, #tpu.memory_space<hbm>>
      %dma_wait3A_110 = tpu.memref_squeeze %dma_wait3A_109 : memref<1x640x64xf32, #tpu.memory_space<hbm>> -> memref<640x64xf32, #tpu.memory_space<hbm>>
      %dma_wait3A_111 = arith.constant 0 : i32
      %dma_wait3A_112 = arith.constant 0 : i32
      %dma_wait3A_113 = tpu.memref_slice %arg4[%add3A, %dma_wait3A_111, %dma_wait3A_112] : memref<32x640x64xf32, #tpu.memory_space<hbm>> -> memref<1x640x64xf32, #tpu.memory_space<hbm>>
      %dma_wait3A_114 = tpu.memref_squeeze %dma_wait3A_113 : memref<1x640x64xf32, #tpu.memory_space<hbm>> -> memref<640x64xf32, #tpu.memory_space<hbm>>
      tpu.wait_dma2 semaphore(%run_scoped3A : memref<!tpu.dma_semaphore, #tpu.memory_space<semaphore_mem>>) src(%arg6 : memref<640x64xf32, #tpu.memory_space<vmem>>) dst(%dma_wait3A_114 : memref<640x64xf32, #tpu.memory_space<hbm>>)
      tpu.yield
    }) : () -> ()
    return
  }
}

#map = affine_map<(d0, d1) -> (0, 0, 0)>
#map1 = affine_map<(d0, d1) -> (0, 0)>
#map2 = affine_map<(d0, d1) -> (0, 0, 0, 0)>
module attributes {stable_mosaic.version = 14 : i64} {
  func.func @_sc_scatter_k(%arg0: i32, %arg1: i32, %arg2: memref<32x640x64xf32, #tpu.memory_space<hbm>>, %arg3: memref<32x5x128xi32, #tpu.memory_space<hbm>>, %arg4: memref<640x64xf32, #tpu.memory_space<hbm>>, %arg5: memref<2x16x640x64xf32, #tpu.memory_space<hbm>>, %arg6: memref<5x128xi32, #tpu.memory_space<vmem>>, %arg7: memref<640x64xf32, #tpu.memory_space<vmem>>, %arg8: memref<10240x64xf32, #tpu.memory_space<vmem_shared>>) attributes {dimension_semantics = [#tpu.dimension_semantics<core_parallel>, #tpu.dimension_semantics<subcore_parallel>], iteration_bounds = array<i64: 2, 16>, scalar_prefetch = 0 : i64, scratch_operands = 3 : i64, tpu.core_type = #tpu.core_type<sc_vector_subcore>, window_params = [{transform_indices = #map}, {transform_indices = #map}, {transform_indices = #map1}, {transform_indices = #map2}]} {
    %mul3A = arith.constant 2 : i32
    %mul3A_0 = arith.muli %arg1, %mul3A : i32
    %add3A = arith.addi %mul3A_0, %arg0 : i32
    %mul3A_1 = arith.constant 640 : i32
    %mul3A_2 = arith.muli %arg1, %mul3A_1 : i32
    "tpu.region"() ({
      %run_scoped3A_10 = tpu.sem_alloc : memref<!tpu.dma_semaphore, #tpu.memory_space<semaphore_mem>>
      %dma_start3A = arith.constant 0 : i32
      %dma_start3A_11 = tpu.memref_slice %arg8[%mul3A_2, %dma_start3A] : memref<10240x64xf32, #tpu.memory_space<vmem_shared>> -> memref<640x64xf32, #tpu.memory_space<vmem_shared>>
      tpu.enqueue_dma source(%arg4 : memref<640x64xf32, #tpu.memory_space<hbm>>) target(%dma_start3A_11 : memref<640x64xf32, #tpu.memory_space<vmem_shared>>) target_semaphore(%run_scoped3A_10 : memref<!tpu.dma_semaphore, #tpu.memory_space<semaphore_mem>>)
      %dma_wait3A = arith.constant 0 : i32
      %dma_wait3A_12 = tpu.memref_slice %arg8[%mul3A_2, %dma_wait3A] : memref<10240x64xf32, #tpu.memory_space<vmem_shared>> -> memref<640x64xf32, #tpu.memory_space<vmem_shared>>
      tpu.wait_dma2 semaphore(%run_scoped3A_10 : memref<!tpu.dma_semaphore, #tpu.memory_space<semaphore_mem>>) src(%arg4 : memref<640x64xf32, #tpu.memory_space<hbm>>) dst(%dma_wait3A_12 : memref<640x64xf32, #tpu.memory_space<vmem_shared>>)
      tpu.yield
    }) : () -> ()
    %barrier3A = arith.constant 0 : index
    tpu.barrier barrier_id(%barrier3A)
    "tpu.region"() ({
      %run_scoped3A_10 = tpu.sem_alloc : memref<!tpu.dma_semaphore, #tpu.memory_space<semaphore_mem>>
      %dma_start3A = arith.constant 0 : i32
      %dma_start3A_11 = arith.constant 0 : i32
      %dma_start3A_12 = tpu.memref_slice %arg3[%add3A, %dma_start3A, %dma_start3A_11] : memref<32x5x128xi32, #tpu.memory_space<hbm>> -> memref<1x5x128xi32, #tpu.memory_space<hbm>>
      %dma_start3A_13 = tpu.memref_squeeze %dma_start3A_12 : memref<1x5x128xi32, #tpu.memory_space<hbm>> -> memref<5x128xi32, #tpu.memory_space<hbm>>
      %dma_start3A_14 = arith.constant 0 : i32
      %dma_start3A_15 = arith.constant 0 : i32
      %dma_start3A_16 = tpu.memref_slice %arg3[%add3A, %dma_start3A_14, %dma_start3A_15] : memref<32x5x128xi32, #tpu.memory_space<hbm>> -> memref<1x5x128xi32, #tpu.memory_space<hbm>>
      %dma_start3A_17 = tpu.memref_squeeze %dma_start3A_16 : memref<1x5x128xi32, #tpu.memory_space<hbm>> -> memref<5x128xi32, #tpu.memory_space<hbm>>
      tpu.enqueue_dma source(%dma_start3A_17 : memref<5x128xi32, #tpu.memory_space<hbm>>) target(%arg6 : memref<5x128xi32, #tpu.memory_space<vmem>>) target_semaphore(%run_scoped3A_10 : memref<!tpu.dma_semaphore, #tpu.memory_space<semaphore_mem>>)
      %dma_wait3A = arith.constant 0 : i32
      %dma_wait3A_18 = arith.constant 0 : i32
      %dma_wait3A_19 = tpu.memref_slice %arg3[%add3A, %dma_wait3A, %dma_wait3A_18] : memref<32x5x128xi32, #tpu.memory_space<hbm>> -> memref<1x5x128xi32, #tpu.memory_space<hbm>>
      %dma_wait3A_20 = tpu.memref_squeeze %dma_wait3A_19 : memref<1x5x128xi32, #tpu.memory_space<hbm>> -> memref<5x128xi32, #tpu.memory_space<hbm>>
      %dma_wait3A_21 = arith.constant 0 : i32
      %dma_wait3A_22 = arith.constant 0 : i32
      %dma_wait3A_23 = tpu.memref_slice %arg3[%add3A, %dma_wait3A_21, %dma_wait3A_22] : memref<32x5x128xi32, #tpu.memory_space<hbm>> -> memref<1x5x128xi32, #tpu.memory_space<hbm>>
      %dma_wait3A_24 = tpu.memref_squeeze %dma_wait3A_23 : memref<1x5x128xi32, #tpu.memory_space<hbm>> -> memref<5x128xi32, #tpu.memory_space<hbm>>
      tpu.wait_dma2 semaphore(%run_scoped3A_10 : memref<!tpu.dma_semaphore, #tpu.memory_space<semaphore_mem>>) src(%dma_wait3A_24 : memref<5x128xi32, #tpu.memory_space<hbm>>) dst(%arg6 : memref<5x128xi32, #tpu.memory_space<vmem>>)
      tpu.yield
    }) : () -> ()
    "tpu.region"() ({
      %run_scoped3A_10 = tpu.sem_alloc : memref<!tpu.dma_semaphore, #tpu.memory_space<semaphore_mem>>
      %dma_start3A = arith.constant 0 : i32
      %dma_start3A_11 = arith.constant 0 : i32
      %dma_start3A_12 = tpu.memref_slice %arg2[%add3A, %dma_start3A, %dma_start3A_11] : memref<32x640x64xf32, #tpu.memory_space<hbm>> -> memref<1x640x64xf32, #tpu.memory_space<hbm>>
      %dma_start3A_13 = tpu.memref_squeeze %dma_start3A_12 : memref<1x640x64xf32, #tpu.memory_space<hbm>> -> memref<640x64xf32, #tpu.memory_space<hbm>>
      %dma_start3A_14 = arith.constant 0 : i32
      %dma_start3A_15 = arith.constant 0 : i32
      %dma_start3A_16 = tpu.memref_slice %arg2[%add3A, %dma_start3A_14, %dma_start3A_15] : memref<32x640x64xf32, #tpu.memory_space<hbm>> -> memref<1x640x64xf32, #tpu.memory_space<hbm>>
      %dma_start3A_17 = tpu.memref_squeeze %dma_start3A_16 : memref<1x640x64xf32, #tpu.memory_space<hbm>> -> memref<640x64xf32, #tpu.memory_space<hbm>>
      tpu.enqueue_dma source(%dma_start3A_17 : memref<640x64xf32, #tpu.memory_space<hbm>>) target(%arg7 : memref<640x64xf32, #tpu.memory_space<vmem>>) target_semaphore(%run_scoped3A_10 : memref<!tpu.dma_semaphore, #tpu.memory_space<semaphore_mem>>)
      %dma_wait3A = arith.constant 0 : i32
      %dma_wait3A_18 = arith.constant 0 : i32
      %dma_wait3A_19 = tpu.memref_slice %arg2[%add3A, %dma_wait3A, %dma_wait3A_18] : memref<32x640x64xf32, #tpu.memory_space<hbm>> -> memref<1x640x64xf32, #tpu.memory_space<hbm>>
      %dma_wait3A_20 = tpu.memref_squeeze %dma_wait3A_19 : memref<1x640x64xf32, #tpu.memory_space<hbm>> -> memref<640x64xf32, #tpu.memory_space<hbm>>
      %dma_wait3A_21 = arith.constant 0 : i32
      %dma_wait3A_22 = arith.constant 0 : i32
      %dma_wait3A_23 = tpu.memref_slice %arg2[%add3A, %dma_wait3A_21, %dma_wait3A_22] : memref<32x640x64xf32, #tpu.memory_space<hbm>> -> memref<1x640x64xf32, #tpu.memory_space<hbm>>
      %dma_wait3A_24 = tpu.memref_squeeze %dma_wait3A_23 : memref<1x640x64xf32, #tpu.memory_space<hbm>> -> memref<640x64xf32, #tpu.memory_space<hbm>>
      tpu.wait_dma2 semaphore(%run_scoped3A_10 : memref<!tpu.dma_semaphore, #tpu.memory_space<semaphore_mem>>) src(%dma_wait3A_24 : memref<640x64xf32, #tpu.memory_space<hbm>>) dst(%arg7 : memref<640x64xf32, #tpu.memory_space<vmem>>)
      tpu.yield
    }) : () -> ()
    %run_scoped3A = arith.constant 0 : i32
    "tpu.region"() ({
      %run_scoped3A_10 = tpu.sem_alloc : memref<!tpu.dma_semaphore, #tpu.memory_space<semaphore_mem>>
      %dma_start3A = arith.constant 0 : i32
      %dma_start3A_11 = arith.constant 0 : i32
      %dma_start3A_12 = tpu.memref_slice %arg7[%dma_start3A, %dma_start3A_11] : memref<640x64xf32, #tpu.memory_space<vmem>> -> memref<128x64xf32, #tpu.memory_space<vmem>>
      %dma_start3A_13 = arith.constant 0 : i32
      %dma_start3A_14 = tpu.memref_slice %arg6[%run_scoped3A, %dma_start3A_13] : memref<5x128xi32, #tpu.memory_space<vmem>> -> memref<1x128xi32, #tpu.memory_space<vmem>>
      %dma_start3A_15 = tpu.memref_squeeze %dma_start3A_14 : memref<1x128xi32, #tpu.memory_space<vmem>> -> memref<128xi32, #tpu.memory_space<vmem>>
      %dma_start3A_16 = arith.constant 0 : i32
      %dma_start3A_17 = arith.constant 0 : i32
      %dma_start3A_18 = tpu.memref_slice %arg8[%dma_start3A_16, %dma_start3A_17] : memref<10240x64xf32, #tpu.memory_space<vmem_shared>> -> memref<10240x64xf32, #tpu.memory_space<vmem_shared>>
      tpu.enqueue_indirect_dma source(%dma_start3A_12 : memref<128x64xf32, #tpu.memory_space<vmem>>) target(%dma_start3A_18 : memref<10240x64xf32, #tpu.memory_space<vmem_shared>>) offsets(%dma_start3A_15 : memref<128xi32, #tpu.memory_space<vmem>>) semaphore(%run_scoped3A_10 : memref<!tpu.dma_semaphore, #tpu.memory_space<semaphore_mem>>) {add = true}
      %dma_wait3A = arith.constant 0 : i32
      %dma_wait3A_19 = arith.constant 0 : i32
      %dma_wait3A_20 = tpu.memref_slice %arg7[%dma_wait3A, %dma_wait3A_19] : memref<640x64xf32, #tpu.memory_space<vmem>> -> memref<128x64xf32, #tpu.memory_space<vmem>>
      %dma_wait3A_21 = arith.constant 0 : i32
      %dma_wait3A_22 = tpu.memref_slice %arg6[%run_scoped3A, %dma_wait3A_21] : memref<5x128xi32, #tpu.memory_space<vmem>> -> memref<1x128xi32, #tpu.memory_space<vmem>>
      %dma_wait3A_23 = tpu.memref_squeeze %dma_wait3A_22 : memref<1x128xi32, #tpu.memory_space<vmem>> -> memref<128xi32, #tpu.memory_space<vmem>>
      %dma_wait3A_24 = arith.constant 0 : i32
      %dma_wait3A_25 = arith.constant 0 : i32
      %dma_wait3A_26 = tpu.memref_slice %arg8[%dma_wait3A_24, %dma_wait3A_25] : memref<10240x64xf32, #tpu.memory_space<vmem_shared>> -> memref<10240x64xf32, #tpu.memory_space<vmem_shared>>
      tpu.wait_indirect_dma semaphore(%run_scoped3A_10 : memref<!tpu.dma_semaphore, #tpu.memory_space<semaphore_mem>>) src(%dma_wait3A_20 : memref<128x64xf32, #tpu.memory_space<vmem>>) dst(%dma_wait3A_26 : memref<10240x64xf32, #tpu.memory_space<vmem_shared>>)
      tpu.yield
    }) : () -> ()
    %run_scoped3A_3 = arith.constant 1 : i32
    "tpu.region"() ({
      %run_scoped3A_10 = tpu.sem_alloc : memref<!tpu.dma_semaphore, #tpu.memory_space<semaphore_mem>>
      %dma_start3A = arith.constant 128 : i32
      %dma_start3A_11 = arith.constant 0 : i32
      %dma_start3A_12 = tpu.memref_slice %arg7[%dma_start3A, %dma_start3A_11] : memref<640x64xf32, #tpu.memory_space<vmem>> -> memref<128x64xf32, #tpu.memory_space<vmem>>
      %dma_start3A_13 = arith.constant 0 : i32
      %dma_start3A_14 = tpu.memref_slice %arg6[%run_scoped3A_3, %dma_start3A_13] : memref<5x128xi32, #tpu.memory_space<vmem>> -> memref<1x128xi32, #tpu.memory_space<vmem>>
      %dma_start3A_15 = tpu.memref_squeeze %dma_start3A_14 : memref<1x128xi32, #tpu.memory_space<vmem>> -> memref<128xi32, #tpu.memory_space<vmem>>
      %dma_start3A_16 = arith.constant 0 : i32
      %dma_start3A_17 = arith.constant 0 : i32
      %dma_start3A_18 = tpu.memref_slice %arg8[%dma_start3A_16, %dma_start3A_17] : memref<10240x64xf32, #tpu.memory_space<vmem_shared>> -> memref<10240x64xf32, #tpu.memory_space<vmem_shared>>
      tpu.enqueue_indirect_dma source(%dma_start3A_12 : memref<128x64xf32, #tpu.memory_space<vmem>>) target(%dma_start3A_18 : memref<10240x64xf32, #tpu.memory_space<vmem_shared>>) offsets(%dma_start3A_15 : memref<128xi32, #tpu.memory_space<vmem>>) semaphore(%run_scoped3A_10 : memref<!tpu.dma_semaphore, #tpu.memory_space<semaphore_mem>>) {add = true}
      %dma_wait3A = arith.constant 128 : i32
      %dma_wait3A_19 = arith.constant 0 : i32
      %dma_wait3A_20 = tpu.memref_slice %arg7[%dma_wait3A, %dma_wait3A_19] : memref<640x64xf32, #tpu.memory_space<vmem>> -> memref<128x64xf32, #tpu.memory_space<vmem>>
      %dma_wait3A_21 = arith.constant 0 : i32
      %dma_wait3A_22 = tpu.memref_slice %arg6[%run_scoped3A_3, %dma_wait3A_21] : memref<5x128xi32, #tpu.memory_space<vmem>> -> memref<1x128xi32, #tpu.memory_space<vmem>>
      %dma_wait3A_23 = tpu.memref_squeeze %dma_wait3A_22 : memref<1x128xi32, #tpu.memory_space<vmem>> -> memref<128xi32, #tpu.memory_space<vmem>>
      %dma_wait3A_24 = arith.constant 0 : i32
      %dma_wait3A_25 = arith.constant 0 : i32
      %dma_wait3A_26 = tpu.memref_slice %arg8[%dma_wait3A_24, %dma_wait3A_25] : memref<10240x64xf32, #tpu.memory_space<vmem_shared>> -> memref<10240x64xf32, #tpu.memory_space<vmem_shared>>
      tpu.wait_indirect_dma semaphore(%run_scoped3A_10 : memref<!tpu.dma_semaphore, #tpu.memory_space<semaphore_mem>>) src(%dma_wait3A_20 : memref<128x64xf32, #tpu.memory_space<vmem>>) dst(%dma_wait3A_26 : memref<10240x64xf32, #tpu.memory_space<vmem_shared>>)
      tpu.yield
    }) : () -> ()
    %run_scoped3A_4 = arith.constant 2 : i32
    "tpu.region"() ({
      %run_scoped3A_10 = tpu.sem_alloc : memref<!tpu.dma_semaphore, #tpu.memory_space<semaphore_mem>>
      %dma_start3A = arith.constant 256 : i32
      %dma_start3A_11 = arith.constant 0 : i32
      %dma_start3A_12 = tpu.memref_slice %arg7[%dma_start3A, %dma_start3A_11] : memref<640x64xf32, #tpu.memory_space<vmem>> -> memref<128x64xf32, #tpu.memory_space<vmem>>
      %dma_start3A_13 = arith.constant 0 : i32
      %dma_start3A_14 = tpu.memref_slice %arg6[%run_scoped3A_4, %dma_start3A_13] : memref<5x128xi32, #tpu.memory_space<vmem>> -> memref<1x128xi32, #tpu.memory_space<vmem>>
      %dma_start3A_15 = tpu.memref_squeeze %dma_start3A_14 : memref<1x128xi32, #tpu.memory_space<vmem>> -> memref<128xi32, #tpu.memory_space<vmem>>
      %dma_start3A_16 = arith.constant 0 : i32
      %dma_start3A_17 = arith.constant 0 : i32
      %dma_start3A_18 = tpu.memref_slice %arg8[%dma_start3A_16, %dma_start3A_17] : memref<10240x64xf32, #tpu.memory_space<vmem_shared>> -> memref<10240x64xf32, #tpu.memory_space<vmem_shared>>
      tpu.enqueue_indirect_dma source(%dma_start3A_12 : memref<128x64xf32, #tpu.memory_space<vmem>>) target(%dma_start3A_18 : memref<10240x64xf32, #tpu.memory_space<vmem_shared>>) offsets(%dma_start3A_15 : memref<128xi32, #tpu.memory_space<vmem>>) semaphore(%run_scoped3A_10 : memref<!tpu.dma_semaphore, #tpu.memory_space<semaphore_mem>>) {add = true}
      %dma_wait3A = arith.constant 256 : i32
      %dma_wait3A_19 = arith.constant 0 : i32
      %dma_wait3A_20 = tpu.memref_slice %arg7[%dma_wait3A, %dma_wait3A_19] : memref<640x64xf32, #tpu.memory_space<vmem>> -> memref<128x64xf32, #tpu.memory_space<vmem>>
      %dma_wait3A_21 = arith.constant 0 : i32
      %dma_wait3A_22 = tpu.memref_slice %arg6[%run_scoped3A_4, %dma_wait3A_21] : memref<5x128xi32, #tpu.memory_space<vmem>> -> memref<1x128xi32, #tpu.memory_space<vmem>>
      %dma_wait3A_23 = tpu.memref_squeeze %dma_wait3A_22 : memref<1x128xi32, #tpu.memory_space<vmem>> -> memref<128xi32, #tpu.memory_space<vmem>>
      %dma_wait3A_24 = arith.constant 0 : i32
      %dma_wait3A_25 = arith.constant 0 : i32
      %dma_wait3A_26 = tpu.memref_slice %arg8[%dma_wait3A_24, %dma_wait3A_25] : memref<10240x64xf32, #tpu.memory_space<vmem_shared>> -> memref<10240x64xf32, #tpu.memory_space<vmem_shared>>
      tpu.wait_indirect_dma semaphore(%run_scoped3A_10 : memref<!tpu.dma_semaphore, #tpu.memory_space<semaphore_mem>>) src(%dma_wait3A_20 : memref<128x64xf32, #tpu.memory_space<vmem>>) dst(%dma_wait3A_26 : memref<10240x64xf32, #tpu.memory_space<vmem_shared>>)
      tpu.yield
    }) : () -> ()
    %run_scoped3A_5 = arith.constant 3 : i32
    "tpu.region"() ({
      %run_scoped3A_10 = tpu.sem_alloc : memref<!tpu.dma_semaphore, #tpu.memory_space<semaphore_mem>>
      %dma_start3A = arith.constant 384 : i32
      %dma_start3A_11 = arith.constant 0 : i32
      %dma_start3A_12 = tpu.memref_slice %arg7[%dma_start3A, %dma_start3A_11] : memref<640x64xf32, #tpu.memory_space<vmem>> -> memref<128x64xf32, #tpu.memory_space<vmem>>
      %dma_start3A_13 = arith.constant 0 : i32
      %dma_start3A_14 = tpu.memref_slice %arg6[%run_scoped3A_5, %dma_start3A_13] : memref<5x128xi32, #tpu.memory_space<vmem>> -> memref<1x128xi32, #tpu.memory_space<vmem>>
      %dma_start3A_15 = tpu.memref_squeeze %dma_start3A_14 : memref<1x128xi32, #tpu.memory_space<vmem>> -> memref<128xi32, #tpu.memory_space<vmem>>
      %dma_start3A_16 = arith.constant 0 : i32
      %dma_start3A_17 = arith.constant 0 : i32
      %dma_start3A_18 = tpu.memref_slice %arg8[%dma_start3A_16, %dma_start3A_17] : memref<10240x64xf32, #tpu.memory_space<vmem_shared>> -> memref<10240x64xf32, #tpu.memory_space<vmem_shared>>
      tpu.enqueue_indirect_dma source(%dma_start3A_12 : memref<128x64xf32, #tpu.memory_space<vmem>>) target(%dma_start3A_18 : memref<10240x64xf32, #tpu.memory_space<vmem_shared>>) offsets(%dma_start3A_15 : memref<128xi32, #tpu.memory_space<vmem>>) semaphore(%run_scoped3A_10 : memref<!tpu.dma_semaphore, #tpu.memory_space<semaphore_mem>>) {add = true}
      %dma_wait3A = arith.constant 384 : i32
      %dma_wait3A_19 = arith.constant 0 : i32
      %dma_wait3A_20 = tpu.memref_slice %arg7[%dma_wait3A, %dma_wait3A_19] : memref<640x64xf32, #tpu.memory_space<vmem>> -> memref<128x64xf32, #tpu.memory_space<vmem>>
      %dma_wait3A_21 = arith.constant 0 : i32
      %dma_wait3A_22 = tpu.memref_slice %arg6[%run_scoped3A_5, %dma_wait3A_21] : memref<5x128xi32, #tpu.memory_space<vmem>> -> memref<1x128xi32, #tpu.memory_space<vmem>>
      %dma_wait3A_23 = tpu.memref_squeeze %dma_wait3A_22 : memref<1x128xi32, #tpu.memory_space<vmem>> -> memref<128xi32, #tpu.memory_space<vmem>>
      %dma_wait3A_24 = arith.constant 0 : i32
      %dma_wait3A_25 = arith.constant 0 : i32
      %dma_wait3A_26 = tpu.memref_slice %arg8[%dma_wait3A_24, %dma_wait3A_25] : memref<10240x64xf32, #tpu.memory_space<vmem_shared>> -> memref<10240x64xf32, #tpu.memory_space<vmem_shared>>
      tpu.wait_indirect_dma semaphore(%run_scoped3A_10 : memref<!tpu.dma_semaphore, #tpu.memory_space<semaphore_mem>>) src(%dma_wait3A_20 : memref<128x64xf32, #tpu.memory_space<vmem>>) dst(%dma_wait3A_26 : memref<10240x64xf32, #tpu.memory_space<vmem_shared>>)
      tpu.yield
    }) : () -> ()
    %run_scoped3A_6 = arith.constant 4 : i32
    "tpu.region"() ({
      %run_scoped3A_10 = tpu.sem_alloc : memref<!tpu.dma_semaphore, #tpu.memory_space<semaphore_mem>>
      %dma_start3A = arith.constant 512 : i32
      %dma_start3A_11 = arith.constant 0 : i32
      %dma_start3A_12 = tpu.memref_slice %arg7[%dma_start3A, %dma_start3A_11] : memref<640x64xf32, #tpu.memory_space<vmem>> -> memref<128x64xf32, #tpu.memory_space<vmem>>
      %dma_start3A_13 = arith.constant 0 : i32
      %dma_start3A_14 = tpu.memref_slice %arg6[%run_scoped3A_6, %dma_start3A_13] : memref<5x128xi32, #tpu.memory_space<vmem>> -> memref<1x128xi32, #tpu.memory_space<vmem>>
      %dma_start3A_15 = tpu.memref_squeeze %dma_start3A_14 : memref<1x128xi32, #tpu.memory_space<vmem>> -> memref<128xi32, #tpu.memory_space<vmem>>
      %dma_start3A_16 = arith.constant 0 : i32
      %dma_start3A_17 = arith.constant 0 : i32
      %dma_start3A_18 = tpu.memref_slice %arg8[%dma_start3A_16, %dma_start3A_17] : memref<10240x64xf32, #tpu.memory_space<vmem_shared>> -> memref<10240x64xf32, #tpu.memory_space<vmem_shared>>
      tpu.enqueue_indirect_dma source(%dma_start3A_12 : memref<128x64xf32, #tpu.memory_space<vmem>>) target(%dma_start3A_18 : memref<10240x64xf32, #tpu.memory_space<vmem_shared>>) offsets(%dma_start3A_15 : memref<128xi32, #tpu.memory_space<vmem>>) semaphore(%run_scoped3A_10 : memref<!tpu.dma_semaphore, #tpu.memory_space<semaphore_mem>>) {add = true}
      %dma_wait3A = arith.constant 512 : i32
      %dma_wait3A_19 = arith.constant 0 : i32
      %dma_wait3A_20 = tpu.memref_slice %arg7[%dma_wait3A, %dma_wait3A_19] : memref<640x64xf32, #tpu.memory_space<vmem>> -> memref<128x64xf32, #tpu.memory_space<vmem>>
      %dma_wait3A_21 = arith.constant 0 : i32
      %dma_wait3A_22 = tpu.memref_slice %arg6[%run_scoped3A_6, %dma_wait3A_21] : memref<5x128xi32, #tpu.memory_space<vmem>> -> memref<1x128xi32, #tpu.memory_space<vmem>>
      %dma_wait3A_23 = tpu.memref_squeeze %dma_wait3A_22 : memref<1x128xi32, #tpu.memory_space<vmem>> -> memref<128xi32, #tpu.memory_space<vmem>>
      %dma_wait3A_24 = arith.constant 0 : i32
      %dma_wait3A_25 = arith.constant 0 : i32
      %dma_wait3A_26 = tpu.memref_slice %arg8[%dma_wait3A_24, %dma_wait3A_25] : memref<10240x64xf32, #tpu.memory_space<vmem_shared>> -> memref<10240x64xf32, #tpu.memory_space<vmem_shared>>
      tpu.wait_indirect_dma semaphore(%run_scoped3A_10 : memref<!tpu.dma_semaphore, #tpu.memory_space<semaphore_mem>>) src(%dma_wait3A_20 : memref<128x64xf32, #tpu.memory_space<vmem>>) dst(%dma_wait3A_26 : memref<10240x64xf32, #tpu.memory_space<vmem_shared>>)
      tpu.yield
    }) : () -> ()
    %barrier3A_7 = arith.constant 0 : index
    tpu.barrier barrier_id(%barrier3A_7)
    %mul3A_8 = arith.constant 640 : i32
    %mul3A_9 = arith.muli %arg1, %mul3A_8 : i32
    "tpu.region"() ({
      %run_scoped3A_10 = tpu.sem_alloc : memref<!tpu.dma_semaphore, #tpu.memory_space<semaphore_mem>>
      %dma_start3A = arith.constant 0 : i32
      %dma_start3A_11 = arith.constant 0 : i32
      %dma_start3A_12 = tpu.memref_slice %arg5[%arg0, %arg1, %dma_start3A, %dma_start3A_11] : memref<2x16x640x64xf32, #tpu.memory_space<hbm>> -> memref<1x1x640x64xf32, #tpu.memory_space<hbm>>
      %dma_start3A_13 = tpu.memref_squeeze %dma_start3A_12 : memref<1x1x640x64xf32, #tpu.memory_space<hbm>> -> memref<640x64xf32, #tpu.memory_space<hbm>>
      %dma_start3A_14 = arith.constant 0 : i32
      %dma_start3A_15 = tpu.memref_slice %arg8[%mul3A_9, %dma_start3A_14] : memref<10240x64xf32, #tpu.memory_space<vmem_shared>> -> memref<640x64xf32, #tpu.memory_space<vmem_shared>>
      tpu.enqueue_dma source(%dma_start3A_15 : memref<640x64xf32, #tpu.memory_space<vmem_shared>>) target(%dma_start3A_13 : memref<640x64xf32, #tpu.memory_space<hbm>>) target_semaphore(%run_scoped3A_10 : memref<!tpu.dma_semaphore, #tpu.memory_space<semaphore_mem>>)
      %dma_wait3A = arith.constant 0 : i32
      %dma_wait3A_16 = arith.constant 0 : i32
      %dma_wait3A_17 = tpu.memref_slice %arg5[%arg0, %arg1, %dma_wait3A, %dma_wait3A_16] : memref<2x16x640x64xf32, #tpu.memory_space<hbm>> -> memref<1x1x640x64xf32, #tpu.memory_space<hbm>>
      %dma_wait3A_18 = tpu.memref_squeeze %dma_wait3A_17 : memref<1x1x640x64xf32, #tpu.memory_space<hbm>> -> memref<640x64xf32, #tpu.memory_space<hbm>>
      %dma_wait3A_19 = arith.constant 0 : i32
      %dma_wait3A_20 = tpu.memref_slice %arg8[%mul3A_9, %dma_wait3A_19] : memref<10240x64xf32, #tpu.memory_space<vmem_shared>> -> memref<640x64xf32, #tpu.memory_space<vmem_shared>>
      tpu.wait_dma2 semaphore(%run_scoped3A_10 : memref<!tpu.dma_semaphore, #tpu.memory_space<semaphore_mem>>) src(%dma_wait3A_20 : memref<640x64xf32, #tpu.memory_space<vmem_shared>>) dst(%dma_wait3A_18 : memref<640x64xf32, #tpu.memory_space<hbm>>)
      tpu.yield
    }) : () -> ()
    return
  }
}

module attributes {stable_mosaic.version = 14 : i64} {
  func.func @_tc_pre_body(%arg0: i32, %arg1: memref<512x11xf32, #tpu.memory_space<vmem>>, %arg2: memref<11x64xf32, #tpu.memory_space<vmem>>, %arg3: memref<1x64xf32, #tpu.memory_space<vmem>>, %arg4: memref<512x64xf32, #tpu.memory_space<vmem>>) attributes {dimension_semantics = [#tpu.dimension_semantics<arbitrary>], iteration_bounds = array<i64: 20>, scalar_prefetch = 0 : i64, scratch_operands = 0 : i64, tpu.core_type = #tpu.core_type<tc>, window_params = [{transform_indices = @transform_0, window_bounds = array<i64: 512, 11>}, {pipeline_mode = #tpu.pipeline_mode<synchronous>, transform_indices = @transform_1, window_bounds = array<i64: 11, 64>}, {pipeline_mode = #tpu.pipeline_mode<synchronous>, transform_indices = @transform_2, window_bounds = array<i64: 1, 64>}, {transform_indices = @transform_3, window_bounds = array<i64: 512, 64>}]} {
    %get3A = arith.constant 0 : index
    %get3A_0 = arith.constant 0 : index
    %get3A_1 = vector.load %arg1[%get3A, %get3A_0] : memref<512x11xf32, #tpu.memory_space<vmem>>, vector<512x11xf32>
    %get3A_2 = arith.constant 0 : index
    %get3A_3 = arith.constant 0 : index
    %get3A_4 = vector.load %arg2[%get3A_2, %get3A_3] : memref<11x64xf32, #tpu.memory_space<vmem>>, vector<11x64xf32>
    %dot_general3A = arith.constant dense<0.000000e+00> : vector<512x64xf32>
    %dot_general3A_5 = tpu.matmul %get3A_1, %get3A_4, %dot_general3A {dimension_numbers = #tpu.dot_dimension_numbers<[1], [0], [0], [1], [0, 0, 1, 1], [], []>, transpose_lhs_hint = false} : vector<512x11xf32>, vector<11x64xf32>, vector<512x64xf32> -> vector<512x64xf32>
    %get3A_6 = arith.constant 0 : index
    %get3A_7 = arith.constant 0 : index
    %get3A_8 = vector.load %arg3[%get3A_6, %get3A_7] : memref<1x64xf32, #tpu.memory_space<vmem>>, vector<1x64xf32>
    %add3A = vector.broadcast %get3A_8 : vector<1x64xf32> to vector<512x64xf32>
    %add3A_9 = arith.addf %dot_general3A_5, %add3A : vector<512x64xf32>
    %max3A = arith.constant 0.000000e+00 : f32
    %max3A_10 = vector.broadcast %max3A : f32 to vector<512x64xf32>
    %max3A_11 = arith.maximumf %add3A_9, %max3A_10 : vector<512x64xf32>
    %swap3A = arith.constant 0 : index
    %swap3A_12 = arith.constant 0 : index
    %swap3A_13 = vector.load %arg4[%swap3A, %swap3A_12] : memref<512x64xf32, #tpu.memory_space<vmem>>, vector<512x64xf32>
    tpu.vector_store %arg4[%swap3A, %swap3A_12], %max3A_11 {strides = array<i32>} : memref<512x64xf32, #tpu.memory_space<vmem>>, vector<512x64xf32>,
    return
  }
  func.func @transform_0(%arg0: i32) -> (i32, i32) {
    %c0_i32 = arith.constant 0 : i32
    %c0_i32_0 = arith.constant 0 : i32
    return %arg0, %c0_i32 : i32, i32
  }
  func.func @transform_1(%arg0: i32) -> (i32, i32) {
    %c0_i32 = arith.constant 0 : i32
    %c0_i32_0 = arith.constant 0 : i32
    %c0_i32_1 = arith.constant 0 : i32
    return %c0_i32, %c0_i32_0 : i32, i32
  }
  func.func @transform_2(%arg0: i32) -> (i32, i32) {
    %c0_i32 = arith.constant 0 : i32
    %c0_i32_0 = arith.constant 0 : i32
    %c0_i32_1 = arith.constant 0 : i32
    return %c0_i32, %c0_i32_0 : i32, i32
  }
  func.func @transform_3(%arg0: i32) -> (i32, i32) {
    %c0_i32 = arith.constant 0 : i32
    %c0_i32_0 = arith.constant 0 : i32
    return %arg0, %c0_i32 : i32, i32
  }
}

module attributes {stable_mosaic.version = 14 : i64} {
  func.func @_tc_msg_body(%arg0: i32, %arg1: memref<512x5xf32, #tpu.memory_space<vmem>>, %arg2: memref<512x64xf32, #tpu.memory_space<vmem>>, %arg3: memref<5x128xf32, #tpu.memory_space<vmem>>, %arg4: memref<1x128xf32, #tpu.memory_space<vmem>>, %arg5: memref<128x4096xbf16, #tpu.memory_space<vmem>>, %arg6: memref<64x64xf32, #tpu.memory_space<vmem>>, %arg7: memref<64x4096xbf16, #tpu.memory_space<vmem>>, %arg8: memref<512x64xf32, #tpu.memory_space<vmem>>) attributes {dimension_semantics = [#tpu.dimension_semantics<arbitrary>], iteration_bounds = array<i64: 40>, scalar_prefetch = 0 : i64, scratch_operands = 0 : i64, tpu.core_type = #tpu.core_type<tc>, window_params = [{transform_indices = @transform_0, window_bounds = array<i64: 512, 5>}, {transform_indices = @transform_1, window_bounds = array<i64: 512, 64>}, {pipeline_mode = #tpu.pipeline_mode<synchronous>, transform_indices = @transform_2, window_bounds = array<i64: 5, 128>}, {pipeline_mode = #tpu.pipeline_mode<synchronous>, transform_indices = @transform_3, window_bounds = array<i64: 1, 128>}, {pipeline_mode = #tpu.pipeline_mode<synchronous>, transform_indices = @transform_4, window_bounds = array<i64: 128, 4096>}, {pipeline_mode = #tpu.pipeline_mode<synchronous>, transform_indices = @transform_5, window_bounds = array<i64: 64, 64>}, {pipeline_mode = #tpu.pipeline_mode<synchronous>, transform_indices = @transform_6, window_bounds = array<i64: 64, 4096>}, {transform_indices = @transform_7, window_bounds = array<i64: 512, 64>}]} {
    %get3A = arith.constant 0 : index
    %get3A_0 = arith.constant 0 : index
    %get3A_1 = vector.load %arg1[%get3A, %get3A_0] : memref<512x5xf32, #tpu.memory_space<vmem>>, vector<512x5xf32>
    %get3A_2 = arith.constant 0 : index
    %get3A_3 = arith.constant 0 : index
    %get3A_4 = vector.load %arg3[%get3A_2, %get3A_3] : memref<5x128xf32, #tpu.memory_space<vmem>>, vector<5x128xf32>
    %dot_general3A = arith.constant dense<0.000000e+00> : vector<512x128xf32>
    %dot_general3A_5 = tpu.matmul %get3A_1, %get3A_4, %dot_general3A {dimension_numbers = #tpu.dot_dimension_numbers<[1], [0], [0], [1], [0, 0, 1, 1], [], []>, transpose_lhs_hint = false} : vector<512x5xf32>, vector<5x128xf32>, vector<512x128xf32> -> vector<512x128xf32>
    %get3A_6 = arith.constant 0 : index
    %get3A_7 = arith.constant 0 : index
    %get3A_8 = vector.load %arg4[%get3A_6, %get3A_7] : memref<1x128xf32, #tpu.memory_space<vmem>>, vector<1x128xf32>
    %add3A = vector.broadcast %get3A_8 : vector<1x128xf32> to vector<512x128xf32>
    %add3A_9 = arith.addf %dot_general3A_5, %add3A : vector<512x128xf32>
    %max3A = arith.constant 0.000000e+00 : f32
    %max3A_10 = vector.broadcast %max3A : f32 to vector<512x128xf32>
    %max3A_11 = arith.maximumf %add3A_9, %max3A_10 : vector<512x128xf32>
    %convert_element_type3A = arith.truncf %max3A_11 : vector<512x128xf32> to vector<512x128xbf16>
    %get3A_12 = arith.constant 0 : index
    %get3A_13 = arith.constant 0 : index
    %get3A_14 = vector.load %arg5[%get3A_12, %get3A_13] : memref<128x4096xbf16, #tpu.memory_space<vmem>>, vector<128x4096xbf16>
    %dot_general3A_15 = arith.constant dense<0.000000e+00> : vector<512x4096xf32>
    %dot_general3A_16 = tpu.matmul %convert_element_type3A, %get3A_14, %dot_general3A_15 {dimension_numbers = #tpu.dot_dimension_numbers<[1], [0], [0], [1], [0, 0, 1, 1], [], []>, transpose_lhs_hint = false} : vector<512x128xbf16>, vector<128x4096xbf16>, vector<512x4096xf32> -> vector<512x4096xf32>
    %get3A_17 = arith.constant 0 : index
    %get3A_18 = arith.constant 0 : index
    %get3A_19 = vector.load %arg2[%get3A_17, %get3A_18] : memref<512x64xf32, #tpu.memory_space<vmem>>, vector<512x64xf32>
    %convert_element_type3A_20 = arith.truncf %get3A_19 : vector<512x64xf32> to vector<512x64xbf16>
    %get3A_21 = arith.constant 0 : index
    %get3A_22 = arith.constant 0 : index
    %get3A_23 = vector.load %arg7[%get3A_21, %get3A_22] : memref<64x4096xbf16, #tpu.memory_space<vmem>>, vector<64x4096xbf16>
    %dot_general3A_24 = arith.constant dense<0.000000e+00> : vector<512x4096xf32>
    %dot_general3A_25 = tpu.matmul %convert_element_type3A_20, %get3A_23, %dot_general3A_24 {dimension_numbers = #tpu.dot_dimension_numbers<[1], [0], [0], [1], [0, 0, 1, 1], [], []>, transpose_lhs_hint = false} : vector<512x64xbf16>, vector<64x4096xbf16>, vector<512x4096xf32> -> vector<512x4096xf32>
    %mul3A = arith.mulf %dot_general3A_25, %dot_general3A_16 : vector<512x4096xf32>
    %slice3A = vector.extract_strided_slice %mul3A {offsets = [0, 0], sizes = [512, 2048], strides = [1, 1]} : vector<512x4096xf32> to vector<512x2048xf32>
    %slice3A_26 = vector.extract_strided_slice %mul3A {offsets = [0, 2048], sizes = [512, 2048], strides = [1, 1]} : vector<512x4096xf32> to vector<512x2048xf32>
    %add3A_27 = arith.addf %slice3A, %slice3A_26 : vector<512x2048xf32>
    %slice3A_28 = vector.extract_strided_slice %add3A_27 {offsets = [0, 0], sizes = [512, 1024], strides = [1, 1]} : vector<512x2048xf32> to vector<512x1024xf32>
    %slice3A_29 = vector.extract_strided_slice %add3A_27 {offsets = [0, 1024], sizes = [512, 1024], strides = [1, 1]} : vector<512x2048xf32> to vector<512x1024xf32>
    %add3A_30 = arith.addf %slice3A_28, %slice3A_29 : vector<512x1024xf32>
    %slice3A_31 = vector.extract_strided_slice %add3A_30 {offsets = [0, 0], sizes = [512, 512], strides = [1, 1]} : vector<512x1024xf32> to vector<512x512xf32>
    %slice3A_32 = vector.extract_strided_slice %add3A_30 {offsets = [0, 512], sizes = [512, 512], strides = [1, 1]} : vector<512x1024xf32> to vector<512x512xf32>
    %add3A_33 = arith.addf %slice3A_31, %slice3A_32 : vector<512x512xf32>
    %slice3A_34 = vector.extract_strided_slice %add3A_33 {offsets = [0, 0], sizes = [512, 256], strides = [1, 1]} : vector<512x512xf32> to vector<512x256xf32>
    %slice3A_35 = vector.extract_strided_slice %add3A_33 {offsets = [0, 256], sizes = [512, 256], strides = [1, 1]} : vector<512x512xf32> to vector<512x256xf32>
    %add3A_36 = arith.addf %slice3A_34, %slice3A_35 : vector<512x256xf32>
    %slice3A_37 = vector.extract_strided_slice %add3A_36 {offsets = [0, 0], sizes = [512, 128], strides = [1, 1]} : vector<512x256xf32> to vector<512x128xf32>
    %slice3A_38 = vector.extract_strided_slice %add3A_36 {offsets = [0, 128], sizes = [512, 128], strides = [1, 1]} : vector<512x256xf32> to vector<512x128xf32>
    %add3A_39 = arith.addf %slice3A_37, %slice3A_38 : vector<512x128xf32>
    %slice3A_40 = vector.extract_strided_slice %add3A_39 {offsets = [0, 0], sizes = [512, 64], strides = [1, 1]} : vector<512x128xf32> to vector<512x64xf32>
    %slice3A_41 = vector.extract_strided_slice %add3A_39 {offsets = [0, 64], sizes = [512, 64], strides = [1, 1]} : vector<512x128xf32> to vector<512x64xf32>
    %add3A_42 = arith.addf %slice3A_40, %slice3A_41 : vector<512x64xf32>
    %get3A_43 = arith.constant 0 : index
    %get3A_44 = arith.constant 0 : index
    %get3A_45 = vector.load %arg6[%get3A_43, %get3A_44] : memref<64x64xf32, #tpu.memory_space<vmem>>, vector<64x64xf32>
    %dot_general3A_46 = arith.constant dense<0.000000e+00> : vector<512x64xf32>
    %dot_general3A_47 = tpu.matmul %get3A_19, %get3A_45, %dot_general3A_46 {dimension_numbers = #tpu.dot_dimension_numbers<[1], [0], [0], [1], [0, 0, 1, 1], [], []>, transpose_lhs_hint = false} : vector<512x64xf32>, vector<64x64xf32>, vector<512x64xf32> -> vector<512x64xf32>
    %add3A_48 = arith.addf %add3A_42, %dot_general3A_47 : vector<512x64xf32>
    %swap3A = arith.constant 0 : index
    %swap3A_49 = arith.constant 0 : index
    %swap3A_50 = vector.load %arg8[%swap3A, %swap3A_49] : memref<512x64xf32, #tpu.memory_space<vmem>>, vector<512x64xf32>
    tpu.vector_store %arg8[%swap3A, %swap3A_49], %add3A_48 {strides = array<i32>} : memref<512x64xf32, #tpu.memory_space<vmem>>, vector<512x64xf32>,
    return
  }
  func.func @transform_0(%arg0: i32) -> (i32, i32) {
    %c0_i32 = arith.constant 0 : i32
    %c0_i32_0 = arith.constant 0 : i32
    return %arg0, %c0_i32 : i32, i32
  }
  func.func @transform_1(%arg0: i32) -> (i32, i32) {
    %c0_i32 = arith.constant 0 : i32
    %c0_i32_0 = arith.constant 0 : i32
    return %arg0, %c0_i32 : i32, i32
  }
  func.func @transform_2(%arg0: i32) -> (i32, i32) {
    %c0_i32 = arith.constant 0 : i32
    %c0_i32_0 = arith.constant 0 : i32
    %c0_i32_1 = arith.constant 0 : i32
    return %c0_i32, %c0_i32_0 : i32, i32
  }
  func.func @transform_3(%arg0: i32) -> (i32, i32) {
    %c0_i32 = arith.constant 0 : i32
    %c0_i32_0 = arith.constant 0 : i32
    %c0_i32_1 = arith.constant 0 : i32
    return %c0_i32, %c0_i32_0 : i32, i32
  }
  func.func @transform_4(%arg0: i32) -> (i32, i32) {
    %c0_i32 = arith.constant 0 : i32
    %c0_i32_0 = arith.constant 0 : i32
    %c0_i32_1 = arith.constant 0 : i32
    return %c0_i32, %c0_i32_0 : i32, i32
  }
  func.func @transform_5(%arg0: i32) -> (i32, i32) {
    %c0_i32 = arith.constant 0 : i32
    %c0_i32_0 = arith.constant 0 : i32
    %c0_i32_1 = arith.constant 0 : i32
    return %c0_i32, %c0_i32_0 : i32, i32
  }
  func.func @transform_6(%arg0: i32) -> (i32, i32) {
    %c0_i32 = arith.constant 0 : i32
    %c0_i32_0 = arith.constant 0 : i32
    %c0_i32_1 = arith.constant 0 : i32
    return %c0_i32, %c0_i32_0 : i32, i32
  }
  func.func @transform_7(%arg0: i32) -> (i32, i32) {
    %c0_i32 = arith.constant 0 : i32
    %c0_i32_0 = arith.constant 0 : i32
    return %arg0, %c0_i32 : i32, i32
  }
}

module attributes {stable_mosaic.version = 14 : i64} {
  func.func @_tc_node_body(%arg0: i32, %arg1: memref<512x64xf32, #tpu.memory_space<vmem>>, %arg2: memref<512x64xf32, #tpu.memory_space<vmem>>, %arg3: memref<512x16xf32, #tpu.memory_space<vmem>>, %arg4: memref<512x16xf32, #tpu.memory_space<vmem>>, %arg5: memref<512x64xf32, #tpu.memory_space<vmem>>, %arg6: memref<64x64xf32, #tpu.memory_space<vmem>>, %arg7: memref<1x64xf32, #tpu.memory_space<vmem>>, %arg8: memref<64x64xf32, #tpu.memory_space<vmem>>, %arg9: memref<64x64xf32, #tpu.memory_space<vmem>>, %arg10: memref<64x64xf32, #tpu.memory_space<vmem>>, %arg11: memref<64x64xf32, #tpu.memory_space<vmem>>, %arg12: memref<64x64xf32, #tpu.memory_space<vmem>>, %arg13: memref<64x64xf32, #tpu.memory_space<vmem>>, %arg14: memref<1x64xf32, #tpu.memory_space<vmem>>, %arg15: memref<1x64xf32, #tpu.memory_space<vmem>>, %arg16: memref<1x64xf32, #tpu.memory_space<vmem>>, %arg17: memref<1x64xf32, #tpu.memory_space<vmem>>, %arg18: memref<1x64xf32, #tpu.memory_space<vmem>>, %arg19: memref<1x64xf32, #tpu.memory_space<vmem>>, %arg20: memref<512x64xf32, #tpu.memory_space<vmem>>) attributes {dimension_semantics = [#tpu.dimension_semantics<arbitrary>], iteration_bounds = array<i64: 20>, scalar_prefetch = 0 : i64, scratch_operands = 0 : i64, tpu.core_type = #tpu.core_type<tc>, window_params = [{transform_indices = @transform_0, window_bounds = array<i64: 512, 64>}, {transform_indices = @transform_1, window_bounds = array<i64: 512, 64>}, {transform_indices = @transform_2, window_bounds = array<i64: 512, 16>}, {transform_indices = @transform_3, window_bounds = array<i64: 512, 16>}, {transform_indices = @transform_4, window_bounds = array<i64: 512, 64>}, {pipeline_mode = #tpu.pipeline_mode<synchronous>, transform_indices = @transform_5, window_bounds = array<i64: 64, 64>}, {pipeline_mode = #tpu.pipeline_mode<synchronous>, transform_indices = @transform_6, window_bounds = array<i64: 1, 64>}, {pipeline_mode = #tpu.pipeline_mode<synchronous>, transform_indices = @transform_7, window_bounds = array<i64: 64, 64>}, {pipeline_mode = #tpu.pipeline_mode<synchronous>, transform_indices = @transform_8, window_bounds = array<i64: 64, 64>}, {pipeline_mode = #tpu.pipeline_mode<synchronous>, transform_indices = @transform_9, window_bounds = array<i64: 64, 64>}, {pipeline_mode = #tpu.pipeline_mode<synchronous>, transform_indices = @transform_10, window_bounds = array<i64: 64, 64>}, {pipeline_mode = #tpu.pipeline_mode<synchronous>, transform_indices = @transform_11, window_bounds = array<i64: 64, 64>}, {pipeline_mode = #tpu.pipeline_mode<synchronous>, transform_indices = @transform_12, window_bounds = array<i64: 64, 64>}, {pipeline_mode = #tpu.pipeline_mode<synchronous>, transform_indices = @transform_13, window_bounds = array<i64: 1, 64>}, {pipeline_mode = #tpu.pipeline_mode<synchronous>, transform_indices = @transform_14, window_bounds = array<i64: 1, 64>}, {pipeline_mode = #tpu.pipeline_mode<synchronous>, transform_indices = @transform_15, window_bounds = array<i64: 1, 64>}, {pipeline_mode = #tpu.pipeline_mode<synchronous>, transform_indices = @transform_16, window_bounds = array<i64: 1, 64>}, {pipeline_mode = #tpu.pipeline_mode<synchronous>, transform_indices = @transform_17, window_bounds = array<i64: 1, 64>}, {pipeline_mode = #tpu.pipeline_mode<synchronous>, transform_indices = @transform_18, window_bounds = array<i64: 1, 64>}, {transform_indices = @transform_19, window_bounds = array<i64: 512, 64>}]} {
    %get3A = arith.constant 0 : index
    %get3A_0 = arith.constant 0 : index
    %get3A_1 = vector.load %arg3[%get3A, %get3A_0] : memref<512x16xf32, #tpu.memory_space<vmem>>, vector<512x1xf32>
    %get3A_2 = arith.constant 0 : index
    %get3A_3 = arith.constant 0 : index
    %get3A_4 = vector.load %arg4[%get3A_2, %get3A_3] : memref<512x16xf32, #tpu.memory_space<vmem>>, vector<512x1xf32>
    %add3A = arith.addf %get3A_1, %get3A_4 : vector<512x1xf32>
    %max3A = arith.constant 1.000000e+00 : f32
    %max3A_5 = vector.broadcast %max3A : f32 to vector<512x1xf32>
    %max3A_6 = arith.maximumf %add3A, %max3A_5 : vector<512x1xf32>
    %div3A = arith.constant 1.000000e+00 : f32
    %div3A_7 = vector.broadcast %div3A : f32 to vector<512x1xf32>
    %div3A_8 = arith.divf %div3A_7, %max3A_6 : vector<512x1xf32>
    %get3A_9 = arith.constant 0 : index
    %get3A_10 = arith.constant 0 : index
    %get3A_11 = vector.load %arg1[%get3A_9, %get3A_10] : memref<512x64xf32, #tpu.memory_space<vmem>>, vector<512x64xf32>
    %get3A_12 = arith.constant 0 : index
    %get3A_13 = arith.constant 0 : index
    %get3A_14 = vector.load %arg2[%get3A_12, %get3A_13] : memref<512x64xf32, #tpu.memory_space<vmem>>, vector<512x64xf32>
    %add3A_15 = arith.addf %get3A_11, %get3A_14 : vector<512x64xf32>
    %mul3A = vector.broadcast %div3A_8 : vector<512x1xf32> to vector<512x64xf32>
    %mul3A_16 = arith.mulf %add3A_15, %mul3A : vector<512x64xf32>
    %get3A_17 = arith.constant 0 : index
    %get3A_18 = arith.constant 0 : index
    %get3A_19 = vector.load %arg5[%get3A_17, %get3A_18] : memref<512x64xf32, #tpu.memory_space<vmem>>, vector<512x64xf32>
    %get3A_20 = arith.constant 0 : index
    %get3A_21 = arith.constant 0 : index
    %get3A_22 = vector.load %arg6[%get3A_20, %get3A_21] : memref<64x64xf32, #tpu.memory_space<vmem>>, vector<64x64xf32>
    %dot_general3A = arith.constant dense<0.000000e+00> : vector<512x64xf32>
    %dot_general3A_23 = tpu.matmul %get3A_19, %get3A_22, %dot_general3A {dimension_numbers = #tpu.dot_dimension_numbers<[1], [0], [0], [1], [0, 0, 1, 1], [], []>, transpose_lhs_hint = false} : vector<512x64xf32>, vector<64x64xf32>, vector<512x64xf32> -> vector<512x64xf32>
    %add3A_24 = arith.addf %mul3A_16, %dot_general3A_23 : vector<512x64xf32>
    %get3A_25 = arith.constant 0 : index
    %get3A_26 = arith.constant 0 : index
    %get3A_27 = vector.load %arg7[%get3A_25, %get3A_26] : memref<1x64xf32, #tpu.memory_space<vmem>>, vector<1x64xf32>
    %add3A_28 = vector.broadcast %get3A_27 : vector<1x64xf32> to vector<512x64xf32>
    %add3A_29 = arith.addf %add3A_24, %add3A_28 : vector<512x64xf32>
    %max3A_30 = arith.constant 0.000000e+00 : f32
    %max3A_31 = vector.broadcast %max3A_30 : f32 to vector<512x64xf32>
    %max3A_32 = arith.maximumf %add3A_29, %max3A_31 : vector<512x64xf32>
    %get3A_33 = arith.constant 0 : index
    %get3A_34 = arith.constant 0 : index
    %get3A_35 = vector.load %arg8[%get3A_33, %get3A_34] : memref<64x64xf32, #tpu.memory_space<vmem>>, vector<64x64xf32>
    %dot_general3A_36 = arith.constant dense<0.000000e+00> : vector<512x64xf32>
    %dot_general3A_37 = tpu.matmul %max3A_32, %get3A_35, %dot_general3A_36 {dimension_numbers = #tpu.dot_dimension_numbers<[1], [0], [0], [1], [0, 0, 1, 1], [], []>, transpose_lhs_hint = false} : vector<512x64xf32>, vector<64x64xf32>, vector<512x64xf32> -> vector<512x64xf32>
    %get3A_38 = arith.constant 0 : index
    %get3A_39 = arith.constant 0 : index
    %get3A_40 = vector.load %arg14[%get3A_38, %get3A_39] : memref<1x64xf32, #tpu.memory_space<vmem>>, vector<1x64xf32>
    %add3A_41 = vector.broadcast %get3A_40 : vector<1x64xf32> to vector<512x64xf32>
    %add3A_42 = arith.addf %dot_general3A_37, %add3A_41 : vector<512x64xf32>
    %get3A_43 = arith.constant 0 : index
    %get3A_44 = arith.constant 0 : index
    %get3A_45 = vector.load %arg11[%get3A_43, %get3A_44] : memref<64x64xf32, #tpu.memory_space<vmem>>, vector<64x64xf32>
    %dot_general3A_46 = arith.constant dense<0.000000e+00> : vector<512x64xf32>
    %dot_general3A_47 = tpu.matmul %get3A_19, %get3A_45, %dot_general3A_46 {dimension_numbers = #tpu.dot_dimension_numbers<[1], [0], [0], [1], [0, 0, 1, 1], [], []>, transpose_lhs_hint = false} : vector<512x64xf32>, vector<64x64xf32>, vector<512x64xf32> -> vector<512x64xf32>
    %add3A_48 = arith.addf %add3A_42, %dot_general3A_47 : vector<512x64xf32>
    %get3A_49 = arith.constant 0 : index
    %get3A_50 = arith.constant 0 : index
    %get3A_51 = vector.load %arg17[%get3A_49, %get3A_50] : memref<1x64xf32, #tpu.memory_space<vmem>>, vector<1x64xf32>
    %add3A_52 = vector.broadcast %get3A_51 : vector<1x64xf32> to vector<512x64xf32>
    %add3A_53 = arith.addf %add3A_48, %add3A_52 : vector<512x64xf32>
    %logistic3A = arith.negf %add3A_53 : vector<512x64xf32>
    %logistic3A_54 = math.exp %logistic3A : vector<512x64xf32>
    %logistic3A_55 = arith.constant 1.000000e+00 : f32
    %logistic3A_56 = vector.broadcast %logistic3A_55 : f32 to vector<512x64xf32>
    %logistic3A_57 = arith.addf %logistic3A_56, %logistic3A_54 : vector<512x64xf32>
    %logistic3A_58 = arith.divf %logistic3A_56, %logistic3A_57 : vector<512x64xf32>
    %get3A_59 = arith.constant 0 : index
    %get3A_60 = arith.constant 0 : index
    %get3A_61 = vector.load %arg9[%get3A_59, %get3A_60] : memref<64x64xf32, #tpu.memory_space<vmem>>, vector<64x64xf32>
    %dot_general3A_62 = arith.constant dense<0.000000e+00> : vector<512x64xf32>
    %dot_general3A_63 = tpu.matmul %max3A_32, %get3A_61, %dot_general3A_62 {dimension_numbers = #tpu.dot_dimension_numbers<[1], [0], [0], [1], [0, 0, 1, 1], [], []>, transpose_lhs_hint = false} : vector<512x64xf32>, vector<64x64xf32>, vector<512x64xf32> -> vector<512x64xf32>
    %get3A_64 = arith.constant 0 : index
    %get3A_65 = arith.constant 0 : index
    %get3A_66 = vector.load %arg15[%get3A_64, %get3A_65] : memref<1x64xf32, #tpu.memory_space<vmem>>, vector<1x64xf32>
    %add3A_67 = vector.broadcast %get3A_66 : vector<1x64xf32> to vector<512x64xf32>
    %add3A_68 = arith.addf %dot_general3A_63, %add3A_67 : vector<512x64xf32>
    %get3A_69 = arith.constant 0 : index
    %get3A_70 = arith.constant 0 : index
    %get3A_71 = vector.load %arg12[%get3A_69, %get3A_70] : memref<64x64xf32, #tpu.memory_space<vmem>>, vector<64x64xf32>
    %dot_general3A_72 = arith.constant dense<0.000000e+00> : vector<512x64xf32>
    %dot_general3A_73 = tpu.matmul %get3A_19, %get3A_71, %dot_general3A_72 {dimension_numbers = #tpu.dot_dimension_numbers<[1], [0], [0], [1], [0, 0, 1, 1], [], []>, transpose_lhs_hint = false} : vector<512x64xf32>, vector<64x64xf32>, vector<512x64xf32> -> vector<512x64xf32>
    %add3A_74 = arith.addf %add3A_68, %dot_general3A_73 : vector<512x64xf32>
    %get3A_75 = arith.constant 0 : index
    %get3A_76 = arith.constant 0 : index
    %get3A_77 = vector.load %arg18[%get3A_75, %get3A_76] : memref<1x64xf32, #tpu.memory_space<vmem>>, vector<1x64xf32>
    %add3A_78 = vector.broadcast %get3A_77 : vector<1x64xf32> to vector<512x64xf32>
    %add3A_79 = arith.addf %add3A_74, %add3A_78 : vector<512x64xf32>
    %logistic3A_80 = arith.negf %add3A_79 : vector<512x64xf32>
    %logistic3A_81 = math.exp %logistic3A_80 : vector<512x64xf32>
    %logistic3A_82 = arith.constant 1.000000e+00 : f32
    %logistic3A_83 = vector.broadcast %logistic3A_82 : f32 to vector<512x64xf32>
    %logistic3A_84 = arith.addf %logistic3A_83, %logistic3A_81 : vector<512x64xf32>
    %logistic3A_85 = arith.divf %logistic3A_83, %logistic3A_84 : vector<512x64xf32>
    %get3A_86 = arith.constant 0 : index
    %get3A_87 = arith.constant 0 : index
    %get3A_88 = vector.load %arg10[%get3A_86, %get3A_87] : memref<64x64xf32, #tpu.memory_space<vmem>>, vector<64x64xf32>
    %dot_general3A_89 = arith.constant dense<0.000000e+00> : vector<512x64xf32>
    %dot_general3A_90 = tpu.matmul %max3A_32, %get3A_88, %dot_general3A_89 {dimension_numbers = #tpu.dot_dimension_numbers<[1], [0], [0], [1], [0, 0, 1, 1], [], []>, transpose_lhs_hint = false} : vector<512x64xf32>, vector<64x64xf32>, vector<512x64xf32> -> vector<512x64xf32>
    %get3A_91 = arith.constant 0 : index
    %get3A_92 = arith.constant 0 : index
    %get3A_93 = vector.load %arg16[%get3A_91, %get3A_92] : memref<1x64xf32, #tpu.memory_space<vmem>>, vector<1x64xf32>
    %add3A_94 = vector.broadcast %get3A_93 : vector<1x64xf32> to vector<512x64xf32>
    %add3A_95 = arith.addf %dot_general3A_90, %add3A_94 : vector<512x64xf32>
    %get3A_96 = arith.constant 0 : index
    %get3A_97 = arith.constant 0 : index
    %get3A_98 = vector.load %arg13[%get3A_96, %get3A_97] : memref<64x64xf32, #tpu.memory_space<vmem>>, vector<64x64xf32>
    %dot_general3A_99 = arith.constant dense<0.000000e+00> : vector<512x64xf32>
    %dot_general3A_100 = tpu.matmul %get3A_19, %get3A_98, %dot_general3A_99 {dimension_numbers = #tpu.dot_dimension_numbers<[1], [0], [0], [1], [0, 0, 1, 1], [], []>, transpose_lhs_hint = false} : vector<512x64xf32>, vector<64x64xf32>, vector<512x64xf32> -> vector<512x64xf32>
    %get3A_101 = arith.constant 0 : index
    %get3A_102 = arith.constant 0 : index
    %get3A_103 = vector.load %arg19[%get3A_101, %get3A_102] : memref<1x64xf32, #tpu.memory_space<vmem>>, vector<1x64xf32>
    %add3A_104 = vector.broadcast %get3A_103 : vector<1x64xf32> to vector<512x64xf32>
    %add3A_105 = arith.addf %dot_general3A_100, %add3A_104 : vector<512x64xf32>
    %mul3A_106 = arith.mulf %logistic3A_58, %add3A_105 : vector<512x64xf32>
    %add3A_107 = arith.addf %add3A_95, %mul3A_106 : vector<512x64xf32>
    %tanh3A = math.tanh %add3A_107 : vector<512x64xf32>
    %sub3A = arith.constant 1.000000e+00 : f32
    %sub3A_108 = vector.broadcast %sub3A : f32 to vector<512x64xf32>
    %sub3A_109 = arith.subf %sub3A_108, %logistic3A_85 : vector<512x64xf32>
    %mul3A_110 = arith.mulf %sub3A_109, %tanh3A : vector<512x64xf32>
    %mul3A_111 = arith.mulf %logistic3A_85, %get3A_19 : vector<512x64xf32>
    %add3A_112 = arith.addf %mul3A_110, %mul3A_111 : vector<512x64xf32>
    %swap3A = arith.constant 0 : index
    %swap3A_113 = arith.constant 0 : index
    %swap3A_114 = vector.load %arg20[%swap3A, %swap3A_113] : memref<512x64xf32, #tpu.memory_space<vmem>>, vector<512x64xf32>
    tpu.vector_store %arg20[%swap3A, %swap3A_113], %add3A_112 {strides = array<i32>} : memref<512x64xf32, #tpu.memory_space<vmem>>, vector<512x64xf32>,
    return
  }
  func.func @transform_0(%arg0: i32) -> (i32, i32) {
    %c0_i32 = arith.constant 0 : i32
    %c0_i32_0 = arith.constant 0 : i32
    return %arg0, %c0_i32 : i32, i32
  }
  func.func @transform_1(%arg0: i32) -> (i32, i32) {
    %c0_i32 = arith.constant 0 : i32
    %c0_i32_0 = arith.constant 0 : i32
    return %arg0, %c0_i32 : i32, i32
  }
  func.func @transform_2(%arg0: i32) -> (i32, i32) {
    %c0_i32 = arith.constant 0 : i32
    %c0_i32_0 = arith.constant 0 : i32
    return %arg0, %c0_i32 : i32, i32
  }
  func.func @transform_3(%arg0: i32) -> (i32, i32) {
    %c0_i32 = arith.constant 0 : i32
    %c0_i32_0 = arith.constant 0 : i32
    return %arg0, %c0_i32 : i32, i32
  }
  func.func @transform_4(%arg0: i32) -> (i32, i32) {
    %c0_i32 = arith.constant 0 : i32
    %c0_i32_0 = arith.constant 0 : i32
    return %arg0, %c0_i32 : i32, i32
  }
  func.func @transform_5(%arg0: i32) -> (i32, i32) {
    %c0_i32 = arith.constant 0 : i32
    %c0_i32_0 = arith.constant 0 : i32
    %c0_i32_1 = arith.constant 0 : i32
    return %c0_i32, %c0_i32_0 : i32, i32
  }
  func.func @transform_6(%arg0: i32) -> (i32, i32) {
    %c0_i32 = arith.constant 0 : i32
    %c0_i32_0 = arith.constant 0 : i32
    %c0_i32_1 = arith.constant 0 : i32
    return %c0_i32, %c0_i32_0 : i32, i32
  }
  func.func @transform_7(%arg0: i32) -> (i32, i32) {
    %c0_i32 = arith.constant 0 : i32
    %c0_i32_0 = arith.constant 0 : i32
    %c0_i32_1 = arith.constant 0 : i32
    return %c0_i32, %c0_i32_0 : i32, i32
  }
  func.func @transform_8(%arg0: i32) -> (i32, i32) {
    %c0_i32 = arith.constant 0 : i32
    %c0_i32_0 = arith.constant 0 : i32
    %c0_i32_1 = arith.constant 0 : i32
    return %c0_i32, %c0_i32_0 : i32, i32
  }
  func.func @transform_9(%arg0: i32) -> (i32, i32) {
    %c0_i32 = arith.constant 0 : i32
    %c0_i32_0 = arith.constant 0 : i32
    %c0_i32_1 = arith.constant 0 : i32
    return %c0_i32, %c0_i32_0 : i32, i32
  }
  func.func @transform_10(%arg0: i32) -> (i32, i32) {
    %c0_i32 = arith.constant 0 : i32
    %c0_i32_0 = arith.constant 0 : i32
    %c0_i32_1 = arith.constant 0 : i32
    return %c0_i32, %c0_i32_0 : i32, i32
  }
  func.func @transform_11(%arg0: i32) -> (i32, i32) {
    %c0_i32 = arith.constant 0 : i32
    %c0_i32_0 = arith.constant 0 : i32
    %c0_i32_1 = arith.constant 0 : i32
    return %c0_i32, %c0_i32_0 : i32, i32
  }
  func.func @transform_12(%arg0: i32) -> (i32, i32) {
    %c0_i32 = arith.constant 0 : i32
    %c0_i32_0 = arith.constant 0 : i32
    %c0_i32_1 = arith.constant 0 : i32
    return %c0_i32, %c0_i32_0 : i32, i32
  }
  func.func @transform_13(%arg0: i32) -> (i32, i32) {
    %c0_i32 = arith.constant 0 : i32
    %c0_i32_0 = arith.constant 0 : i32
    %c0_i32_1 = arith.constant 0 : i32
    return %c0_i32, %c0_i32_0 : i32, i32
  }
  func.func @transform_14(%arg0: i32) -> (i32, i32) {
    %c0_i32 = arith.constant 0 : i32
    %c0_i32_0 = arith.constant 0 : i32
    %c0_i32_1 = arith.constant 0 : i32
    return %c0_i32, %c0_i32_0 : i32, i32
  }
  func.func @transform_15(%arg0: i32) -> (i32, i32) {
    %c0_i32 = arith.constant 0 : i32
    %c0_i32_0 = arith.constant 0 : i32
    %c0_i32_1 = arith.constant 0 : i32
    return %c0_i32, %c0_i32_0 : i32, i32
  }
  func.func @transform_16(%arg0: i32) -> (i32, i32) {
    %c0_i32 = arith.constant 0 : i32
    %c0_i32_0 = arith.constant 0 : i32
    %c0_i32_1 = arith.constant 0 : i32
    return %c0_i32, %c0_i32_0 : i32, i32
  }
  func.func @transform_17(%arg0: i32) -> (i32, i32) {
    %c0_i32 = arith.constant 0 : i32
    %c0_i32_0 = arith.constant 0 : i32
    %c0_i32_1 = arith.constant 0 : i32
    return %c0_i32, %c0_i32_0 : i32, i32
  }
  func.func @transform_18(%arg0: i32) -> (i32, i32) {
    %c0_i32 = arith.constant 0 : i32
    %c0_i32_0 = arith.constant 0 : i32
    %c0_i32_1 = arith.constant 0 : i32
    return %c0_i32, %c0_i32_0 : i32, i32
  }
  func.func @transform_19(%arg0: i32) -> (i32, i32) {
    %c0_i32 = arith.constant 0 : i32
    %c0_i32_0 = arith.constant 0 : i32
    return %arg0, %c0_i32 : i32, i32
  }
}

module attributes {stable_mosaic.version = 14 : i64} {
  func.func @_tc_s2s_body(%arg0: memref<20x512x64xf32, #tpu.memory_space<vmem>>, %arg1: memref<20x64x512xf32, #tpu.memory_space<vmem>>, %arg2: memref<20x1x512xi32, #tpu.memory_space<vmem>>, %arg3: memref<128x64xf32, #tpu.memory_space<vmem>>, %arg4: memref<128x64xf32, #tpu.memory_space<vmem>>, %arg5: memref<128x64xf32, #tpu.memory_space<vmem>>, %arg6: memref<128x64xf32, #tpu.memory_space<vmem>>, %arg7: memref<64x64xf32, #tpu.memory_space<vmem>>, %arg8: memref<64x64xf32, #tpu.memory_space<vmem>>, %arg9: memref<64x64xf32, #tpu.memory_space<vmem>>, %arg10: memref<64x64xf32, #tpu.memory_space<vmem>>, %arg11: memref<1x64xf32, #tpu.memory_space<vmem>>, %arg12: memref<1x64xf32, #tpu.memory_space<vmem>>, %arg13: memref<1x64xf32, #tpu.memory_space<vmem>>, %arg14: memref<1x64xf32, #tpu.memory_space<vmem>>, %arg15: memref<128x64xf32, #tpu.memory_space<vmem>>, %arg16: memref<1x64xf32, #tpu.memory_space<vmem>>, %arg17: memref<512x64xf32, #tpu.memory_space<vmem>>) attributes {dimension_semantics = [], scalar_prefetch = 0 : i64, scratch_operands = 0 : i64, tpu.core_type = #tpu.core_type<tc>} {
    %broadcast_in_dim3A = arith.constant 0.000000e+00 : f32
    %broadcast_in_dim3A_0 = vector.broadcast %broadcast_in_dim3A : f32 to vector<512x128xf32>
    %broadcast_in_dim3A_1 = arith.constant 0.000000e+00 : f32
    %broadcast_in_dim3A_2 = vector.broadcast %broadcast_in_dim3A_1 : f32 to vector<512x64xf32>
    %broadcast_in_dim3A_3 = arith.constant 0.000000e+00 : f32
    %broadcast_in_dim3A_4 = vector.broadcast %broadcast_in_dim3A_3 : f32 to vector<512x64xf32>
    %iota3A = tpu.iota {dimensions = array<i32: 0>} : vector<512x1xi32>
    %get3A = arith.constant 0 : index
    %get3A_5 = arith.constant 0 : index
    %get3A_6 = vector.load %arg3[%get3A, %get3A_5] : memref<128x64xf32, #tpu.memory_space<vmem>>, vector<128x64xf32>
    %dot_general3A = arith.constant dense<0.000000e+00> : vector<512x64xf32>
    %dot_general3A_7 = tpu.matmul %broadcast_in_dim3A_0, %get3A_6, %dot_general3A {dimension_numbers = #tpu.dot_dimension_numbers<[1], [0], [0], [1], [0, 0, 1, 1], [], []>, transpose_lhs_hint = false} : vector<512x128xf32>, vector<128x64xf32>, vector<512x64xf32> -> vector<512x64xf32>
    %get3A_8 = arith.constant 0 : index
    %get3A_9 = arith.constant 0 : index
    %get3A_10 = vector.load %arg7[%get3A_8, %get3A_9] : memref<64x64xf32, #tpu.memory_space<vmem>>, vector<64x64xf32>
    %dot_general3A_11 = arith.constant dense<0.000000e+00> : vector<512x64xf32>
    %dot_general3A_12 = tpu.matmul %broadcast_in_dim3A_2, %get3A_10, %dot_general3A_11 {dimension_numbers = #tpu.dot_dimension_numbers<[1], [0], [0], [1], [0, 0, 1, 1], [], []>, transpose_lhs_hint = false} : vector<512x64xf32>, vector<64x64xf32>, vector<512x64xf32> -> vector<512x64xf32>
    %add3A = arith.addf %dot_general3A_7, %dot_general3A_12 : vector<512x64xf32>
    %get3A_13 = arith.constant 0 : index
    %get3A_14 = arith.constant 0 : index
    %get3A_15 = vector.load %arg11[%get3A_13, %get3A_14] : memref<1x64xf32, #tpu.memory_space<vmem>>, vector<1x64xf32>
    %add3A_16 = vector.broadcast %get3A_15 : vector<1x64xf32> to vector<512x64xf32>
    %add3A_17 = arith.addf %add3A, %add3A_16 : vector<512x64xf32>
    %logistic3A = arith.negf %add3A_17 : vector<512x64xf32>
    %logistic3A_18 = math.exp %logistic3A : vector<512x64xf32>
    %logistic3A_19 = arith.constant 1.000000e+00 : f32
    %logistic3A_20 = vector.broadcast %logistic3A_19 : f32 to vector<512x64xf32>
    %logistic3A_21 = arith.addf %logistic3A_20, %logistic3A_18 : vector<512x64xf32>
    %logistic3A_22 = arith.divf %logistic3A_20, %logistic3A_21 : vector<512x64xf32>
    %get3A_23 = arith.constant 0 : index
    %get3A_24 = arith.constant 0 : index
    %get3A_25 = vector.load %arg4[%get3A_23, %get3A_24] : memref<128x64xf32, #tpu.memory_space<vmem>>, vector<128x64xf32>
    %dot_general3A_26 = arith.constant dense<0.000000e+00> : vector<512x64xf32>
    %dot_general3A_27 = tpu.matmul %broadcast_in_dim3A_0, %get3A_25, %dot_general3A_26 {dimension_numbers = #tpu.dot_dimension_numbers<[1], [0], [0], [1], [0, 0, 1, 1], [], []>, transpose_lhs_hint = false} : vector<512x128xf32>, vector<128x64xf32>, vector<512x64xf32> -> vector<512x64xf32>
    %get3A_28 = arith.constant 0 : index
    %get3A_29 = arith.constant 0 : index
    %get3A_30 = vector.load %arg8[%get3A_28, %get3A_29] : memref<64x64xf32, #tpu.memory_space<vmem>>, vector<64x64xf32>
    %dot_general3A_31 = arith.constant dense<0.000000e+00> : vector<512x64xf32>
    %dot_general3A_32 = tpu.matmul %broadcast_in_dim3A_2, %get3A_30, %dot_general3A_31 {dimension_numbers = #tpu.dot_dimension_numbers<[1], [0], [0], [1], [0, 0, 1, 1], [], []>, transpose_lhs_hint = false} : vector<512x64xf32>, vector<64x64xf32>, vector<512x64xf32> -> vector<512x64xf32>
    %add3A_33 = arith.addf %dot_general3A_27, %dot_general3A_32 : vector<512x64xf32>
    %get3A_34 = arith.constant 0 : index
    %get3A_35 = arith.constant 0 : index
    %get3A_36 = vector.load %arg12[%get3A_34, %get3A_35] : memref<1x64xf32, #tpu.memory_space<vmem>>, vector<1x64xf32>
    %add3A_37 = vector.broadcast %get3A_36 : vector<1x64xf32> to vector<512x64xf32>
    %add3A_38 = arith.addf %add3A_33, %add3A_37 : vector<512x64xf32>
    %logistic3A_39 = arith.negf %add3A_38 : vector<512x64xf32>
    %logistic3A_40 = math.exp %logistic3A_39 : vector<512x64xf32>
    %logistic3A_41 = arith.constant 1.000000e+00 : f32
    %logistic3A_42 = vector.broadcast %logistic3A_41 : f32 to vector<512x64xf32>
    %logistic3A_43 = arith.addf %logistic3A_42, %logistic3A_40 : vector<512x64xf32>
    %logistic3A_44 = arith.divf %logistic3A_42, %logistic3A_43 : vector<512x64xf32>
    %get3A_45 = arith.constant 0 : index
    %get3A_46 = arith.constant 0 : index
    %get3A_47 = vector.load %arg5[%get3A_45, %get3A_46] : memref<128x64xf32, #tpu.memory_space<vmem>>, vector<128x64xf32>
    %dot_general3A_48 = arith.constant dense<0.000000e+00> : vector<512x64xf32>
    %dot_general3A_49 = tpu.matmul %broadcast_in_dim3A_0, %get3A_47, %dot_general3A_48 {dimension_numbers = #tpu.dot_dimension_numbers<[1], [0], [0], [1], [0, 0, 1, 1], [], []>, transpose_lhs_hint = false} : vector<512x128xf32>, vector<128x64xf32>, vector<512x64xf32> -> vector<512x64xf32>
    %get3A_50 = arith.constant 0 : index
    %get3A_51 = arith.constant 0 : index
    %get3A_52 = vector.load %arg9[%get3A_50, %get3A_51] : memref<64x64xf32, #tpu.memory_space<vmem>>, vector<64x64xf32>
    %dot_general3A_53 = arith.constant dense<0.000000e+00> : vector<512x64xf32>
    %dot_general3A_54 = tpu.matmul %broadcast_in_dim3A_2, %get3A_52, %dot_general3A_53 {dimension_numbers = #tpu.dot_dimension_numbers<[1], [0], [0], [1], [0, 0, 1, 1], [], []>, transpose_lhs_hint = false} : vector<512x64xf32>, vector<64x64xf32>, vector<512x64xf32> -> vector<512x64xf32>
    %add3A_55 = arith.addf %dot_general3A_49, %dot_general3A_54 : vector<512x64xf32>
    %get3A_56 = arith.constant 0 : index
    %get3A_57 = arith.constant 0 : index
    %get3A_58 = vector.load %arg13[%get3A_56, %get3A_57] : memref<1x64xf32, #tpu.memory_space<vmem>>, vector<1x64xf32>
    %add3A_59 = vector.broadcast %get3A_58 : vector<1x64xf32> to vector<512x64xf32>
    %add3A_60 = arith.addf %add3A_55, %add3A_59 : vector<512x64xf32>
    %tanh3A = math.tanh %add3A_60 : vector<512x64xf32>
    %get3A_61 = arith.constant 0 : index
    %get3A_62 = arith.constant 0 : index
    %get3A_63 = vector.load %arg6[%get3A_61, %get3A_62] : memref<128x64xf32, #tpu.memory_space<vmem>>, vector<128x64xf32>
    %dot_general3A_64 = arith.constant dense<0.000000e+00> : vector<512x64xf32>
    %dot_general3A_65 = tpu.matmul %broadcast_in_dim3A_0, %get3A_63, %dot_general3A_64 {dimension_numbers = #tpu.dot_dimension_numbers<[1], [0], [0], [1], [0, 0, 1, 1], [], []>, transpose_lhs_hint = false} : vector<512x128xf32>, vector<128x64xf32>, vector<512x64xf32> -> vector<512x64xf32>
    %get3A_66 = arith.constant 0 : index
    %get3A_67 = arith.constant 0 : index
    %get3A_68 = vector.load %arg10[%get3A_66, %get3A_67] : memref<64x64xf32, #tpu.memory_space<vmem>>, vector<64x64xf32>
    %dot_general3A_69 = arith.constant dense<0.000000e+00> : vector<512x64xf32>
    %dot_general3A_70 = tpu.matmul %broadcast_in_dim3A_2, %get3A_68, %dot_general3A_69 {dimension_numbers = #tpu.dot_dimension_numbers<[1], [0], [0], [1], [0, 0, 1, 1], [], []>, transpose_lhs_hint = false} : vector<512x64xf32>, vector<64x64xf32>, vector<512x64xf32> -> vector<512x64xf32>
    %add3A_71 = arith.addf %dot_general3A_65, %dot_general3A_70 : vector<512x64xf32>
    %get3A_72 = arith.constant 0 : index
    %get3A_73 = arith.constant 0 : index
    %get3A_74 = vector.load %arg14[%get3A_72, %get3A_73] : memref<1x64xf32, #tpu.memory_space<vmem>>, vector<1x64xf32>
    %add3A_75 = vector.broadcast %get3A_74 : vector<1x64xf32> to vector<512x64xf32>
    %add3A_76 = arith.addf %add3A_71, %add3A_75 : vector<512x64xf32>
    %logistic3A_77 = arith.negf %add3A_76 : vector<512x64xf32>
    %logistic3A_78 = math.exp %logistic3A_77 : vector<512x64xf32>
    %logistic3A_79 = arith.constant 1.000000e+00 : f32
    %logistic3A_80 = vector.broadcast %logistic3A_79 : f32 to vector<512x64xf32>
    %logistic3A_81 = arith.addf %logistic3A_80, %logistic3A_78 : vector<512x64xf32>
    %logistic3A_82 = arith.divf %logistic3A_80, %logistic3A_81 : vector<512x64xf32>
    %mul3A = arith.mulf %logistic3A_44, %broadcast_in_dim3A_4 : vector<512x64xf32>
    %mul3A_83 = arith.mulf %logistic3A_22, %tanh3A : vector<512x64xf32>
    %add3A_84 = arith.addf %mul3A, %mul3A_83 : vector<512x64xf32>
    %tanh3A_85 = math.tanh %add3A_84 : vector<512x64xf32>
    %mul3A_86 = arith.mulf %logistic3A_82, %tanh3A_85 : vector<512x64xf32>
    %broadcast_in_dim3A_87 = arith.constant 0xFF800000 : f32
    %broadcast_in_dim3A_88 = vector.broadcast %broadcast_in_dim3A_87 : f32 to vector<512x1xf32>
    %scan3A = arith.constant 0 : i32
    %scan3A_89 = arith.constant 20 : i32
    %scan3A_90 = arith.addi %scan3A, %scan3A_89 : i32
    %scan3A_91 = arith.constant 1 : i32
    %scan3A_92 = scf.for %scan3A_361 = %scan3A to %scan3A_90 step %scan3A_91 iter_args(%scan3A_362 = %broadcast_in_dim3A_88) -> (vector<512x1xf32>)  : i32 {
      %get3A_363 = arith.index_cast %scan3A_361 : i32 to index
      %get3A_364 = arith.constant 0 : index
      %get3A_365 = arith.constant 0 : index
      %get3A_366 = vector.load %arg1[%get3A_363, %get3A_364, %get3A_365] : memref<20x64x512xf32, #tpu.memory_space<vmem>>, vector<1x64x512xf32>
      %get3A_367 = vector.shape_cast %get3A_366 : vector<1x64x512xf32> to vector<64x512xf32>
      %get3A_368 = arith.index_cast %scan3A_361 : i32 to index
      %get3A_369 = arith.constant 0 : index
      %get3A_370 = arith.constant 0 : index
      %get3A_371 = vector.load %arg2[%get3A_368, %get3A_369, %get3A_370] : memref<20x1x512xi32, #tpu.memory_space<vmem>>, vector<1x1x512xi32>
      %get3A_372 = vector.shape_cast %get3A_371 : vector<1x1x512xi32> to vector<1x512xi32>
      %eq3A = vector.broadcast %get3A_372 : vector<1x512xi32> to vector<512x512xi32>
      %eq3A_373 = vector.broadcast %iota3A : vector<512x1xi32> to vector<512x512xi32>
      %eq3A_374 = arith.cmpi eq, %eq3A, %eq3A_373 : vector<512x512xi32>
      %dot_general3A_375 = arith.constant dense<0.000000e+00> : vector<512x512xf32>
      %dot_general3A_376 = tpu.matmul %mul3A_86, %get3A_367, %dot_general3A_375 {dimension_numbers = #tpu.dot_dimension_numbers<[1], [0], [0], [1], [0, 0, 1, 1], [], []>, transpose_lhs_hint = false} : vector<512x64xf32>, vector<64x512xf32>, vector<512x512xf32> -> vector<512x512xf32>
      %jit3A_377 = arith.constant 0xFF800000 : f32
      %broadcast_in_dim3A_378 = vector.broadcast %jit3A_377 : f32 to vector<512x512xf32>
      %select_n3A_379 = arith.select %eq3A_374, %dot_general3A_376, %broadcast_in_dim3A_378 : vector<512x512xi1>, vector<512x512xf32>
      %reduce_max3A = arith.constant dense<0xFF800000> : vector<512xf32>
      %reduce_max3A_380 = vector.multi_reduction <maximumf>, %select_n3A_379, %reduce_max3A [1] : vector<512x512xf32> to vector<512xf32>
      %broadcast_in_dim3A_381 = vector.shape_cast %reduce_max3A_380 : vector<512xf32> to vector<512x1xf32>
      %max3A_382 = arith.maximumf %scan3A_362, %broadcast_in_dim3A_381 : vector<512x1xf32>
      scf.yield %max3A_382 : vector<512x1xf32>
    }
    %scan3A_93 = arith.constant 20 : i32
    %is_finite3A = tpu.weird %scan3A_92 : vector<512x1xf32> -> vector<512x1xi1>
    %is_finite3A_94 = arith.constant dense<true> : vector<512x1xi1>
    %is_finite3A_95 = arith.xori %is_finite3A, %is_finite3A_94 : vector<512x1xi1>
    %jit3A = arith.constant 0.000000e+00 : f32
    %broadcast_in_dim3A_96 = vector.broadcast %jit3A : f32 to vector<512x1xf32>
    %select_n3A = arith.select %is_finite3A_95, %scan3A_92, %broadcast_in_dim3A_96 : vector<512x1xi1>, vector<512x1xf32>
    %broadcast_in_dim3A_97 = arith.constant 0.000000e+00 : f32
    %broadcast_in_dim3A_98 = vector.broadcast %broadcast_in_dim3A_97 : f32 to vector<512x1xf32>
    %broadcast_in_dim3A_99 = arith.constant 0.000000e+00 : f32
    %broadcast_in_dim3A_100 = vector.broadcast %broadcast_in_dim3A_99 : f32 to vector<512x64xf32>
    %scan3A_101 = arith.constant 0 : i32
    %scan3A_102 = arith.constant 20 : i32
    %scan3A_103 = arith.addi %scan3A_101, %scan3A_102 : i32
    %scan3A_104 = arith.constant 1 : i32
    %scan3A_105:2 = scf.for %scan3A_361 = %scan3A_101 to %scan3A_103 step %scan3A_104 iter_args(%scan3A_362 = %broadcast_in_dim3A_98, %scan3A_363 = %broadcast_in_dim3A_100) -> (vector<512x1xf32>, vector<512x64xf32>)  : i32 {
      %get3A_364 = arith.index_cast %scan3A_361 : i32 to index
      %get3A_365 = arith.constant 0 : index
      %get3A_366 = arith.constant 0 : index
      %get3A_367 = vector.load %arg0[%get3A_364, %get3A_365, %get3A_366] : memref<20x512x64xf32, #tpu.memory_space<vmem>>, vector<1x512x64xf32>
      %get3A_368 = vector.shape_cast %get3A_367 : vector<1x512x64xf32> to vector<512x64xf32>
      %get3A_369 = arith.index_cast %scan3A_361 : i32 to index
      %get3A_370 = arith.constant 0 : index
      %get3A_371 = arith.constant 0 : index
      %get3A_372 = vector.load %arg1[%get3A_369, %get3A_370, %get3A_371] : memref<20x64x512xf32, #tpu.memory_space<vmem>>, vector<1x64x512xf32>
      %get3A_373 = vector.shape_cast %get3A_372 : vector<1x64x512xf32> to vector<64x512xf32>
      %get3A_374 = arith.index_cast %scan3A_361 : i32 to index
      %get3A_375 = arith.constant 0 : index
      %get3A_376 = arith.constant 0 : index
      %get3A_377 = vector.load %arg2[%get3A_374, %get3A_375, %get3A_376] : memref<20x1x512xi32, #tpu.memory_space<vmem>>, vector<1x1x512xi32>
      %get3A_378 = vector.shape_cast %get3A_377 : vector<1x1x512xi32> to vector<1x512xi32>
      %eq3A = vector.broadcast %get3A_378 : vector<1x512xi32> to vector<512x512xi32>
      %eq3A_379 = vector.broadcast %iota3A : vector<512x1xi32> to vector<512x512xi32>
      %eq3A_380 = arith.cmpi eq, %eq3A, %eq3A_379 : vector<512x512xi32>
      %dot_general3A_381 = arith.constant dense<0.000000e+00> : vector<512x512xf32>
      %dot_general3A_382 = tpu.matmul %mul3A_86, %get3A_373, %dot_general3A_381 {dimension_numbers = #tpu.dot_dimension_numbers<[1], [0], [0], [1], [0, 0, 1, 1], [], []>, transpose_lhs_hint = false} : vector<512x64xf32>, vector<64x512xf32>, vector<512x512xf32> -> vector<512x512xf32>
      %sub3A = vector.broadcast %select_n3A : vector<512x1xf32> to vector<512x512xf32>
      %sub3A_383 = arith.subf %dot_general3A_382, %sub3A : vector<512x512xf32>
      %exp3A = math.exp %sub3A_383 : vector<512x512xf32>
      %jit3A_384 = arith.constant 0.000000e+00 : f32
      %broadcast_in_dim3A_385 = vector.broadcast %jit3A_384 : f32 to vector<512x512xf32>
      %select_n3A_386 = arith.select %eq3A_380, %exp3A, %broadcast_in_dim3A_385 : vector<512x512xi1>, vector<512x512xf32>
      %reduce_sum3A = arith.constant dense<0.000000e+00> : vector<512xf32>
      %reduce_sum3A_387 = vector.multi_reduction <add>, %select_n3A_386, %reduce_sum3A [1] : vector<512x512xf32> to vector<512xf32>
      %broadcast_in_dim3A_388 = vector.shape_cast %reduce_sum3A_387 : vector<512xf32> to vector<512x1xf32>
      %add3A_389 = arith.addf %scan3A_362, %broadcast_in_dim3A_388 : vector<512x1xf32>
      %dot_general3A_390 = arith.constant dense<0.000000e+00> : vector<512x64xf32>
      %dot_general3A_391 = tpu.matmul %select_n3A_386, %get3A_368, %dot_general3A_390 {dimension_numbers = #tpu.dot_dimension_numbers<[1], [0], [0], [1], [0, 0, 1, 1], [], []>, transpose_lhs_hint = false} : vector<512x512xf32>, vector<512x64xf32>, vector<512x64xf32> -> vector<512x64xf32>
      %add3A_392 = arith.addf %scan3A_363, %dot_general3A_391 : vector<512x64xf32>
      scf.yield %add3A_389, %add3A_392 : vector<512x1xf32>, vector<512x64xf32>
    }
    %scan3A_106 = arith.constant 20 : i32
    %add3A_107 = arith.constant 1.000000e-16 : f32
    %add3A_108 = vector.broadcast %add3A_107 : f32 to vector<512x1xf32>
    %add3A_109 = arith.addf %scan3A_105#0, %add3A_108 : vector<512x1xf32>
    %div3A = vector.broadcast %add3A_109 : vector<512x1xf32> to vector<512x64xf32>
    %div3A_110 = arith.divf %scan3A_105#1, %div3A : vector<512x64xf32>
    %concatenate3A = tpu.concatenate %mul3A_86, %div3A_110 in 1 : vector<512x64xf32>, vector<512x64xf32> -> vector<512x128xf32>
    %get3A_111 = arith.constant 0 : index
    %get3A_112 = arith.constant 0 : index
    %get3A_113 = vector.load %arg3[%get3A_111, %get3A_112] : memref<128x64xf32, #tpu.memory_space<vmem>>, vector<128x64xf32>
    %dot_general3A_114 = arith.constant dense<0.000000e+00> : vector<512x64xf32>
    %dot_general3A_115 = tpu.matmul %concatenate3A, %get3A_113, %dot_general3A_114 {dimension_numbers = #tpu.dot_dimension_numbers<[1], [0], [0], [1], [0, 0, 1, 1], [], []>, transpose_lhs_hint = false} : vector<512x128xf32>, vector<128x64xf32>, vector<512x64xf32> -> vector<512x64xf32>
    %get3A_116 = arith.constant 0 : index
    %get3A_117 = arith.constant 0 : index
    %get3A_118 = vector.load %arg7[%get3A_116, %get3A_117] : memref<64x64xf32, #tpu.memory_space<vmem>>, vector<64x64xf32>
    %dot_general3A_119 = arith.constant dense<0.000000e+00> : vector<512x64xf32>
    %dot_general3A_120 = tpu.matmul %mul3A_86, %get3A_118, %dot_general3A_119 {dimension_numbers = #tpu.dot_dimension_numbers<[1], [0], [0], [1], [0, 0, 1, 1], [], []>, transpose_lhs_hint = false} : vector<512x64xf32>, vector<64x64xf32>, vector<512x64xf32> -> vector<512x64xf32>
    %add3A_121 = arith.addf %dot_general3A_115, %dot_general3A_120 : vector<512x64xf32>
    %get3A_122 = arith.constant 0 : index
    %get3A_123 = arith.constant 0 : index
    %get3A_124 = vector.load %arg11[%get3A_122, %get3A_123] : memref<1x64xf32, #tpu.memory_space<vmem>>, vector<1x64xf32>
    %add3A_125 = vector.broadcast %get3A_124 : vector<1x64xf32> to vector<512x64xf32>
    %add3A_126 = arith.addf %add3A_121, %add3A_125 : vector<512x64xf32>
    %logistic3A_127 = arith.negf %add3A_126 : vector<512x64xf32>
    %logistic3A_128 = math.exp %logistic3A_127 : vector<512x64xf32>
    %logistic3A_129 = arith.constant 1.000000e+00 : f32
    %logistic3A_130 = vector.broadcast %logistic3A_129 : f32 to vector<512x64xf32>
    %logistic3A_131 = arith.addf %logistic3A_130, %logistic3A_128 : vector<512x64xf32>
    %logistic3A_132 = arith.divf %logistic3A_130, %logistic3A_131 : vector<512x64xf32>
    %get3A_133 = arith.constant 0 : index
    %get3A_134 = arith.constant 0 : index
    %get3A_135 = vector.load %arg4[%get3A_133, %get3A_134] : memref<128x64xf32, #tpu.memory_space<vmem>>, vector<128x64xf32>
    %dot_general3A_136 = arith.constant dense<0.000000e+00> : vector<512x64xf32>
    %dot_general3A_137 = tpu.matmul %concatenate3A, %get3A_135, %dot_general3A_136 {dimension_numbers = #tpu.dot_dimension_numbers<[1], [0], [0], [1], [0, 0, 1, 1], [], []>, transpose_lhs_hint = false} : vector<512x128xf32>, vector<128x64xf32>, vector<512x64xf32> -> vector<512x64xf32>
    %get3A_138 = arith.constant 0 : index
    %get3A_139 = arith.constant 0 : index
    %get3A_140 = vector.load %arg8[%get3A_138, %get3A_139] : memref<64x64xf32, #tpu.memory_space<vmem>>, vector<64x64xf32>
    %dot_general3A_141 = arith.constant dense<0.000000e+00> : vector<512x64xf32>
    %dot_general3A_142 = tpu.matmul %mul3A_86, %get3A_140, %dot_general3A_141 {dimension_numbers = #tpu.dot_dimension_numbers<[1], [0], [0], [1], [0, 0, 1, 1], [], []>, transpose_lhs_hint = false} : vector<512x64xf32>, vector<64x64xf32>, vector<512x64xf32> -> vector<512x64xf32>
    %add3A_143 = arith.addf %dot_general3A_137, %dot_general3A_142 : vector<512x64xf32>
    %get3A_144 = arith.constant 0 : index
    %get3A_145 = arith.constant 0 : index
    %get3A_146 = vector.load %arg12[%get3A_144, %get3A_145] : memref<1x64xf32, #tpu.memory_space<vmem>>, vector<1x64xf32>
    %add3A_147 = vector.broadcast %get3A_146 : vector<1x64xf32> to vector<512x64xf32>
    %add3A_148 = arith.addf %add3A_143, %add3A_147 : vector<512x64xf32>
    %logistic3A_149 = arith.negf %add3A_148 : vector<512x64xf32>
    %logistic3A_150 = math.exp %logistic3A_149 : vector<512x64xf32>
    %logistic3A_151 = arith.constant 1.000000e+00 : f32
    %logistic3A_152 = vector.broadcast %logistic3A_151 : f32 to vector<512x64xf32>
    %logistic3A_153 = arith.addf %logistic3A_152, %logistic3A_150 : vector<512x64xf32>
    %logistic3A_154 = arith.divf %logistic3A_152, %logistic3A_153 : vector<512x64xf32>
    %get3A_155 = arith.constant 0 : index
    %get3A_156 = arith.constant 0 : index
    %get3A_157 = vector.load %arg5[%get3A_155, %get3A_156] : memref<128x64xf32, #tpu.memory_space<vmem>>, vector<128x64xf32>
    %dot_general3A_158 = arith.constant dense<0.000000e+00> : vector<512x64xf32>
    %dot_general3A_159 = tpu.matmul %concatenate3A, %get3A_157, %dot_general3A_158 {dimension_numbers = #tpu.dot_dimension_numbers<[1], [0], [0], [1], [0, 0, 1, 1], [], []>, transpose_lhs_hint = false} : vector<512x128xf32>, vector<128x64xf32>, vector<512x64xf32> -> vector<512x64xf32>
    %get3A_160 = arith.constant 0 : index
    %get3A_161 = arith.constant 0 : index
    %get3A_162 = vector.load %arg9[%get3A_160, %get3A_161] : memref<64x64xf32, #tpu.memory_space<vmem>>, vector<64x64xf32>
    %dot_general3A_163 = arith.constant dense<0.000000e+00> : vector<512x64xf32>
    %dot_general3A_164 = tpu.matmul %mul3A_86, %get3A_162, %dot_general3A_163 {dimension_numbers = #tpu.dot_dimension_numbers<[1], [0], [0], [1], [0, 0, 1, 1], [], []>, transpose_lhs_hint = false} : vector<512x64xf32>, vector<64x64xf32>, vector<512x64xf32> -> vector<512x64xf32>
    %add3A_165 = arith.addf %dot_general3A_159, %dot_general3A_164 : vector<512x64xf32>
    %get3A_166 = arith.constant 0 : index
    %get3A_167 = arith.constant 0 : index
    %get3A_168 = vector.load %arg13[%get3A_166, %get3A_167] : memref<1x64xf32, #tpu.memory_space<vmem>>, vector<1x64xf32>
    %add3A_169 = vector.broadcast %get3A_168 : vector<1x64xf32> to vector<512x64xf32>
    %add3A_170 = arith.addf %add3A_165, %add3A_169 : vector<512x64xf32>
    %tanh3A_171 = math.tanh %add3A_170 : vector<512x64xf32>
    %get3A_172 = arith.constant 0 : index
    %get3A_173 = arith.constant 0 : index
    %get3A_174 = vector.load %arg6[%get3A_172, %get3A_173] : memref<128x64xf32, #tpu.memory_space<vmem>>, vector<128x64xf32>
    %dot_general3A_175 = arith.constant dense<0.000000e+00> : vector<512x64xf32>
    %dot_general3A_176 = tpu.matmul %concatenate3A, %get3A_174, %dot_general3A_175 {dimension_numbers = #tpu.dot_dimension_numbers<[1], [0], [0], [1], [0, 0, 1, 1], [], []>, transpose_lhs_hint = false} : vector<512x128xf32>, vector<128x64xf32>, vector<512x64xf32> -> vector<512x64xf32>
    %get3A_177 = arith.constant 0 : index
    %get3A_178 = arith.constant 0 : index
    %get3A_179 = vector.load %arg10[%get3A_177, %get3A_178] : memref<64x64xf32, #tpu.memory_space<vmem>>, vector<64x64xf32>
    %dot_general3A_180 = arith.constant dense<0.000000e+00> : vector<512x64xf32>
    %dot_general3A_181 = tpu.matmul %mul3A_86, %get3A_179, %dot_general3A_180 {dimension_numbers = #tpu.dot_dimension_numbers<[1], [0], [0], [1], [0, 0, 1, 1], [], []>, transpose_lhs_hint = false} : vector<512x64xf32>, vector<64x64xf32>, vector<512x64xf32> -> vector<512x64xf32>
    %add3A_182 = arith.addf %dot_general3A_176, %dot_general3A_181 : vector<512x64xf32>
    %get3A_183 = arith.constant 0 : index
    %get3A_184 = arith.constant 0 : index
    %get3A_185 = vector.load %arg14[%get3A_183, %get3A_184] : memref<1x64xf32, #tpu.memory_space<vmem>>, vector<1x64xf32>
    %add3A_186 = vector.broadcast %get3A_185 : vector<1x64xf32> to vector<512x64xf32>
    %add3A_187 = arith.addf %add3A_182, %add3A_186 : vector<512x64xf32>
    %logistic3A_188 = arith.negf %add3A_187 : vector<512x64xf32>
    %logistic3A_189 = math.exp %logistic3A_188 : vector<512x64xf32>
    %logistic3A_190 = arith.constant 1.000000e+00 : f32
    %logistic3A_191 = vector.broadcast %logistic3A_190 : f32 to vector<512x64xf32>
    %logistic3A_192 = arith.addf %logistic3A_191, %logistic3A_189 : vector<512x64xf32>
    %logistic3A_193 = arith.divf %logistic3A_191, %logistic3A_192 : vector<512x64xf32>
    %mul3A_194 = arith.mulf %logistic3A_154, %add3A_84 : vector<512x64xf32>
    %mul3A_195 = arith.mulf %logistic3A_132, %tanh3A_171 : vector<512x64xf32>
    %add3A_196 = arith.addf %mul3A_194, %mul3A_195 : vector<512x64xf32>
    %tanh3A_197 = math.tanh %add3A_196 : vector<512x64xf32>
    %mul3A_198 = arith.mulf %logistic3A_193, %tanh3A_197 : vector<512x64xf32>
    %broadcast_in_dim3A_199 = arith.constant 0xFF800000 : f32
    %broadcast_in_dim3A_200 = vector.broadcast %broadcast_in_dim3A_199 : f32 to vector<512x1xf32>
    %scan3A_201 = arith.constant 0 : i32
    %scan3A_202 = arith.constant 20 : i32
    %scan3A_203 = arith.addi %scan3A_201, %scan3A_202 : i32
    %scan3A_204 = arith.constant 1 : i32
    %scan3A_205 = scf.for %scan3A_361 = %scan3A_201 to %scan3A_203 step %scan3A_204 iter_args(%scan3A_362 = %broadcast_in_dim3A_200) -> (vector<512x1xf32>)  : i32 {
      %get3A_363 = arith.index_cast %scan3A_361 : i32 to index
      %get3A_364 = arith.constant 0 : index
      %get3A_365 = arith.constant 0 : index
      %get3A_366 = vector.load %arg1[%get3A_363, %get3A_364, %get3A_365] : memref<20x64x512xf32, #tpu.memory_space<vmem>>, vector<1x64x512xf32>
      %get3A_367 = vector.shape_cast %get3A_366 : vector<1x64x512xf32> to vector<64x512xf32>
      %get3A_368 = arith.index_cast %scan3A_361 : i32 to index
      %get3A_369 = arith.constant 0 : index
      %get3A_370 = arith.constant 0 : index
      %get3A_371 = vector.load %arg2[%get3A_368, %get3A_369, %get3A_370] : memref<20x1x512xi32, #tpu.memory_space<vmem>>, vector<1x1x512xi32>
      %get3A_372 = vector.shape_cast %get3A_371 : vector<1x1x512xi32> to vector<1x512xi32>
      %eq3A = vector.broadcast %get3A_372 : vector<1x512xi32> to vector<512x512xi32>
      %eq3A_373 = vector.broadcast %iota3A : vector<512x1xi32> to vector<512x512xi32>
      %eq3A_374 = arith.cmpi eq, %eq3A, %eq3A_373 : vector<512x512xi32>
      %dot_general3A_375 = arith.constant dense<0.000000e+00> : vector<512x512xf32>
      %dot_general3A_376 = tpu.matmul %mul3A_198, %get3A_367, %dot_general3A_375 {dimension_numbers = #tpu.dot_dimension_numbers<[1], [0], [0], [1], [0, 0, 1, 1], [], []>, transpose_lhs_hint = false} : vector<512x64xf32>, vector<64x512xf32>, vector<512x512xf32> -> vector<512x512xf32>
      %jit3A_377 = arith.constant 0xFF800000 : f32
      %broadcast_in_dim3A_378 = vector.broadcast %jit3A_377 : f32 to vector<512x512xf32>
      %select_n3A_379 = arith.select %eq3A_374, %dot_general3A_376, %broadcast_in_dim3A_378 : vector<512x512xi1>, vector<512x512xf32>
      %reduce_max3A = arith.constant dense<0xFF800000> : vector<512xf32>
      %reduce_max3A_380 = vector.multi_reduction <maximumf>, %select_n3A_379, %reduce_max3A [1] : vector<512x512xf32> to vector<512xf32>
      %broadcast_in_dim3A_381 = vector.shape_cast %reduce_max3A_380 : vector<512xf32> to vector<512x1xf32>
      %max3A_382 = arith.maximumf %scan3A_362, %broadcast_in_dim3A_381 : vector<512x1xf32>
      scf.yield %max3A_382 : vector<512x1xf32>
    }
    %scan3A_206 = arith.constant 20 : i32
    %is_finite3A_207 = tpu.weird %scan3A_205 : vector<512x1xf32> -> vector<512x1xi1>
    %is_finite3A_208 = arith.constant dense<true> : vector<512x1xi1>
    %is_finite3A_209 = arith.xori %is_finite3A_207, %is_finite3A_208 : vector<512x1xi1>
    %jit3A_210 = arith.constant 0.000000e+00 : f32
    %broadcast_in_dim3A_211 = vector.broadcast %jit3A_210 : f32 to vector<512x1xf32>
    %select_n3A_212 = arith.select %is_finite3A_209, %scan3A_205, %broadcast_in_dim3A_211 : vector<512x1xi1>, vector<512x1xf32>
    %broadcast_in_dim3A_213 = arith.constant 0.000000e+00 : f32
    %broadcast_in_dim3A_214 = vector.broadcast %broadcast_in_dim3A_213 : f32 to vector<512x1xf32>
    %broadcast_in_dim3A_215 = arith.constant 0.000000e+00 : f32
    %broadcast_in_dim3A_216 = vector.broadcast %broadcast_in_dim3A_215 : f32 to vector<512x64xf32>
    %scan3A_217 = arith.constant 0 : i32
    %scan3A_218 = arith.constant 20 : i32
    %scan3A_219 = arith.addi %scan3A_217, %scan3A_218 : i32
    %scan3A_220 = arith.constant 1 : i32
    %scan3A_221:2 = scf.for %scan3A_361 = %scan3A_217 to %scan3A_219 step %scan3A_220 iter_args(%scan3A_362 = %broadcast_in_dim3A_214, %scan3A_363 = %broadcast_in_dim3A_216) -> (vector<512x1xf32>, vector<512x64xf32>)  : i32 {
      %get3A_364 = arith.index_cast %scan3A_361 : i32 to index
      %get3A_365 = arith.constant 0 : index
      %get3A_366 = arith.constant 0 : index
      %get3A_367 = vector.load %arg0[%get3A_364, %get3A_365, %get3A_366] : memref<20x512x64xf32, #tpu.memory_space<vmem>>, vector<1x512x64xf32>
      %get3A_368 = vector.shape_cast %get3A_367 : vector<1x512x64xf32> to vector<512x64xf32>
      %get3A_369 = arith.index_cast %scan3A_361 : i32 to index
      %get3A_370 = arith.constant 0 : index
      %get3A_371 = arith.constant 0 : index
      %get3A_372 = vector.load %arg1[%get3A_369, %get3A_370, %get3A_371] : memref<20x64x512xf32, #tpu.memory_space<vmem>>, vector<1x64x512xf32>
      %get3A_373 = vector.shape_cast %get3A_372 : vector<1x64x512xf32> to vector<64x512xf32>
      %get3A_374 = arith.index_cast %scan3A_361 : i32 to index
      %get3A_375 = arith.constant 0 : index
      %get3A_376 = arith.constant 0 : index
      %get3A_377 = vector.load %arg2[%get3A_374, %get3A_375, %get3A_376] : memref<20x1x512xi32, #tpu.memory_space<vmem>>, vector<1x1x512xi32>
      %get3A_378 = vector.shape_cast %get3A_377 : vector<1x1x512xi32> to vector<1x512xi32>
      %eq3A = vector.broadcast %get3A_378 : vector<1x512xi32> to vector<512x512xi32>
      %eq3A_379 = vector.broadcast %iota3A : vector<512x1xi32> to vector<512x512xi32>
      %eq3A_380 = arith.cmpi eq, %eq3A, %eq3A_379 : vector<512x512xi32>
      %dot_general3A_381 = arith.constant dense<0.000000e+00> : vector<512x512xf32>
      %dot_general3A_382 = tpu.matmul %mul3A_198, %get3A_373, %dot_general3A_381 {dimension_numbers = #tpu.dot_dimension_numbers<[1], [0], [0], [1], [0, 0, 1, 1], [], []>, transpose_lhs_hint = false} : vector<512x64xf32>, vector<64x512xf32>, vector<512x512xf32> -> vector<512x512xf32>
      %sub3A = vector.broadcast %select_n3A_212 : vector<512x1xf32> to vector<512x512xf32>
      %sub3A_383 = arith.subf %dot_general3A_382, %sub3A : vector<512x512xf32>
      %exp3A = math.exp %sub3A_383 : vector<512x512xf32>
      %jit3A_384 = arith.constant 0.000000e+00 : f32
      %broadcast_in_dim3A_385 = vector.broadcast %jit3A_384 : f32 to vector<512x512xf32>
      %select_n3A_386 = arith.select %eq3A_380, %exp3A, %broadcast_in_dim3A_385 : vector<512x512xi1>, vector<512x512xf32>
      %reduce_sum3A = arith.constant dense<0.000000e+00> : vector<512xf32>
      %reduce_sum3A_387 = vector.multi_reduction <add>, %select_n3A_386, %reduce_sum3A [1] : vector<512x512xf32> to vector<512xf32>
      %broadcast_in_dim3A_388 = vector.shape_cast %reduce_sum3A_387 : vector<512xf32> to vector<512x1xf32>
      %add3A_389 = arith.addf %scan3A_362, %broadcast_in_dim3A_388 : vector<512x1xf32>
      %dot_general3A_390 = arith.constant dense<0.000000e+00> : vector<512x64xf32>
      %dot_general3A_391 = tpu.matmul %select_n3A_386, %get3A_368, %dot_general3A_390 {dimension_numbers = #tpu.dot_dimension_numbers<[1], [0], [0], [1], [0, 0, 1, 1], [], []>, transpose_lhs_hint = false} : vector<512x512xf32>, vector<512x64xf32>, vector<512x64xf32> -> vector<512x64xf32>
      %add3A_392 = arith.addf %scan3A_363, %dot_general3A_391 : vector<512x64xf32>
      scf.yield %add3A_389, %add3A_392 : vector<512x1xf32>, vector<512x64xf32>
    }
    %scan3A_222 = arith.constant 20 : i32
    %add3A_223 = arith.constant 1.000000e-16 : f32
    %add3A_224 = vector.broadcast %add3A_223 : f32 to vector<512x1xf32>
    %add3A_225 = arith.addf %scan3A_221#0, %add3A_224 : vector<512x1xf32>
    %div3A_226 = vector.broadcast %add3A_225 : vector<512x1xf32> to vector<512x64xf32>
    %div3A_227 = arith.divf %scan3A_221#1, %div3A_226 : vector<512x64xf32>
    %concatenate3A_228 = tpu.concatenate %mul3A_198, %div3A_227 in 1 : vector<512x64xf32>, vector<512x64xf32> -> vector<512x128xf32>
    %get3A_229 = arith.constant 0 : index
    %get3A_230 = arith.constant 0 : index
    %get3A_231 = vector.load %arg3[%get3A_229, %get3A_230] : memref<128x64xf32, #tpu.memory_space<vmem>>, vector<128x64xf32>
    %dot_general3A_232 = arith.constant dense<0.000000e+00> : vector<512x64xf32>
    %dot_general3A_233 = tpu.matmul %concatenate3A_228, %get3A_231, %dot_general3A_232 {dimension_numbers = #tpu.dot_dimension_numbers<[1], [0], [0], [1], [0, 0, 1, 1], [], []>, transpose_lhs_hint = false} : vector<512x128xf32>, vector<128x64xf32>, vector<512x64xf32> -> vector<512x64xf32>
    %get3A_234 = arith.constant 0 : index
    %get3A_235 = arith.constant 0 : index
    %get3A_236 = vector.load %arg7[%get3A_234, %get3A_235] : memref<64x64xf32, #tpu.memory_space<vmem>>, vector<64x64xf32>
    %dot_general3A_237 = arith.constant dense<0.000000e+00> : vector<512x64xf32>
    %dot_general3A_238 = tpu.matmul %mul3A_198, %get3A_236, %dot_general3A_237 {dimension_numbers = #tpu.dot_dimension_numbers<[1], [0], [0], [1], [0, 0, 1, 1], [], []>, transpose_lhs_hint = false} : vector<512x64xf32>, vector<64x64xf32>, vector<512x64xf32> -> vector<512x64xf32>
    %add3A_239 = arith.addf %dot_general3A_233, %dot_general3A_238 : vector<512x64xf32>
    %get3A_240 = arith.constant 0 : index
    %get3A_241 = arith.constant 0 : index
    %get3A_242 = vector.load %arg11[%get3A_240, %get3A_241] : memref<1x64xf32, #tpu.memory_space<vmem>>, vector<1x64xf32>
    %add3A_243 = vector.broadcast %get3A_242 : vector<1x64xf32> to vector<512x64xf32>
    %add3A_244 = arith.addf %add3A_239, %add3A_243 : vector<512x64xf32>
    %logistic3A_245 = arith.negf %add3A_244 : vector<512x64xf32>
    %logistic3A_246 = math.exp %logistic3A_245 : vector<512x64xf32>
    %logistic3A_247 = arith.constant 1.000000e+00 : f32
    %logistic3A_248 = vector.broadcast %logistic3A_247 : f32 to vector<512x64xf32>
    %logistic3A_249 = arith.addf %logistic3A_248, %logistic3A_246 : vector<512x64xf32>
    %logistic3A_250 = arith.divf %logistic3A_248, %logistic3A_249 : vector<512x64xf32>
    %get3A_251 = arith.constant 0 : index
    %get3A_252 = arith.constant 0 : index
    %get3A_253 = vector.load %arg4[%get3A_251, %get3A_252] : memref<128x64xf32, #tpu.memory_space<vmem>>, vector<128x64xf32>
    %dot_general3A_254 = arith.constant dense<0.000000e+00> : vector<512x64xf32>
    %dot_general3A_255 = tpu.matmul %concatenate3A_228, %get3A_253, %dot_general3A_254 {dimension_numbers = #tpu.dot_dimension_numbers<[1], [0], [0], [1], [0, 0, 1, 1], [], []>, transpose_lhs_hint = false} : vector<512x128xf32>, vector<128x64xf32>, vector<512x64xf32> -> vector<512x64xf32>
    %get3A_256 = arith.constant 0 : index
    %get3A_257 = arith.constant 0 : index
    %get3A_258 = vector.load %arg8[%get3A_256, %get3A_257] : memref<64x64xf32, #tpu.memory_space<vmem>>, vector<64x64xf32>
    %dot_general3A_259 = arith.constant dense<0.000000e+00> : vector<512x64xf32>
    %dot_general3A_260 = tpu.matmul %mul3A_198, %get3A_258, %dot_general3A_259 {dimension_numbers = #tpu.dot_dimension_numbers<[1], [0], [0], [1], [0, 0, 1, 1], [], []>, transpose_lhs_hint = false} : vector<512x64xf32>, vector<64x64xf32>, vector<512x64xf32> -> vector<512x64xf32>
    %add3A_261 = arith.addf %dot_general3A_255, %dot_general3A_260 : vector<512x64xf32>
    %get3A_262 = arith.constant 0 : index
    %get3A_263 = arith.constant 0 : index
    %get3A_264 = vector.load %arg12[%get3A_262, %get3A_263] : memref<1x64xf32, #tpu.memory_space<vmem>>, vector<1x64xf32>
    %add3A_265 = vector.broadcast %get3A_264 : vector<1x64xf32> to vector<512x64xf32>
    %add3A_266 = arith.addf %add3A_261, %add3A_265 : vector<512x64xf32>
    %logistic3A_267 = arith.negf %add3A_266 : vector<512x64xf32>
    %logistic3A_268 = math.exp %logistic3A_267 : vector<512x64xf32>
    %logistic3A_269 = arith.constant 1.000000e+00 : f32
    %logistic3A_270 = vector.broadcast %logistic3A_269 : f32 to vector<512x64xf32>
    %logistic3A_271 = arith.addf %logistic3A_270, %logistic3A_268 : vector<512x64xf32>
    %logistic3A_272 = arith.divf %logistic3A_270, %logistic3A_271 : vector<512x64xf32>
    %get3A_273 = arith.constant 0 : index
    %get3A_274 = arith.constant 0 : index
    %get3A_275 = vector.load %arg5[%get3A_273, %get3A_274] : memref<128x64xf32, #tpu.memory_space<vmem>>, vector<128x64xf32>
    %dot_general3A_276 = arith.constant dense<0.000000e+00> : vector<512x64xf32>
    %dot_general3A_277 = tpu.matmul %concatenate3A_228, %get3A_275, %dot_general3A_276 {dimension_numbers = #tpu.dot_dimension_numbers<[1], [0], [0], [1], [0, 0, 1, 1], [], []>, transpose_lhs_hint = false} : vector<512x128xf32>, vector<128x64xf32>, vector<512x64xf32> -> vector<512x64xf32>
    %get3A_278 = arith.constant 0 : index
    %get3A_279 = arith.constant 0 : index
    %get3A_280 = vector.load %arg9[%get3A_278, %get3A_279] : memref<64x64xf32, #tpu.memory_space<vmem>>, vector<64x64xf32>
    %dot_general3A_281 = arith.constant dense<0.000000e+00> : vector<512x64xf32>
    %dot_general3A_282 = tpu.matmul %mul3A_198, %get3A_280, %dot_general3A_281 {dimension_numbers = #tpu.dot_dimension_numbers<[1], [0], [0], [1], [0, 0, 1, 1], [], []>, transpose_lhs_hint = false} : vector<512x64xf32>, vector<64x64xf32>, vector<512x64xf32> -> vector<512x64xf32>
    %add3A_283 = arith.addf %dot_general3A_277, %dot_general3A_282 : vector<512x64xf32>
    %get3A_284 = arith.constant 0 : index
    %get3A_285 = arith.constant 0 : index
    %get3A_286 = vector.load %arg13[%get3A_284, %get3A_285] : memref<1x64xf32, #tpu.memory_space<vmem>>, vector<1x64xf32>
    %add3A_287 = vector.broadcast %get3A_286 : vector<1x64xf32> to vector<512x64xf32>
    %add3A_288 = arith.addf %add3A_283, %add3A_287 : vector<512x64xf32>
    %tanh3A_289 = math.tanh %add3A_288 : vector<512x64xf32>
    %get3A_290 = arith.constant 0 : index
    %get3A_291 = arith.constant 0 : index
    %get3A_292 = vector.load %arg6[%get3A_290, %get3A_291] : memref<128x64xf32, #tpu.memory_space<vmem>>, vector<128x64xf32>
    %dot_general3A_293 = arith.constant dense<0.000000e+00> : vector<512x64xf32>
    %dot_general3A_294 = tpu.matmul %concatenate3A_228, %get3A_292, %dot_general3A_293 {dimension_numbers = #tpu.dot_dimension_numbers<[1], [0], [0], [1], [0, 0, 1, 1], [], []>, transpose_lhs_hint = false} : vector<512x128xf32>, vector<128x64xf32>, vector<512x64xf32> -> vector<512x64xf32>
    %get3A_295 = arith.constant 0 : index
    %get3A_296 = arith.constant 0 : index
    %get3A_297 = vector.load %arg10[%get3A_295, %get3A_296] : memref<64x64xf32, #tpu.memory_space<vmem>>, vector<64x64xf32>
    %dot_general3A_298 = arith.constant dense<0.000000e+00> : vector<512x64xf32>
    %dot_general3A_299 = tpu.matmul %mul3A_198, %get3A_297, %dot_general3A_298 {dimension_numbers = #tpu.dot_dimension_numbers<[1], [0], [0], [1], [0, 0, 1, 1], [], []>, transpose_lhs_hint = false} : vector<512x64xf32>, vector<64x64xf32>, vector<512x64xf32> -> vector<512x64xf32>
    %add3A_300 = arith.addf %dot_general3A_294, %dot_general3A_299 : vector<512x64xf32>
    %get3A_301 = arith.constant 0 : index
    %get3A_302 = arith.constant 0 : index
    %get3A_303 = vector.load %arg14[%get3A_301, %get3A_302] : memref<1x64xf32, #tpu.memory_space<vmem>>, vector<1x64xf32>
    %add3A_304 = vector.broadcast %get3A_303 : vector<1x64xf32> to vector<512x64xf32>
    %add3A_305 = arith.addf %add3A_300, %add3A_304 : vector<512x64xf32>
    %logistic3A_306 = arith.negf %add3A_305 : vector<512x64xf32>
    %logistic3A_307 = math.exp %logistic3A_306 : vector<512x64xf32>
    %logistic3A_308 = arith.constant 1.000000e+00 : f32
    %logistic3A_309 = vector.broadcast %logistic3A_308 : f32 to vector<512x64xf32>
    %logistic3A_310 = arith.addf %logistic3A_309, %logistic3A_307 : vector<512x64xf32>
    %logistic3A_311 = arith.divf %logistic3A_309, %logistic3A_310 : vector<512x64xf32>
    %mul3A_312 = arith.mulf %logistic3A_272, %add3A_196 : vector<512x64xf32>
    %mul3A_313 = arith.mulf %logistic3A_250, %tanh3A_289 : vector<512x64xf32>
    %add3A_314 = arith.addf %mul3A_312, %mul3A_313 : vector<512x64xf32>
    %tanh3A_315 = math.tanh %add3A_314 : vector<512x64xf32>
    %mul3A_316 = arith.mulf %logistic3A_311, %tanh3A_315 : vector<512x64xf32>
    %broadcast_in_dim3A_317 = arith.constant 0xFF800000 : f32
    %broadcast_in_dim3A_318 = vector.broadcast %broadcast_in_dim3A_317 : f32 to vector<512x1xf32>
    %scan3A_319 = arith.constant 0 : i32
    %scan3A_320 = arith.constant 20 : i32
    %scan3A_321 = arith.addi %scan3A_319, %scan3A_320 : i32
    %scan3A_322 = arith.constant 1 : i32
    %scan3A_323 = scf.for %scan3A_361 = %scan3A_319 to %scan3A_321 step %scan3A_322 iter_args(%scan3A_362 = %broadcast_in_dim3A_318) -> (vector<512x1xf32>)  : i32 {
      %get3A_363 = arith.index_cast %scan3A_361 : i32 to index
      %get3A_364 = arith.constant 0 : index
      %get3A_365 = arith.constant 0 : index
      %get3A_366 = vector.load %arg1[%get3A_363, %get3A_364, %get3A_365] : memref<20x64x512xf32, #tpu.memory_space<vmem>>, vector<1x64x512xf32>
      %get3A_367 = vector.shape_cast %get3A_366 : vector<1x64x512xf32> to vector<64x512xf32>
      %get3A_368 = arith.index_cast %scan3A_361 : i32 to index
      %get3A_369 = arith.constant 0 : index
      %get3A_370 = arith.constant 0 : index
      %get3A_371 = vector.load %arg2[%get3A_368, %get3A_369, %get3A_370] : memref<20x1x512xi32, #tpu.memory_space<vmem>>, vector<1x1x512xi32>
      %get3A_372 = vector.shape_cast %get3A_371 : vector<1x1x512xi32> to vector<1x512xi32>
      %eq3A = vector.broadcast %get3A_372 : vector<1x512xi32> to vector<512x512xi32>
      %eq3A_373 = vector.broadcast %iota3A : vector<512x1xi32> to vector<512x512xi32>
      %eq3A_374 = arith.cmpi eq, %eq3A, %eq3A_373 : vector<512x512xi32>
      %dot_general3A_375 = arith.constant dense<0.000000e+00> : vector<512x512xf32>
      %dot_general3A_376 = tpu.matmul %mul3A_316, %get3A_367, %dot_general3A_375 {dimension_numbers = #tpu.dot_dimension_numbers<[1], [0], [0], [1], [0, 0, 1, 1], [], []>, transpose_lhs_hint = false} : vector<512x64xf32>, vector<64x512xf32>, vector<512x512xf32> -> vector<512x512xf32>
      %jit3A_377 = arith.constant 0xFF800000 : f32
      %broadcast_in_dim3A_378 = vector.broadcast %jit3A_377 : f32 to vector<512x512xf32>
      %select_n3A_379 = arith.select %eq3A_374, %dot_general3A_376, %broadcast_in_dim3A_378 : vector<512x512xi1>, vector<512x512xf32>
      %reduce_max3A = arith.constant dense<0xFF800000> : vector<512xf32>
      %reduce_max3A_380 = vector.multi_reduction <maximumf>, %select_n3A_379, %reduce_max3A [1] : vector<512x512xf32> to vector<512xf32>
      %broadcast_in_dim3A_381 = vector.shape_cast %reduce_max3A_380 : vector<512xf32> to vector<512x1xf32>
      %max3A_382 = arith.maximumf %scan3A_362, %broadcast_in_dim3A_381 : vector<512x1xf32>
      scf.yield %max3A_382 : vector<512x1xf32>
    }
    %scan3A_324 = arith.constant 20 : i32
    %is_finite3A_325 = tpu.weird %scan3A_323 : vector<512x1xf32> -> vector<512x1xi1>
    %is_finite3A_326 = arith.constant dense<true> : vector<512x1xi1>
    %is_finite3A_327 = arith.xori %is_finite3A_325, %is_finite3A_326 : vector<512x1xi1>
    %jit3A_328 = arith.constant 0.000000e+00 : f32
    %broadcast_in_dim3A_329 = vector.broadcast %jit3A_328 : f32 to vector<512x1xf32>
    %select_n3A_330 = arith.select %is_finite3A_327, %scan3A_323, %broadcast_in_dim3A_329 : vector<512x1xi1>, vector<512x1xf32>
    %broadcast_in_dim3A_331 = arith.constant 0.000000e+00 : f32
    %broadcast_in_dim3A_332 = vector.broadcast %broadcast_in_dim3A_331 : f32 to vector<512x1xf32>
    %broadcast_in_dim3A_333 = arith.constant 0.000000e+00 : f32
    %broadcast_in_dim3A_334 = vector.broadcast %broadcast_in_dim3A_333 : f32 to vector<512x64xf32>
    %scan3A_335 = arith.constant 0 : i32
    %scan3A_336 = arith.constant 20 : i32
    %scan3A_337 = arith.addi %scan3A_335, %scan3A_336 : i32
    %scan3A_338 = arith.constant 1 : i32
    %scan3A_339:2 = scf.for %scan3A_361 = %scan3A_335 to %scan3A_337 step %scan3A_338 iter_args(%scan3A_362 = %broadcast_in_dim3A_332, %scan3A_363 = %broadcast_in_dim3A_334) -> (vector<512x1xf32>, vector<512x64xf32>)  : i32 {
      %get3A_364 = arith.index_cast %scan3A_361 : i32 to index
      %get3A_365 = arith.constant 0 : index
      %get3A_366 = arith.constant 0 : index
      %get3A_367 = vector.load %arg0[%get3A_364, %get3A_365, %get3A_366] : memref<20x512x64xf32, #tpu.memory_space<vmem>>, vector<1x512x64xf32>
      %get3A_368 = vector.shape_cast %get3A_367 : vector<1x512x64xf32> to vector<512x64xf32>
      %get3A_369 = arith.index_cast %scan3A_361 : i32 to index
      %get3A_370 = arith.constant 0 : index
      %get3A_371 = arith.constant 0 : index
      %get3A_372 = vector.load %arg1[%get3A_369, %get3A_370, %get3A_371] : memref<20x64x512xf32, #tpu.memory_space<vmem>>, vector<1x64x512xf32>
      %get3A_373 = vector.shape_cast %get3A_372 : vector<1x64x512xf32> to vector<64x512xf32>
      %get3A_374 = arith.index_cast %scan3A_361 : i32 to index
      %get3A_375 = arith.constant 0 : index
      %get3A_376 = arith.constant 0 : index
      %get3A_377 = vector.load %arg2[%get3A_374, %get3A_375, %get3A_376] : memref<20x1x512xi32, #tpu.memory_space<vmem>>, vector<1x1x512xi32>
      %get3A_378 = vector.shape_cast %get3A_377 : vector<1x1x512xi32> to vector<1x512xi32>
      %eq3A = vector.broadcast %get3A_378 : vector<1x512xi32> to vector<512x512xi32>
      %eq3A_379 = vector.broadcast %iota3A : vector<512x1xi32> to vector<512x512xi32>
      %eq3A_380 = arith.cmpi eq, %eq3A, %eq3A_379 : vector<512x512xi32>
      %dot_general3A_381 = arith.constant dense<0.000000e+00> : vector<512x512xf32>
      %dot_general3A_382 = tpu.matmul %mul3A_316, %get3A_373, %dot_general3A_381 {dimension_numbers = #tpu.dot_dimension_numbers<[1], [0], [0], [1], [0, 0, 1, 1], [], []>, transpose_lhs_hint = false} : vector<512x64xf32>, vector<64x512xf32>, vector<512x512xf32> -> vector<512x512xf32>
      %sub3A = vector.broadcast %select_n3A_330 : vector<512x1xf32> to vector<512x512xf32>
      %sub3A_383 = arith.subf %dot_general3A_382, %sub3A : vector<512x512xf32>
      %exp3A = math.exp %sub3A_383 : vector<512x512xf32>
      %jit3A_384 = arith.constant 0.000000e+00 : f32
      %broadcast_in_dim3A_385 = vector.broadcast %jit3A_384 : f32 to vector<512x512xf32>
      %select_n3A_386 = arith.select %eq3A_380, %exp3A, %broadcast_in_dim3A_385 : vector<512x512xi1>, vector<512x512xf32>
      %reduce_sum3A = arith.constant dense<0.000000e+00> : vector<512xf32>
      %reduce_sum3A_387 = vector.multi_reduction <add>, %select_n3A_386, %reduce_sum3A [1] : vector<512x512xf32> to vector<512xf32>
      %broadcast_in_dim3A_388 = vector.shape_cast %reduce_sum3A_387 : vector<512xf32> to vector<512x1xf32>
      %add3A_389 = arith.addf %scan3A_362, %broadcast_in_dim3A_388 : vector<512x1xf32>
      %dot_general3A_390 = arith.constant dense<0.000000e+00> : vector<512x64xf32>
      %dot_general3A_391 = tpu.matmul %select_n3A_386, %get3A_368, %dot_general3A_390 {dimension_numbers = #tpu.dot_dimension_numbers<[1], [0], [0], [1], [0, 0, 1, 1], [], []>, transpose_lhs_hint = false} : vector<512x512xf32>, vector<512x64xf32>, vector<512x64xf32> -> vector<512x64xf32>
      %add3A_392 = arith.addf %scan3A_363, %dot_general3A_391 : vector<512x64xf32>
      scf.yield %add3A_389, %add3A_392 : vector<512x1xf32>, vector<512x64xf32>
    }
    %scan3A_340 = arith.constant 20 : i32
    %add3A_341 = arith.constant 1.000000e-16 : f32
    %add3A_342 = vector.broadcast %add3A_341 : f32 to vector<512x1xf32>
    %add3A_343 = arith.addf %scan3A_339#0, %add3A_342 : vector<512x1xf32>
    %div3A_344 = vector.broadcast %add3A_343 : vector<512x1xf32> to vector<512x64xf32>
    %div3A_345 = arith.divf %scan3A_339#1, %div3A_344 : vector<512x64xf32>
    %concatenate3A_346 = tpu.concatenate %mul3A_316, %div3A_345 in 1 : vector<512x64xf32>, vector<512x64xf32> -> vector<512x128xf32>
    %get3A_347 = arith.constant 0 : index
    %get3A_348 = arith.constant 0 : index
    %get3A_349 = vector.load %arg15[%get3A_347, %get3A_348] : memref<128x64xf32, #tpu.memory_space<vmem>>, vector<128x64xf32>
    %dot_general3A_350 = arith.constant dense<0.000000e+00> : vector<512x64xf32>
    %dot_general3A_351 = tpu.matmul %concatenate3A_346, %get3A_349, %dot_general3A_350 {dimension_numbers = #tpu.dot_dimension_numbers<[1], [0], [0], [1], [0, 0, 1, 1], [], []>, transpose_lhs_hint = false} : vector<512x128xf32>, vector<128x64xf32>, vector<512x64xf32> -> vector<512x64xf32>
    %get3A_352 = arith.constant 0 : index
    %get3A_353 = arith.constant 0 : index
    %get3A_354 = vector.load %arg16[%get3A_352, %get3A_353] : memref<1x64xf32, #tpu.memory_space<vmem>>, vector<1x64xf32>
    %add3A_355 = vector.broadcast %get3A_354 : vector<1x64xf32> to vector<512x64xf32>
    %add3A_356 = arith.addf %dot_general3A_351, %add3A_355 : vector<512x64xf32>
    %max3A = arith.constant 0.000000e+00 : f32
    %max3A_357 = vector.broadcast %max3A : f32 to vector<512x64xf32>
    %max3A_358 = arith.maximumf %add3A_356, %max3A_357 : vector<512x64xf32>
    %swap3A = arith.constant 0 : index
    %swap3A_359 = arith.constant 0 : index
    %swap3A_360 = vector.load %arg17[%swap3A, %swap3A_359] : memref<512x64xf32, #tpu.memory_space<vmem>>, vector<512x64xf32>
    tpu.vector_store %arg17[%swap3A, %swap3A_359], %max3A_358 {strides = array<i32>} : memref<512x64xf32, #tpu.memory_space<vmem>>, vector<512x64xf32>,
    return
  }
}

</mosaic_0001>

<sc_bundles>
// kernel: kernel.17.cloned.1.call-start
scs
__scs_entry_jumppad:
0x0: {  	(pc) =	sbr.rel $0x88, $3  }
0x1: {  	(tag) =	ssettag $0x0;
	lr =	simm.s32 $0x1  }
0x2: {  	[smem:$0x3F8B] =	sst lr;
	_ =	strace $0xD0000000  }
0x3: {  	_ = 	snop  }
0x4: {  	_ = 	snop  }
0x5: {  	_ = 	snop  }
0x6: {  	_ = 	snop  }
0x7: {  	_ = 	snop  }
__scs_overlays_trampoline_lowered:
0x8: {  	[smem:$0x3F9A] =	sst s0  }
0x9: {  	[smem:$0x3F9B] =	sst s1  }
0xa: {  	[smem:$0x3F9C] =	sst s2  }
0xb: {  	[smem:$0x3F9D] =	sst s3  }
0xc: {  	[smem:$0x3F9E] =	sst s4  }
0xd: {  	[smem:$0x3F9F] =	sst s5  }
0xe: {  	[smem:$0x3FA0] =	sst s6  }
0xf: {  	[smem:$0x3FA1] =	sst s7  }
0x10: {  	[smem:$0x3FA2] =	sst s8  }
0x11: {  	[smem:$0x3FA3] =	sst s9;
	s0 =	simm.s32 @!p0 $0x0  }
0x12: {  	s1 =	sld [smem:$0x3F89];
	s0 =	simm.s32 @p0 $0x1  }
0x13: {  	[smem:$0x3FA4] =	sst s0;
	s0 =	simm.s32 @!p1 $0x0  }
0x14: {  	s2 =	sld [smem:$0x3F88];
	s0 =	simm.s32 @p1 $0x1  }
0x15: {  	[smem:$0x3FA5] =	sst s0;
	s0 =	simm.s32 @!p2 $0x0  }
0x16: {  	s3 =	sld [smem:$0x3FDB];
	s0 =	simm.s32 @p2 $0x1  }
0x17: {  	s4 =	simm.s32 $0x1BF5;
	[smem:$0x3FA7] =	sst s0  }
0x18: {  	s0 =	sld [smem:$0x3F8A];
	_ =	swait.ge [sflag:s4], $0x0  }
0x19: {  	s7 =	sld [smem:$0x3F8B]  }
0x1a: {  	s8 =	sadd.s32 $0xFFFFE003, lr  }
0x1b: {  	s9 =	sadd.s32 $0xFFFFFEF7, lr;
	s5 =	simm.s32 $0xFFFFFFFF;
	p2 =	slt.u32 s8, $0xFFFFF086  }
0x1c: {  	p1 =	slt.u32 s9, $0xF7A;
	s5 =	simm.s32 @!p2 $0x0  }
0x1d: {  	s5 =	simm.s32 @p1 $0x1;
	p0 =	seq.s32 s7, s2  }
0x1e: {  	s7 =	smul.u32 @!p0 $0xF7A, s2;
	p2 =	seq.s32 @!p0 s5, $0x0  }
0x1f: {  	s9 =	smul.u32 $0xF7A, s1;
	s8 =	simm.s32 @!p0 $0x1BF5;
	p2 =	por !p2, p0  }
0x20: {  	[sflag:s8] =	ssyncset.s32 @!p0 $0xFFFFF086;
	s6 =	sadd.s32 @!p0 s3, s7;
	s7 =	simm.s32 @!p0 $0x108  }
0x21: {  	s3 =	sadd.s32 s3, s9;
	s6 =	sadd.s32 @!p0 $0x88, s6;
	s7 =	simm.s32 @p2 $0x1082  }
0x22: {  	[simem:s7], [sflag:s8] =	dma.local @!p0 [hbm:s6], $0xF7A  }
0x23: {  	s9 =	sor.u32 $0xD0000000, s2;
	s6 =	simm.s32 $0x108;
	_ =	swait.ge @!p0 [sflag:s8], $0x0  }
0x24: {  	s3 =	sadd.s32 $0x88, s3;
	s6 =	simm.s32 @!p1 $0x1082;
	[sflag:s4] =	ssyncset.s32 $0xFFFFF086  }
0x25: {  	[simem:s6], [sflag:s4] =	dma.local [hbm:s3], $0xF7A  }
0x26: {  	[smem:$0x3F8B] =	sst s1;
	(tag) =	ssettag s2;
	_ =	strace s9  }
0x27: {  	s1 =	sld [smem:$0x3F9B]  }
0x28: {  	s2 =	sld [smem:$0x3F9C]  }
0x29: {  	s4 =	sld [smem:$0x3F9E]  }
0x2a: {  	p0 =	seq.s32 s5, $0x0;
	s5 =	sld [smem:$0x3F9F]  }
0x2b: {  	s6 =	sld [smem:$0x3FA0]  }
0x2c: {  	s7 =	sld [smem:$0x3FA1]  }
0x2d: {  	s3 =	simm.s32 $0x108;
	s8 =	sld [smem:$0x3FA2]  }
0x2e: {  	s3 =	simm.s32 @!p0 $0x1082;
	s9 =	sld [smem:$0x3FA3]  }
0x2f: {  	lr =	sadd.s32 s0, s3;
	s0 =	sld [smem:$0x3F9A]  }
0x30: {  	s3 =	sld [smem:$0x3F9D]  }
0x31: {  	[smem:$0x3FA6] =	sst s10  }
0x32: {  	s10 =	sld [smem:$0x3FA4];
	_ =	sdelay $0x3  }
0x33: {  	p0 =	seq.s32 s10, $0x1;
	s10 =	sld [smem:$0x3FA6];
	_ =	sdelay $0x3  }
0x34: {  	[smem:$0x3FA6] =	sst s10  }
0x35: {  	s10 =	sld [smem:$0x3FA5];
	_ =	sdelay $0x3  }
0x36: {  	p1 =	seq.s32 s10, $0x1;
	s10 =	sld [smem:$0x3FA6];
	_ =	sdelay $0x3  }
0x37: {  	[smem:$0x3FA6] =	sst s10  }
0x38: {  	s10 =	sld [smem:$0x3FA7]  }
0x39: {  	_ = 	snop;
	(pc) =	sbr.ind lr, $3  }
0x3a: {  	_ = 	snop  }
0x3b: {  	_ = 	snop  }
0x3c: {  	p2 =	seq.s32 s10, $0x1;
	s10 =	sld [smem:$0x3FA6]  }
0x3d: {  	_ =	shalt  }
0x3e: {  	_ =	shalt  }
0x3f: {  	_ =	shalt  }
0x40: {  	_ =	shalt  }
0x41: {  	_ =	shalt  }
0x42: {  	_ =	shalt  }
0x43: {  	_ =	shalt  }
0x44: {  	_ =	shalt  }
0x45: {  	_ =	shalt  }
0x46: {  	_ =	shalt  }
0x47: {  	_ =	shalt  }
0x48: {  	_ =	shalt  }
0x49: {  	_ =	shalt  }
0x4a: {  	_ =	shalt  }
0x4b: {  	_ =	shalt  }
0x4c: {  	_ =	shalt  }
0x4d: {  	_ =	shalt  }
0x4e: {  	_ =	shalt  }
0x4f: {  	_ =	shalt  }
0x50: {  	_ =	shalt  }
0x51: {  	_ =	shalt  }
0x52: {  	_ =	shalt  }
0x53: {  	_ =	shalt  }
0x54: {  	_ =	shalt  }
0x55: {  	_ =	shalt  }
0x56: {  	_ =	shalt  }
0x57: {  	_ =	shalt  }
0x58: {  	_ =	shalt  }
0x59: {  	_ =	shalt  }
0x5a: {  	_ =	shalt  }
0x5b: {  	_ =	shalt  }
0x5c: {  	_ =	shalt  }
0x5d: {  	_ =	shalt  }
0x5e: {  	_ =	shalt  }
0x5f: {  	_ =	shalt  }
0x60: {  	_ =	shalt  }
0x61: {  	_ =	shalt  }
0x62: {  	_ =	shalt  }
0x63: {  	_ =	shalt  }
0x64: {  	_ =	shalt  }
0x65: {  	_ =	shalt  }
0x66: {  	_ =	shalt  }
0x67: {  	_ =	shalt  }
0x68: {  	_ =	shalt  }
0x69: {  	_ =	shalt  }
0x6a: {  	_ =	shalt  }
0x6b: {  	_ =	shalt  }
0x6c: {  	_ =	shalt  }
0x6d: {  	_ =	shalt  }
0x6e: {  	_ =	shalt  }
0x6f: {  	_ =	shalt  }
0x70: {  	_ =	shalt  }
0x71: {  	_ =	shalt  }
0x72: {  	_ =	shalt  }
0x73: {  	_ =	shalt  }
0x74: {  	_ =	shalt  }
0x75: {  	_ =	shalt  }
0x76: {  	_ =	shalt  }
0x77: {  	_ =	shalt  }
0x78: {  	_ =	shalt  }
0x79: {  	_ =	shalt  }
0x7a: {  	_ =	shalt  }
0x7b: {  	_ =	shalt  }
0x7c: {  	_ =	shalt  }
0x7d: {  	_ =	shalt  }
0x7e: {  	_ =	shalt  }
0x7f: {  	_ =	shalt  }
0x80: {  	_ =	shalt  }
0x81: {  	_ =	shalt  }
0x82: {  	_ =	shalt  }
0x83: {  	_ =	shalt  }
0x84: {  	_ =	shalt  }
0x85: {  	_ =	shalt  }
0x86: {  	_ =	shalt  }
0x87: {  	_ =	shalt  }
.Lfunc_end0:
.L_simem_size_0:
called_computation_lowered:
.L_overlay_start_0:
0x88: {  	s2 =	sld [smem:$0x3FD9]  }
0x89: {  	s3 =	sld [smem:$0x3FFE];
	_ =	sdelay $0x1  }
0x8a: {  	s1 =	srdreg.scid  }
0x8b: {  	s0 =	sand.u32 $0x1, s1  }
0x8c: {  	s17 =	sshll.u32 s0, $0xA;
	s2 =	sadd.s32 s3, s2  }
0x8d: {  	s2 =	sadd.s32 s2, s17  }
0x8e: {  	[smem:$0x3FB2] =	sst s2  }
0x8f: {  	_ = 	snop  }
0x90: {  	(tm) =	ssettm $0x1  }
0x91: {  	s18 =	sld [smem:$0x3FFB];
	_ =	sdelay $0x3  }
0x92: {  	_ =	strace s18  }
0x93: {  	s2 =	sld [smem:$0x3FFC];
	_ =	sdelay $0x3  }
0x94: {  	_ =	strace s2  }
0x95: {  	s2 =	sld [smem:$0x3FFD];
	_ =	sdelay $0x3  }
0x96: {  	_ =	strace s2  }
0x97: {  	_ =	strace $0x8FFFFFFF  }
0x98: {  	s19 =	sld [smem:$0x3FDB];
	_ =	sdelay $0x1  }
0x99: {  	s20 =	simm.s32 $_scs_section_size  }
0x9a: {  	s4 =	simm.s32 $_size__tile_overlayer_lowered;
	s5 =	simm.s32 $_tile_overlayer_lowered  }
0x9b: {  	s6 =	simm.s32 $0x1BFF;
	s21 =	sshll.u32 s5, $0x1;
	s3 =	sadd.s32 s20, s19  }
0x9c: {  	s22 =	simm.s32 $0x0;
	s4 =	sshll.u32 s4, $0x1;
	s5 =	sadd.s32 s21, s3  }
0x9d: {  	[timem:s22], [sflag:s6] =	dma.local [hbm:s5], s4  }
0x9e: {  	_ =	swait.ge [sflag:s6], s4  }
0x9f: {  	s4 =	ssub.s32 $0x0, s4;
	[sflag:s6] =	ssyncset.done $0x0  }
0xa0: {  	[sflag:s6] =	ssyncadd.s32 s4;
	_ =	sdelay $0x1  }
0xa1: {  	s23 =	simm.s32 $0x1B8B  }
0xa2: {  	_ =	swait.ge [sflag:s23], $0x1  }
0xa3: {  	[sflag:s23] =	ssyncset.done $0x0  }
0xa4: {  	[sflag:s23] =	ssyncadd.s32 $0xFFFFFFFF  }
0xa5: {  	s4 =	sld [smem:$0x0]  }
0xa6: {  	s5 =	sand.u32 $0xFFFFFFFE, s1  }
0xa7: {  	p0 =	sne.s32 s1, s5  }
0xa8: {  	s5 =	sshll.u32 @p0 s5, $0xE  }
0xa9: {  	s5 =	sadd.s32 @p0 $0x11B8D, s5;
	s6 =	sshll.u32 @p0 s4, $0x11  }
0xaa: {  	s5 =	sor.u32 @p0 s6, s5  }
0xab: {  	[sflag:s5] =	ssyncadd.remote.s32 @p0 $0x1;
	_ =	sdelay $0x1  }
0xac: {  	s5 =	simm.s32 @p0 $0x1B8D  }
0xad: {  	_ =	swait.eq @p0 [sflag:s5], $0x1  }
0xae: {  	[sflag:s5] =	ssyncadd.s32 @p0 $0xFFFFFFFF  }
0xaf: {  	s6 =	sshll.u32 @!p0 s1, $0xE  }
0xb0: {  	s6 =	sor.u32 @!p0 $0x4000, s6;
	s5 =	simm.s32 @!p0 $0x1B8D  }
0xb1: {  	s4 =	sshll.u32 @!p0 s4, $0x11;
	s6 =	sadd.s32 @!p0 $0x11B8D, s6;
	_ =	swait.eq @!p0 [sflag:s5], $0x1  }
0xb2: {  	s4 =	sor.u32 @!p0 s4, s6;
	[sflag:s5] =	ssyncadd.s32 @!p0 $0xFFFFFFFF  }
0xb3: {  	s25 =	simm.s32 $0x1B8E;
	s24 =	sld [smem:$0x3FFE];
	[sflag:s4] =	ssyncadd.remote.s32 @!p0 $0x1  }
0xb4: {  	s26 =	simm.s32 $execute0_lowered;
	[smem:$0x3FD2] =	sst s25  }
0xb5: {  	s5 =	sshll.u32 s26, $0x1;
	_ =	strace $0x80000049;
	[dreg:$0x1] =	wrdreg $0xFFFFFFFF  }
0xb6: {  	s28 =	simm.s32 $_size_execute0_lowered;
	s3 =	sadd.s32 s3, s5;
	[dreg:$0x0] =	wrdreg $0x0  }
0xb7: {  	s5 =	sshll.u32 s28, $0x1;
	[dreg:$0x2] =	wrdreg s3  }
0xb8: {  	[dreg:$0x3] =	wrdreg s5  }
0xb9: {  	[dreg:$0x4] =	wrdreg $0xC0  }
0xba: {  	_ =	task [dreg:s22], $0x5FFFF  }
0xbb: {  	[dreg:$0x1] =	wrdreg $0xFFFFFFFF  }
0xbc: {  	[dreg:$0x0] =	wrdreg $0x60  }
0xbd: {  	[dreg:$0x2] =	wrdreg s24  }
0xbe: {  	[dreg:$0x3] =	wrdreg $0x2A800  }
0xbf: {  	[dreg:$0x4] =	wrdreg $0x9  }
0xc0: {  	_ =	task.clear_ibuf [dreg:s22], $0x5FFFF;
	_ =	strace $0x90000049  }
0xc1: {  	s29 =	simm.s32 $0x9;
	_ =	strace $0x8000004B  }
0xc2: {  	_ =	swait.ge [sflag:s29], $0x1  }
0xc3: {  	[sflag:s29] =	ssyncadd.s32 $0xFFFFFFFF  }
0xc4: {  	_ =	strace $0x9000004B  }
0xc5: {  	_ =	sfence  }
0xc6: {  	s30 =	sld [smem:$0x0];
	_ =	sdelay $0x2  }
0xc7: {  	s31 =	sshll.u32 s1, $0xD;
	s1 =	sshrl.u32 s1, $0x2  }
0xc8: {  	s4 =	sand.u32 $0x4000, s31;
	s1 =	sadd.s32 s1, s30  }
0xc9: {  	s0 =	sor.u32 s4, s0;
	s1 =	sshll.u32 s1, $0x11  }
0xca: {  	s0 =	sor.u32 s1, s0  }
0xcb: {  	s0 =	sadd.s32 $0x8F2B, s0  }
0xcc: {  	[sflag:s0] =	ssyncadd.remote.s32 $0x1  }
0xcd: {  	_ =	sfence.sel $0xFFFF  }
0xce: {  	[dreg:$0x0] =	wrdreg $0xFFFFFFFF;
	(pc) =	sbr.abs _section_cstart, $3  }
0xcf: {  	[dreg:$0x1] =	wrdreg $0xFFFFFFFF  }
0xd0: {  	_ =	task.clear_ibuf [dreg:s22], $0x2FFFF;
	_ =	strace $0x9FFFFFFF  }
0xd1: {  	(tm) =	ssettm $0x7FFFFFFF  }
tec
execute0_lowered:
.L_overlay_start_1:
0x0: {  	(tag) =	ssettag $0x1  }
0x1: {  	s19 =	rddreg [dreg:$0x0]  }
0x2: {  	s2 =	rddreg [dreg:$0x1]  }
0x3: {  	s0 =	rddreg [dreg:$0x2];
	s1 =	stileid.u32  }
0x4: {  	s3 =	simm.s32 $0x0;
	s4 =	srdreg.scid;
	s5 =	smul.u32 $0xA000, s1  }
0x5: {  	[smem:$0x7FF] =	sst s3;
	s20 =	sand.u32 $0x1, s4;
	s28 =	sshll.u32 s1, $0x1  }
0x6: {  	s4 =	sadd.s32 $0x75200, s19;
	s29 =	sshll.u32 s1, $0x6;
	s5 =	sshrl.u32 s5, $0x2  }
0x7: {  	_ =	strace $0x8000004A;
	s8 =	sor.u32 s20, s28;
	s6 =	sadd.s32 s5, s2  }
0x8: {  	s5 =	sor.u32 $0x1C01, s29;
	s7 =	sshrl.u32 s6, $0x3;
	s6 =	simm.s32 $0x1  }
0x9: {  	[spmem:s7], [sflag:s5] =	dma.local [hbm:s4], $0x500  }
0xa: {  	s9 =	smul.u32 $0x50, s8;
	_ =	swait.ge [sflag:s6], $0x500  }
0xb: {  	[sflag:s6] =	ssyncset.done $0x0  }
0xc: {  	s9 =	sadd.s32 s9, s19;
	[sflag:s6] =	ssyncadd.s32 $0xFFFFFB00  }
0xd: {  	s10 =	smul.u32 $0x500, s8;
	s8 =	sadd.s32 $0x6A800, s9;
	[bflag:$0x0] =	sbarrier.arrive $0xFFFF  }
0xe: {  	[tilespmem:s3], [sflag:$0x1] =	stream.linear.gather [hbm4b:s8+s3], $0x280, $0x38;
	[tilespmem:$0x5280] =	vst v63  }
0xf: {  	_ =	swait.ge [sflag:s6], $0x280  }
0x10: {  	s30 =	sadd.s32 s10, s19;
	[sflag:s6] =	ssyncset.done $0x0  }
0x11: {  	s10 =	simm.s32 $0x280;
	s9 =	sadd.s32 $0x6B200, s30;
	[sflag:s6] =	ssyncadd.s32 $0xFFFFFD80  }
0x12: {  	[tilespmem:s10], [sflag:$0x1] =	stream.linear.gather [hbm4b:s9+s3], $0x2800, $0x38;
	[tilespmem:$0x5280] =	vst v63  }
0x13: {  	_ =	swait.ge [sflag:s6], $0x2800  }
0x14: {  	[sflag:s6] =	ssyncset.done $0x0  }
0x15: {  	s11 =	simm.s32 $0x80;
	[sflag:s6] =	ssyncadd.s32 $0xFFFFD800  }
0x16: {  	[spmem:s2] =	stream.indirect.scatter.add.f32 [tilespmem:s10], [sflag:$0x1], $0x10, s3, s11, $0xb8;
	[tilespmem:$0x5280] =	vst v63  }
0x17: {  	_ =	swait.ge [sflag:s6], $0x800  }
0x18: {  	[sflag:s6] =	ssyncset.done $0x0  }
0x19: {  	s12 =	simm.s32 $0xA80;
	[sflag:s6] =	ssyncadd.s32 $0xFFFFF800  }
0x1a: {  	[spmem:s2] =	stream.indirect.scatter.add.f32 [tilespmem:s12], [sflag:$0x1], $0x10, s11, s11, $0xb8;
	[tilespmem:$0x5280] =	vst v63  }
0x1b: {  	_ =	swait.ge [sflag:s6], $0x800  }
0x1c: {  	[sflag:s6] =	ssyncset.done $0x0  }
0x1d: {  	s13 =	simm.s32 $0x100;
	s14 =	simm.s32 $0x1280;
	[sflag:s6] =	ssyncadd.s32 $0xFFFFF800  }
0x1e: {  	[spmem:s2] =	stream.indirect.scatter.add.f32 [tilespmem:s14], [sflag:$0x1], $0x10, s13, s11, $0xb8;
	[tilespmem:$0x5280] =	vst v63  }
0x1f: {  	_ =	swait.ge [sflag:s6], $0x800  }
0x20: {  	s15 =	simm.s32 $0x180;
	[sflag:s6] =	ssyncset.done $0x0  }
0x21: {  	s16 =	simm.s32 $0x1A80;
	s17 =	simm.s32 $0x200;
	[sflag:s6] =	ssyncadd.s32 $0xFFFFF800  }
0x22: {  	[spmem:s2] =	stream.indirect.scatter.add.f32 [tilespmem:s16], [sflag:$0x1], $0x10, s15, s11, $0xb8;
	[tilespmem:$0x5280] =	vst v63  }
0x23: {  	s21 =	smul.u32 $0x28000, s20;
	s20 =	ssub.s32 $0x2, s20;
	_ =	swait.ge [sflag:s6], $0x800  }
0x24: {  	s18 =	simm.s32 $0x2280;
	s31 =	sshrl.u32 s20, $0x1;
	[sflag:s6] =	ssyncset.done $0x0  }
0x25: {  	s22 =	smul.u32 $0x2800, s1;
	s20 =	ssub.s32 s20, s31;
	[sflag:s6] =	ssyncadd.s32 $0xFFFFF800  }
0x26: {  	[spmem:s2] =	stream.indirect.scatter.add.f32 [tilespmem:s18], [sflag:$0x1], $0x10, s17, s11, $0xb8;
	[tilespmem:$0x5280] =	vst v63  }
0x27: {  	s21 =	sadd.s32 s22, s21;
	s20 =	smax.u32 s20, $0x1;
	_ =	swait.ge [sflag:s6], $0x800  }
0x28: {  	s21 =	sshrl.u32 s21, $0x3;
	p0 =	sne.s32 s20, $0x1;
	[sflag:s6] =	ssyncset.done $0x0  }
.Ltmp0:
0x29: {  	s19 =	sadd.s32 s21, s19;
	[sflag:s6] =	ssyncadd.s32 $0xFFFFF800;
	(pc) =	sbr.rel @!p0 .LBB2_2-.Ltmp0, $4  }
0x2a: {  	s19 =	sadd.s32 $0x75800, s19;
	[bflag:$0x0] =	sbarrier.arrive $0xFFFF  }
0x2b: {  	[hbm:s19], [sflag:s5] =	dma.local [spmem:s7], $0x500  }
0x2c: {  	_ =	swait.ge [sflag:s6], $0x500  }
0x2d: {  	s20 =	sadd.s32 $0xFFFFFFFF, s20;
	[sflag:s6] =	ssyncset.done $0x0  }
.LBB2_1:
0x2e: {  	p0 =	sne.s32 s20, $0x1;
	s20 =	sadd.s32 $0xFFFFFFFF, s20;
	[sflag:s6] =	ssyncadd.s32 $0xFFFFFB00  }
0x2f: {  	[spmem:s7], [sflag:s5] =	dma.local [hbm:s4], $0x500  }
0x30: {  	_ =	swait.ge [sflag:s6], $0x500  }
0x31: {  	[sflag:s6] =	ssyncset.done $0x0  }
0x32: {  	[sflag:s6] =	ssyncadd.s32 $0xFFFFFB00  }
0x33: {  	[bflag:$0x0] =	sbarrier.arrive $0xFFFF  }
0x34: {  	[tilespmem:s3], [sflag:$0x1] =	stream.linear.gather [hbm4b:s8+s3], $0x280, $0x38;
	[tilespmem:$0x5280] =	vst v63  }
0x35: {  	_ =	swait.ge [sflag:s6], $0x280  }
0x36: {  	[sflag:s6] =	ssyncset.done $0x0  }
0x37: {  	[sflag:s6] =	ssyncadd.s32 $0xFFFFFD80  }
0x38: {  	[tilespmem:s10], [sflag:$0x1] =	stream.linear.gather [hbm4b:s9+s3], $0x2800, $0x38;
	[tilespmem:$0x5280] =	vst v63  }
0x39: {  	_ =	swait.ge [sflag:s6], $0x2800  }
0x3a: {  	[sflag:s6] =	ssyncset.done $0x0  }
0x3b: {  	[sflag:s6] =	ssyncadd.s32 $0xFFFFD800  }
0x3c: {  	[spmem:s2] =	stream.indirect.scatter.add.f32 [tilespmem:s10], [sflag:$0x1], $0x10, s3, s11, $0xb8;
	[tilespmem:$0x5280] =	vst v63  }
0x3d: {  	_ =	swait.ge [sflag:s6], $0x800  }
0x3e: {  	[sflag:s6] =	ssyncset.done $0x0  }
0x3f: {  	[sflag:s6] =	ssyncadd.s32 $0xFFFFF800  }
0x40: {  	[spmem:s2] =	stream.indirect.scatter.add.f32 [tilespmem:s12], [sflag:$0x1], $0x10, s11, s11, $0xb8;
	[tilespmem:$0x5280] =	vst v63  }
0x41: {  	_ =	swait.ge [sflag:s6], $0x800  }
0x42: {  	[sflag:s6] =	ssyncset.done $0x0  }
0x43: {  	[sflag:s6] =	ssyncadd.s32 $0xFFFFF800  }
0x44: {  	[spmem:s2] =	stream.indirect.scatter.add.f32 [tilespmem:s14], [sflag:$0x1], $0x10, s13, s11, $0xb8;
	[tilespmem:$0x5280] =	vst v63  }
0x45: {  	_ =	swait.ge [sflag:s6], $0x800  }
0x46: {  	[sflag:s6] =	ssyncset.done $0x0  }
0x47: {  	[sflag:s6] =	ssyncadd.s32 $0xFFFFF800  }
0x48: {  	[spmem:s2] =	stream.indirect.scatter.add.f32 [tilespmem:s16], [sflag:$0x1], $0x10, s15, s11, $0xb8;
	[tilespmem:$0x5280] =	vst v63  }
0x49: {  	_ =	swait.ge [sflag:s6], $0x800  }
0x4a: {  	[sflag:s6] =	ssyncset.done $0x0  }
0x4b: {  	[sflag:s6] =	ssyncadd.s32 $0xFFFFF800  }
0x4c: {  	[spmem:s2] =	stream.indirect.scatter.add.f32 [tilespmem:s18], [sflag:$0x1], $0x10, s17, s11, $0xb8;
	[tilespmem:$0x5280] =	vst v63  }
0x4d: {  	_ =	swait.ge [sflag:s6], $0x800  }
0x4e: {  	[sflag:s6] =	ssyncset.done $0x0  }
.Ltmp1:
0x4f: {  	[sflag:s6] =	ssyncadd.s32 $0xFFFFF800;
	(pc) =	sbr.rel @p0 .LBB2_1-.Ltmp1, $4  }
0x50: {  	[bflag:$0x0] =	sbarrier.arrive $0xFFFF  }
0x51: {  	[hbm:s19], [sflag:s5] =	dma.local [spmem:s7], $0x500  }
0x52: {  	_ =	swait.ge [sflag:s6], $0x500  }
0x53: {  	[sflag:s6] =	ssyncset.done $0x0  }
.LBB2_2:
0x54: {  	[sflag:s6] =	ssyncadd.s32 $0xFFFFFB00  }
0x55: {  	_ =	sfence.sel $0x180000  }
0x56: {  	[bflag:$0x0] =	sbarrier.arrive $0xFFFF  }
0x57: {  	p0 =	sne.s32 s1, $0x0;
	_ =	strace $0x9000004A  }
0x58: {  	s0 =	sadd.s32 @!p0 $0x100000, s0;
	[bflag:$0x2] =	sbarrier.arrive $0xFFFF  }
0x59: {  	[sflag:s0] =	ssyncadd.tile.s32 @!p0 $0x1;
	_ =	shalt  }
.Lfunc_end2:
_tile_overlayer_lowered:
.L_overlay_start_2:
0x5a: {  	(tag) =	ssettag $0x2  }
0x5b: {  	s0 =	rddreg [dreg:$0x0];
	s2 =	stileid.u32  }
0x5c: {  	s1 =	rddreg [dreg:$0x1];
	p0 =	sne.s32 s2, $0x0  }
0x5d: {  	s3 =	rddreg [dreg:$0x2];
	[bflag:$0x3] =	sbarrier.arrive $0xFFFF;
	s2 =	simm.s32 @!p0 $0x1C01  }
0x5e: {  	[timem:s3], [sflag:s2] =	dma.local @!p0 [hbm:s0], s1  }
0x5f: {  	s0 =	simm.s32 @!p0 $0x1  }
0x60: {  	_ =	swait.ge @!p0 [sflag:s0], s1  }
0x61: {  	s1 =	ssub.s32 @!p0 $0x0, s1;
	[sflag:s0] =	ssyncset.done @!p0 $0x0  }
0x62: {  	[sflag:s0] =	ssyncadd.s32 @!p0 s1  }
0x63: {  	[bflag:$0x3] =	sbarrier.arrive $0xFFFF  }
0x64: {  	_ =	shalt  }

// kernel: kernel.20.cloned.1.call-start
scs
__scs_entry_jumppad:
0x0: {  	(pc) =	sbr.rel $0x88, $3  }
0x1: {  	(tag) =	ssettag $0x0;
	lr =	simm.s32 $0x1  }
0x2: {  	[smem:$0x3F8B] =	sst lr;
	_ =	strace $0xD0000000  }
0x3: {  	_ = 	snop  }
0x4: {  	_ = 	snop  }
0x5: {  	_ = 	snop  }
0x6: {  	_ = 	snop  }
0x7: {  	_ = 	snop  }
__scs_overlays_trampoline_lowered:
0x8: {  	[smem:$0x3F9A] =	sst s0  }
0x9: {  	[smem:$0x3F9B] =	sst s1  }
0xa: {  	[smem:$0x3F9C] =	sst s2  }
0xb: {  	[smem:$0x3F9D] =	sst s3  }
0xc: {  	[smem:$0x3F9E] =	sst s4  }
0xd: {  	[smem:$0x3F9F] =	sst s5  }
0xe: {  	[smem:$0x3FA0] =	sst s6  }
0xf: {  	[smem:$0x3FA1] =	sst s7  }
0x10: {  	[smem:$0x3FA2] =	sst s8  }
0x11: {  	[smem:$0x3FA3] =	sst s9;
	s0 =	simm.s32 @!p0 $0x0  }
0x12: {  	s1 =	sld [smem:$0x3F89];
	s0 =	simm.s32 @p0 $0x1  }
0x13: {  	[smem:$0x3FA4] =	sst s0;
	s0 =	simm.s32 @!p1 $0x0  }
0x14: {  	s2 =	sld [smem:$0x3F88];
	s0 =	simm.s32 @p1 $0x1  }
0x15: {  	[smem:$0x3FA5] =	sst s0;
	s0 =	simm.s32 @!p2 $0x0  }
0x16: {  	s3 =	sld [smem:$0x3FDB];
	s0 =	simm.s32 @p2 $0x1  }
0x17: {  	s4 =	simm.s32 $0x1BF5;
	[smem:$0x3FA7] =	sst s0  }
0x18: {  	s0 =	sld [smem:$0x3F8A];
	_ =	swait.ge [sflag:s4], $0x0  }
0x19: {  	s7 =	sld [smem:$0x3F8B]  }
0x1a: {  	s8 =	sadd.s32 $0xFFFFE003, lr  }
0x1b: {  	s9 =	sadd.s32 $0xFFFFFEF7, lr;
	s5 =	simm.s32 $0xFFFFFFFF;
	p2 =	slt.u32 s8, $0xFFFFF086  }
0x1c: {  	p1 =	slt.u32 s9, $0xF7A;
	s5 =	simm.s32 @!p2 $0x0  }
0x1d: {  	s5 =	simm.s32 @p1 $0x1;
	p0 =	seq.s32 s7, s2  }
0x1e: {  	s7 =	smul.u32 @!p0 $0xF7A, s2;
	p2 =	seq.s32 @!p0 s5, $0x0  }
0x1f: {  	s9 =	smul.u32 $0xF7A, s1;
	s8 =	simm.s32 @!p0 $0x1BF5;
	p2 =	por !p2, p0  }
0x20: {  	[sflag:s8] =	ssyncset.s32 @!p0 $0xFFFFF086;
	s6 =	sadd.s32 @!p0 s3, s7;
	s7 =	simm.s32 @!p0 $0x108  }
0x21: {  	s3 =	sadd.s32 s3, s9;
	s6 =	sadd.s32 @!p0 $0x88, s6;
	s7 =	simm.s32 @p2 $0x1082  }
0x22: {  	[simem:s7], [sflag:s8] =	dma.local @!p0 [hbm:s6], $0xF7A  }
0x23: {  	s9 =	sor.u32 $0xD0000000, s2;
	s6 =	simm.s32 $0x108;
	_ =	swait.ge @!p0 [sflag:s8], $0x0  }
0x24: {  	s3 =	sadd.s32 $0x88, s3;
	s6 =	simm.s32 @!p1 $0x1082;
	[sflag:s4] =	ssyncset.s32 $0xFFFFF086  }
0x25: {  	[simem:s6], [sflag:s4] =	dma.local [hbm:s3], $0xF7A  }
0x26: {  	[smem:$0x3F8B] =	sst s1;
	(tag) =	ssettag s2;
	_ =	strace s9  }
0x27: {  	s1 =	sld [smem:$0x3F9B]  }
0x28: {  	s2 =	sld [smem:$0x3F9C]  }
0x29: {  	s4 =	sld [smem:$0x3F9E]  }
0x2a: {  	p0 =	seq.s32 s5, $0x0;
	s5 =	sld [smem:$0x3F9F]  }
0x2b: {  	s6 =	sld [smem:$0x3FA0]  }
0x2c: {  	s7 =	sld [smem:$0x3FA1]  }
0x2d: {  	s3 =	simm.s32 $0x108;
	s8 =	sld [smem:$0x3FA2]  }
0x2e: {  	s3 =	simm.s32 @!p0 $0x1082;
	s9 =	sld [smem:$0x3FA3]  }
0x2f: {  	lr =	sadd.s32 s0, s3;
	s0 =	sld [smem:$0x3F9A]  }
0x30: {  	s3 =	sld [smem:$0x3F9D]  }
0x31: {  	[smem:$0x3FA6] =	sst s10  }
0x32: {  	s10 =	sld [smem:$0x3FA4];
	_ =	sdelay $0x3  }
0x33: {  	p0 =	seq.s32 s10, $0x1;
	s10 =	sld [smem:$0x3FA6];
	_ =	sdelay $0x3  }
0x34: {  	[smem:$0x3FA6] =	sst s10  }
0x35: {  	s10 =	sld [smem:$0x3FA5];
	_ =	sdelay $0x3  }
0x36: {  	p1 =	seq.s32 s10, $0x1;
	s10 =	sld [smem:$0x3FA6];
	_ =	sdelay $0x3  }
0x37: {  	[smem:$0x3FA6] =	sst s10  }
0x38: {  	s10 =	sld [smem:$0x3FA7]  }
0x39: {  	_ = 	snop;
	(pc) =	sbr.ind lr, $3  }
0x3a: {  	_ = 	snop  }
0x3b: {  	_ = 	snop  }
0x3c: {  	p2 =	seq.s32 s10, $0x1;
	s10 =	sld [smem:$0x3FA6]  }
0x3d: {  	_ =	shalt  }
0x3e: {  	_ =	shalt  }
0x3f: {  	_ =	shalt  }
0x40: {  	_ =	shalt  }
0x41: {  	_ =	shalt  }
0x42: {  	_ =	shalt  }
0x43: {  	_ =	shalt  }
0x44: {  	_ =	shalt  }
0x45: {  	_ =	shalt  }
0x46: {  	_ =	shalt  }
0x47: {  	_ =	shalt  }
0x48: {  	_ =	shalt  }
0x49: {  	_ =	shalt  }
0x4a: {  	_ =	shalt  }
0x4b: {  	_ =	shalt  }
0x4c: {  	_ =	shalt  }
0x4d: {  	_ =	shalt  }
0x4e: {  	_ =	shalt  }
0x4f: {  	_ =	shalt  }
0x50: {  	_ =	shalt  }
0x51: {  	_ =	shalt  }
0x52: {  	_ =	shalt  }
0x53: {  	_ =	shalt  }
0x54: {  	_ =	shalt  }
0x55: {  	_ =	shalt  }
0x56: {  	_ =	shalt  }
0x57: {  	_ =	shalt  }
0x58: {  	_ =	shalt  }
0x59: {  	_ =	shalt  }
0x5a: {  	_ =	shalt  }
0x5b: {  	_ =	shalt  }
0x5c: {  	_ =	shalt  }
0x5d: {  	_ =	shalt  }
0x5e: {  	_ =	shalt  }
0x5f: {  	_ =	shalt  }
0x60: {  	_ =	shalt  }
0x61: {  	_ =	shalt  }
0x62: {  	_ =	shalt  }
0x63: {  	_ =	shalt  }
0x64: {  	_ =	shalt  }
0x65: {  	_ =	shalt  }
0x66: {  	_ =	shalt  }
0x67: {  	_ =	shalt  }
0x68: {  	_ =	shalt  }
0x69: {  	_ =	shalt  }
0x6a: {  	_ =	shalt  }
0x6b: {  	_ =	shalt  }
0x6c: {  	_ =	shalt  }
0x6d: {  	_ =	shalt  }
0x6e: {  	_ =	shalt  }
0x6f: {  	_ =	shalt  }
0x70: {  	_ =	shalt  }
0x71: {  	_ =	shalt  }
0x72: {  	_ =	shalt  }
0x73: {  	_ =	shalt  }
0x74: {  	_ =	shalt  }
0x75: {  	_ =	shalt  }
0x76: {  	_ =	shalt  }
0x77: {  	_ =	shalt  }
0x78: {  	_ =	shalt  }
0x79: {  	_ =	shalt  }
0x7a: {  	_ =	shalt  }
0x7b: {  	_ =	shalt  }
0x7c: {  	_ =	shalt  }
0x7d: {  	_ =	shalt  }
0x7e: {  	_ =	shalt  }
0x7f: {  	_ =	shalt  }
0x80: {  	_ =	shalt  }
0x81: {  	_ =	shalt  }
0x82: {  	_ =	shalt  }
0x83: {  	_ =	shalt  }
0x84: {  	_ =	shalt  }
0x85: {  	_ =	shalt  }
0x86: {  	_ =	shalt  }
0x87: {  	_ =	shalt  }
.Lfunc_end0:
.L_simem_size_0:
called_computation.1_lowered:
.L_overlay_start_0:
0x88: {  	s2 =	sld [smem:$0x3FD9]  }
0x89: {  	s3 =	sld [smem:$0x3FFE];
	_ =	sdelay $0x1  }
0x8a: {  	s1 =	srdreg.scid  }
0x8b: {  	s0 =	sand.u32 $0x1, s1  }
0x8c: {  	s17 =	sshll.u32 s0, $0xA;
	s2 =	sadd.s32 s3, s2  }
0x8d: {  	s2 =	sadd.s32 s2, s17  }
0x8e: {  	[smem:$0x3FB2] =	sst s2  }
0x8f: {  	_ = 	snop  }
0x90: {  	s2 =	sld [smem:$0x3FD0];
	(tm) =	ssettm $0x1  }
0x91: {  	s18 =	sld [smem:$0x3FFB];
	_ =	sdelay $0x3  }
0x92: {  	_ =	strace s18  }
0x93: {  	s3 =	sld [smem:$0x3FFC];
	_ =	sdelay $0x3  }
0x94: {  	_ =	strace s3  }
0x95: {  	s3 =	sld [smem:$0x3FFD];
	_ =	sdelay $0x3  }
0x96: {  	_ =	strace s3  }
0x97: {  	_ =	strace $0x8FFFFFFF  }
0x98: {  	s19 =	sld [smem:$0x3FDB];
	_ =	sdelay $0x1  }
0x99: {  	s4 =	simm.s32 $_scs_section_size  }
0x9a: {  	s5 =	simm.s32 $_size__tile_overlayer_lowered;
	s6 =	simm.s32 $_tile_overlayer_lowered  }
0x9b: {  	s22 =	simm.s32 $0x1BFF;
	s21 =	sshll.u32 s6, $0x1;
	s3 =	sadd.s32 s4, s19  }
0x9c: {  	s7 =	simm.s32 $0x0;
	s20 =	sshll.u32 s5, $0x1;
	s5 =	sadd.s32 s21, s3  }
0x9d: {  	[timem:s7], [sflag:s22] =	dma.local [hbm:s5], s20  }
0x9e: {  	_ =	swait.ge [sflag:s22], s20  }
0x9f: {  	s4 =	ssub.s32 $0x0, s20;
	[sflag:s22] =	ssyncset.done $0x0  }
0xa0: {  	[sflag:s22] =	ssyncadd.s32 s4;
	_ =	sdelay $0x1  }
0xa1: {  	s23 =	simm.s32 $0x1B8B  }
0xa2: {  	_ =	swait.ge [sflag:s23], $0x1  }
0xa3: {  	[sflag:s23] =	ssyncset.done $0x0  }
0xa4: {  	s25 =	simm.s32 $0x1B8E;
	s24 =	sld [smem:$0x3FFE];
	[sflag:s23] =	ssyncadd.s32 $0xFFFFFFFF  }
0xa5: {  	s26 =	simm.s32 $execute0_lowered;
	[smem:$0x3FD2] =	sst s25  }
0xa6: {  	s5 =	sshll.u32 s26, $0x1;
	_ =	strace $0x80000046;
	[dreg:$0x1] =	wrdreg $0xFFFFFFFF  }
0xa7: {  	s28 =	simm.s32 $_size_execute0_lowered;
	s3 =	sadd.s32 s3, s5;
	[dreg:$0x0] =	wrdreg $0x0  }
0xa8: {  	s5 =	sshll.u32 s28, $0x1;
	[dreg:$0x2] =	wrdreg s3  }
0xa9: {  	[dreg:$0x3] =	wrdreg s5  }
0xaa: {  	[dreg:$0x4] =	wrdreg $0xC0  }
0xab: {  	_ =	task [dreg:s7], $0x5FFFF  }
0xac: {  	[dreg:$0x1] =	wrdreg $0xFFFFFFFF  }
0xad: {  	[dreg:$0x0] =	wrdreg $0x60  }
0xae: {  	[dreg:$0x2] =	wrdreg s24  }
0xaf: {  	[dreg:$0x3] =	wrdreg s2  }
0xb0: {  	[dreg:$0x4] =	wrdreg $0xA  }
0xb1: {  	_ =	task.clear_ibuf [dreg:s7], $0x5FFFF;
	_ =	strace $0x90000046  }
0xb2: {  	s29 =	simm.s32 $0xA;
	_ =	strace $0x80000048  }
0xb3: {  	_ =	swait.ge [sflag:s29], $0x1  }
0xb4: {  	[sflag:s29] =	ssyncadd.s32 $0xFFFFFFFF  }
0xb5: {  	_ =	strace $0x90000048  }
0xb6: {  	_ =	sfence  }
0xb7: {  	s30 =	sld [smem:$0x0];
	_ =	sdelay $0x2  }
0xb8: {  	s31 =	sshll.u32 s1, $0xD;
	s1 =	sshrl.u32 s1, $0x2  }
0xb9: {  	s3 =	sand.u32 $0x4000, s31;
	s1 =	sadd.s32 s1, s30  }
0xba: {  	s0 =	sor.u32 s3, s0;
	s1 =	sshll.u32 s1, $0x11  }
0xbb: {  	s0 =	sor.u32 s1, s0  }
0xbc: {  	s0 =	sadd.s32 $0x8F2B, s0  }
0xbd: {  	[sflag:s0] =	ssyncadd.remote.s32 $0x1  }
0xbe: {  	_ =	sfence.sel $0xFFFF  }
0xbf: {  	[dreg:$0x0] =	wrdreg $0xFFFFFFFF;
	(pc) =	sbr.abs _section_cstart, $3  }
0xc0: {  	[dreg:$0x1] =	wrdreg $0xFFFFFFFF  }
0xc1: {  	_ =	task.clear_ibuf [dreg:s7], $0x2FFFF;
	_ =	strace $0x9FFFFFFF  }
0xc2: {  	(tm) =	ssettm $0x7FFFFFFF  }
0xc3: {  	_ =	shalt  }
tec
execute0_lowered:
.L_overlay_start_1:
0x0: {  	(tag) =	ssettag $0x1  }
0x1: {  	s1 =	srdreg.scid;
	s0 =	stileid.u32  }
0x2: {  	s16 =	rddreg [dreg:$0x0];
	s17 =	sand.u32 $0x1, s1;
	s31 =	sshll.u32 s0, $0x1  }
0x3: {  	s3 =	rddreg [dreg:$0x1];
	s18 =	sor.u32 s17, s31  }
0x4: {  	s2 =	simm.s32 $0x0;
	s1 =	rddreg [dreg:$0x2];
	s4 =	smul.u32 $0x50, s18  }
0x5: {  	[smem:$0x7FF] =	sst s2  }
0x6: {  	_ =	strace $0x80000047;
	s4 =	sadd.s32 s3, s4;
	s3 =	simm.s32 $0x2  }
0x7: {  	[tilespmem:s2], [sflag:$0x2] =	stream.linear.gather [hbm4b:s4+s2], $0x280, $0x38;
	[tilespmem:$0xA280] =	vst v63  }
0x8: {  	_ =	swait.ge [sflag:s3], $0x280  }
0x9: {  	s6 =	simm.s32 $0x80;
	[sflag:s3] =	ssyncset.done $0x0  }
0xa: {  	s7 =	simm.s32 $0x280;
	s5 =	sadd.s32 $0x2E800, s16;
	[sflag:s3] =	ssyncadd.s32 $0xFFFFFD80  }
0xb: {  	[tilespmem:s7], [sflag:$0x1] =	stream.indirect.gather [hbm4b:s5+s6], $0x40, s2, s6, $0xb8;
	[tilespmem:$0xA280] =	vst v63  }
0xc: {  	s8 =	simm.s32 $0x2280  }
0xd: {  	[tilespmem:s8], [sflag:$0x1] =	stream.indirect.gather [hbm4b:s5+s6], $0x40, s6, s6, $0xb8;
	[tilespmem:$0xA280] =	vst v63  }
0xe: {  	s9 =	simm.s32 $0x100;
	s10 =	simm.s32 $0x4280  }
0xf: {  	[tilespmem:s10], [sflag:$0x1] =	stream.indirect.gather [hbm4b:s5+s6], $0x40, s9, s6, $0xb8;
	[tilespmem:$0xA280] =	vst v63  }
0x10: {  	s11 =	simm.s32 $0x180;
	s12 =	simm.s32 $0x6280  }
0x11: {  	[tilespmem:s12], [sflag:$0x1] =	stream.indirect.gather [hbm4b:s5+s6], $0x40, s11, s6, $0xb8;
	[tilespmem:$0xA280] =	vst v63  }
0x12: {  	s13 =	simm.s32 $0x200;
	s14 =	simm.s32 $0x8280;
	s15 =	simm.s32 $0x1  }
0x13: {  	[tilespmem:s14], [sflag:$0x1] =	stream.indirect.gather [hbm4b:s5+s6], $0x40, s13, s6, $0xb8;
	[tilespmem:$0xA280] =	vst v63  }
0x14: {  	_ =	swait.ge [sflag:s15], $0x2000  }
0x15: {  	[sflag:s15] =	ssyncset.done $0x0  }
0x16: {  	[sflag:s15] =	ssyncadd.s32 $0xFFFFE000  }
0x17: {  	_ =	swait.ge [sflag:s15], $0x2000  }
0x18: {  	[sflag:s15] =	ssyncset.done $0x0  }
0x19: {  	[sflag:s15] =	ssyncadd.s32 $0xFFFFE000  }
0x1a: {  	_ =	swait.ge [sflag:s15], $0x2000  }
0x1b: {  	[sflag:s15] =	ssyncset.done $0x0  }
0x1c: {  	s17 =	ssub.s32 $0x2, s17;
	[sflag:s15] =	ssyncadd.s32 $0xFFFFE000  }
0x1d: {  	s19 =	sshrl.u32 s17, $0x1;
	_ =	swait.ge [sflag:s15], $0x2000  }
0x1e: {  	s17 =	ssub.s32 s17, s19;
	[sflag:s15] =	ssyncset.done $0x0  }
0x1f: {  	s18 =	smul.u32 $0x1400, s18;
	s17 =	smax.u32 s17, $0x1;
	[sflag:s15] =	ssyncadd.s32 $0xFFFFE000  }
0x20: {  	p0 =	sne.s32 s17, $0x1;
	_ =	swait.ge [sflag:s15], $0x2000  }
.Ltmp0:
0x21: {  	s16 =	sadd.s32 s18, s16;
	[sflag:s15] =	ssyncset.done $0x0;
	(pc) =	sbr.rel @!p0 .LBB2_2-.Ltmp0, $4  }
0x22: {  	s16 =	sadd.s32 $0x42800, s16;
	[sflag:s15] =	ssyncadd.s32 $0xFFFFE000  }
0x23: {  	[hbm4b:s16+s2] =	stream.linear.scatter [tilespmem:s7], [sflag:$0x2], $0xA000, $0x38;
	[tilespmem:$0xA280] =	vst v63  }
0x24: {  	_ =	swait.ge [sflag:s3], $0xA000  }
0x25: {  	s17 =	sadd.s32 $0xFFFFFFFF, s17;
	[sflag:s3] =	ssyncset.done $0x0  }
.LBB2_1:
0x26: {  	p0 =	sne.s32 s17, $0x1;
	s17 =	sadd.s32 $0xFFFFFFFF, s17;
	[sflag:s3] =	ssyncadd.s32 $0xFFFF6000  }
0x27: {  	[tilespmem:s2], [sflag:$0x2] =	stream.linear.gather [hbm4b:s4+s2], $0x280, $0x38;
	[tilespmem:$0xA280] =	vst v63  }
0x28: {  	_ =	swait.ge [sflag:s3], $0x280  }
0x29: {  	[sflag:s3] =	ssyncset.done $0x0  }
0x2a: {  	[sflag:s3] =	ssyncadd.s32 $0xFFFFFD80  }
0x2b: {  	[tilespmem:s7], [sflag:$0x1] =	stream.indirect.gather [hbm4b:s5+s6], $0x40, s2, s6, $0xb8;
	[tilespmem:$0xA280] =	vst v63  }
0x2c: {  	_ = 	snop  }
0x2d: {  	[tilespmem:s8], [sflag:$0x1] =	stream.indirect.gather [hbm4b:s5+s6], $0x40, s6, s6, $0xb8;
	[tilespmem:$0xA280] =	vst v63  }
0x2e: {  	_ = 	snop  }
0x2f: {  	[tilespmem:s10], [sflag:$0x1] =	stream.indirect.gather [hbm4b:s5+s6], $0x40, s9, s6, $0xb8;
	[tilespmem:$0xA280] =	vst v63  }
0x30: {  	_ = 	snop  }
0x31: {  	[tilespmem:s12], [sflag:$0x1] =	stream.indirect.gather [hbm4b:s5+s6], $0x40, s11, s6, $0xb8;
	[tilespmem:$0xA280] =	vst v63  }
0x32: {  	_ = 	snop  }
0x33: {  	[tilespmem:s14], [sflag:$0x1] =	stream.indirect.gather [hbm4b:s5+s6], $0x40, s13, s6, $0xb8;
	[tilespmem:$0xA280] =	vst v63  }
0x34: {  	_ =	swait.ge [sflag:s15], $0x2000  }
0x35: {  	[sflag:s15] =	ssyncset.done $0x0  }
0x36: {  	[sflag:s15] =	ssyncadd.s32 $0xFFFFE000  }
0x37: {  	_ =	swait.ge [sflag:s15], $0x2000  }
0x38: {  	[sflag:s15] =	ssyncset.done $0x0  }
0x39: {  	[sflag:s15] =	ssyncadd.s32 $0xFFFFE000  }
0x3a: {  	_ =	swait.ge [sflag:s15], $0x2000  }
0x3b: {  	[sflag:s15] =	ssyncset.done $0x0  }
0x3c: {  	[sflag:s15] =	ssyncadd.s32 $0xFFFFE000  }
0x3d: {  	_ =	swait.ge [sflag:s15], $0x2000  }
0x3e: {  	[sflag:s15] =	ssyncset.done $0x0  }
0x3f: {  	[sflag:s15] =	ssyncadd.s32 $0xFFFFE000  }
0x40: {  	_ =	swait.ge [sflag:s15], $0x2000  }
.Ltmp1:
0x41: {  	[sflag:s15] =	ssyncset.done $0x0;
	(pc) =	sbr.rel @p0 .LBB2_1-.Ltmp1, $4  }
0x42: {  	[sflag:s15] =	ssyncadd.s32 $0xFFFFE000  }
0x43: {  	[hbm4b:s16+s2] =	stream.linear.scatter [tilespmem:s7], [sflag:$0x2], $0xA000, $0x38;
	[tilespmem:$0xA280] =	vst v63  }
0x44: {  	_ =	swait.ge [sflag:s3], $0xA000  }
0x45: {  	[sflag:s3] =	ssyncset.done $0x0  }
.LBB2_2:
0x46: {  	[sflag:s3] =	ssyncadd.s32 $0xFFFF6000  }
0x47: {  	_ =	sfence.sel $0x180000  }
0x48: {  	[bflag:$0x0] =	sbarrier.arrive $0xFFFF  }
0x49: {  	p0 =	sne.s32 s0, $0x0;
	_ =	strace $0x90000047  }
0x4a: {  	s0 =	sadd.s32 @!p0 $0x100000, s1;
	[bflag:$0x2] =	sbarrier.arrive $0xFFFF  }
0x4b: {  	[sflag:s0] =	ssyncadd.tile.s32 @!p0 $0x1;
	_ =	shalt  }
.Lfunc_end2:
_tile_overlayer_lowered:
.L_overlay_start_2:
0x4c: {  	(tag) =	ssettag $0x2  }
0x4d: {  	s0 =	rddreg [dreg:$0x0];
	s2 =	stileid.u32  }
0x4e: {  	s1 =	rddreg [dreg:$0x1];
	p0 =	sne.s32 s2, $0x0  }
0x4f: {  	s3 =	rddreg [dreg:$0x2];
	[bflag:$0x3] =	sbarrier.arrive $0xFFFF;
	s2 =	simm.s32 @!p0 $0x1C02  }
0x50: {  	[timem:s3], [sflag:s2] =	dma.local @!p0 [hbm:s0], s1  }
0x51: {  	s0 =	simm.s32 @!p0 $0x2  }
0x52: {  	_ =	swait.ge @!p0 [sflag:s0], s1  }
0x53: {  	s1 =	ssub.s32 @!p0 $0x0, s1;
	[sflag:s0] =	ssyncset.done @!p0 $0x0  }
0x54: {  	[sflag:s0] =	ssyncadd.s32 @!p0 s1  }
0x55: {  	[bflag:$0x3] =	sbarrier.arrive $0xFFFF  }
0x56: {  	_ =	shalt  }

// kernel: kernel.23.cloned.1.call-start
scs
__scs_entry_jumppad:
0x0: {  	(pc) =	sbr.rel $0x88, $3  }
0x1: {  	(tag) =	ssettag $0x0;
	lr =	simm.s32 $0x1  }
0x2: {  	[smem:$0x3F8B] =	sst lr;
	_ =	strace $0xD0000000  }
0x3: {  	_ = 	snop  }
0x4: {  	_ = 	snop  }
0x5: {  	_ = 	snop  }
0x6: {  	_ = 	snop  }
0x7: {  	_ = 	snop  }
__scs_overlays_trampoline_lowered:
0x8: {  	[smem:$0x3F9A] =	sst s0  }
0x9: {  	[smem:$0x3F9B] =	sst s1  }
0xa: {  	[smem:$0x3F9C] =	sst s2  }
0xb: {  	[smem:$0x3F9D] =	sst s3  }
0xc: {  	[smem:$0x3F9E] =	sst s4  }
0xd: {  	[smem:$0x3F9F] =	sst s5  }
0xe: {  	[smem:$0x3FA0] =	sst s6  }
0xf: {  	[smem:$0x3FA1] =	sst s7  }
0x10: {  	[smem:$0x3FA2] =	sst s8  }
0x11: {  	[smem:$0x3FA3] =	sst s9;
	s0 =	simm.s32 @!p0 $0x0  }
0x12: {  	s1 =	sld [smem:$0x3F89];
	s0 =	simm.s32 @p0 $0x1  }
0x13: {  	[smem:$0x3FA4] =	sst s0;
	s0 =	simm.s32 @!p1 $0x0  }
0x14: {  	s2 =	sld [smem:$0x3F88];
	s0 =	simm.s32 @p1 $0x1  }
0x15: {  	[smem:$0x3FA5] =	sst s0;
	s0 =	simm.s32 @!p2 $0x0  }
0x16: {  	s3 =	sld [smem:$0x3FDB];
	s0 =	simm.s32 @p2 $0x1  }
0x17: {  	s4 =	simm.s32 $0x1BF5;
	[smem:$0x3FA7] =	sst s0  }
0x18: {  	s0 =	sld [smem:$0x3F8A];
	_ =	swait.ge [sflag:s4], $0x0  }
0x19: {  	s7 =	sld [smem:$0x3F8B]  }
0x1a: {  	s8 =	sadd.s32 $0xFFFFE003, lr  }
0x1b: {  	s9 =	sadd.s32 $0xFFFFFEF7, lr;
	s5 =	simm.s32 $0xFFFFFFFF;
	p2 =	slt.u32 s8, $0xFFFFF086  }
0x1c: {  	p1 =	slt.u32 s9, $0xF7A;
	s5 =	simm.s32 @!p2 $0x0  }
0x1d: {  	s5 =	simm.s32 @p1 $0x1;
	p0 =	seq.s32 s7, s2  }
0x1e: {  	s7 =	smul.u32 @!p0 $0xF7A, s2;
	p2 =	seq.s32 @!p0 s5, $0x0  }
0x1f: {  	s9 =	smul.u32 $0xF7A, s1;
	s8 =	simm.s32 @!p0 $0x1BF5;
	p2 =	por !p2, p0  }
0x20: {  	[sflag:s8] =	ssyncset.s32 @!p0 $0xFFFFF086;
	s6 =	sadd.s32 @!p0 s3, s7;
	s7 =	simm.s32 @!p0 $0x108  }
0x21: {  	s3 =	sadd.s32 s3, s9;
	s6 =	sadd.s32 @!p0 $0x88, s6;
	s7 =	simm.s32 @p2 $0x1082  }
0x22: {  	[simem:s7], [sflag:s8] =	dma.local @!p0 [hbm:s6], $0xF7A  }
0x23: {  	s9 =	sor.u32 $0xD0000000, s2;
	s6 =	simm.s32 $0x108;
	_ =	swait.ge @!p0 [sflag:s8], $0x0  }
0x24: {  	s3 =	sadd.s32 $0x88, s3;
	s6 =	simm.s32 @!p1 $0x1082;
	[sflag:s4] =	ssyncset.s32 $0xFFFFF086  }
0x25: {  	[simem:s6], [sflag:s4] =	dma.local [hbm:s3], $0xF7A  }
0x26: {  	[smem:$0x3F8B] =	sst s1;
	(tag) =	ssettag s2;
	_ =	strace s9  }
0x27: {  	s1 =	sld [smem:$0x3F9B]  }
0x28: {  	s2 =	sld [smem:$0x3F9C]  }
0x29: {  	s4 =	sld [smem:$0x3F9E]  }
0x2a: {  	p0 =	seq.s32 s5, $0x0;
	s5 =	sld [smem:$0x3F9F]  }
0x2b: {  	s6 =	sld [smem:$0x3FA0]  }
0x2c: {  	s7 =	sld [smem:$0x3FA1]  }
0x2d: {  	s3 =	simm.s32 $0x108;
	s8 =	sld [smem:$0x3FA2]  }
0x2e: {  	s3 =	simm.s32 @!p0 $0x1082;
	s9 =	sld [smem:$0x3FA3]  }
0x2f: {  	lr =	sadd.s32 s0, s3;
	s0 =	sld [smem:$0x3F9A]  }
0x30: {  	s3 =	sld [smem:$0x3F9D]  }
0x31: {  	[smem:$0x3FA6] =	sst s10  }
0x32: {  	s10 =	sld [smem:$0x3FA4];
	_ =	sdelay $0x3  }
0x33: {  	p0 =	seq.s32 s10, $0x1;
	s10 =	sld [smem:$0x3FA6];
	_ =	sdelay $0x3  }
0x34: {  	[smem:$0x3FA6] =	sst s10  }
0x35: {  	s10 =	sld [smem:$0x3FA5];
	_ =	sdelay $0x3  }
0x36: {  	p1 =	seq.s32 s10, $0x1;
	s10 =	sld [smem:$0x3FA6];
	_ =	sdelay $0x3  }
0x37: {  	[smem:$0x3FA6] =	sst s10  }
0x38: {  	s10 =	sld [smem:$0x3FA7]  }
0x39: {  	_ = 	snop;
	(pc) =	sbr.ind lr, $3  }
0x3a: {  	_ = 	snop  }
0x3b: {  	_ = 	snop  }
0x3c: {  	p2 =	seq.s32 s10, $0x1;
	s10 =	sld [smem:$0x3FA6]  }
0x3d: {  	_ =	shalt  }
0x3e: {  	_ =	shalt  }
0x3f: {  	_ =	shalt  }
0x40: {  	_ =	shalt  }
0x41: {  	_ =	shalt  }
0x42: {  	_ =	shalt  }
0x43: {  	_ =	shalt  }
0x44: {  	_ =	shalt  }
0x45: {  	_ =	shalt  }
0x46: {  	_ =	shalt  }
0x47: {  	_ =	shalt  }
0x48: {  	_ =	shalt  }
0x49: {  	_ =	shalt  }
0x4a: {  	_ =	shalt  }
0x4b: {  	_ =	shalt  }
0x4c: {  	_ =	shalt  }
0x4d: {  	_ =	shalt  }
0x4e: {  	_ =	shalt  }
0x4f: {  	_ =	shalt  }
0x50: {  	_ =	shalt  }
0x51: {  	_ =	shalt  }
0x52: {  	_ =	shalt  }
0x53: {  	_ =	shalt  }
0x54: {  	_ =	shalt  }
0x55: {  	_ =	shalt  }
0x56: {  	_ =	shalt  }
0x57: {  	_ =	shalt  }
0x58: {  	_ =	shalt  }
0x59: {  	_ =	shalt  }
0x5a: {  	_ =	shalt  }
0x5b: {  	_ =	shalt  }
0x5c: {  	_ =	shalt  }
0x5d: {  	_ =	shalt  }
0x5e: {  	_ =	shalt  }
0x5f: {  	_ =	shalt  }
0x60: {  	_ =	shalt  }
0x61: {  	_ =	shalt  }
0x62: {  	_ =	shalt  }
0x63: {  	_ =	shalt  }
0x64: {  	_ =	shalt  }
0x65: {  	_ =	shalt  }
0x66: {  	_ =	shalt  }
0x67: {  	_ =	shalt  }
0x68: {  	_ =	shalt  }
0x69: {  	_ =	shalt  }
0x6a: {  	_ =	shalt  }
0x6b: {  	_ =	shalt  }
0x6c: {  	_ =	shalt  }
0x6d: {  	_ =	shalt  }
0x6e: {  	_ =	shalt  }
0x6f: {  	_ =	shalt  }
0x70: {  	_ =	shalt  }
0x71: {  	_ =	shalt  }
0x72: {  	_ =	shalt  }
0x73: {  	_ =	shalt  }
0x74: {  	_ =	shalt  }
0x75: {  	_ =	shalt  }
0x76: {  	_ =	shalt  }
0x77: {  	_ =	shalt  }
0x78: {  	_ =	shalt  }
0x79: {  	_ =	shalt  }
0x7a: {  	_ =	shalt  }
0x7b: {  	_ =	shalt  }
0x7c: {  	_ =	shalt  }
0x7d: {  	_ =	shalt  }
0x7e: {  	_ =	shalt  }
0x7f: {  	_ =	shalt  }
0x80: {  	_ =	shalt  }
0x81: {  	_ =	shalt  }
0x82: {  	_ =	shalt  }
0x83: {  	_ =	shalt  }
0x84: {  	_ =	shalt  }
0x85: {  	_ =	shalt  }
0x86: {  	_ =	shalt  }
0x87: {  	_ =	shalt  }
.Lfunc_end0:
.L_simem_size_0:
called_computation.2_lowered:
.L_overlay_start_0:
0x88: {  	s2 =	sld [smem:$0x3FD9]  }
0x89: {  	s3 =	sld [smem:$0x3FFE];
	_ =	sdelay $0x1  }
0x8a: {  	s1 =	srdreg.scid  }
0x8b: {  	s0 =	sand.u32 $0x1, s1  }
0x8c: {  	s17 =	sshll.u32 s0, $0xA;
	s2 =	sadd.s32 s3, s2  }
0x8d: {  	s2 =	sadd.s32 s2, s17  }
0x8e: {  	[smem:$0x3FB2] =	sst s2  }
0x8f: {  	_ = 	snop  }
0x90: {  	(tm) =	ssettm $0x1  }
0x91: {  	s18 =	sld [smem:$0x3FFB];
	_ =	sdelay $0x3  }
0x92: {  	_ =	strace s18  }
0x93: {  	s2 =	sld [smem:$0x3FFC];
	_ =	sdelay $0x3  }
0x94: {  	_ =	strace s2  }
0x95: {  	s2 =	sld [smem:$0x3FFD];
	_ =	sdelay $0x3  }
0x96: {  	_ =	strace s2  }
0x97: {  	_ =	strace $0x8FFFFFFF  }
0x98: {  	s19 =	sld [smem:$0x3FDB];
	_ =	sdelay $0x1  }
0x99: {  	s20 =	simm.s32 $_scs_section_size  }
0x9a: {  	s4 =	simm.s32 $_size__tile_overlayer_lowered;
	s5 =	simm.s32 $_tile_overlayer_lowered  }
0x9b: {  	s6 =	simm.s32 $0x1BFF;
	s21 =	sshll.u32 s5, $0x1;
	s3 =	sadd.s32 s20, s19  }
0x9c: {  	s22 =	simm.s32 $0x0;
	s4 =	sshll.u32 s4, $0x1;
	s5 =	sadd.s32 s21, s3  }
0x9d: {  	[timem:s22], [sflag:s6] =	dma.local [hbm:s5], s4  }
0x9e: {  	_ =	swait.ge [sflag:s6], s4  }
0x9f: {  	s4 =	ssub.s32 $0x0, s4;
	[sflag:s6] =	ssyncset.done $0x0  }
0xa0: {  	[sflag:s6] =	ssyncadd.s32 s4;
	_ =	sdelay $0x1  }
0xa1: {  	s23 =	simm.s32 $0x1B8B  }
0xa2: {  	_ =	swait.ge [sflag:s23], $0x1  }
0xa3: {  	[sflag:s23] =	ssyncset.done $0x0  }
0xa4: {  	[sflag:s23] =	ssyncadd.s32 $0xFFFFFFFF  }
0xa5: {  	s4 =	sld [smem:$0x0]  }
0xa6: {  	s5 =	sand.u32 $0xFFFFFFFE, s1  }
0xa7: {  	p0 =	sne.s32 s1, s5  }
0xa8: {  	s5 =	sshll.u32 @p0 s5, $0xE  }
0xa9: {  	s5 =	sadd.s32 @p0 $0x11B8D, s5;
	s6 =	sshll.u32 @p0 s4, $0x11  }
0xaa: {  	s5 =	sor.u32 @p0 s6, s5  }
0xab: {  	[sflag:s5] =	ssyncadd.remote.s32 @p0 $0x1;
	_ =	sdelay $0x1  }
0xac: {  	s5 =	simm.s32 @p0 $0x1B8D  }
0xad: {  	_ =	swait.eq @p0 [sflag:s5], $0x1  }
0xae: {  	[sflag:s5] =	ssyncadd.s32 @p0 $0xFFFFFFFF  }
0xaf: {  	s6 =	sshll.u32 @!p0 s1, $0xE  }
0xb0: {  	s6 =	sor.u32 @!p0 $0x4000, s6;
	s5 =	simm.s32 @!p0 $0x1B8D  }
0xb1: {  	s4 =	sshll.u32 @!p0 s4, $0x11;
	s6 =	sadd.s32 @!p0 $0x11B8D, s6;
	_ =	swait.eq @!p0 [sflag:s5], $0x1  }
0xb2: {  	s4 =	sor.u32 @!p0 s4, s6;
	[sflag:s5] =	ssyncadd.s32 @!p0 $0xFFFFFFFF  }
0xb3: {  	s25 =	simm.s32 $0x1B8E;
	s24 =	sld [smem:$0x3FFE];
	[sflag:s4] =	ssyncadd.remote.s32 @!p0 $0x1  }
0xb4: {  	s26 =	simm.s32 $execute0_lowered;
	[smem:$0x3FD2] =	sst s25  }
0xb5: {  	s5 =	sshll.u32 s26, $0x1;
	_ =	strace $0x8000004C;
	[dreg:$0x1] =	wrdreg $0xFFFFFFFF  }
0xb6: {  	s28 =	simm.s32 $_size_execute0_lowered;
	s3 =	sadd.s32 s3, s5;
	[dreg:$0x0] =	wrdreg $0x0  }
0xb7: {  	s5 =	sshll.u32 s28, $0x1;
	[dreg:$0x2] =	wrdreg s3  }
0xb8: {  	[dreg:$0x3] =	wrdreg s5  }
0xb9: {  	[dreg:$0x4] =	wrdreg $0xC0  }
0xba: {  	_ =	task [dreg:s22], $0x5FFFF  }
0xbb: {  	[dreg:$0x1] =	wrdreg $0xFFFFFFFF  }
0xbc: {  	[dreg:$0x0] =	wrdreg $0x60  }
0xbd: {  	[dreg:$0x2] =	wrdreg s24  }
0xbe: {  	[dreg:$0x3] =	wrdreg $0xA2800  }
0xbf: {  	[dreg:$0x4] =	wrdreg $0xA  }
0xc0: {  	_ =	task.clear_ibuf [dreg:s22], $0x5FFFF;
	_ =	strace $0x9000004C  }
0xc1: {  	s29 =	simm.s32 $0xA;
	_ =	strace $0x8000004E  }
0xc2: {  	_ =	swait.ge [sflag:s29], $0x1  }
0xc3: {  	[sflag:s29] =	ssyncadd.s32 $0xFFFFFFFF  }
0xc4: {  	_ =	strace $0x9000004E  }
0xc5: {  	_ =	sfence  }
0xc6: {  	s30 =	sld [smem:$0x0];
	_ =	sdelay $0x2  }
0xc7: {  	s31 =	sshll.u32 s1, $0xD;
	s1 =	sshrl.u32 s1, $0x2  }
0xc8: {  	s4 =	sand.u32 $0x4000, s31;
	s1 =	sadd.s32 s1, s30  }
0xc9: {  	s0 =	sor.u32 s4, s0;
	s1 =	sshll.u32 s1, $0x11  }
0xca: {  	s0 =	sor.u32 s1, s0  }
0xcb: {  	s0 =	sadd.s32 $0x8F2B, s0  }
0xcc: {  	[sflag:s0] =	ssyncadd.remote.s32 $0x1  }
0xcd: {  	_ =	sfence.sel $0xFFFF  }
0xce: {  	[dreg:$0x0] =	wrdreg $0xFFFFFFFF;
	(pc) =	sbr.abs _section_cstart, $3  }
0xcf: {  	[dreg:$0x1] =	wrdreg $0xFFFFFFFF  }
0xd0: {  	_ =	task.clear_ibuf [dreg:s22], $0x2FFFF;
	_ =	strace $0x9FFFFFFF  }
0xd1: {  	(tm) =	ssettm $0x7FFFFFFF  }
tec
execute0_lowered:
.L_overlay_start_1:
0x0: {  	(tag) =	ssettag $0x1  }
0x1: {  	s19 =	rddreg [dreg:$0x0]  }
0x2: {  	s2 =	rddreg [dreg:$0x1]  }
0x3: {  	s0 =	rddreg [dreg:$0x2];
	s1 =	stileid.u32  }
0x4: {  	s3 =	simm.s32 $0x0;
	s4 =	srdreg.scid;
	s5 =	smul.u32 $0x28000, s1  }
0x5: {  	[smem:$0x7FF] =	sst s3;
	s20 =	sand.u32 $0x1, s4;
	s28 =	sshll.u32 s1, $0x1  }
0x6: {  	s4 =	sadd.s32 $0x56800, s19;
	s29 =	sshll.u32 s1, $0x6;
	s5 =	sshrl.u32 s5, $0x2  }
0x7: {  	_ =	strace $0x8000004D;
	s8 =	sor.u32 s20, s28;
	s6 =	sadd.s32 s5, s2  }
0x8: {  	s5 =	sor.u32 $0x1C01, s29;
	s7 =	sshrl.u32 s6, $0x3;
	s6 =	simm.s32 $0x1  }
0x9: {  	[spmem:s7], [sflag:s5] =	dma.local [hbm:s4], $0x1400  }
0xa: {  	s9 =	smul.u32 $0x50, s8;
	_ =	swait.ge [sflag:s6], $0x1400  }
0xb: {  	[sflag:s6] =	ssyncset.done $0x0  }
0xc: {  	s9 =	sadd.s32 s9, s19;
	[sflag:s6] =	ssyncadd.s32 $0xFFFFEC00  }
0xd: {  	s10 =	smul.u32 $0x1400, s8;
	s8 =	sadd.s32 $0x6A800, s9;
	[bflag:$0x0] =	sbarrier.arrive $0xFFFF  }
0xe: {  	[tilespmem:s3], [sflag:$0x1] =	stream.linear.gather [hbm4b:s8+s3], $0x280, $0x38;
	[tilespmem:$0x14280] =	vst v63  }
0xf: {  	_ =	swait.ge [sflag:s6], $0x280  }
0x10: {  	s30 =	sadd.s32 s10, s19;
	[sflag:s6] =	ssyncset.done $0x0  }
0x11: {  	s10 =	simm.s32 $0x280;
	s9 =	sadd.s32 $0x2E800, s30;
	[sflag:s6] =	ssyncadd.s32 $0xFFFFFD80  }
0x12: {  	[tilespmem:s10], [sflag:$0x1] =	stream.linear.gather [hbm4b:s9+s3], $0xA000, $0x38;
	[tilespmem:$0x14280] =	vst v63  }
0x13: {  	_ =	swait.ge [sflag:s6], $0xA000  }
0x14: {  	[sflag:s6] =	ssyncset.done $0x0  }
0x15: {  	s11 =	simm.s32 $0x80;
	[sflag:s6] =	ssyncadd.s32 $0xFFFF6000  }
0x16: {  	[spmem:s2] =	stream.indirect.scatter.add.f32 [tilespmem:s10], [sflag:$0x1], $0x40, s3, s11, $0xb8;
	[tilespmem:$0x14280] =	vst v63  }
0x17: {  	_ =	swait.ge [sflag:s6], $0x2000  }
0x18: {  	[sflag:s6] =	ssyncset.done $0x0  }
0x19: {  	s12 =	simm.s32 $0x2280;
	[sflag:s6] =	ssyncadd.s32 $0xFFFFE000  }
0x1a: {  	[spmem:s2] =	stream.indirect.scatter.add.f32 [tilespmem:s12], [sflag:$0x1], $0x40, s11, s11, $0xb8;
	[tilespmem:$0x14280] =	vst v63  }
0x1b: {  	_ =	swait.ge [sflag:s6], $0x2000  }
0x1c: {  	[sflag:s6] =	ssyncset.done $0x0  }
0x1d: {  	s13 =	simm.s32 $0x100;
	s14 =	simm.s32 $0x4280;
	[sflag:s6] =	ssyncadd.s32 $0xFFFFE000  }
0x1e: {  	[spmem:s2] =	stream.indirect.scatter.add.f32 [tilespmem:s14], [sflag:$0x1], $0x40, s13, s11, $0xb8;
	[tilespmem:$0x14280] =	vst v63  }
0x1f: {  	_ =	swait.ge [sflag:s6], $0x2000  }
0x20: {  	s15 =	simm.s32 $0x180;
	[sflag:s6] =	ssyncset.done $0x0  }
0x21: {  	s16 =	simm.s32 $0x6280;
	s17 =	simm.s32 $0x200;
	[sflag:s6] =	ssyncadd.s32 $0xFFFFE000  }
0x22: {  	[spmem:s2] =	stream.indirect.scatter.add.f32 [tilespmem:s16], [sflag:$0x1], $0x40, s15, s11, $0xb8;
	[tilespmem:$0x14280] =	vst v63  }
0x23: {  	s21 =	smul.u32 $0xA0000, s20;
	s20 =	ssub.s32 $0x2, s20;
	_ =	swait.ge [sflag:s6], $0x2000  }
0x24: {  	s18 =	simm.s32 $0x8280;
	s31 =	sshrl.u32 s20, $0x1;
	[sflag:s6] =	ssyncset.done $0x0  }
0x25: {  	s22 =	smul.u32 $0xA000, s1;
	s20 =	ssub.s32 s20, s31;
	[sflag:s6] =	ssyncadd.s32 $0xFFFFE000  }
0x26: {  	[spmem:s2] =	stream.indirect.scatter.add.f32 [tilespmem:s18], [sflag:$0x1], $0x40, s17, s11, $0xb8;
	[tilespmem:$0x14280] =	vst v63  }
0x27: {  	s21 =	sadd.s32 s22, s21;
	s20 =	smax.u32 s20, $0x1;
	_ =	swait.ge [sflag:s6], $0x2000  }
0x28: {  	s21 =	sshrl.u32 s21, $0x3;
	p0 =	sne.s32 s20, $0x1;
	[sflag:s6] =	ssyncset.done $0x0  }
.Ltmp0:
0x29: {  	s19 =	sadd.s32 s21, s19;
	[sflag:s6] =	ssyncadd.s32 $0xFFFFE000;
	(pc) =	sbr.rel @!p0 .LBB2_2-.Ltmp0, $4  }
0x2a: {  	s19 =	sadd.s32 $0x8B800, s19;
	[bflag:$0x0] =	sbarrier.arrive $0xFFFF  }
0x2b: {  	[hbm:s19], [sflag:s5] =	dma.local [spmem:s7], $0x1400  }
0x2c: {  	_ =	swait.ge [sflag:s6], $0x1400  }
0x2d: {  	s20 =	sadd.s32 $0xFFFFFFFF, s20;
	[sflag:s6] =	ssyncset.done $0x0  }
.LBB2_1:
0x2e: {  	p0 =	sne.s32 s20, $0x1;
	s20 =	sadd.s32 $0xFFFFFFFF, s20;
	[sflag:s6] =	ssyncadd.s32 $0xFFFFEC00  }
0x2f: {  	[spmem:s7], [sflag:s5] =	dma.local [hbm:s4], $0x1400  }
0x30: {  	_ =	swait.ge [sflag:s6], $0x1400  }
0x31: {  	[sflag:s6] =	ssyncset.done $0x0  }
0x32: {  	[sflag:s6] =	ssyncadd.s32 $0xFFFFEC00  }
0x33: {  	[bflag:$0x0] =	sbarrier.arrive $0xFFFF  }
0x34: {  	[tilespmem:s3], [sflag:$0x1] =	stream.linear.gather [hbm4b:s8+s3], $0x280, $0x38;
	[tilespmem:$0x14280] =	vst v63  }
0x35: {  	_ =	swait.ge [sflag:s6], $0x280  }
0x36: {  	[sflag:s6] =	ssyncset.done $0x0  }
0x37: {  	[sflag:s6] =	ssyncadd.s32 $0xFFFFFD80  }
0x38: {  	[tilespmem:s10], [sflag:$0x1] =	stream.linear.gather [hbm4b:s9+s3], $0xA000, $0x38;
	[tilespmem:$0x14280] =	vst v63  }
0x39: {  	_ =	swait.ge [sflag:s6], $0xA000  }
0x3a: {  	[sflag:s6] =	ssyncset.done $0x0  }
0x3b: {  	[sflag:s6] =	ssyncadd.s32 $0xFFFF6000  }
0x3c: {  	[spmem:s2] =	stream.indirect.scatter.add.f32 [tilespmem:s10], [sflag:$0x1], $0x40, s3, s11, $0xb8;
	[tilespmem:$0x14280] =	vst v63  }
0x3d: {  	_ =	swait.ge [sflag:s6], $0x2000  }
0x3e: {  	[sflag:s6] =	ssyncset.done $0x0  }
0x3f: {  	[sflag:s6] =	ssyncadd.s32 $0xFFFFE000  }
0x40: {  	[spmem:s2] =	stream.indirect.scatter.add.f32 [tilespmem:s12], [sflag:$0x1], $0x40, s11, s11, $0xb8;
	[tilespmem:$0x14280] =	vst v63  }
0x41: {  	_ =	swait.ge [sflag:s6], $0x2000  }
0x42: {  	[sflag:s6] =	ssyncset.done $0x0  }
0x43: {  	[sflag:s6] =	ssyncadd.s32 $0xFFFFE000  }
0x44: {  	[spmem:s2] =	stream.indirect.scatter.add.f32 [tilespmem:s14], [sflag:$0x1], $0x40, s13, s11, $0xb8;
	[tilespmem:$0x14280] =	vst v63  }
0x45: {  	_ =	swait.ge [sflag:s6], $0x2000  }
0x46: {  	[sflag:s6] =	ssyncset.done $0x0  }
0x47: {  	[sflag:s6] =	ssyncadd.s32 $0xFFFFE000  }
0x48: {  	[spmem:s2] =	stream.indirect.scatter.add.f32 [tilespmem:s16], [sflag:$0x1], $0x40, s15, s11, $0xb8;
	[tilespmem:$0x14280] =	vst v63  }
0x49: {  	_ =	swait.ge [sflag:s6], $0x2000  }
0x4a: {  	[sflag:s6] =	ssyncset.done $0x0  }
0x4b: {  	[sflag:s6] =	ssyncadd.s32 $0xFFFFE000  }
0x4c: {  	[spmem:s2] =	stream.indirect.scatter.add.f32 [tilespmem:s18], [sflag:$0x1], $0x40, s17, s11, $0xb8;
	[tilespmem:$0x14280] =	vst v63  }
0x4d: {  	_ =	swait.ge [sflag:s6], $0x2000  }
0x4e: {  	[sflag:s6] =	ssyncset.done $0x0  }
.Ltmp1:
0x4f: {  	[sflag:s6] =	ssyncadd.s32 $0xFFFFE000;
	(pc) =	sbr.rel @p0 .LBB2_1-.Ltmp1, $4  }
0x50: {  	[bflag:$0x0] =	sbarrier.arrive $0xFFFF  }
0x51: {  	[hbm:s19], [sflag:s5] =	dma.local [spmem:s7], $0x1400  }
0x52: {  	_ =	swait.ge [sflag:s6], $0x1400  }
0x53: {  	[sflag:s6] =	ssyncset.done $0x0  }
.LBB2_2:
0x54: {  	[sflag:s6] =	ssyncadd.s32 $0xFFFFEC00  }
0x55: {  	_ =	sfence.sel $0x180000  }
0x56: {  	[bflag:$0x0] =	sbarrier.arrive $0xFFFF  }
0x57: {  	p0 =	sne.s32 s1, $0x0;
	_ =	strace $0x9000004D  }
0x58: {  	s0 =	sadd.s32 @!p0 $0x100000, s0;
	[bflag:$0x2] =	sbarrier.arrive $0xFFFF  }
0x59: {  	[sflag:s0] =	ssyncadd.tile.s32 @!p0 $0x1;
	_ =	shalt  }
.Lfunc_end2:
_tile_overlayer_lowered:
.L_overlay_start_2:
0x5a: {  	(tag) =	ssettag $0x2  }
0x5b: {  	s0 =	rddreg [dreg:$0x0];
	s2 =	stileid.u32  }
0x5c: {  	s1 =	rddreg [dreg:$0x1];
	p0 =	sne.s32 s2, $0x0  }
0x5d: {  	s3 =	rddreg [dreg:$0x2];
	[bflag:$0x3] =	sbarrier.arrive $0xFFFF;
	s2 =	simm.s32 @!p0 $0x1C01  }
0x5e: {  	[timem:s3], [sflag:s2] =	dma.local @!p0 [hbm:s0], s1  }
0x5f: {  	s0 =	simm.s32 @!p0 $0x1  }
0x60: {  	_ =	swait.ge @!p0 [sflag:s0], s1  }
0x61: {  	s1 =	ssub.s32 @!p0 $0x0, s1;
	[sflag:s0] =	ssyncset.done @!p0 $0x0  }
0x62: {  	[sflag:s0] =	ssyncadd.s32 @!p0 s1  }
0x63: {  	[bflag:$0x3] =	sbarrier.arrive $0xFFFF  }
0x64: {  	_ =	shalt  }

// kernel: kernel.26.cloned.1.call-start
scs
__scs_entry_jumppad:
0x0: {  	(pc) =	sbr.rel $0x88, $3  }
0x1: {  	(tag) =	ssettag $0x0;
	lr =	simm.s32 $0x1  }
0x2: {  	[smem:$0x3F8B] =	sst lr;
	_ =	strace $0xD0000000  }
0x3: {  	_ = 	snop  }
0x4: {  	_ = 	snop  }
0x5: {  	_ = 	snop  }
0x6: {  	_ = 	snop  }
0x7: {  	_ = 	snop  }
__scs_overlays_trampoline_lowered:
0x8: {  	[smem:$0x3F9A] =	sst s0  }
0x9: {  	[smem:$0x3F9B] =	sst s1  }
0xa: {  	[smem:$0x3F9C] =	sst s2  }
0xb: {  	[smem:$0x3F9D] =	sst s3  }
0xc: {  	[smem:$0x3F9E] =	sst s4  }
0xd: {  	[smem:$0x3F9F] =	sst s5  }
0xe: {  	[smem:$0x3FA0] =	sst s6  }
0xf: {  	[smem:$0x3FA1] =	sst s7  }
0x10: {  	[smem:$0x3FA2] =	sst s8  }
0x11: {  	[smem:$0x3FA3] =	sst s9;
	s0 =	simm.s32 @!p0 $0x0  }
0x12: {  	s1 =	sld [smem:$0x3F89];
	s0 =	simm.s32 @p0 $0x1  }
0x13: {  	[smem:$0x3FA4] =	sst s0;
	s0 =	simm.s32 @!p1 $0x0  }
0x14: {  	s2 =	sld [smem:$0x3F88];
	s0 =	simm.s32 @p1 $0x1  }
0x15: {  	[smem:$0x3FA5] =	sst s0;
	s0 =	simm.s32 @!p2 $0x0  }
0x16: {  	s3 =	sld [smem:$0x3FDB];
	s0 =	simm.s32 @p2 $0x1  }
0x17: {  	s4 =	simm.s32 $0x1BF5;
	[smem:$0x3FA7] =	sst s0  }
0x18: {  	s0 =	sld [smem:$0x3F8A];
	_ =	swait.ge [sflag:s4], $0x0  }
0x19: {  	s7 =	sld [smem:$0x3F8B]  }
0x1a: {  	s8 =	sadd.s32 $0xFFFFE003, lr  }
0x1b: {  	s9 =	sadd.s32 $0xFFFFFEF7, lr;
	s5 =	simm.s32 $0xFFFFFFFF;
	p2 =	slt.u32 s8, $0xFFFFF086  }
0x1c: {  	p1 =	slt.u32 s9, $0xF7A;
	s5 =	simm.s32 @!p2 $0x0  }
0x1d: {  	s5 =	simm.s32 @p1 $0x1;
	p0 =	seq.s32 s7, s2  }
0x1e: {  	s7 =	smul.u32 @!p0 $0xF7A, s2;
	p2 =	seq.s32 @!p0 s5, $0x0  }
0x1f: {  	s9 =	smul.u32 $0xF7A, s1;
	s8 =	simm.s32 @!p0 $0x1BF5;
	p2 =	por !p2, p0  }
0x20: {  	[sflag:s8] =	ssyncset.s32 @!p0 $0xFFFFF086;
	s6 =	sadd.s32 @!p0 s3, s7;
	s7 =	simm.s32 @!p0 $0x108  }
0x21: {  	s3 =	sadd.s32 s3, s9;
	s6 =	sadd.s32 @!p0 $0x88, s6;
	s7 =	simm.s32 @p2 $0x1082  }
0x22: {  	[simem:s7], [sflag:s8] =	dma.local @!p0 [hbm:s6], $0xF7A  }
0x23: {  	s9 =	sor.u32 $0xD0000000, s2;
	s6 =	simm.s32 $0x108;
	_ =	swait.ge @!p0 [sflag:s8], $0x0  }
0x24: {  	s3 =	sadd.s32 $0x88, s3;
	s6 =	simm.s32 @!p1 $0x1082;
	[sflag:s4] =	ssyncset.s32 $0xFFFFF086  }
0x25: {  	[simem:s6], [sflag:s4] =	dma.local [hbm:s3], $0xF7A  }
0x26: {  	[smem:$0x3F8B] =	sst s1;
	(tag) =	ssettag s2;
	_ =	strace s9  }
0x27: {  	s1 =	sld [smem:$0x3F9B]  }
0x28: {  	s2 =	sld [smem:$0x3F9C]  }
0x29: {  	s4 =	sld [smem:$0x3F9E]  }
0x2a: {  	p0 =	seq.s32 s5, $0x0;
	s5 =	sld [smem:$0x3F9F]  }
0x2b: {  	s6 =	sld [smem:$0x3FA0]  }
0x2c: {  	s7 =	sld [smem:$0x3FA1]  }
0x2d: {  	s3 =	simm.s32 $0x108;
	s8 =	sld [smem:$0x3FA2]  }
0x2e: {  	s3 =	simm.s32 @!p0 $0x1082;
	s9 =	sld [smem:$0x3FA3]  }
0x2f: {  	lr =	sadd.s32 s0, s3;
	s0 =	sld [smem:$0x3F9A]  }
0x30: {  	s3 =	sld [smem:$0x3F9D]  }
0x31: {  	[smem:$0x3FA6] =	sst s10  }
0x32: {  	s10 =	sld [smem:$0x3FA4];
	_ =	sdelay $0x3  }
0x33: {  	p0 =	seq.s32 s10, $0x1;
	s10 =	sld [smem:$0x3FA6];
	_ =	sdelay $0x3  }
0x34: {  	[smem:$0x3FA6] =	sst s10  }
0x35: {  	s10 =	sld [smem:$0x3FA5];
	_ =	sdelay $0x3  }
0x36: {  	p1 =	seq.s32 s10, $0x1;
	s10 =	sld [smem:$0x3FA6];
	_ =	sdelay $0x3  }
0x37: {  	[smem:$0x3FA6] =	sst s10  }
0x38: {  	s10 =	sld [smem:$0x3FA7]  }
0x39: {  	_ = 	snop;
	(pc) =	sbr.ind lr, $3  }
0x3a: {  	_ = 	snop  }
0x3b: {  	_ = 	snop  }
0x3c: {  	p2 =	seq.s32 s10, $0x1;
	s10 =	sld [smem:$0x3FA6]  }
0x3d: {  	_ =	shalt  }
0x3e: {  	_ =	shalt  }
0x3f: {  	_ =	shalt  }
0x40: {  	_ =	shalt  }
0x41: {  	_ =	shalt  }
0x42: {  	_ =	shalt  }
0x43: {  	_ =	shalt  }
0x44: {  	_ =	shalt  }
0x45: {  	_ =	shalt  }
0x46: {  	_ =	shalt  }
0x47: {  	_ =	shalt  }
0x48: {  	_ =	shalt  }
0x49: {  	_ =	shalt  }
0x4a: {  	_ =	shalt  }
0x4b: {  	_ =	shalt  }
0x4c: {  	_ =	shalt  }
0x4d: {  	_ =	shalt  }
0x4e: {  	_ =	shalt  }
0x4f: {  	_ =	shalt  }
0x50: {  	_ =	shalt  }
0x51: {  	_ =	shalt  }
0x52: {  	_ =	shalt  }
0x53: {  	_ =	shalt  }
0x54: {  	_ =	shalt  }
0x55: {  	_ =	shalt  }
0x56: {  	_ =	shalt  }
0x57: {  	_ =	shalt  }
0x58: {  	_ =	shalt  }
0x59: {  	_ =	shalt  }
0x5a: {  	_ =	shalt  }
0x5b: {  	_ =	shalt  }
0x5c: {  	_ =	shalt  }
0x5d: {  	_ =	shalt  }
0x5e: {  	_ =	shalt  }
0x5f: {  	_ =	shalt  }
0x60: {  	_ =	shalt  }
0x61: {  	_ =	shalt  }
0x62: {  	_ =	shalt  }
0x63: {  	_ =	shalt  }
0x64: {  	_ =	shalt  }
0x65: {  	_ =	shalt  }
0x66: {  	_ =	shalt  }
0x67: {  	_ =	shalt  }
0x68: {  	_ =	shalt  }
0x69: {  	_ =	shalt  }
0x6a: {  	_ =	shalt  }
0x6b: {  	_ =	shalt  }
0x6c: {  	_ =	shalt  }
0x6d: {  	_ =	shalt  }
0x6e: {  	_ =	shalt  }
0x6f: {  	_ =	shalt  }
0x70: {  	_ =	shalt  }
0x71: {  	_ =	shalt  }
0x72: {  	_ =	shalt  }
0x73: {  	_ =	shalt  }
0x74: {  	_ =	shalt  }
0x75: {  	_ =	shalt  }
0x76: {  	_ =	shalt  }
0x77: {  	_ =	shalt  }
0x78: {  	_ =	shalt  }
0x79: {  	_ =	shalt  }
0x7a: {  	_ =	shalt  }
0x7b: {  	_ =	shalt  }
0x7c: {  	_ =	shalt  }
0x7d: {  	_ =	shalt  }
0x7e: {  	_ =	shalt  }
0x7f: {  	_ =	shalt  }
0x80: {  	_ =	shalt  }
0x81: {  	_ =	shalt  }
0x82: {  	_ =	shalt  }
0x83: {  	_ =	shalt  }
0x84: {  	_ =	shalt  }
0x85: {  	_ =	shalt  }
0x86: {  	_ =	shalt  }
0x87: {  	_ =	shalt  }
.Lfunc_end0:
.L_simem_size_0:
called_computation.3_lowered:
.L_overlay_start_0:
0x88: {  	s2 =	sld [smem:$0x3FD9]  }
0x89: {  	s3 =	sld [smem:$0x3FFE];
	_ =	sdelay $0x1  }
0x8a: {  	s1 =	srdreg.scid  }
0x8b: {  	s0 =	sand.u32 $0x1, s1  }
0x8c: {  	s17 =	sshll.u32 s0, $0xA;
	s2 =	sadd.s32 s3, s2  }
0x8d: {  	s2 =	sadd.s32 s2, s17  }
0x8e: {  	[smem:$0x3FB2] =	sst s2  }
0x8f: {  	_ = 	snop  }
0x90: {  	s2 =	sld [smem:$0x3FD0];
	(tm) =	ssettm $0x1  }
0x91: {  	s18 =	sld [smem:$0x3FFB];
	_ =	sdelay $0x3  }
0x92: {  	_ =	strace s18  }
0x93: {  	s3 =	sld [smem:$0x3FFC];
	_ =	sdelay $0x3  }
0x94: {  	_ =	strace s3  }
0x95: {  	s3 =	sld [smem:$0x3FFD];
	_ =	sdelay $0x3  }
0x96: {  	_ =	strace s3  }
0x97: {  	_ =	strace $0x8FFFFFFF  }
0x98: {  	s19 =	sld [smem:$0x3FDB];
	_ =	sdelay $0x1  }
0x99: {  	s4 =	simm.s32 $_scs_section_size  }
0x9a: {  	s5 =	simm.s32 $_size__tile_overlayer_lowered;
	s6 =	simm.s32 $_tile_overlayer_lowered  }
0x9b: {  	s22 =	simm.s32 $0x1BFF;
	s21 =	sshll.u32 s6, $0x1;
	s3 =	sadd.s32 s4, s19  }
0x9c: {  	s7 =	simm.s32 $0x0;
	s20 =	sshll.u32 s5, $0x1;
	s5 =	sadd.s32 s21, s3  }
0x9d: {  	[timem:s7], [sflag:s22] =	dma.local [hbm:s5], s20  }
0x9e: {  	_ =	swait.ge [sflag:s22], s20  }
0x9f: {  	s4 =	ssub.s32 $0x0, s20;
	[sflag:s22] =	ssyncset.done $0x0  }
0xa0: {  	[sflag:s22] =	ssyncadd.s32 s4;
	_ =	sdelay $0x1  }
0xa1: {  	s23 =	simm.s32 $0x1B8B  }
0xa2: {  	_ =	swait.ge [sflag:s23], $0x1  }
0xa3: {  	[sflag:s23] =	ssyncset.done $0x0  }
0xa4: {  	s25 =	simm.s32 $0x1B8E;
	s24 =	sld [smem:$0x3FFE];
	[sflag:s23] =	ssyncadd.s32 $0xFFFFFFFF  }
0xa5: {  	s26 =	simm.s32 $execute0_lowered;
	[smem:$0x3FD2] =	sst s25  }
0xa6: {  	s5 =	sshll.u32 s26, $0x1;
	_ =	strace $0x8000004F;
	[dreg:$0x1] =	wrdreg $0xFFFFFFFF  }
0xa7: {  	s28 =	simm.s32 $_size_execute0_lowered;
	s3 =	sadd.s32 s3, s5;
	[dreg:$0x0] =	wrdreg $0x0  }
0xa8: {  	s5 =	sshll.u32 s28, $0x1;
	[dreg:$0x2] =	wrdreg s3  }
0xa9: {  	[dreg:$0x3] =	wrdreg s5  }
0xaa: {  	[dreg:$0x4] =	wrdreg $0xC0  }
0xab: {  	_ =	task [dreg:s7], $0x5FFFF  }
0xac: {  	[dreg:$0x1] =	wrdreg $0xFFFFFFFF  }
0xad: {  	[dreg:$0x0] =	wrdreg $0x60  }
0xae: {  	[dreg:$0x2] =	wrdreg s24  }
0xaf: {  	[dreg:$0x3] =	wrdreg s2  }
0xb0: {  	[dreg:$0x4] =	wrdreg $0x9  }
0xb1: {  	_ =	task.clear_ibuf [dreg:s7], $0x5FFFF;
	_ =	strace $0x9000004F  }
0xb2: {  	s29 =	simm.s32 $0x9;
	_ =	strace $0x80000051  }
0xb3: {  	_ =	swait.ge [sflag:s29], $0x1  }
0xb4: {  	[sflag:s29] =	ssyncadd.s32 $0xFFFFFFFF  }
0xb5: {  	_ =	strace $0x90000051  }
0xb6: {  	_ =	sfence  }
0xb7: {  	s30 =	sld [smem:$0x0];
	_ =	sdelay $0x2  }
0xb8: {  	s31 =	sshll.u32 s1, $0xD;
	s1 =	sshrl.u32 s1, $0x2  }
0xb9: {  	s3 =	sand.u32 $0x4000, s31;
	s1 =	sadd.s32 s1, s30  }
0xba: {  	s0 =	sor.u32 s3, s0;
	s1 =	sshll.u32 s1, $0x11  }
0xbb: {  	s0 =	sor.u32 s1, s0  }
0xbc: {  	s0 =	sadd.s32 $0x8F2B, s0  }
0xbd: {  	[sflag:s0] =	ssyncadd.remote.s32 $0x1  }
0xbe: {  	_ =	sfence.sel $0xFFFF  }
0xbf: {  	[dreg:$0x0] =	wrdreg $0xFFFFFFFF;
	(pc) =	sbr.abs _section_cstart, $3  }
0xc0: {  	[dreg:$0x1] =	wrdreg $0xFFFFFFFF  }
0xc1: {  	_ =	task.clear_ibuf [dreg:s7], $0x2FFFF;
	_ =	strace $0x9FFFFFFF  }
0xc2: {  	(tm) =	ssettm $0x7FFFFFFF  }
0xc3: {  	_ =	shalt  }
tec
execute0_lowered:
.L_overlay_start_1:
0x0: {  	(tag) =	ssettag $0x1  }
0x1: {  	s1 =	srdreg.scid;
	s0 =	stileid.u32  }
0x2: {  	s16 =	rddreg [dreg:$0x0];
	s17 =	sand.u32 $0x1, s1;
	s31 =	sshll.u32 s0, $0x1  }
0x3: {  	s3 =	rddreg [dreg:$0x1];
	s18 =	sor.u32 s17, s31  }
0x4: {  	s2 =	simm.s32 $0x0;
	s1 =	rddreg [dreg:$0x2];
	s4 =	smul.u32 $0x50, s18  }
0x5: {  	[smem:$0x7FF] =	sst s2  }
0x6: {  	_ =	strace $0x80000050;
	s4 =	sadd.s32 s3, s4;
	s3 =	simm.s32 $0x2  }
0x7: {  	[tilespmem:s2], [sflag:$0x2] =	stream.linear.gather [hbm4b:s4+s2], $0x280, $0x38;
	[tilespmem:$0xA280] =	vst v63  }
0x8: {  	_ =	swait.ge [sflag:s3], $0x280  }
0x9: {  	s6 =	simm.s32 $0x80;
	[sflag:s3] =	ssyncset.done $0x0  }
0xa: {  	s7 =	simm.s32 $0x280;
	s5 =	sadd.s32 $0x6B200, s16;
	[sflag:s3] =	ssyncadd.s32 $0xFFFFFD80  }
0xb: {  	[tilespmem:s7], [sflag:$0x1] =	stream.indirect.gather [hbm4b:s5+s6], $0x40, s2, s6, $0xb8;
	[tilespmem:$0xA280] =	vst v63  }
0xc: {  	s8 =	simm.s32 $0x2280  }
0xd: {  	[tilespmem:s8], [sflag:$0x1] =	stream.indirect.gather [hbm4b:s5+s6], $0x40, s6, s6, $0xb8;
	[tilespmem:$0xA280] =	vst v63  }
0xe: {  	s9 =	simm.s32 $0x100;
	s10 =	simm.s32 $0x4280  }
0xf: {  	[tilespmem:s10], [sflag:$0x1] =	stream.indirect.gather [hbm4b:s5+s6], $0x40, s9, s6, $0xb8;
	[tilespmem:$0xA280] =	vst v63  }
0x10: {  	s11 =	simm.s32 $0x180;
	s12 =	simm.s32 $0x6280  }
0x11: {  	[tilespmem:s12], [sflag:$0x1] =	stream.indirect.gather [hbm4b:s5+s6], $0x40, s11, s6, $0xb8;
	[tilespmem:$0xA280] =	vst v63  }
0x12: {  	s13 =	simm.s32 $0x200;
	s14 =	simm.s32 $0x8280;
	s15 =	simm.s32 $0x1  }
0x13: {  	[tilespmem:s14], [sflag:$0x1] =	stream.indirect.gather [hbm4b:s5+s6], $0x40, s13, s6, $0xb8;
	[tilespmem:$0xA280] =	vst v63  }
0x14: {  	_ =	swait.ge [sflag:s15], $0x2000  }
0x15: {  	[sflag:s15] =	ssyncset.done $0x0  }
0x16: {  	[sflag:s15] =	ssyncadd.s32 $0xFFFFE000  }
0x17: {  	_ =	swait.ge [sflag:s15], $0x2000  }
0x18: {  	[sflag:s15] =	ssyncset.done $0x0  }
0x19: {  	[sflag:s15] =	ssyncadd.s32 $0xFFFFE000  }
0x1a: {  	_ =	swait.ge [sflag:s15], $0x2000  }
0x1b: {  	[sflag:s15] =	ssyncset.done $0x0  }
0x1c: {  	s17 =	ssub.s32 $0x2, s17;
	[sflag:s15] =	ssyncadd.s32 $0xFFFFE000  }
0x1d: {  	s19 =	sshrl.u32 s17, $0x1;
	_ =	swait.ge [sflag:s15], $0x2000  }
0x1e: {  	s17 =	ssub.s32 s17, s19;
	[sflag:s15] =	ssyncset.done $0x0  }
0x1f: {  	s18 =	smul.u32 $0x1400, s18;
	s17 =	smax.u32 s17, $0x1;
	[sflag:s15] =	ssyncadd.s32 $0xFFFFE000  }
0x20: {  	p0 =	sne.s32 s17, $0x1;
	_ =	swait.ge [sflag:s15], $0x2000  }
.Ltmp0:
0x21: {  	s16 =	sadd.s32 s18, s16;
	[sflag:s15] =	ssyncset.done $0x0;
	(pc) =	sbr.rel @!p0 .LBB2_2-.Ltmp0, $4  }
0x22: {  	s16 =	sadd.s32 $0x6800, s16;
	[sflag:s15] =	ssyncadd.s32 $0xFFFFE000  }
0x23: {  	[hbm4b:s16+s2] =	stream.linear.scatter [tilespmem:s7], [sflag:$0x2], $0xA000, $0x38;
	[tilespmem:$0xA280] =	vst v63  }
0x24: {  	_ =	swait.ge [sflag:s3], $0xA000  }
0x25: {  	s17 =	sadd.s32 $0xFFFFFFFF, s17;
	[sflag:s3] =	ssyncset.done $0x0  }
.LBB2_1:
0x26: {  	p0 =	sne.s32 s17, $0x1;
	s17 =	sadd.s32 $0xFFFFFFFF, s17;
	[sflag:s3] =	ssyncadd.s32 $0xFFFF6000  }
0x27: {  	[tilespmem:s2], [sflag:$0x2] =	stream.linear.gather [hbm4b:s4+s2], $0x280, $0x38;
	[tilespmem:$0xA280] =	vst v63  }
0x28: {  	_ =	swait.ge [sflag:s3], $0x280  }
0x29: {  	[sflag:s3] =	ssyncset.done $0x0  }
0x2a: {  	[sflag:s3] =	ssyncadd.s32 $0xFFFFFD80  }
0x2b: {  	[tilespmem:s7], [sflag:$0x1] =	stream.indirect.gather [hbm4b:s5+s6], $0x40, s2, s6, $0xb8;
	[tilespmem:$0xA280] =	vst v63  }
0x2c: {  	_ = 	snop  }
0x2d: {  	[tilespmem:s8], [sflag:$0x1] =	stream.indirect.gather [hbm4b:s5+s6], $0x40, s6, s6, $0xb8;
	[tilespmem:$0xA280] =	vst v63  }
0x2e: {  	_ = 	snop  }
0x2f: {  	[tilespmem:s10], [sflag:$0x1] =	stream.indirect.gather [hbm4b:s5+s6], $0x40, s9, s6, $0xb8;
	[tilespmem:$0xA280] =	vst v63  }
0x30: {  	_ = 	snop  }
0x31: {  	[tilespmem:s12], [sflag:$0x1] =	stream.indirect.gather [hbm4b:s5+s6], $0x40, s11, s6, $0xb8;
	[tilespmem:$0xA280] =	vst v63  }
0x32: {  	_ = 	snop  }
0x33: {  	[tilespmem:s14], [sflag:$0x1] =	stream.indirect.gather [hbm4b:s5+s6], $0x40, s13, s6, $0xb8;
	[tilespmem:$0xA280] =	vst v63  }
0x34: {  	_ =	swait.ge [sflag:s15], $0x2000  }
0x35: {  	[sflag:s15] =	ssyncset.done $0x0  }
0x36: {  	[sflag:s15] =	ssyncadd.s32 $0xFFFFE000  }
0x37: {  	_ =	swait.ge [sflag:s15], $0x2000  }
0x38: {  	[sflag:s15] =	ssyncset.done $0x0  }
0x39: {  	[sflag:s15] =	ssyncadd.s32 $0xFFFFE000  }
0x3a: {  	_ =	swait.ge [sflag:s15], $0x2000  }
0x3b: {  	[sflag:s15] =	ssyncset.done $0x0  }
0x3c: {  	[sflag:s15] =	ssyncadd.s32 $0xFFFFE000  }
0x3d: {  	_ =	swait.ge [sflag:s15], $0x2000  }
0x3e: {  	[sflag:s15] =	ssyncset.done $0x0  }
0x3f: {  	[sflag:s15] =	ssyncadd.s32 $0xFFFFE000  }
0x40: {  	_ =	swait.ge [sflag:s15], $0x2000  }
.Ltmp1:
0x41: {  	[sflag:s15] =	ssyncset.done $0x0;
	(pc) =	sbr.rel @p0 .LBB2_1-.Ltmp1, $4  }
0x42: {  	[sflag:s15] =	ssyncadd.s32 $0xFFFFE000  }
0x43: {  	[hbm4b:s16+s2] =	stream.linear.scatter [tilespmem:s7], [sflag:$0x2], $0xA000, $0x38;
	[tilespmem:$0xA280] =	vst v63  }
0x44: {  	_ =	swait.ge [sflag:s3], $0xA000  }
0x45: {  	[sflag:s3] =	ssyncset.done $0x0  }
.LBB2_2:
0x46: {  	[sflag:s3] =	ssyncadd.s32 $0xFFFF6000  }
0x47: {  	_ =	sfence.sel $0x180000  }
0x48: {  	[bflag:$0x0] =	sbarrier.arrive $0xFFFF  }
0x49: {  	p0 =	sne.s32 s0, $0x0;
	_ =	strace $0x90000050  }
0x4a: {  	s0 =	sadd.s32 @!p0 $0x100000, s1;
	[bflag:$0x2] =	sbarrier.arrive $0xFFFF  }
0x4b: {  	[sflag:s0] =	ssyncadd.tile.s32 @!p0 $0x1;
	_ =	shalt  }
.Lfunc_end2:
_tile_overlayer_lowered:
.L_overlay_start_2:
0x4c: {  	(tag) =	ssettag $0x2  }
0x4d: {  	s0 =	rddreg [dreg:$0x0];
	s2 =	stileid.u32  }
0x4e: {  	s1 =	rddreg [dreg:$0x1];
	p0 =	sne.s32 s2, $0x0  }
0x4f: {  	s3 =	rddreg [dreg:$0x2];
	[bflag:$0x3] =	sbarrier.arrive $0xFFFF;
	s2 =	simm.s32 @!p0 $0x1C02  }
0x50: {  	[timem:s3], [sflag:s2] =	dma.local @!p0 [hbm:s0], s1  }
0x51: {  	s0 =	simm.s32 @!p0 $0x2  }
0x52: {  	_ =	swait.ge @!p0 [sflag:s0], s1  }
0x53: {  	s1 =	ssub.s32 @!p0 $0x0, s1;
	[sflag:s0] =	ssyncset.done @!p0 $0x0  }
0x54: {  	[sflag:s0] =	ssyncadd.s32 @!p0 s1  }
0x55: {  	[bflag:$0x3] =	sbarrier.arrive $0xFFFF  }
0x56: {  	_ =	shalt  }

// kernel: kernel.29.cloned.1.call-start
scs
__scs_entry_jumppad:
0x0: {  	(pc) =	sbr.rel $0x88, $3  }
0x1: {  	(tag) =	ssettag $0x0;
	lr =	simm.s32 $0x1  }
0x2: {  	[smem:$0x3F8B] =	sst lr;
	_ =	strace $0xD0000000  }
0x3: {  	_ = 	snop  }
0x4: {  	_ = 	snop  }
0x5: {  	_ = 	snop  }
0x6: {  	_ = 	snop  }
0x7: {  	_ = 	snop  }
__scs_overlays_trampoline_lowered:
0x8: {  	[smem:$0x3F9A] =	sst s0  }
0x9: {  	[smem:$0x3F9B] =	sst s1  }
0xa: {  	[smem:$0x3F9C] =	sst s2  }
0xb: {  	[smem:$0x3F9D] =	sst s3  }
0xc: {  	[smem:$0x3F9E] =	sst s4  }
0xd: {  	[smem:$0x3F9F] =	sst s5  }
0xe: {  	[smem:$0x3FA0] =	sst s6  }
0xf: {  	[smem:$0x3FA1] =	sst s7  }
0x10: {  	[smem:$0x3FA2] =	sst s8  }
0x11: {  	[smem:$0x3FA3] =	sst s9;
	s0 =	simm.s32 @!p0 $0x0  }
0x12: {  	s1 =	sld [smem:$0x3F89];
	s0 =	simm.s32 @p0 $0x1  }
0x13: {  	[smem:$0x3FA4] =	sst s0;
	s0 =	simm.s32 @!p1 $0x0  }
0x14: {  	s2 =	sld [smem:$0x3F88];
	s0 =	simm.s32 @p1 $0x1  }
0x15: {  	[smem:$0x3FA5] =	sst s0;
	s0 =	simm.s32 @!p2 $0x0  }
0x16: {  	s3 =	sld [smem:$0x3FDB];
	s0 =	simm.s32 @p2 $0x1  }
0x17: {  	s4 =	simm.s32 $0x1BF5;
	[smem:$0x3FA7] =	sst s0  }
0x18: {  	s0 =	sld [smem:$0x3F8A];
	_ =	swait.ge [sflag:s4], $0x0  }
0x19: {  	s7 =	sld [smem:$0x3F8B]  }
0x1a: {  	s8 =	sadd.s32 $0xFFFFE003, lr  }
0x1b: {  	s9 =	sadd.s32 $0xFFFFFEF7, lr;
	s5 =	simm.s32 $0xFFFFFFFF;
	p2 =	slt.u32 s8, $0xFFFFF086  }
0x1c: {  	p1 =	slt.u32 s9, $0xF7A;
	s5 =	simm.s32 @!p2 $0x0  }
0x1d: {  	s5 =	simm.s32 @p1 $0x1;
	p0 =	seq.s32 s7, s2  }
0x1e: {  	s7 =	smul.u32 @!p0 $0xF7A, s2;
	p2 =	seq.s32 @!p0 s5, $0x0  }
0x1f: {  	s9 =	smul.u32 $0xF7A, s1;
	s8 =	simm.s32 @!p0 $0x1BF5;
	p2 =	por !p2, p0  }
0x20: {  	[sflag:s8] =	ssyncset.s32 @!p0 $0xFFFFF086;
	s6 =	sadd.s32 @!p0 s3, s7;
	s7 =	simm.s32 @!p0 $0x108  }
0x21: {  	s3 =	sadd.s32 s3, s9;
	s6 =	sadd.s32 @!p0 $0x88, s6;
	s7 =	simm.s32 @p2 $0x1082  }
0x22: {  	[simem:s7], [sflag:s8] =	dma.local @!p0 [hbm:s6], $0xF7A  }
0x23: {  	s9 =	sor.u32 $0xD0000000, s2;
	s6 =	simm.s32 $0x108;
	_ =	swait.ge @!p0 [sflag:s8], $0x0  }
0x24: {  	s3 =	sadd.s32 $0x88, s3;
	s6 =	simm.s32 @!p1 $0x1082;
	[sflag:s4] =	ssyncset.s32 $0xFFFFF086  }
0x25: {  	[simem:s6], [sflag:s4] =	dma.local [hbm:s3], $0xF7A  }
0x26: {  	[smem:$0x3F8B] =	sst s1;
	(tag) =	ssettag s2;
	_ =	strace s9  }
0x27: {  	s1 =	sld [smem:$0x3F9B]  }
0x28: {  	s2 =	sld [smem:$0x3F9C]  }
0x29: {  	s4 =	sld [smem:$0x3F9E]  }
0x2a: {  	p0 =	seq.s32 s5, $0x0;
	s5 =	sld [smem:$0x3F9F]  }
0x2b: {  	s6 =	sld [smem:$0x3FA0]  }
0x2c: {  	s7 =	sld [smem:$0x3FA1]  }
0x2d: {  	s3 =	simm.s32 $0x108;
	s8 =	sld [smem:$0x3FA2]  }
0x2e: {  	s3 =	simm.s32 @!p0 $0x1082;
	s9 =	sld [smem:$0x3FA3]  }
0x2f: {  	lr =	sadd.s32 s0, s3;
	s0 =	sld [smem:$0x3F9A]  }
0x30: {  	s3 =	sld [smem:$0x3F9D]  }
0x31: {  	[smem:$0x3FA6] =	sst s10  }
0x32: {  	s10 =	sld [smem:$0x3FA4];
	_ =	sdelay $0x3  }
0x33: {  	p0 =	seq.s32 s10, $0x1;
	s10 =	sld [smem:$0x3FA6];
	_ =	sdelay $0x3  }
0x34: {  	[smem:$0x3FA6] =	sst s10  }
0x35: {  	s10 =	sld [smem:$0x3FA5];
	_ =	sdelay $0x3  }
0x36: {  	p1 =	seq.s32 s10, $0x1;
	s10 =	sld [smem:$0x3FA6];
	_ =	sdelay $0x3  }
0x37: {  	[smem:$0x3FA6] =	sst s10  }
0x38: {  	s10 =	sld [smem:$0x3FA7]  }
0x39: {  	_ = 	snop;
	(pc) =	sbr.ind lr, $3  }
0x3a: {  	_ = 	snop  }
0x3b: {  	_ = 	snop  }
0x3c: {  	p2 =	seq.s32 s10, $0x1;
	s10 =	sld [smem:$0x3FA6]  }
0x3d: {  	_ =	shalt  }
0x3e: {  	_ =	shalt  }
0x3f: {  	_ =	shalt  }
0x40: {  	_ =	shalt  }
0x41: {  	_ =	shalt  }
0x42: {  	_ =	shalt  }
0x43: {  	_ =	shalt  }
0x44: {  	_ =	shalt  }
0x45: {  	_ =	shalt  }
0x46: {  	_ =	shalt  }
0x47: {  	_ =	shalt  }
0x48: {  	_ =	shalt  }
0x49: {  	_ =	shalt  }
0x4a: {  	_ =	shalt  }
0x4b: {  	_ =	shalt  }
0x4c: {  	_ =	shalt  }
0x4d: {  	_ =	shalt  }
0x4e: {  	_ =	shalt  }
0x4f: {  	_ =	shalt  }
0x50: {  	_ =	shalt  }
0x51: {  	_ =	shalt  }
0x52: {  	_ =	shalt  }
0x53: {  	_ =	shalt  }
0x54: {  	_ =	shalt  }
0x55: {  	_ =	shalt  }
0x56: {  	_ =	shalt  }
0x57: {  	_ =	shalt  }
0x58: {  	_ =	shalt  }
0x59: {  	_ =	shalt  }
0x5a: {  	_ =	shalt  }
0x5b: {  	_ =	shalt  }
0x5c: {  	_ =	shalt  }
0x5d: {  	_ =	shalt  }
0x5e: {  	_ =	shalt  }
0x5f: {  	_ =	shalt  }
0x60: {  	_ =	shalt  }
0x61: {  	_ =	shalt  }
0x62: {  	_ =	shalt  }
0x63: {  	_ =	shalt  }
0x64: {  	_ =	shalt  }
0x65: {  	_ =	shalt  }
0x66: {  	_ =	shalt  }
0x67: {  	_ =	shalt  }
0x68: {  	_ =	shalt  }
0x69: {  	_ =	shalt  }
0x6a: {  	_ =	shalt  }
0x6b: {  	_ =	shalt  }
0x6c: {  	_ =	shalt  }
0x6d: {  	_ =	shalt  }
0x6e: {  	_ =	shalt  }
0x6f: {  	_ =	shalt  }
0x70: {  	_ =	shalt  }
0x71: {  	_ =	shalt  }
0x72: {  	_ =	shalt  }
0x73: {  	_ =	shalt  }
0x74: {  	_ =	shalt  }
0x75: {  	_ =	shalt  }
0x76: {  	_ =	shalt  }
0x77: {  	_ =	shalt  }
0x78: {  	_ =	shalt  }
0x79: {  	_ =	shalt  }
0x7a: {  	_ =	shalt  }
0x7b: {  	_ =	shalt  }
0x7c: {  	_ =	shalt  }
0x7d: {  	_ =	shalt  }
0x7e: {  	_ =	shalt  }
0x7f: {  	_ =	shalt  }
0x80: {  	_ =	shalt  }
0x81: {  	_ =	shalt  }
0x82: {  	_ =	shalt  }
0x83: {  	_ =	shalt  }
0x84: {  	_ =	shalt  }
0x85: {  	_ =	shalt  }
0x86: {  	_ =	shalt  }
0x87: {  	_ =	shalt  }
.Lfunc_end0:
.L_simem_size_0:
called_computation.4_lowered:
.L_overlay_start_0:
0x88: {  	s2 =	sld [smem:$0x3FD9]  }
0x89: {  	s3 =	sld [smem:$0x3FFE];
	_ =	sdelay $0x1  }
0x8a: {  	s1 =	srdreg.scid  }
0x8b: {  	s0 =	sand.u32 $0x1, s1  }
0x8c: {  	s16 =	sshll.u32 s0, $0xA;
	s2 =	sadd.s32 s3, s2  }
0x8d: {  	s2 =	sadd.s32 s2, s16  }
0x8e: {  	[smem:$0x3FB2] =	sst s2  }
0x8f: {  	_ = 	snop  }
0x90: {  	(tm) =	ssettm $0x1  }
0x91: {  	s17 =	sld [smem:$0x3FFB];
	_ =	sdelay $0x3  }
0x92: {  	_ =	strace s17  }
0x93: {  	s2 =	sld [smem:$0x3FFC];
	_ =	sdelay $0x3  }
0x94: {  	_ =	strace s2  }
0x95: {  	s2 =	sld [smem:$0x3FFD];
	_ =	sdelay $0x3  }
0x96: {  	_ =	strace s2  }
0x97: {  	_ =	strace $0x8FFFFFFF  }
0x98: {  	s18 =	sld [smem:$0x3FDB];
	_ =	sdelay $0x1  }
0x99: {  	s19 =	simm.s32 $_scs_section_size  }
0x9a: {  	s4 =	simm.s32 $_size__tile_overlayer_lowered;
	s5 =	simm.s32 $_tile_overlayer_lowered  }
0x9b: {  	s22 =	simm.s32 $0x1BFF;
	s21 =	sshll.u32 s5, $0x1;
	s2 =	sadd.s32 s19, s18  }
0x9c: {  	s6 =	simm.s32 $0x0;
	s20 =	sshll.u32 s4, $0x1;
	s4 =	sadd.s32 s21, s2  }
0x9d: {  	[timem:s6], [sflag:s22] =	dma.local [hbm:s4], s20  }
0x9e: {  	_ =	swait.ge [sflag:s22], s20  }
0x9f: {  	s3 =	ssub.s32 $0x0, s20;
	[sflag:s22] =	ssyncset.done $0x0  }
0xa0: {  	[sflag:s22] =	ssyncadd.s32 s3;
	_ =	sdelay $0x1  }
0xa1: {  	s23 =	simm.s32 $0x1B8B  }
0xa2: {  	_ =	swait.ge [sflag:s23], $0x1  }
0xa3: {  	[sflag:s23] =	ssyncset.done $0x0  }
0xa4: {  	s25 =	simm.s32 $0x1B8E;
	s24 =	sld [smem:$0x3FFE];
	[sflag:s23] =	ssyncadd.s32 $0xFFFFFFFF  }
0xa5: {  	s26 =	simm.s32 $execute0_lowered;
	[smem:$0x3FD2] =	sst s25  }
0xa6: {  	s4 =	sshll.u32 s26, $0x1;
	_ =	strace $0x80000052;
	[dreg:$0x1] =	wrdreg $0xFFFFFFFF  }
0xa7: {  	s28 =	simm.s32 $_size_execute0_lowered;
	s2 =	sadd.s32 s2, s4;
	[dreg:$0x0] =	wrdreg $0x0  }
0xa8: {  	s4 =	sshll.u32 s28, $0x1;
	[dreg:$0x2] =	wrdreg s2  }
0xa9: {  	[dreg:$0x3] =	wrdreg s4  }
0xaa: {  	[dreg:$0x4] =	wrdreg $0xC0  }
0xab: {  	_ =	task [dreg:s6], $0x5FFFF  }
0xac: {  	[dreg:$0x1] =	wrdreg $0xFFFFFFFF  }
0xad: {  	[dreg:$0x0] =	wrdreg $0x60  }
0xae: {  	[dreg:$0x2] =	wrdreg s24  }
0xaf: {  	[dreg:$0x3] =	wrdreg $0xA2800  }
0xb0: {  	[dreg:$0x4] =	wrdreg $0x9  }
0xb1: {  	_ =	task.clear_ibuf [dreg:s6], $0x5FFFF;
	_ =	strace $0x90000052  }
0xb2: {  	s29 =	simm.s32 $0x9;
	_ =	strace $0x80000054  }
0xb3: {  	_ =	swait.ge [sflag:s29], $0x1  }
0xb4: {  	[sflag:s29] =	ssyncadd.s32 $0xFFFFFFFF  }
0xb5: {  	_ =	strace $0x90000054  }
0xb6: {  	_ =	sfence  }
0xb7: {  	s30 =	sld [smem:$0x0];
	_ =	sdelay $0x2  }
0xb8: {  	s31 =	sshll.u32 s1, $0xD;
	s1 =	sshrl.u32 s1, $0x2  }
0xb9: {  	s3 =	sand.u32 $0x4000, s31;
	s1 =	sadd.s32 s1, s30  }
0xba: {  	s0 =	sor.u32 s3, s0;
	s1 =	sshll.u32 s1, $0x11  }
0xbb: {  	s0 =	sor.u32 s1, s0  }
0xbc: {  	s0 =	sadd.s32 $0x8F2B, s0  }
0xbd: {  	[sflag:s0] =	ssyncadd.remote.s32 $0x1  }
0xbe: {  	_ =	sfence.sel $0xFFFF  }
0xbf: {  	[dreg:$0x0] =	wrdreg $0xFFFFFFFF;
	(pc) =	sbr.abs _section_cstart, $3  }
0xc0: {  	[dreg:$0x1] =	wrdreg $0xFFFFFFFF  }
0xc1: {  	_ =	task.clear_ibuf [dreg:s6], $0x2FFFF;
	_ =	strace $0x9FFFFFFF  }
0xc2: {  	(tm) =	ssettm $0x7FFFFFFF  }
0xc3: {  	_ =	shalt  }
tec
execute0_lowered:
.L_overlay_start_1:
0x0: {  	(tag) =	ssettag $0x1  }
0x1: {  	s19 =	rddreg [dreg:$0x0]  }
0x2: {  	s2 =	rddreg [dreg:$0x1]  }
0x3: {  	s0 =	rddreg [dreg:$0x2];
	s1 =	stileid.u32  }
0x4: {  	s3 =	simm.s32 $0x0;
	s4 =	srdreg.scid;
	s5 =	smul.u32 $0x28000, s1  }
0x5: {  	[smem:$0x7FF] =	sst s3;
	s20 =	sand.u32 $0x1, s4;
	s28 =	sshll.u32 s1, $0x1  }
0x6: {  	s4 =	sadd.s32 $0x56800, s19;
	s29 =	sshll.u32 s1, $0x6;
	s5 =	sshrl.u32 s5, $0x2  }
0x7: {  	_ =	strace $0x80000053;
	s8 =	sor.u32 s20, s28;
	s6 =	sadd.s32 s5, s2  }
0x8: {  	s5 =	sor.u32 $0x1C01, s29;
	s7 =	sshrl.u32 s6, $0x3;
	s6 =	simm.s32 $0x1  }
0x9: {  	[spmem:s7], [sflag:s5] =	dma.local [hbm:s4], $0x1400  }
0xa: {  	s9 =	smul.u32 $0x50, s8;
	_ =	swait.ge [sflag:s6], $0x1400  }
0xb: {  	[sflag:s6] =	ssyncset.done $0x0  }
0xc: {  	s9 =	sadd.s32 s9, s19;
	[sflag:s6] =	ssyncadd.s32 $0xFFFFEC00  }
0xd: {  	s10 =	smul.u32 $0x1400, s8;
	s8 =	sadd.s32 $0x6A800, s9;
	[bflag:$0x0] =	sbarrier.arrive $0xFFFF  }
0xe: {  	[tilespmem:s3], [sflag:$0x1] =	stream.linear.gather [hbm4b:s8+s3], $0x280, $0x38;
	[tilespmem:$0x14280] =	vst v63  }
0xf: {  	_ =	swait.ge [sflag:s6], $0x280  }
0x10: {  	s30 =	sadd.s32 s10, s19;
	[sflag:s6] =	ssyncset.done $0x0  }
0x11: {  	s10 =	simm.s32 $0x280;
	s9 =	sadd.s32 $0x6800, s30;
	[sflag:s6] =	ssyncadd.s32 $0xFFFFFD80  }
0x12: {  	[tilespmem:s10], [sflag:$0x1] =	stream.linear.gather [hbm4b:s9+s3], $0xA000, $0x38;
	[tilespmem:$0x14280] =	vst v63  }
0x13: {  	_ =	swait.ge [sflag:s6], $0xA000  }
0x14: {  	[sflag:s6] =	ssyncset.done $0x0  }
0x15: {  	s11 =	simm.s32 $0x80;
	[sflag:s6] =	ssyncadd.s32 $0xFFFF6000  }
0x16: {  	[spmem:s2] =	stream.indirect.scatter.add.f32 [tilespmem:s10], [sflag:$0x1], $0x40, s3, s11, $0xb8;
	[tilespmem:$0x14280] =	vst v63  }
0x17: {  	_ =	swait.ge [sflag:s6], $0x2000  }
0x18: {  	[sflag:s6] =	ssyncset.done $0x0  }
0x19: {  	s12 =	simm.s32 $0x2280;
	[sflag:s6] =	ssyncadd.s32 $0xFFFFE000  }
0x1a: {  	[spmem:s2] =	stream.indirect.scatter.add.f32 [tilespmem:s12], [sflag:$0x1], $0x40, s11, s11, $0xb8;
	[tilespmem:$0x14280] =	vst v63  }
0x1b: {  	_ =	swait.ge [sflag:s6], $0x2000  }
0x1c: {  	[sflag:s6] =	ssyncset.done $0x0  }
0x1d: {  	s13 =	simm.s32 $0x100;
	s14 =	simm.s32 $0x4280;
	[sflag:s6] =	ssyncadd.s32 $0xFFFFE000  }
0x1e: {  	[spmem:s2] =	stream.indirect.scatter.add.f32 [tilespmem:s14], [sflag:$0x1], $0x40, s13, s11, $0xb8;
	[tilespmem:$0x14280] =	vst v63  }
0x1f: {  	_ =	swait.ge [sflag:s6], $0x2000  }
0x20: {  	s15 =	simm.s32 $0x180;
	[sflag:s6] =	ssyncset.done $0x0  }
0x21: {  	s16 =	simm.s32 $0x6280;
	s17 =	simm.s32 $0x200;
	[sflag:s6] =	ssyncadd.s32 $0xFFFFE000  }
0x22: {  	[spmem:s2] =	stream.indirect.scatter.add.f32 [tilespmem:s16], [sflag:$0x1], $0x40, s15, s11, $0xb8;
	[tilespmem:$0x14280] =	vst v63  }
0x23: {  	s21 =	smul.u32 $0xA0000, s20;
	s20 =	ssub.s32 $0x2, s20;
	_ =	swait.ge [sflag:s6], $0x2000  }
0x24: {  	s18 =	simm.s32 $0x8280;
	s31 =	sshrl.u32 s20, $0x1;
	[sflag:s6] =	ssyncset.done $0x0  }
0x25: {  	s22 =	smul.u32 $0xA000, s1;
	s20 =	ssub.s32 s20, s31;
	[sflag:s6] =	ssyncadd.s32 $0xFFFFE000  }
0x26: {  	[spmem:s2] =	stream.indirect.scatter.add.f32 [tilespmem:s18], [sflag:$0x1], $0x40, s17, s11, $0xb8;
	[tilespmem:$0x14280] =	vst v63  }
0x27: {  	s21 =	sadd.s32 s22, s21;
	s20 =	smax.u32 s20, $0x1;
	_ =	swait.ge [sflag:s6], $0x2000  }
0x28: {  	s21 =	sshrl.u32 s21, $0x3;
	p0 =	sne.s32 s20, $0x1;
	[sflag:s6] =	ssyncset.done $0x0  }
.Ltmp0:
0x29: {  	s19 =	sadd.s32 s21, s19;
	[sflag:s6] =	ssyncadd.s32 $0xFFFFE000;
	(pc) =	sbr.rel @!p0 .LBB2_2-.Ltmp0, $4  }
0x2a: {  	s19 =	sadd.s32 $0x2E800, s19;
	[bflag:$0x0] =	sbarrier.arrive $0xFFFF  }
0x2b: {  	[hbm:s19], [sflag:s5] =	dma.local [spmem:s7], $0x1400  }
0x2c: {  	_ =	swait.ge [sflag:s6], $0x1400  }
0x2d: {  	s20 =	sadd.s32 $0xFFFFFFFF, s20;
	[sflag:s6] =	ssyncset.done $0x0  }
.LBB2_1:
0x2e: {  	p0 =	sne.s32 s20, $0x1;
	s20 =	sadd.s32 $0xFFFFFFFF, s20;
	[sflag:s6] =	ssyncadd.s32 $0xFFFFEC00  }
0x2f: {  	[spmem:s7], [sflag:s5] =	dma.local [hbm:s4], $0x1400  }
0x30: {  	_ =	swait.ge [sflag:s6], $0x1400  }
0x31: {  	[sflag:s6] =	ssyncset.done $0x0  }
0x32: {  	[sflag:s6] =	ssyncadd.s32 $0xFFFFEC00  }
0x33: {  	[bflag:$0x0] =	sbarrier.arrive $0xFFFF  }
0x34: {  	[tilespmem:s3], [sflag:$0x1] =	stream.linear.gather [hbm4b:s8+s3], $0x280, $0x38;
	[tilespmem:$0x14280] =	vst v63  }
0x35: {  	_ =	swait.ge [sflag:s6], $0x280  }
0x36: {  	[sflag:s6] =	ssyncset.done $0x0  }
0x37: {  	[sflag:s6] =	ssyncadd.s32 $0xFFFFFD80  }
0x38: {  	[tilespmem:s10], [sflag:$0x1] =	stream.linear.gather [hbm4b:s9+s3], $0xA000, $0x38;
	[tilespmem:$0x14280] =	vst v63  }
0x39: {  	_ =	swait.ge [sflag:s6], $0xA000  }
0x3a: {  	[sflag:s6] =	ssyncset.done $0x0  }
0x3b: {  	[sflag:s6] =	ssyncadd.s32 $0xFFFF6000  }
0x3c: {  	[spmem:s2] =	stream.indirect.scatter.add.f32 [tilespmem:s10], [sflag:$0x1], $0x40, s3, s11, $0xb8;
	[tilespmem:$0x14280] =	vst v63  }
0x3d: {  	_ =	swait.ge [sflag:s6], $0x2000  }
0x3e: {  	[sflag:s6] =	ssyncset.done $0x0  }
0x3f: {  	[sflag:s6] =	ssyncadd.s32 $0xFFFFE000  }
0x40: {  	[spmem:s2] =	stream.indirect.scatter.add.f32 [tilespmem:s12], [sflag:$0x1], $0x40, s11, s11, $0xb8;
	[tilespmem:$0x14280] =	vst v63  }
0x41: {  	_ =	swait.ge [sflag:s6], $0x2000  }
0x42: {  	[sflag:s6] =	ssyncset.done $0x0  }
0x43: {  	[sflag:s6] =	ssyncadd.s32 $0xFFFFE000  }
0x44: {  	[spmem:s2] =	stream.indirect.scatter.add.f32 [tilespmem:s14], [sflag:$0x1], $0x40, s13, s11, $0xb8;
	[tilespmem:$0x14280] =	vst v63  }
0x45: {  	_ =	swait.ge [sflag:s6], $0x2000  }
0x46: {  	[sflag:s6] =	ssyncset.done $0x0  }
0x47: {  	[sflag:s6] =	ssyncadd.s32 $0xFFFFE000  }
0x48: {  	[spmem:s2] =	stream.indirect.scatter.add.f32 [tilespmem:s16], [sflag:$0x1], $0x40, s15, s11, $0xb8;
	[tilespmem:$0x14280] =	vst v63  }
0x49: {  	_ =	swait.ge [sflag:s6], $0x2000  }
0x4a: {  	[sflag:s6] =	ssyncset.done $0x0  }
0x4b: {  	[sflag:s6] =	ssyncadd.s32 $0xFFFFE000  }
0x4c: {  	[spmem:s2] =	stream.indirect.scatter.add.f32 [tilespmem:s18], [sflag:$0x1], $0x40, s17, s11, $0xb8;
	[tilespmem:$0x14280] =	vst v63  }
0x4d: {  	_ =	swait.ge [sflag:s6], $0x2000  }
0x4e: {  	[sflag:s6] =	ssyncset.done $0x0  }
.Ltmp1:
0x4f: {  	[sflag:s6] =	ssyncadd.s32 $0xFFFFE000;
	(pc) =	sbr.rel @p0 .LBB2_1-.Ltmp1, $4  }
0x50: {  	[bflag:$0x0] =	sbarrier.arrive $0xFFFF  }
0x51: {  	[hbm:s19], [sflag:s5] =	dma.local [spmem:s7], $0x1400  }
0x52: {  	_ =	swait.ge [sflag:s6], $0x1400  }
0x53: {  	[sflag:s6] =	ssyncset.done $0x0  }
.LBB2_2:
0x54: {  	[sflag:s6] =	ssyncadd.s32 $0xFFFFEC00  }
0x55: {  	_ =	sfence.sel $0x180000  }
0x56: {  	[bflag:$0x0] =	sbarrier.arrive $0xFFFF  }
0x57: {  	p0 =	sne.s32 s1, $0x0;
	_ =	strace $0x90000053  }
0x58: {  	s0 =	sadd.s32 @!p0 $0x100000, s0;
	[bflag:$0x2] =	sbarrier.arrive $0xFFFF  }
0x59: {  	[sflag:s0] =	ssyncadd.tile.s32 @!p0 $0x1;
	_ =	shalt  }
.Lfunc_end2:
_tile_overlayer_lowered:
.L_overlay_start_2:
0x5a: {  	(tag) =	ssettag $0x2  }
0x5b: {  	s0 =	rddreg [dreg:$0x0];
	s2 =	stileid.u32  }
0x5c: {  	s1 =	rddreg [dreg:$0x1];
	p0 =	sne.s32 s2, $0x0  }
0x5d: {  	s3 =	rddreg [dreg:$0x2];
	[bflag:$0x3] =	sbarrier.arrive $0xFFFF;
	s2 =	simm.s32 @!p0 $0x1C01  }
0x5e: {  	[timem:s3], [sflag:s2] =	dma.local @!p0 [hbm:s0], s1  }
0x5f: {  	s0 =	simm.s32 @!p0 $0x1  }
0x60: {  	_ =	swait.ge @!p0 [sflag:s0], s1  }
0x61: {  	s1 =	ssub.s32 @!p0 $0x0, s1;
	[sflag:s0] =	ssyncset.done @!p0 $0x0  }
0x62: {  	[sflag:s0] =	ssyncadd.s32 @!p0 s1  }
0x63: {  	[bflag:$0x3] =	sbarrier.arrive $0xFFFF  }
0x64: {  	_ =	shalt  }

// kernel: kernel.32.cloned.1.call-start
scs
__scs_entry_jumppad:
0x0: {  	(pc) =	sbr.rel $0x88, $3  }
0x1: {  	(tag) =	ssettag $0x0;
	lr =	simm.s32 $0x1  }
0x2: {  	[smem:$0x3F8B] =	sst lr;
	_ =	strace $0xD0000000  }
0x3: {  	_ = 	snop  }
0x4: {  	_ = 	snop  }
0x5: {  	_ = 	snop  }
0x6: {  	_ = 	snop  }
0x7: {  	_ = 	snop  }
__scs_overlays_trampoline_lowered:
0x8: {  	[smem:$0x3F9A] =	sst s0  }
0x9: {  	[smem:$0x3F9B] =	sst s1  }
0xa: {  	[smem:$0x3F9C] =	sst s2  }
0xb: {  	[smem:$0x3F9D] =	sst s3  }
0xc: {  	[smem:$0x3F9E] =	sst s4  }
0xd: {  	[smem:$0x3F9F] =	sst s5  }
0xe: {  	[smem:$0x3FA0] =	sst s6  }
0xf: {  	[smem:$0x3FA1] =	sst s7  }
0x10: {  	[smem:$0x3FA2] =	sst s8  }
0x11: {  	[smem:$0x3FA3] =	sst s9;
	s0 =	simm.s32 @!p0 $0x0  }
0x12: {  	s1 =	sld [smem:$0x3F89];
	s0 =	simm.s32 @p0 $0x1  }
0x13: {  	[smem:$0x3FA4] =	sst s0;
	s0 =	simm.s32 @!p1 $0x0  }
0x14: {  	s2 =	sld [smem:$0x3F88];
	s0 =	simm.s32 @p1 $0x1  }
0x15: {  	[smem:$0x3FA5] =	sst s0;
	s0 =	simm.s32 @!p2 $0x0  }
0x16: {  	s3 =	sld [smem:$0x3FDB];
	s0 =	simm.s32 @p2 $0x1  }
0x17: {  	s4 =	simm.s32 $0x1BF5;
	[smem:$0x3FA7] =	sst s0  }
0x18: {  	s0 =	sld [smem:$0x3F8A];
	_ =	swait.ge [sflag:s4], $0x0  }
0x19: {  	s7 =	sld [smem:$0x3F8B]  }
0x1a: {  	s8 =	sadd.s32 $0xFFFFE003, lr  }
0x1b: {  	s9 =	sadd.s32 $0xFFFFFEF7, lr;
	s5 =	simm.s32 $0xFFFFFFFF;
	p2 =	slt.u32 s8, $0xFFFFF086  }
0x1c: {  	p1 =	slt.u32 s9, $0xF7A;
	s5 =	simm.s32 @!p2 $0x0  }
0x1d: {  	s5 =	simm.s32 @p1 $0x1;
	p0 =	seq.s32 s7, s2  }
0x1e: {  	s7 =	smul.u32 @!p0 $0xF7A, s2;
	p2 =	seq.s32 @!p0 s5, $0x0  }
0x1f: {  	s9 =	smul.u32 $0xF7A, s1;
	s8 =	simm.s32 @!p0 $0x1BF5;
	p2 =	por !p2, p0  }
0x20: {  	[sflag:s8] =	ssyncset.s32 @!p0 $0xFFFFF086;
	s6 =	sadd.s32 @!p0 s3, s7;
	s7 =	simm.s32 @!p0 $0x108  }
0x21: {  	s3 =	sadd.s32 s3, s9;
	s6 =	sadd.s32 @!p0 $0x88, s6;
	s7 =	simm.s32 @p2 $0x1082  }
0x22: {  	[simem:s7], [sflag:s8] =	dma.local @!p0 [hbm:s6], $0xF7A  }
0x23: {  	s9 =	sor.u32 $0xD0000000, s2;
	s6 =	simm.s32 $0x108;
	_ =	swait.ge @!p0 [sflag:s8], $0x0  }
0x24: {  	s3 =	sadd.s32 $0x88, s3;
	s6 =	simm.s32 @!p1 $0x1082;
	[sflag:s4] =	ssyncset.s32 $0xFFFFF086  }
0x25: {  	[simem:s6], [sflag:s4] =	dma.local [hbm:s3], $0xF7A  }
0x26: {  	[smem:$0x3F8B] =	sst s1;
	(tag) =	ssettag s2;
	_ =	strace s9  }
0x27: {  	s1 =	sld [smem:$0x3F9B]  }
0x28: {  	s2 =	sld [smem:$0x3F9C]  }
0x29: {  	s4 =	sld [smem:$0x3F9E]  }
0x2a: {  	p0 =	seq.s32 s5, $0x0;
	s5 =	sld [smem:$0x3F9F]  }
0x2b: {  	s6 =	sld [smem:$0x3FA0]  }
0x2c: {  	s7 =	sld [smem:$0x3FA1]  }
0x2d: {  	s3 =	simm.s32 $0x108;
	s8 =	sld [smem:$0x3FA2]  }
0x2e: {  	s3 =	simm.s32 @!p0 $0x1082;
	s9 =	sld [smem:$0x3FA3]  }
0x2f: {  	lr =	sadd.s32 s0, s3;
	s0 =	sld [smem:$0x3F9A]  }
0x30: {  	s3 =	sld [smem:$0x3F9D]  }
0x31: {  	[smem:$0x3FA6] =	sst s10  }
0x32: {  	s10 =	sld [smem:$0x3FA4];
	_ =	sdelay $0x3  }
0x33: {  	p0 =	seq.s32 s10, $0x1;
	s10 =	sld [smem:$0x3FA6];
	_ =	sdelay $0x3  }
0x34: {  	[smem:$0x3FA6] =	sst s10  }
0x35: {  	s10 =	sld [smem:$0x3FA5];
	_ =	sdelay $0x3  }
0x36: {  	p1 =	seq.s32 s10, $0x1;
	s10 =	sld [smem:$0x3FA6];
	_ =	sdelay $0x3  }
0x37: {  	[smem:$0x3FA6] =	sst s10  }
0x38: {  	s10 =	sld [smem:$0x3FA7]  }
0x39: {  	_ = 	snop;
	(pc) =	sbr.ind lr, $3  }
0x3a: {  	_ = 	snop  }
0x3b: {  	_ = 	snop  }
0x3c: {  	p2 =	seq.s32 s10, $0x1;
	s10 =	sld [smem:$0x3FA6]  }
0x3d: {  	_ =	shalt  }
0x3e: {  	_ =	shalt  }
0x3f: {  	_ =	shalt  }
0x40: {  	_ =	shalt  }
0x41: {  	_ =	shalt  }
0x42: {  	_ =	shalt  }
0x43: {  	_ =	shalt  }
0x44: {  	_ =	shalt  }
0x45: {  	_ =	shalt  }
0x46: {  	_ =	shalt  }
0x47: {  	_ =	shalt  }
0x48: {  	_ =	shalt  }
0x49: {  	_ =	shalt  }
0x4a: {  	_ =	shalt  }
0x4b: {  	_ =	shalt  }
0x4c: {  	_ =	shalt  }
0x4d: {  	_ =	shalt  }
0x4e: {  	_ =	shalt  }
0x4f: {  	_ =	shalt  }
0x50: {  	_ =	shalt  }
0x51: {  	_ =	shalt  }
0x52: {  	_ =	shalt  }
0x53: {  	_ =	shalt  }
0x54: {  	_ =	shalt  }
0x55: {  	_ =	shalt  }
0x56: {  	_ =	shalt  }
0x57: {  	_ =	shalt  }
0x58: {  	_ =	shalt  }
0x59: {  	_ =	shalt  }
0x5a: {  	_ =	shalt  }
0x5b: {  	_ =	shalt  }
0x5c: {  	_ =	shalt  }
0x5d: {  	_ =	shalt  }
0x5e: {  	_ =	shalt  }
0x5f: {  	_ =	shalt  }
0x60: {  	_ =	shalt  }
0x61: {  	_ =	shalt  }
0x62: {  	_ =	shalt  }
0x63: {  	_ =	shalt  }
0x64: {  	_ =	shalt  }
0x65: {  	_ =	shalt  }
0x66: {  	_ =	shalt  }
0x67: {  	_ =	shalt  }
0x68: {  	_ =	shalt  }
0x69: {  	_ =	shalt  }
0x6a: {  	_ =	shalt  }
0x6b: {  	_ =	shalt  }
0x6c: {  	_ =	shalt  }
0x6d: {  	_ =	shalt  }
0x6e: {  	_ =	shalt  }
0x6f: {  	_ =	shalt  }
0x70: {  	_ =	shalt  }
0x71: {  	_ =	shalt  }
0x72: {  	_ =	shalt  }
0x73: {  	_ =	shalt  }
0x74: {  	_ =	shalt  }
0x75: {  	_ =	shalt  }
0x76: {  	_ =	shalt  }
0x77: {  	_ =	shalt  }
0x78: {  	_ =	shalt  }
0x79: {  	_ =	shalt  }
0x7a: {  	_ =	shalt  }
0x7b: {  	_ =	shalt  }
0x7c: {  	_ =	shalt  }
0x7d: {  	_ =	shalt  }
0x7e: {  	_ =	shalt  }
0x7f: {  	_ =	shalt  }
0x80: {  	_ =	shalt  }
0x81: {  	_ =	shalt  }
0x82: {  	_ =	shalt  }
0x83: {  	_ =	shalt  }
0x84: {  	_ =	shalt  }
0x85: {  	_ =	shalt  }
0x86: {  	_ =	shalt  }
0x87: {  	_ =	shalt  }
.Lfunc_end0:
.L_simem_size_0:
called_computation.5_lowered:
.L_overlay_start_0:
0x88: {  	s2 =	sld [smem:$0x3FD9]  }
0x89: {  	s3 =	sld [smem:$0x3FFE];
	_ =	sdelay $0x1  }
0x8a: {  	s1 =	srdreg.scid  }
0x8b: {  	s0 =	sand.u32 $0x1, s1  }
0x8c: {  	s17 =	sshll.u32 s0, $0xA;
	s2 =	sadd.s32 s3, s2  }
0x8d: {  	s2 =	sadd.s32 s2, s17  }
0x8e: {  	[smem:$0x3FB2] =	sst s2  }
0x8f: {  	_ = 	snop  }
0x90: {  	s2 =	sld [smem:$0x3FD0];
	(tm) =	ssettm $0x1  }
0x91: {  	s18 =	sld [smem:$0x3FFB];
	_ =	sdelay $0x3  }
0x92: {  	_ =	strace s18  }
0x93: {  	s3 =	sld [smem:$0x3FFC];
	_ =	sdelay $0x3  }
0x94: {  	_ =	strace s3  }
0x95: {  	s3 =	sld [smem:$0x3FFD];
	_ =	sdelay $0x3  }
0x96: {  	_ =	strace s3  }
0x97: {  	_ =	strace $0x8FFFFFFF  }
0x98: {  	s19 =	sld [smem:$0x3FDB];
	_ =	sdelay $0x1  }
0x99: {  	s4 =	simm.s32 $_scs_section_size  }
0x9a: {  	s5 =	simm.s32 $_size__tile_overlayer_lowered;
	s6 =	simm.s32 $_tile_overlayer_lowered  }
0x9b: {  	s22 =	simm.s32 $0x1BFF;
	s21 =	sshll.u32 s6, $0x1;
	s3 =	sadd.s32 s4, s19  }
0x9c: {  	s7 =	simm.s32 $0x0;
	s20 =	sshll.u32 s5, $0x1;
	s5 =	sadd.s32 s21, s3  }
0x9d: {  	[timem:s7], [sflag:s22] =	dma.local [hbm:s5], s20  }
0x9e: {  	_ =	swait.ge [sflag:s22], s20  }
0x9f: {  	s4 =	ssub.s32 $0x0, s20;
	[sflag:s22] =	ssyncset.done $0x0  }
0xa0: {  	[sflag:s22] =	ssyncadd.s32 s4;
	_ =	sdelay $0x1  }
0xa1: {  	s23 =	simm.s32 $0x1B8B  }
0xa2: {  	_ =	swait.ge [sflag:s23], $0x1  }
0xa3: {  	[sflag:s23] =	ssyncset.done $0x0  }
0xa4: {  	s25 =	simm.s32 $0x1B8E;
	s24 =	sld [smem:$0x3FFE];
	[sflag:s23] =	ssyncadd.s32 $0xFFFFFFFF  }
0xa5: {  	s26 =	simm.s32 $execute0_lowered;
	[smem:$0x3FD2] =	sst s25  }
0xa6: {  	s5 =	sshll.u32 s26, $0x1;
	_ =	strace $0x80000055;
	[dreg:$0x1] =	wrdreg $0xFFFFFFFF  }
0xa7: {  	s28 =	simm.s32 $_size_execute0_lowered;
	s3 =	sadd.s32 s3, s5;
	[dreg:$0x0] =	wrdreg $0x0  }
0xa8: {  	s5 =	sshll.u32 s28, $0x1;
	[dreg:$0x2] =	wrdreg s3  }
0xa9: {  	[dreg:$0x3] =	wrdreg s5  }
0xaa: {  	[dreg:$0x4] =	wrdreg $0xC0  }
0xab: {  	_ =	task [dreg:s7], $0x5FFFF  }
0xac: {  	[dreg:$0x1] =	wrdreg $0xFFFFFFFF  }
0xad: {  	[dreg:$0x0] =	wrdreg $0x60  }
0xae: {  	[dreg:$0x2] =	wrdreg s24  }
0xaf: {  	[dreg:$0x3] =	wrdreg s2  }
0xb0: {  	[dreg:$0x4] =	wrdreg $0x9  }
0xb1: {  	_ =	task.clear_ibuf [dreg:s7], $0x5FFFF;
	_ =	strace $0x90000055  }
0xb2: {  	s29 =	simm.s32 $0x9;
	_ =	strace $0x80000057  }
0xb3: {  	_ =	swait.ge [sflag:s29], $0x1  }
0xb4: {  	[sflag:s29] =	ssyncadd.s32 $0xFFFFFFFF  }
0xb5: {  	_ =	strace $0x90000057  }
0xb6: {  	_ =	sfence  }
0xb7: {  	s30 =	sld [smem:$0x0];
	_ =	sdelay $0x2  }
0xb8: {  	s31 =	sshll.u32 s1, $0xD;
	s1 =	sshrl.u32 s1, $0x2  }
0xb9: {  	s3 =	sand.u32 $0x4000, s31;
	s1 =	sadd.s32 s1, s30  }
0xba: {  	s0 =	sor.u32 s3, s0;
	s1 =	sshll.u32 s1, $0x11  }
0xbb: {  	s0 =	sor.u32 s1, s0  }
0xbc: {  	s0 =	sadd.s32 $0x8F2B, s0  }
0xbd: {  	[sflag:s0] =	ssyncadd.remote.s32 $0x1  }
0xbe: {  	_ =	sfence.sel $0xFFFF  }
0xbf: {  	[dreg:$0x0] =	wrdreg $0xFFFFFFFF;
	(pc) =	sbr.abs _section_cstart, $3  }
0xc0: {  	[dreg:$0x1] =	wrdreg $0xFFFFFFFF  }
0xc1: {  	_ =	task.clear_ibuf [dreg:s7], $0x2FFFF;
	_ =	strace $0x9FFFFFFF  }
0xc2: {  	(tm) =	ssettm $0x7FFFFFFF  }
0xc3: {  	_ =	shalt  }
tec
execute0_lowered:
.L_overlay_start_1:
0x0: {  	(tag) =	ssettag $0x1  }
0x1: {  	s1 =	srdreg.scid;
	s0 =	stileid.u32  }
0x2: {  	s16 =	rddreg [dreg:$0x0];
	s17 =	sand.u32 $0x1, s1;
	s31 =	sshll.u32 s0, $0x1  }
0x3: {  	s3 =	rddreg [dreg:$0x1];
	s18 =	sor.u32 s17, s31  }
0x4: {  	s2 =	simm.s32 $0x0;
	s1 =	rddreg [dreg:$0x2];
	s4 =	smul.u32 $0x50, s18  }
0x5: {  	[smem:$0x7FF] =	sst s2  }
0x6: {  	_ =	strace $0x80000056;
	s4 =	sadd.s32 s3, s4;
	s3 =	simm.s32 $0x2  }
0x7: {  	[tilespmem:s2], [sflag:$0x2] =	stream.linear.gather [hbm4b:s4+s2], $0x280, $0x38;
	[tilespmem:$0xA280] =	vst v63  }
0x8: {  	_ =	swait.ge [sflag:s3], $0x280  }
0x9: {  	s6 =	simm.s32 $0x80;
	[sflag:s3] =	ssyncset.done $0x0  }
0xa: {  	s7 =	simm.s32 $0x280;
	s5 =	sadd.s32 $0x6B200, s16;
	[sflag:s3] =	ssyncadd.s32 $0xFFFFFD80  }
0xb: {  	[tilespmem:s7], [sflag:$0x1] =	stream.indirect.gather [hbm4b:s5+s6], $0x40, s2, s6, $0xb8;
	[tilespmem:$0xA280] =	vst v63  }
0xc: {  	s8 =	simm.s32 $0x2280  }
0xd: {  	[tilespmem:s8], [sflag:$0x1] =	stream.indirect.gather [hbm4b:s5+s6], $0x40, s6, s6, $0xb8;
	[tilespmem:$0xA280] =	vst v63  }
0xe: {  	s9 =	simm.s32 $0x100;
	s10 =	simm.s32 $0x4280  }
0xf: {  	[tilespmem:s10], [sflag:$0x1] =	stream.indirect.gather [hbm4b:s5+s6], $0x40, s9, s6, $0xb8;
	[tilespmem:$0xA280] =	vst v63  }
0x10: {  	s11 =	simm.s32 $0x180;
	s12 =	simm.s32 $0x6280  }
0x11: {  	[tilespmem:s12], [sflag:$0x1] =	stream.indirect.gather [hbm4b:s5+s6], $0x40, s11, s6, $0xb8;
	[tilespmem:$0xA280] =	vst v63  }
0x12: {  	s13 =	simm.s32 $0x200;
	s14 =	simm.s32 $0x8280;
	s15 =	simm.s32 $0x1  }
0x13: {  	[tilespmem:s14], [sflag:$0x1] =	stream.indirect.gather [hbm4b:s5+s6], $0x40, s13, s6, $0xb8;
	[tilespmem:$0xA280] =	vst v63  }
0x14: {  	_ =	swait.ge [sflag:s15], $0x2000  }
0x15: {  	[sflag:s15] =	ssyncset.done $0x0  }
0x16: {  	[sflag:s15] =	ssyncadd.s32 $0xFFFFE000  }
0x17: {  	_ =	swait.ge [sflag:s15], $0x2000  }
0x18: {  	[sflag:s15] =	ssyncset.done $0x0  }
0x19: {  	[sflag:s15] =	ssyncadd.s32 $0xFFFFE000  }
0x1a: {  	_ =	swait.ge [sflag:s15], $0x2000  }
0x1b: {  	[sflag:s15] =	ssyncset.done $0x0  }
0x1c: {  	s17 =	ssub.s32 $0x2, s17;
	[sflag:s15] =	ssyncadd.s32 $0xFFFFE000  }
0x1d: {  	s19 =	sshrl.u32 s17, $0x1;
	_ =	swait.ge [sflag:s15], $0x2000  }
0x1e: {  	s17 =	ssub.s32 s17, s19;
	[sflag:s15] =	ssyncset.done $0x0  }
0x1f: {  	s18 =	smul.u32 $0x1400, s18;
	s17 =	smax.u32 s17, $0x1;
	[sflag:s15] =	ssyncadd.s32 $0xFFFFE000  }
0x20: {  	p0 =	sne.s32 s17, $0x1;
	_ =	swait.ge [sflag:s15], $0x2000  }
.Ltmp0:
0x21: {  	s16 =	sadd.s32 s18, s16;
	[sflag:s15] =	ssyncset.done $0x0;
	(pc) =	sbr.rel @!p0 .LBB2_2-.Ltmp0, $4  }
0x22: {  	s16 =	sadd.s32 $0x2E800, s16;
	[sflag:s15] =	ssyncadd.s32 $0xFFFFE000  }
0x23: {  	[hbm4b:s16+s2] =	stream.linear.scatter [tilespmem:s7], [sflag:$0x2], $0xA000, $0x38;
	[tilespmem:$0xA280] =	vst v63  }
0x24: {  	_ =	swait.ge [sflag:s3], $0xA000  }
0x25: {  	s17 =	sadd.s32 $0xFFFFFFFF, s17;
	[sflag:s3] =	ssyncset.done $0x0  }
.LBB2_1:
0x26: {  	p0 =	sne.s32 s17, $0x1;
	s17 =	sadd.s32 $0xFFFFFFFF, s17;
	[sflag:s3] =	ssyncadd.s32 $0xFFFF6000  }
0x27: {  	[tilespmem:s2], [sflag:$0x2] =	stream.linear.gather [hbm4b:s4+s2], $0x280, $0x38;
	[tilespmem:$0xA280] =	vst v63  }
0x28: {  	_ =	swait.ge [sflag:s3], $0x280  }
0x29: {  	[sflag:s3] =	ssyncset.done $0x0  }
0x2a: {  	[sflag:s3] =	ssyncadd.s32 $0xFFFFFD80  }
0x2b: {  	[tilespmem:s7], [sflag:$0x1] =	stream.indirect.gather [hbm4b:s5+s6], $0x40, s2, s6, $0xb8;
	[tilespmem:$0xA280] =	vst v63  }
0x2c: {  	_ = 	snop  }
0x2d: {  	[tilespmem:s8], [sflag:$0x1] =	stream.indirect.gather [hbm4b:s5+s6], $0x40, s6, s6, $0xb8;
	[tilespmem:$0xA280] =	vst v63  }
0x2e: {  	_ = 	snop  }
0x2f: {  	[tilespmem:s10], [sflag:$0x1] =	stream.indirect.gather [hbm4b:s5+s6], $0x40, s9, s6, $0xb8;
	[tilespmem:$0xA280] =	vst v63  }
0x30: {  	_ = 	snop  }
0x31: {  	[tilespmem:s12], [sflag:$0x1] =	stream.indirect.gather [hbm4b:s5+s6], $0x40, s11, s6, $0xb8;
	[tilespmem:$0xA280] =	vst v63  }
0x32: {  	_ = 	snop  }
0x33: {  	[tilespmem:s14], [sflag:$0x1] =	stream.indirect.gather [hbm4b:s5+s6], $0x40, s13, s6, $0xb8;
	[tilespmem:$0xA280] =	vst v63  }
0x34: {  	_ =	swait.ge [sflag:s15], $0x2000  }
0x35: {  	[sflag:s15] =	ssyncset.done $0x0  }
0x36: {  	[sflag:s15] =	ssyncadd.s32 $0xFFFFE000  }
0x37: {  	_ =	swait.ge [sflag:s15], $0x2000  }
0x38: {  	[sflag:s15] =	ssyncset.done $0x0  }
0x39: {  	[sflag:s15] =	ssyncadd.s32 $0xFFFFE000  }
0x3a: {  	_ =	swait.ge [sflag:s15], $0x2000  }
0x3b: {  	[sflag:s15] =	ssyncset.done $0x0  }
0x3c: {  	[sflag:s15] =	ssyncadd.s32 $0xFFFFE000  }
0x3d: {  	_ =	swait.ge [sflag:s15], $0x2000  }
0x3e: {  	[sflag:s15] =	ssyncset.done $0x0  }
0x3f: {  	[sflag:s15] =	ssyncadd.s32 $0xFFFFE000  }
0x40: {  	_ =	swait.ge [sflag:s15], $0x2000  }
.Ltmp1:
0x41: {  	[sflag:s15] =	ssyncset.done $0x0;
	(pc) =	sbr.rel @p0 .LBB2_1-.Ltmp1, $4  }
0x42: {  	[sflag:s15] =	ssyncadd.s32 $0xFFFFE000  }
0x43: {  	[hbm4b:s16+s2] =	stream.linear.scatter [tilespmem:s7], [sflag:$0x2], $0xA000, $0x38;
	[tilespmem:$0xA280] =	vst v63  }
0x44: {  	_ =	swait.ge [sflag:s3], $0xA000  }
0x45: {  	[sflag:s3] =	ssyncset.done $0x0  }
.LBB2_2:
0x46: {  	[sflag:s3] =	ssyncadd.s32 $0xFFFF6000  }
0x47: {  	_ =	sfence.sel $0x180000  }
0x48: {  	[bflag:$0x0] =	sbarrier.arrive $0xFFFF  }
0x49: {  	p0 =	sne.s32 s0, $0x0;
	_ =	strace $0x90000056  }
0x4a: {  	s0 =	sadd.s32 @!p0 $0x100000, s1;
	[bflag:$0x2] =	sbarrier.arrive $0xFFFF  }
0x4b: {  	[sflag:s0] =	ssyncadd.tile.s32 @!p0 $0x1;
	_ =	shalt  }
.Lfunc_end2:
_tile_overlayer_lowered:
.L_overlay_start_2:
0x4c: {  	(tag) =	ssettag $0x2  }
0x4d: {  	s0 =	rddreg [dreg:$0x0];
	s2 =	stileid.u32  }
0x4e: {  	s1 =	rddreg [dreg:$0x1];
	p0 =	sne.s32 s2, $0x0  }
0x4f: {  	s3 =	rddreg [dreg:$0x2];
	[bflag:$0x3] =	sbarrier.arrive $0xFFFF;
	s2 =	simm.s32 @!p0 $0x1C02  }
0x50: {  	[timem:s3], [sflag:s2] =	dma.local @!p0 [hbm:s0], s1  }
0x51: {  	s0 =	simm.s32 @!p0 $0x2  }
0x52: {  	_ =	swait.ge @!p0 [sflag:s0], s1  }
0x53: {  	s1 =	ssub.s32 @!p0 $0x0, s1;
	[sflag:s0] =	ssyncset.done @!p0 $0x0  }
0x54: {  	[sflag:s0] =	ssyncadd.s32 @!p0 s1  }
0x55: {  	[bflag:$0x3] =	sbarrier.arrive $0xFFFF  }
0x56: {  	_ =	shalt  }

// kernel: kernel.35.cloned.1.call-start
scs
__scs_entry_jumppad:
0x0: {  	(pc) =	sbr.rel $0x88, $3  }
0x1: {  	(tag) =	ssettag $0x0;
	lr =	simm.s32 $0x1  }
0x2: {  	[smem:$0x3F8B] =	sst lr;
	_ =	strace $0xD0000000  }
0x3: {  	_ = 	snop  }
0x4: {  	_ = 	snop  }
0x5: {  	_ = 	snop  }
0x6: {  	_ = 	snop  }
0x7: {  	_ = 	snop  }
__scs_overlays_trampoline_lowered:
0x8: {  	[smem:$0x3F9A] =	sst s0  }
0x9: {  	[smem:$0x3F9B] =	sst s1  }
0xa: {  	[smem:$0x3F9C] =	sst s2  }
0xb: {  	[smem:$0x3F9D] =	sst s3  }
0xc: {  	[smem:$0x3F9E] =	sst s4  }
0xd: {  	[smem:$0x3F9F] =	sst s5  }
0xe: {  	[smem:$0x3FA0] =	sst s6  }
0xf: {  	[smem:$0x3FA1] =	sst s7  }
0x10: {  	[smem:$0x3FA2] =	sst s8  }
0x11: {  	[smem:$0x3FA3] =	sst s9;
	s0 =	simm.s32 @!p0 $0x0  }
0x12: {  	s1 =	sld [smem:$0x3F89];
	s0 =	simm.s32 @p0 $0x1  }
0x13: {  	[smem:$0x3FA4] =	sst s0;
	s0 =	simm.s32 @!p1 $0x0  }
0x14: {  	s2 =	sld [smem:$0x3F88];
	s0 =	simm.s32 @p1 $0x1  }
0x15: {  	[smem:$0x3FA5] =	sst s0;
	s0 =	simm.s32 @!p2 $0x0  }
0x16: {  	s3 =	sld [smem:$0x3FDB];
	s0 =	simm.s32 @p2 $0x1  }
0x17: {  	s4 =	simm.s32 $0x1BF5;
	[smem:$0x3FA7] =	sst s0  }
0x18: {  	s0 =	sld [smem:$0x3F8A];
	_ =	swait.ge [sflag:s4], $0x0  }
0x19: {  	s7 =	sld [smem:$0x3F8B]  }
0x1a: {  	s8 =	sadd.s32 $0xFFFFE003, lr  }
0x1b: {  	s9 =	sadd.s32 $0xFFFFFEF7, lr;
	s5 =	simm.s32 $0xFFFFFFFF;
	p2 =	slt.u32 s8, $0xFFFFF086  }
0x1c: {  	p1 =	slt.u32 s9, $0xF7A;
	s5 =	simm.s32 @!p2 $0x0  }
0x1d: {  	s5 =	simm.s32 @p1 $0x1;
	p0 =	seq.s32 s7, s2  }
0x1e: {  	s7 =	smul.u32 @!p0 $0xF7A, s2;
	p2 =	seq.s32 @!p0 s5, $0x0  }
0x1f: {  	s9 =	smul.u32 $0xF7A, s1;
	s8 =	simm.s32 @!p0 $0x1BF5;
	p2 =	por !p2, p0  }
0x20: {  	[sflag:s8] =	ssyncset.s32 @!p0 $0xFFFFF086;
	s6 =	sadd.s32 @!p0 s3, s7;
	s7 =	simm.s32 @!p0 $0x108  }
0x21: {  	s3 =	sadd.s32 s3, s9;
	s6 =	sadd.s32 @!p0 $0x88, s6;
	s7 =	simm.s32 @p2 $0x1082  }
0x22: {  	[simem:s7], [sflag:s8] =	dma.local @!p0 [hbm:s6], $0xF7A  }
0x23: {  	s9 =	sor.u32 $0xD0000000, s2;
	s6 =	simm.s32 $0x108;
	_ =	swait.ge @!p0 [sflag:s8], $0x0  }
0x24: {  	s3 =	sadd.s32 $0x88, s3;
	s6 =	simm.s32 @!p1 $0x1082;
	[sflag:s4] =	ssyncset.s32 $0xFFFFF086  }
0x25: {  	[simem:s6], [sflag:s4] =	dma.local [hbm:s3], $0xF7A  }
0x26: {  	[smem:$0x3F8B] =	sst s1;
	(tag) =	ssettag s2;
	_ =	strace s9  }
0x27: {  	s1 =	sld [smem:$0x3F9B]  }
0x28: {  	s2 =	sld [smem:$0x3F9C]  }
0x29: {  	s4 =	sld [smem:$0x3F9E]  }
0x2a: {  	p0 =	seq.s32 s5, $0x0;
	s5 =	sld [smem:$0x3F9F]  }
0x2b: {  	s6 =	sld [smem:$0x3FA0]  }
0x2c: {  	s7 =	sld [smem:$0x3FA1]  }
0x2d: {  	s3 =	simm.s32 $0x108;
	s8 =	sld [smem:$0x3FA2]  }
0x2e: {  	s3 =	simm.s32 @!p0 $0x1082;
	s9 =	sld [smem:$0x3FA3]  }
0x2f: {  	lr =	sadd.s32 s0, s3;
	s0 =	sld [smem:$0x3F9A]  }
0x30: {  	s3 =	sld [smem:$0x3F9D]  }
0x31: {  	[smem:$0x3FA6] =	sst s10  }
0x32: {  	s10 =	sld [smem:$0x3FA4];
	_ =	sdelay $0x3  }
0x33: {  	p0 =	seq.s32 s10, $0x1;
	s10 =	sld [smem:$0x3FA6];
	_ =	sdelay $0x3  }
0x34: {  	[smem:$0x3FA6] =	sst s10  }
0x35: {  	s10 =	sld [smem:$0x3FA5];
	_ =	sdelay $0x3  }
0x36: {  	p1 =	seq.s32 s10, $0x1;
	s10 =	sld [smem:$0x3FA6];
	_ =	sdelay $0x3  }
0x37: {  	[smem:$0x3FA6] =	sst s10  }
0x38: {  	s10 =	sld [smem:$0x3FA7]  }
0x39: {  	_ = 	snop;
	(pc) =	sbr.ind lr, $3  }
0x3a: {  	_ = 	snop  }
0x3b: {  	_ = 	snop  }
0x3c: {  	p2 =	seq.s32 s10, $0x1;
	s10 =	sld [smem:$0x3FA6]  }
0x3d: {  	_ =	shalt  }
0x3e: {  	_ =	shalt  }
0x3f: {  	_ =	shalt  }
0x40: {  	_ =	shalt  }
0x41: {  	_ =	shalt  }
0x42: {  	_ =	shalt  }
0x43: {  	_ =	shalt  }
0x44: {  	_ =	shalt  }
0x45: {  	_ =	shalt  }
0x46: {  	_ =	shalt  }
0x47: {  	_ =	shalt  }
0x48: {  	_ =	shalt  }
0x49: {  	_ =	shalt  }
0x4a: {  	_ =	shalt  }
0x4b: {  	_ =	shalt  }
0x4c: {  	_ =	shalt  }
0x4d: {  	_ =	shalt  }
0x4e: {  	_ =	shalt  }
0x4f: {  	_ =	shalt  }
0x50: {  	_ =	shalt  }
0x51: {  	_ =	shalt  }
0x52: {  	_ =	shalt  }
0x53: {  	_ =	shalt  }
0x54: {  	_ =	shalt  }
0x55: {  	_ =	shalt  }
0x56: {  	_ =	shalt  }
0x57: {  	_ =	shalt  }
0x58: {  	_ =	shalt  }
0x59: {  	_ =	shalt  }
0x5a: {  	_ =	shalt  }
0x5b: {  	_ =	shalt  }
0x5c: {  	_ =	shalt  }
0x5d: {  	_ =	shalt  }
0x5e: {  	_ =	shalt  }
0x5f: {  	_ =	shalt  }
0x60: {  	_ =	shalt  }
0x61: {  	_ =	shalt  }
0x62: {  	_ =	shalt  }
0x63: {  	_ =	shalt  }
0x64: {  	_ =	shalt  }
0x65: {  	_ =	shalt  }
0x66: {  	_ =	shalt  }
0x67: {  	_ =	shalt  }
0x68: {  	_ =	shalt  }
0x69: {  	_ =	shalt  }
0x6a: {  	_ =	shalt  }
0x6b: {  	_ =	shalt  }
0x6c: {  	_ =	shalt  }
0x6d: {  	_ =	shalt  }
0x6e: {  	_ =	shalt  }
0x6f: {  	_ =	shalt  }
0x70: {  	_ =	shalt  }
0x71: {  	_ =	shalt  }
0x72: {  	_ =	shalt  }
0x73: {  	_ =	shalt  }
0x74: {  	_ =	shalt  }
0x75: {  	_ =	shalt  }
0x76: {  	_ =	shalt  }
0x77: {  	_ =	shalt  }
0x78: {  	_ =	shalt  }
0x79: {  	_ =	shalt  }
0x7a: {  	_ =	shalt  }
0x7b: {  	_ =	shalt  }
0x7c: {  	_ =	shalt  }
0x7d: {  	_ =	shalt  }
0x7e: {  	_ =	shalt  }
0x7f: {  	_ =	shalt  }
0x80: {  	_ =	shalt  }
0x81: {  	_ =	shalt  }
0x82: {  	_ =	shalt  }
0x83: {  	_ =	shalt  }
0x84: {  	_ =	shalt  }
0x85: {  	_ =	shalt  }
0x86: {  	_ =	shalt  }
0x87: {  	_ =	shalt  }
.Lfunc_end0:
.L_simem_size_0:
called_computation.6_lowered:
.L_overlay_start_0:
0x88: {  	s2 =	sld [smem:$0x3FD9]  }
0x89: {  	s3 =	sld [smem:$0x3FFE];
	_ =	sdelay $0x1  }
0x8a: {  	s1 =	srdreg.scid  }
0x8b: {  	s0 =	sand.u32 $0x1, s1  }
0x8c: {  	s16 =	sshll.u32 s0, $0xA;
	s2 =	sadd.s32 s3, s2  }
0x8d: {  	s2 =	sadd.s32 s2, s16  }
0x8e: {  	[smem:$0x3FB2] =	sst s2  }
0x8f: {  	_ = 	snop  }
0x90: {  	(tm) =	ssettm $0x1  }
0x91: {  	s17 =	sld [smem:$0x3FFB];
	_ =	sdelay $0x3  }
0x92: {  	_ =	strace s17  }
0x93: {  	s2 =	sld [smem:$0x3FFC];
	_ =	sdelay $0x3  }
0x94: {  	_ =	strace s2  }
0x95: {  	s2 =	sld [smem:$0x3FFD];
	_ =	sdelay $0x3  }
0x96: {  	_ =	strace s2  }
0x97: {  	_ =	strace $0x8FFFFFFF  }
0x98: {  	s18 =	sld [smem:$0x3FDB];
	_ =	sdelay $0x1  }
0x99: {  	s19 =	simm.s32 $_scs_section_size  }
0x9a: {  	s4 =	simm.s32 $_size__tile_overlayer_lowered;
	s5 =	simm.s32 $_tile_overlayer_lowered  }
0x9b: {  	s22 =	simm.s32 $0x1BFF;
	s21 =	sshll.u32 s5, $0x1;
	s2 =	sadd.s32 s19, s18  }
0x9c: {  	s6 =	simm.s32 $0x0;
	s20 =	sshll.u32 s4, $0x1;
	s4 =	sadd.s32 s21, s2  }
0x9d: {  	[timem:s6], [sflag:s22] =	dma.local [hbm:s4], s20  }
0x9e: {  	_ =	swait.ge [sflag:s22], s20  }
0x9f: {  	s3 =	ssub.s32 $0x0, s20;
	[sflag:s22] =	ssyncset.done $0x0  }
0xa0: {  	[sflag:s22] =	ssyncadd.s32 s3;
	_ =	sdelay $0x1  }
0xa1: {  	s23 =	simm.s32 $0x1B8B  }
0xa2: {  	_ =	swait.ge [sflag:s23], $0x1  }
0xa3: {  	[sflag:s23] =	ssyncset.done $0x0  }
0xa4: {  	s25 =	simm.s32 $0x1B8E;
	s24 =	sld [smem:$0x3FFE];
	[sflag:s23] =	ssyncadd.s32 $0xFFFFFFFF  }
0xa5: {  	s26 =	simm.s32 $execute0_lowered;
	[smem:$0x3FD2] =	sst s25  }
0xa6: {  	s4 =	sshll.u32 s26, $0x1;
	_ =	strace $0x80000058;
	[dreg:$0x1] =	wrdreg $0xFFFFFFFF  }
0xa7: {  	s28 =	simm.s32 $_size_execute0_lowered;
	s2 =	sadd.s32 s2, s4;
	[dreg:$0x0] =	wrdreg $0x0  }
0xa8: {  	s4 =	sshll.u32 s28, $0x1;
	[dreg:$0x2] =	wrdreg s2  }
0xa9: {  	[dreg:$0x3] =	wrdreg s4  }
0xaa: {  	[dreg:$0x4] =	wrdreg $0xC0  }
0xab: {  	_ =	task [dreg:s6], $0x5FFFF  }
0xac: {  	[dreg:$0x1] =	wrdreg $0xFFFFFFFF  }
0xad: {  	[dreg:$0x0] =	wrdreg $0x60  }
0xae: {  	[dreg:$0x2] =	wrdreg s24  }
0xaf: {  	[dreg:$0x3] =	wrdreg $0xA2800  }
0xb0: {  	[dreg:$0x4] =	wrdreg $0x9  }
0xb1: {  	_ =	task.clear_ibuf [dreg:s6], $0x5FFFF;
	_ =	strace $0x90000058  }
0xb2: {  	s29 =	simm.s32 $0x9;
	_ =	strace $0x8000005A  }
0xb3: {  	_ =	swait.ge [sflag:s29], $0x1  }
0xb4: {  	[sflag:s29] =	ssyncadd.s32 $0xFFFFFFFF  }
0xb5: {  	_ =	strace $0x9000005A  }
0xb6: {  	_ =	sfence  }
0xb7: {  	s30 =	sld [smem:$0x0];
	_ =	sdelay $0x2  }
0xb8: {  	s31 =	sshll.u32 s1, $0xD;
	s1 =	sshrl.u32 s1, $0x2  }
0xb9: {  	s3 =	sand.u32 $0x4000, s31;
	s1 =	sadd.s32 s1, s30  }
0xba: {  	s0 =	sor.u32 s3, s0;
	s1 =	sshll.u32 s1, $0x11  }
0xbb: {  	s0 =	sor.u32 s1, s0  }
0xbc: {  	s0 =	sadd.s32 $0x8F2B, s0  }
0xbd: {  	[sflag:s0] =	ssyncadd.remote.s32 $0x1  }
0xbe: {  	_ =	sfence.sel $0xFFFF  }
0xbf: {  	[dreg:$0x0] =	wrdreg $0xFFFFFFFF;
	(pc) =	sbr.abs _section_cstart, $3  }
0xc0: {  	[dreg:$0x1] =	wrdreg $0xFFFFFFFF  }
0xc1: {  	_ =	task.clear_ibuf [dreg:s6], $0x2FFFF;
	_ =	strace $0x9FFFFFFF  }
0xc2: {  	(tm) =	ssettm $0x7FFFFFFF  }
0xc3: {  	_ =	shalt  }
tec
execute0_lowered:
.L_overlay_start_1:
0x0: {  	(tag) =	ssettag $0x1  }
0x1: {  	s19 =	rddreg [dreg:$0x0]  }
0x2: {  	s2 =	rddreg [dreg:$0x1]  }
0x3: {  	s0 =	rddreg [dreg:$0x2];
	s1 =	stileid.u32  }
0x4: {  	s3 =	simm.s32 $0x0;
	s4 =	srdreg.scid;
	s5 =	smul.u32 $0x28000, s1  }
0x5: {  	[smem:$0x7FF] =	sst s3;
	s20 =	sand.u32 $0x1, s4;
	s28 =	sshll.u32 s1, $0x1  }
0x6: {  	s4 =	sadd.s32 $0x56800, s19;
	s29 =	sshll.u32 s1, $0x6;
	s5 =	sshrl.u32 s5, $0x2  }
0x7: {  	_ =	strace $0x80000059;
	s8 =	sor.u32 s20, s28;
	s6 =	sadd.s32 s5, s2  }
0x8: {  	s5 =	sor.u32 $0x1C01, s29;
	s7 =	sshrl.u32 s6, $0x3;
	s6 =	simm.s32 $0x1  }
0x9: {  	[spmem:s7], [sflag:s5] =	dma.local [hbm:s4], $0x1400  }
0xa: {  	s9 =	smul.u32 $0x50, s8;
	_ =	swait.ge [sflag:s6], $0x1400  }
0xb: {  	[sflag:s6] =	ssyncset.done $0x0  }
0xc: {  	s9 =	sadd.s32 s9, s19;
	[sflag:s6] =	ssyncadd.s32 $0xFFFFEC00  }
0xd: {  	s10 =	smul.u32 $0x1400, s8;
	s8 =	sadd.s32 $0x6A800, s9;
	[bflag:$0x0] =	sbarrier.arrive $0xFFFF  }
0xe: {  	[tilespmem:s3], [sflag:$0x1] =	stream.linear.gather [hbm4b:s8+s3], $0x280, $0x38;
	[tilespmem:$0x14280] =	vst v63  }
0xf: {  	_ =	swait.ge [sflag:s6], $0x280  }
0x10: {  	s30 =	sadd.s32 s10, s19;
	[sflag:s6] =	ssyncset.done $0x0  }
0x11: {  	s10 =	simm.s32 $0x280;
	s9 =	sadd.s32 $0x2E800, s30;
	[sflag:s6] =	ssyncadd.s32 $0xFFFFFD80  }
0x12: {  	[tilespmem:s10], [sflag:$0x1] =	stream.linear.gather [hbm4b:s9+s3], $0xA000, $0x38;
	[tilespmem:$0x14280] =	vst v63  }
0x13: {  	_ =	swait.ge [sflag:s6], $0xA000  }
0x14: {  	[sflag:s6] =	ssyncset.done $0x0  }
0x15: {  	s11 =	simm.s32 $0x80;
	[sflag:s6] =	ssyncadd.s32 $0xFFFF6000  }
0x16: {  	[spmem:s2] =	stream.indirect.scatter.add.f32 [tilespmem:s10], [sflag:$0x1], $0x40, s3, s11, $0xb8;
	[tilespmem:$0x14280] =	vst v63  }
0x17: {  	_ =	swait.ge [sflag:s6], $0x2000  }
0x18: {  	[sflag:s6] =	ssyncset.done $0x0  }
0x19: {  	s12 =	simm.s32 $0x2280;
	[sflag:s6] =	ssyncadd.s32 $0xFFFFE000  }
0x1a: {  	[spmem:s2] =	stream.indirect.scatter.add.f32 [tilespmem:s12], [sflag:$0x1], $0x40, s11, s11, $0xb8;
	[tilespmem:$0x14280] =	vst v63  }
0x1b: {  	_ =	swait.ge [sflag:s6], $0x2000  }
0x1c: {  	[sflag:s6] =	ssyncset.done $0x0  }
0x1d: {  	s13 =	simm.s32 $0x100;
	s14 =	simm.s32 $0x4280;
	[sflag:s6] =	ssyncadd.s32 $0xFFFFE000  }
0x1e: {  	[spmem:s2] =	stream.indirect.scatter.add.f32 [tilespmem:s14], [sflag:$0x1], $0x40, s13, s11, $0xb8;
	[tilespmem:$0x14280] =	vst v63  }
0x1f: {  	_ =	swait.ge [sflag:s6], $0x2000  }
0x20: {  	s15 =	simm.s32 $0x180;
	[sflag:s6] =	ssyncset.done $0x0  }
0x21: {  	s16 =	simm.s32 $0x6280;
	s17 =	simm.s32 $0x200;
	[sflag:s6] =	ssyncadd.s32 $0xFFFFE000  }
0x22: {  	[spmem:s2] =	stream.indirect.scatter.add.f32 [tilespmem:s16], [sflag:$0x1], $0x40, s15, s11, $0xb8;
	[tilespmem:$0x14280] =	vst v63  }
0x23: {  	s21 =	smul.u32 $0xA0000, s20;
	s20 =	ssub.s32 $0x2, s20;
	_ =	swait.ge [sflag:s6], $0x2000  }
0x24: {  	s18 =	simm.s32 $0x8280;
	s31 =	sshrl.u32 s20, $0x1;
	[sflag:s6] =	ssyncset.done $0x0  }
0x25: {  	s22 =	smul.u32 $0xA000, s1;
	s20 =	ssub.s32 s20, s31;
	[sflag:s6] =	ssyncadd.s32 $0xFFFFE000  }
0x26: {  	[spmem:s2] =	stream.indirect.scatter.add.f32 [tilespmem:s18], [sflag:$0x1], $0x40, s17, s11, $0xb8;
	[tilespmem:$0x14280] =	vst v63  }
0x27: {  	s21 =	sadd.s32 s22, s21;
	s20 =	smax.u32 s20, $0x1;
	_ =	swait.ge [sflag:s6], $0x2000  }
0x28: {  	s21 =	sshrl.u32 s21, $0x3;
	p0 =	sne.s32 s20, $0x1;
	[sflag:s6] =	ssyncset.done $0x0  }
.Ltmp0:
0x29: {  	s19 =	sadd.s32 s21, s19;
	[sflag:s6] =	ssyncadd.s32 $0xFFFFE000;
	(pc) =	sbr.rel @!p0 .LBB2_2-.Ltmp0, $4  }
0x2a: {  	s19 =	sadd.s32 $0x6B200, s19;
	[bflag:$0x0] =	sbarrier.arrive $0xFFFF  }
0x2b: {  	[hbm:s19], [sflag:s5] =	dma.local [spmem:s7], $0x1400  }
0x2c: {  	_ =	swait.ge [sflag:s6], $0x1400  }
0x2d: {  	s20 =	sadd.s32 $0xFFFFFFFF, s20;
	[sflag:s6] =	ssyncset.done $0x0  }
.LBB2_1:
0x2e: {  	p0 =	sne.s32 s20, $0x1;
	s20 =	sadd.s32 $0xFFFFFFFF, s20;
	[sflag:s6] =	ssyncadd.s32 $0xFFFFEC00  }
0x2f: {  	[spmem:s7], [sflag:s5] =	dma.local [hbm:s4], $0x1400  }
0x30: {  	_ =	swait.ge [sflag:s6], $0x1400  }
0x31: {  	[sflag:s6] =	ssyncset.done $0x0  }
0x32: {  	[sflag:s6] =	ssyncadd.s32 $0xFFFFEC00  }
0x33: {  	[bflag:$0x0] =	sbarrier.arrive $0xFFFF  }
0x34: {  	[tilespmem:s3], [sflag:$0x1] =	stream.linear.gather [hbm4b:s8+s3], $0x280, $0x38;
	[tilespmem:$0x14280] =	vst v63  }
0x35: {  	_ =	swait.ge [sflag:s6], $0x280  }
0x36: {  	[sflag:s6] =	ssyncset.done $0x0  }
0x37: {  	[sflag:s6] =	ssyncadd.s32 $0xFFFFFD80  }
0x38: {  	[tilespmem:s10], [sflag:$0x1] =	stream.linear.gather [hbm4b:s9+s3], $0xA000, $0x38;
	[tilespmem:$0x14280] =	vst v63  }
0x39: {  	_ =	swait.ge [sflag:s6], $0xA000  }
0x3a: {  	[sflag:s6] =	ssyncset.done $0x0  }
0x3b: {  	[sflag:s6] =	ssyncadd.s32 $0xFFFF6000  }
0x3c: {  	[spmem:s2] =	stream.indirect.scatter.add.f32 [tilespmem:s10], [sflag:$0x1], $0x40, s3, s11, $0xb8;
	[tilespmem:$0x14280] =	vst v63  }
0x3d: {  	_ =	swait.ge [sflag:s6], $0x2000  }
0x3e: {  	[sflag:s6] =	ssyncset.done $0x0  }
0x3f: {  	[sflag:s6] =	ssyncadd.s32 $0xFFFFE000  }
0x40: {  	[spmem:s2] =	stream.indirect.scatter.add.f32 [tilespmem:s12], [sflag:$0x1], $0x40, s11, s11, $0xb8;
	[tilespmem:$0x14280] =	vst v63  }
0x41: {  	_ =	swait.ge [sflag:s6], $0x2000  }
0x42: {  	[sflag:s6] =	ssyncset.done $0x0  }
0x43: {  	[sflag:s6] =	ssyncadd.s32 $0xFFFFE000  }
0x44: {  	[spmem:s2] =	stream.indirect.scatter.add.f32 [tilespmem:s14], [sflag:$0x1], $0x40, s13, s11, $0xb8;
	[tilespmem:$0x14280] =	vst v63  }
0x45: {  	_ =	swait.ge [sflag:s6], $0x2000  }
0x46: {  	[sflag:s6] =	ssyncset.done $0x0  }
0x47: {  	[sflag:s6] =	ssyncadd.s32 $0xFFFFE000  }
0x48: {  	[spmem:s2] =	stream.indirect.scatter.add.f32 [tilespmem:s16], [sflag:$0x1], $0x40, s15, s11, $0xb8;
	[tilespmem:$0x14280] =	vst v63  }
0x49: {  	_ =	swait.ge [sflag:s6], $0x2000  }
0x4a: {  	[sflag:s6] =	ssyncset.done $0x0  }
0x4b: {  	[sflag:s6] =	ssyncadd.s32 $0xFFFFE000  }
0x4c: {  	[spmem:s2] =	stream.indirect.scatter.add.f32 [tilespmem:s18], [sflag:$0x1], $0x40, s17, s11, $0xb8;
	[tilespmem:$0x14280] =	vst v63  }
0x4d: {  	_ =	swait.ge [sflag:s6], $0x2000  }
0x4e: {  	[sflag:s6] =	ssyncset.done $0x0  }
.Ltmp1:
0x4f: {  	[sflag:s6] =	ssyncadd.s32 $0xFFFFE000;
	(pc) =	sbr.rel @p0 .LBB2_1-.Ltmp1, $4  }
0x50: {  	[bflag:$0x0] =	sbarrier.arrive $0xFFFF  }
0x51: {  	[hbm:s19], [sflag:s5] =	dma.local [spmem:s7], $0x1400  }
0x52: {  	_ =	swait.ge [sflag:s6], $0x1400  }
0x53: {  	[sflag:s6] =	ssyncset.done $0x0  }
.LBB2_2:
0x54: {  	[sflag:s6] =	ssyncadd.s32 $0xFFFFEC00  }
0x55: {  	_ =	sfence.sel $0x180000  }
0x56: {  	[bflag:$0x0] =	sbarrier.arrive $0xFFFF  }
0x57: {  	p0 =	sne.s32 s1, $0x0;
	_ =	strace $0x90000059  }
0x58: {  	s0 =	sadd.s32 @!p0 $0x100000, s0;
	[bflag:$0x2] =	sbarrier.arrive $0xFFFF  }
0x59: {  	[sflag:s0] =	ssyncadd.tile.s32 @!p0 $0x1;
	_ =	shalt  }
.Lfunc_end2:
_tile_overlayer_lowered:
.L_overlay_start_2:
0x5a: {  	(tag) =	ssettag $0x2  }
0x5b: {  	s0 =	rddreg [dreg:$0x0];
	s2 =	stileid.u32  }
0x5c: {  	s1 =	rddreg [dreg:$0x1];
	p0 =	sne.s32 s2, $0x0  }
0x5d: {  	s3 =	rddreg [dreg:$0x2];
	[bflag:$0x3] =	sbarrier.arrive $0xFFFF;
	s2 =	simm.s32 @!p0 $0x1C01  }
0x5e: {  	[timem:s3], [sflag:s2] =	dma.local @!p0 [hbm:s0], s1  }
0x5f: {  	s0 =	simm.s32 @!p0 $0x1  }
0x60: {  	_ =	swait.ge @!p0 [sflag:s0], s1  }
0x61: {  	s1 =	ssub.s32 @!p0 $0x0, s1;
	[sflag:s0] =	ssyncset.done @!p0 $0x0  }
0x62: {  	[sflag:s0] =	ssyncadd.s32 @!p0 s1  }
0x63: {  	[bflag:$0x3] =	sbarrier.arrive $0xFFFF  }
0x64: {  	_ =	shalt  }

</sc_bundles>
